<compile_context>
chip_gen: v7x
topology: tpu7x:2x2x1
jax: 0.10.2.dev20260603
libtpu: 0.0.44.dev20260713+nightly
codegen_flags: <defaults>
</compile_context>

<pallas_src>
import dataclasses
import functools

import numpy as np
import jax
import jax.numpy as jnp
from jax import lax
from jax.experimental import pallas as pl
from jax.experimental.pallas import tpu as pltpu
from jax.experimental.pallas import tpu_sc as plsc

D = 128
HW = D // 2

SC_CORES = 2
SC_TILES = 16
BATCH = 80

_PREC = lax.Precision.HIGHEST


def _build_dft() -> np.ndarray:
    j = np.arange(D)[:, None].astype(np.float64)
    k = np.arange(HW + 1)[None, :].astype(np.float64)
    ang = 2.0 * np.pi * j * k / D
    cos, msin = np.cos(ang), -np.sin(ang)
    m = np.zeros((D, D), np.float64)
    m[:, 0:HW] = cos[:, 0:HW]
    m[:, HW] = cos[:, HW]
    m[:, HW + 1:] = msin[:, 1:HW]
    return m.astype(np.float32)


def _build_irfft() -> np.ndarray:
    n = np.arange(D)[None, :].astype(np.float64)
    k = np.arange(HW + 1)[:, None].astype(np.float64)
    w = np.where((k == 0) | (k == HW), 1.0, 2.0)
    ang = 2.0 * np.pi * n * k / D
    tc, ts = w * np.cos(ang) / D, -w * np.sin(ang) / D
    m = np.zeros((D, D), np.float64)
    m[0:HW] = tc[0:HW]
    m[HW] = tc[HW]
    m[HW + 1:] = ts[1:HW]
    return m.astype(np.float32)


_DFT = _build_dft()
_IRFFT = _build_irfft()


def _pre_body(x_ref, rel_ref, dft_ref, w_rel_ref, xf_ref, rf_ref, rel_out_ref):
    dft = dft_ref[...]
    xf_ref[...] = lax.dot(x_ref[...], dft, precision=_PREC)
    rf_ref[...] = lax.dot(rel_ref[...], dft, precision=_PREC)
    rel_out_ref[...] = lax.dot(rel_ref[...], w_rel_ref[...], precision=_PREC)


def _pre_call(x, rel, w_rel):
    n, r = x.shape[0], rel.shape[0]
    return pl.pallas_call(
        _pre_body,
        out_shape=[
            jax.ShapeDtypeStruct((n, D), jnp.float32),
            jax.ShapeDtypeStruct((r, D), jnp.float32),
            jax.ShapeDtypeStruct((r, D), jnp.float32),
        ],
    )(x, rel, jnp.asarray(_DFT), w_rel)


def _sc_body(n_pad, n_batches, xf_hbm, rf_hbm, src_hbm, dst_hbm, et_hbm,
             nrm_hbm, zeros_hbm, out_hbm, acc, src_v0, src_v1, et_v0, et_v1,
             dst_v0, dst_v1, dst_v2, dst_v3, nrm_v0, nrm_v1, a_v0, a_v1,
             b_v0, b_v1, sem_i0, sem_i1, sem_g0, sem_g1):
    cid = lax.axis_index("c")
    sid = lax.axis_index("s")
    rows = n_pad // SC_TILES
    src_v = (src_v0, src_v1)
    et_v = (et_v0, et_v1)
    dst_v = (dst_v0, dst_v1, dst_v2, dst_v3)
    nrm_v = (nrm_v0, nrm_v1)
    a_v = (a_v0, a_v1)
    b_v = (b_v0, b_v1)
    sem_i = (sem_i0, sem_i1)
    sem_g = (sem_g0, sem_g1)

    def _idx_copies(bi, p, d):
        return (
            pltpu.make_async_copy(src_hbm.at[cid, sid, bi], src_v[p], sem_i[p]),
            pltpu.make_async_copy(et_hbm.at[cid, sid, bi], et_v[p], sem_i[p]),
            pltpu.make_async_copy(dst_hbm.at[cid, sid, bi], dst_v[d], sem_i[p]),
            pltpu.make_async_copy(nrm_hbm.at[cid, sid, bi], nrm_v[p], sem_i[p]),
        )

    def _gather_copies(p):
        return (
            pltpu.make_async_copy(xf_hbm.at[src_v[p]], a_v[p], sem_g[p]),
            pltpu.make_async_copy(rf_hbm.at[et_v[p]], b_v[p], sem_g[p]),
        )

    def _start(copies):
        for c in copies:
            c.start()

    def _wait(copies):
        for c in copies:
            c.wait()

    _start(_idx_copies(0, 0, 0))
    _start(_idx_copies(1, 1, 1))
    pltpu.sync_copy(zeros_hbm, acc.at[pl.ds(sid * rows, rows)])
    _wait(_idx_copies(0, 0, 0))
    _start(_gather_copies(0))
    plsc.subcore_barrier()

    def _process(bi, p, d):
        q = 1 - p
        _wait(_gather_copies(p))

        @pl.when(bi + 1 < n_batches)
        def _launch_next_gather():
            _wait(_idx_copies(bi + 1, q, (d + 1) % 4))
            _start(_gather_copies(q))

        av, bv = a_v[p], b_v[p]
        lane0 = lax.iota(jnp.int32, 16) == 0

        @plsc.parallel_loop(0, BATCH, unroll=4)
        def _edge(i):
            vn = plsc.load_gather(nrm_v[p], [jnp.full((16,), 0, jnp.int32) + i])
            for c in range(HW // 16):
                lo = pl.ds(c * 16, 16)
                hi = pl.ds(HW + c * 16, 16)
                ar = av[i, lo]
                ai = av[i, hi]
                br = bv[i, lo]
                bi_ = bv[i, hi]
                rr = ar * br
                ii = ai * bi_
                zre = rr + ii
                zim = ar * bi_ - ai * br
                if c == 0:
                    zre = jnp.where(lane0, rr, zre)
                    zim = jnp.where(lane0, ii, zim)
                av[i, lo] = zre * vn
                av[i, hi] = zim * vn

        pltpu.sync_copy(av, acc.at[dst_v[d]], add=True)

        @pl.when(bi + 2 < n_batches)
        def _prefetch_idx():
            _start(_idx_copies(bi + 2, p, (d + 2) % 4))

    @pl.loop(0, n_batches, step=4)
    def _quad(b0):
        _process(b0, 0, 0)
        for k in range(1, 4):
            @pl.when(b0 + k < n_batches)
            def _go(k=k):
                _process(b0 + k, k % 2, k)

    plsc.subcore_barrier()
    pltpu.sync_copy(acc.at[pl.ds(sid * rows, rows)],
                    out_hbm.at[cid, pl.ds(sid * rows, rows)])


def _sc_call(xf, rf, src, dst, et, nrm):
    n = xf.shape[0]
    e = src.shape[0]
    half = e // 2
    per_tile = half // SC_TILES
    n_batches = per_tile // BATCH
    assert half * 2 == e and per_tile * SC_TILES == half
    assert n_batches * BATCH == per_tile
    n_pad = -(-n // (SC_TILES * 8)) * (SC_TILES * 8)

    cp = pltpu.CompilerParams()
    if "needs_layout_passes" in pltpu.CompilerParams.__dataclass_fields__:
        cp = dataclasses.replace(cp, needs_layout_passes=False)
    shape4 = (SC_CORES, SC_TILES, n_batches, BATCH)
    kern = pl.kernel(
        functools.partial(_sc_body, n_pad, n_batches),
        out_type=jax.ShapeDtypeStruct((SC_CORES, n_pad, D), jnp.float32),
        mesh=plsc.VectorSubcoreMesh(core_axis_name="c", subcore_axis_name="s"),
        compiler_params=cp,
        scratch_types=[
            pltpu.VMEM_SHARED((n_pad, D), jnp.float32),
            pltpu.VMEM((BATCH,), jnp.int32),
            pltpu.VMEM((BATCH,), jnp.int32),
            pltpu.VMEM((BATCH,), jnp.int32),
            pltpu.VMEM((BATCH,), jnp.int32),
            pltpu.VMEM((BATCH,), jnp.int32),
            pltpu.VMEM((BATCH,), jnp.int32),
            pltpu.VMEM((BATCH,), jnp.int32),
            pltpu.VMEM((BATCH,), jnp.int32),
            pltpu.VMEM((BATCH,), jnp.float32),
            pltpu.VMEM((BATCH,), jnp.float32),
            pltpu.VMEM((BATCH, D), jnp.float32),
            pltpu.VMEM((BATCH, D), jnp.float32),
            pltpu.VMEM((BATCH, D), jnp.float32),
            pltpu.VMEM((BATCH, D), jnp.float32),
            pltpu.SemaphoreType.DMA,
            pltpu.SemaphoreType.DMA,
            pltpu.SemaphoreType.DMA,
            pltpu.SemaphoreType.DMA,
        ],
    )
    zeros = jnp.zeros((n_pad // SC_TILES, D), jnp.float32)
    return kern(xf, rf, src.reshape(shape4), dst.reshape(shape4),
                et.reshape(shape4), nrm.reshape(shape4), zeros)


def _post_body(nblk, z0_ref, z1_ref, xf_ref, irfft_ref, dft_ref, in_w_ref,
               out_w_ref, loop_w_ref, loop_rel_ref, bias_ref, gamma_ref,
               beta_ref, out_ref, pre_ref, stats_ref):
    p = pl.program_id(0)
    j = pl.program_id(1)
    blk = out_ref.shape[0]

    @pl.when(p == 0)
    def _compute():
        t = irfft_ref[...]
        g_in = lax.dot(t, in_w_ref[...], precision=_PREC)
        g_out = lax.dot(t, out_w_ref[...], precision=_PREC)
        g_loop = lax.dot(t, loop_w_ref[...], precision=_PREC)
        lf = lax.dot(loop_rel_ref[...], dft_ref[...], precision=_PREC)
        lre = lf[:, :HW]
        lim = lf[:, HW:]
        xf = xf_ref[...]
        are = xf[:, :HW]
        aim = xf[:, HW:]
        zre = are * lre + aim * lim
        zim = are * lim - aim * lre
        col0 = lax.broadcasted_iota(jnp.int32, (1, HW), 1) == 0
        zre = jnp.where(col0, are * lre, zre)
        zim = jnp.where(col0, aim * lim, zim)
        zl = jnp.concatenate([zre, zim], axis=1)
        pre = (lax.dot(z0_ref[...], g_in, precision=_PREC)
               + lax.dot(z1_ref[...], g_out, precision=_PREC)
               + lax.dot(zl, g_loop, precision=_PREC)) / 3.0 + bias_ref[...]
        pre_ref[pl.ds(j * blk, blk), :] = pre

        @pl.when(j == 0)
        def _init():
            stats_ref[...] = jnp.zeros_like(stats_ref)

        stats = jnp.concatenate(
            [jnp.sum(pre, axis=0, keepdims=True),
             jnp.sum(pre * pre, axis=0, keepdims=True),
             jnp.zeros((6, D), jnp.float32)], axis=0)
        stats_ref[...] += stats

    @pl.when(p == 1)
    def _normalize():
        n_total = jnp.float32(pre_ref.shape[0])
        mean = stats_ref[0, :] / n_total
        var = stats_ref[1, :] / n_total - mean * mean
        scale = lax.rsqrt(var + 1e-5) * gamma_ref[0, :]
        shift = beta_ref[0, :] - mean * scale
        out_ref[...] = pre_ref[pl.ds(j * blk, blk), :] * scale + shift


def _post_call(z0, z1, xf, in_w, out_w, loop_w, loop_rel, bias, gamma, beta):
    n = xf.shape[0]
    nblk = 10
    blk = n // nblk
    assert blk * nblk == n

    row_spec = pl.BlockSpec((blk, D), lambda p, j: (j, 0))
    full = lambda shape: pl.BlockSpec(shape, lambda p, j: (0, 0))
    return pl.pallas_call(
        functools.partial(_post_body, nblk),
        grid=(2, nblk),
        in_specs=[
            row_spec, row_spec, row_spec,
            full((D, D)), full((D, D)), full((D, D)), full((D, D)),
            full((D, D)), full((1, D)), full((1, D)), full((1, D)),
            full((1, D)),
        ],
        out_specs=pl.BlockSpec((blk, D), lambda p, j: (j, 0)),
        out_shape=jax.ShapeDtypeStruct((n, D), jnp.float32),
        scratch_shapes=[
            pltpu.VMEM((n, D), jnp.float32),
            pltpu.VMEM((8, D), jnp.float32),
        ],
    )(z0, z1, xf, jnp.asarray(_IRFFT), jnp.asarray(_DFT), in_w, out_w,
      loop_w, loop_rel, bias.reshape(1, D), gamma.reshape(1, D),
      beta.reshape(1, D))


def kernel(x, edge_index, rel_repr, edge_type, edge_norm, in_w, out_w,
           loop_w, w_rel, loop_rel, bias, bn_gamma, bn_beta):
    src = edge_index[0]
    dst = edge_index[1]
    xf, rf, rel_out = _pre_call(x, rel_repr, w_rel)
    z = _sc_call(xf, rf, src, dst, edge_type, edge_norm)
    out = _post_call(z[0], z[1], xf, in_w, out_w, loop_w, loop_rel, bias,
                     bn_gamma, bn_beta)
    return out, rel_out

# --- scband reference (transcript-rebuilt; emitter-appended) ---
"""Pipeline reference for scband-transformer-49452253446800 (READ-ONLY COPY).

The authoritative reference and input builder live on the scoring server;
editing this copy changes nothing except your own understanding.
"""

import jax, jax.numpy as jnp
import numpy as np


def ccorr(a, b):
    # circular correlation: irfft(conj(rfft(a)) * rfft(b))
    fa = jnp.fft.rfft(a, axis=-1)
    fb = jnp.fft.rfft(b, axis=-1)
    return jnp.fft.irfft(jnp.conj(fa) * fb, a.shape[-1], axis=-1)


def setup_inputs(seed: int = 0) -> dict:
    key = jax.random.key(seed)
    ks = jax.random.split(key, 12)
    N, E, D, R = 10000, 320000, 128, 200
    x = jax.random.normal(ks[0], (N, D), dtype=jnp.float32)
    edge_index = jax.random.randint(ks[1], (2, E), 0, N, dtype=jnp.int32)
    rel_repr = jax.random.normal(ks[2], (R, D), dtype=jnp.float32)
    edge_type = jax.random.randint(ks[3], (E,), 0, R, dtype=jnp.int32)
    edge_norm = jax.random.uniform(ks[4], (E,), dtype=jnp.float32)
    # xavier_normal with relu gain: std = sqrt(2) * sqrt(2/(fan_in+fan_out))
    std = float(np.sqrt(2.0) * np.sqrt(2.0 / (D + D)))
    in_w = jax.random.normal(ks[5], (D, D), dtype=jnp.float32) * std
    out_w = jax.random.normal(ks[6], (D, D), dtype=jnp.float32) * std
    loop_w = jax.random.normal(ks[7], (D, D), dtype=jnp.float32) * std
    w_rel = jax.random.normal(ks[8], (D, D), dtype=jnp.float32) * std
    std_lr = float(np.sqrt(2.0) * np.sqrt(2.0 / (1 + D)))
    loop_rel = jax.random.normal(ks[9], (1, D), dtype=jnp.float32) * std_lr
    bias = jnp.zeros((D,), dtype=jnp.float32)
    bn_gamma = jnp.ones((D,), dtype=jnp.float32)
    bn_beta = jnp.zeros((D,), dtype=jnp.float32)
    return {"x": x, "edge_index": edge_index, "rel_repr": rel_repr,
            "edge_type": edge_type, "edge_norm": edge_norm,
            "in_w": in_w, "out_w": out_w, "loop_w": loop_w, "w_rel": w_rel,
            "loop_rel": loop_rel, "bias": bias,
            "bn_gamma": bn_gamma, "bn_beta": bn_beta}


def reference(x, edge_index, rel_repr, edge_type, edge_norm,
              in_w, out_w, loop_w, w_rel, loop_rel, bias, bn_gamma, bn_beta):
    # CompGCNCov forward with opn='corr', act=identity, drop_rate=0.0 (identity)
    src = edge_index[0]
    dst = edge_index[1]
    rel = rel_repr  # rel_wt is None
    N = x.shape[0]
    E = src.shape[0]
    half = E // 2
    # message: gather source node features and relation embeddings per edge
    h_src = jnp.take(x, src, axis=0)
    r_e = jnp.take(rel, edge_type, axis=0)
    edge_data = ccorr(h_src, r_e)
    msg = jnp.concatenate([edge_data[:half] @ in_w, edge_data[half:] @ out_w], axis=0)
    msg = msg * edge_norm[:, None]
    # reduce: sum into destination nodes, then (dropout identity) / 3
    agg = jax.ops.segment_sum(msg, dst, num_segments=N) / 3.0
    # self-loop term
    loop = ccorr(x, jnp.broadcast_to(loop_rel, x.shape)) @ loop_w / 3.0
    out = agg + loop + bias
    # BatchNorm1d (training mode: batch statistics, biased variance)
    mean = jnp.mean(out, axis=0)
    var = jnp.var(out, axis=0)
    out = (out - mean) / jnp.sqrt(var + 1e-5) * bn_gamma + bn_beta
    # act is identity (default lambda x: x)
    return out, rel @ w_rel

if __name__ == "__main__":
    import jax
    _d = setup_inputs()
    print(jax.jit(kernel)(*tuple(_d.values())))

</pallas_src>

<mosaic_0001>
#map = affine_map<(d0, d1) -> (0, 0)>
#map1 = affine_map<(d0, d1) -> (0, 0, 0, 0)>
#map2 = affine_map<(d0, d1) -> (0, 0, 0)>
module attributes {stable_mosaic.version = 14 : i64} {
  func.func @_sc_body(%arg0: i32, %arg1: i32, %arg2: memref<10000x128xf32, #tpu.memory_space<hbm>>, %arg3: memref<200x128xf32, #tpu.memory_space<hbm>>, %arg4: memref<2x16x125x80xi32, #tpu.memory_space<hbm>>, %arg5: memref<2x16x125x80xi32, #tpu.memory_space<hbm>>, %arg6: memref<2x16x125x80xi32, #tpu.memory_space<hbm>>, %arg7: memref<2x16x125x80xf32, #tpu.memory_space<hbm>>, %arg8: memref<632x128xf32, #tpu.memory_space<hbm>>, %arg9: memref<2x10112x128xf32, #tpu.memory_space<hbm>>, %arg10: memref<10112x128xf32, #tpu.memory_space<vmem_shared>>, %arg11: memref<80xi32, #tpu.memory_space<vmem>>, %arg12: memref<80xi32, #tpu.memory_space<vmem>>, %arg13: memref<80xi32, #tpu.memory_space<vmem>>, %arg14: memref<80xi32, #tpu.memory_space<vmem>>, %arg15: memref<80xi32, #tpu.memory_space<vmem>>, %arg16: memref<80xi32, #tpu.memory_space<vmem>>, %arg17: memref<80xi32, #tpu.memory_space<vmem>>, %arg18: memref<80xi32, #tpu.memory_space<vmem>>, %arg19: memref<80xf32, #tpu.memory_space<vmem>>, %arg20: memref<80xf32, #tpu.memory_space<vmem>>, %arg21: memref<80x128xf32, #tpu.memory_space<vmem>>, %arg22: memref<80x128xf32, #tpu.memory_space<vmem>>, %arg23: memref<80x128xf32, #tpu.memory_space<vmem>>, %arg24: memref<80x128xf32, #tpu.memory_space<vmem>>, %arg25: memref<!tpu.dma_semaphore, #tpu.memory_space<semaphore_mem>>, %arg26: memref<!tpu.dma_semaphore, #tpu.memory_space<semaphore_mem>>, %arg27: memref<!tpu.dma_semaphore, #tpu.memory_space<semaphore_mem>>, %arg28: memref<!tpu.dma_semaphore, #tpu.memory_space<semaphore_mem>>) attributes {dimension_semantics = [#tpu.dimension_semantics<core_parallel>, #tpu.dimension_semantics<subcore_parallel>], iteration_bounds = array<i64: 2, 16>, scalar_prefetch = 0 : i64, scratch_operands = 19 : i64, tpu.core_type = #tpu.core_type<sc_vector_subcore>, window_params = [{transform_indices = #map}, {transform_indices = #map}, {transform_indices = #map1}, {transform_indices = #map1}, {transform_indices = #map1}, {transform_indices = #map1}, {transform_indices = #map}, {transform_indices = #map2}]} {
    %dma_start3A = arith.constant 0 : i32
    %dma_start3A_0 = arith.constant 0 : i32
    %dma_start3A_1 = tpu.memref_slice %arg4[%arg0, %arg1, %dma_start3A, %dma_start3A_0] : memref<2x16x125x80xi32, #tpu.memory_space<hbm>> -> memref<1x1x1x80xi32, #tpu.memory_space<hbm>>
    %dma_start3A_2 = tpu.memref_squeeze %dma_start3A_1 : memref<1x1x1x80xi32, #tpu.memory_space<hbm>> -> memref<80xi32, #tpu.memory_space<hbm>>
    %dma_start3A_3 = arith.constant 0 : i32
    %dma_start3A_4 = tpu.memref_slice %arg4[%arg0, %arg1, %dma_start3A, %dma_start3A_3] : memref<2x16x125x80xi32, #tpu.memory_space<hbm>> -> memref<1x1x1x80xi32, #tpu.memory_space<hbm>>
    %dma_start3A_5 = tpu.memref_squeeze %dma_start3A_4 : memref<1x1x1x80xi32, #tpu.memory_space<hbm>> -> memref<80xi32, #tpu.memory_space<hbm>>
    tpu.enqueue_dma source(%dma_start3A_5 : memref<80xi32, #tpu.memory_space<hbm>>) target(%arg11 : memref<80xi32, #tpu.memory_space<vmem>>) target_semaphore(%arg25 : memref<!tpu.dma_semaphore, #tpu.memory_space<semaphore_mem>>)
    %dma_start3A_6 = arith.constant 0 : i32
    %dma_start3A_7 = arith.constant 0 : i32
    %dma_start3A_8 = tpu.memref_slice %arg6[%arg0, %arg1, %dma_start3A_6, %dma_start3A_7] : memref<2x16x125x80xi32, #tpu.memory_space<hbm>> -> memref<1x1x1x80xi32, #tpu.memory_space<hbm>>
    %dma_start3A_9 = tpu.memref_squeeze %dma_start3A_8 : memref<1x1x1x80xi32, #tpu.memory_space<hbm>> -> memref<80xi32, #tpu.memory_space<hbm>>
    %dma_start3A_10 = arith.constant 0 : i32
    %dma_start3A_11 = tpu.memref_slice %arg6[%arg0, %arg1, %dma_start3A_6, %dma_start3A_10] : memref<2x16x125x80xi32, #tpu.memory_space<hbm>> -> memref<1x1x1x80xi32, #tpu.memory_space<hbm>>
    %dma_start3A_12 = tpu.memref_squeeze %dma_start3A_11 : memref<1x1x1x80xi32, #tpu.memory_space<hbm>> -> memref<80xi32, #tpu.memory_space<hbm>>
    tpu.enqueue_dma source(%dma_start3A_12 : memref<80xi32, #tpu.memory_space<hbm>>) target(%arg13 : memref<80xi32, #tpu.memory_space<vmem>>) target_semaphore(%arg25 : memref<!tpu.dma_semaphore, #tpu.memory_space<semaphore_mem>>)
    %dma_start3A_13 = arith.constant 0 : i32
    %dma_start3A_14 = arith.constant 0 : i32
    %dma_start3A_15 = tpu.memref_slice %arg5[%arg0, %arg1, %dma_start3A_13, %dma_start3A_14] : memref<2x16x125x80xi32, #tpu.memory_space<hbm>> -> memref<1x1x1x80xi32, #tpu.memory_space<hbm>>
    %dma_start3A_16 = tpu.memref_squeeze %dma_start3A_15 : memref<1x1x1x80xi32, #tpu.memory_space<hbm>> -> memref<80xi32, #tpu.memory_space<hbm>>
    %dma_start3A_17 = arith.constant 0 : i32
    %dma_start3A_18 = tpu.memref_slice %arg5[%arg0, %arg1, %dma_start3A_13, %dma_start3A_17] : memref<2x16x125x80xi32, #tpu.memory_space<hbm>> -> memref<1x1x1x80xi32, #tpu.memory_space<hbm>>
    %dma_start3A_19 = tpu.memref_squeeze %dma_start3A_18 : memref<1x1x1x80xi32, #tpu.memory_space<hbm>> -> memref<80xi32, #tpu.memory_space<hbm>>
    tpu.enqueue_dma source(%dma_start3A_19 : memref<80xi32, #tpu.memory_space<hbm>>) target(%arg15 : memref<80xi32, #tpu.memory_space<vmem>>) target_semaphore(%arg25 : memref<!tpu.dma_semaphore, #tpu.memory_space<semaphore_mem>>)
    %dma_start3A_20 = arith.constant 0 : i32
    %dma_start3A_21 = arith.constant 0 : i32
    %dma_start3A_22 = tpu.memref_slice %arg7[%arg0, %arg1, %dma_start3A_20, %dma_start3A_21] : memref<2x16x125x80xf32, #tpu.memory_space<hbm>> -> memref<1x1x1x80xf32, #tpu.memory_space<hbm>>
    %dma_start3A_23 = tpu.memref_squeeze %dma_start3A_22 : memref<1x1x1x80xf32, #tpu.memory_space<hbm>> -> memref<80xf32, #tpu.memory_space<hbm>>
    %dma_start3A_24 = arith.constant 0 : i32
    %dma_start3A_25 = tpu.memref_slice %arg7[%arg0, %arg1, %dma_start3A_20, %dma_start3A_24] : memref<2x16x125x80xf32, #tpu.memory_space<hbm>> -> memref<1x1x1x80xf32, #tpu.memory_space<hbm>>
    %dma_start3A_26 = tpu.memref_squeeze %dma_start3A_25 : memref<1x1x1x80xf32, #tpu.memory_space<hbm>> -> memref<80xf32, #tpu.memory_space<hbm>>
    tpu.enqueue_dma source(%dma_start3A_26 : memref<80xf32, #tpu.memory_space<hbm>>) target(%arg19 : memref<80xf32, #tpu.memory_space<vmem>>) target_semaphore(%arg25 : memref<!tpu.dma_semaphore, #tpu.memory_space<semaphore_mem>>)
    %dma_start3A_27 = arith.constant 1 : i32
    %dma_start3A_28 = arith.constant 0 : i32
    %dma_start3A_29 = tpu.memref_slice %arg4[%arg0, %arg1, %dma_start3A_27, %dma_start3A_28] : memref<2x16x125x80xi32, #tpu.memory_space<hbm>> -> memref<1x1x1x80xi32, #tpu.memory_space<hbm>>
    %dma_start3A_30 = tpu.memref_squeeze %dma_start3A_29 : memref<1x1x1x80xi32, #tpu.memory_space<hbm>> -> memref<80xi32, #tpu.memory_space<hbm>>
    %dma_start3A_31 = arith.constant 0 : i32
    %dma_start3A_32 = tpu.memref_slice %arg4[%arg0, %arg1, %dma_start3A_27, %dma_start3A_31] : memref<2x16x125x80xi32, #tpu.memory_space<hbm>> -> memref<1x1x1x80xi32, #tpu.memory_space<hbm>>
    %dma_start3A_33 = tpu.memref_squeeze %dma_start3A_32 : memref<1x1x1x80xi32, #tpu.memory_space<hbm>> -> memref<80xi32, #tpu.memory_space<hbm>>
    tpu.enqueue_dma source(%dma_start3A_33 : memref<80xi32, #tpu.memory_space<hbm>>) target(%arg12 : memref<80xi32, #tpu.memory_space<vmem>>) target_semaphore(%arg26 : memref<!tpu.dma_semaphore, #tpu.memory_space<semaphore_mem>>)
    %dma_start3A_34 = arith.constant 1 : i32
    %dma_start3A_35 = arith.constant 0 : i32
    %dma_start3A_36 = tpu.memref_slice %arg6[%arg0, %arg1, %dma_start3A_34, %dma_start3A_35] : memref<2x16x125x80xi32, #tpu.memory_space<hbm>> -> memref<1x1x1x80xi32, #tpu.memory_space<hbm>>
    %dma_start3A_37 = tpu.memref_squeeze %dma_start3A_36 : memref<1x1x1x80xi32, #tpu.memory_space<hbm>> -> memref<80xi32, #tpu.memory_space<hbm>>
    %dma_start3A_38 = arith.constant 0 : i32
    %dma_start3A_39 = tpu.memref_slice %arg6[%arg0, %arg1, %dma_start3A_34, %dma_start3A_38] : memref<2x16x125x80xi32, #tpu.memory_space<hbm>> -> memref<1x1x1x80xi32, #tpu.memory_space<hbm>>
    %dma_start3A_40 = tpu.memref_squeeze %dma_start3A_39 : memref<1x1x1x80xi32, #tpu.memory_space<hbm>> -> memref<80xi32, #tpu.memory_space<hbm>>
    tpu.enqueue_dma source(%dma_start3A_40 : memref<80xi32, #tpu.memory_space<hbm>>) target(%arg14 : memref<80xi32, #tpu.memory_space<vmem>>) target_semaphore(%arg26 : memref<!tpu.dma_semaphore, #tpu.memory_space<semaphore_mem>>)
    %dma_start3A_41 = arith.constant 1 : i32
    %dma_start3A_42 = arith.constant 0 : i32
    %dma_start3A_43 = tpu.memref_slice %arg5[%arg0, %arg1, %dma_start3A_41, %dma_start3A_42] : memref<2x16x125x80xi32, #tpu.memory_space<hbm>> -> memref<1x1x1x80xi32, #tpu.memory_space<hbm>>
    %dma_start3A_44 = tpu.memref_squeeze %dma_start3A_43 : memref<1x1x1x80xi32, #tpu.memory_space<hbm>> -> memref<80xi32, #tpu.memory_space<hbm>>
    %dma_start3A_45 = arith.constant 0 : i32
    %dma_start3A_46 = tpu.memref_slice %arg5[%arg0, %arg1, %dma_start3A_41, %dma_start3A_45] : memref<2x16x125x80xi32, #tpu.memory_space<hbm>> -> memref<1x1x1x80xi32, #tpu.memory_space<hbm>>
    %dma_start3A_47 = tpu.memref_squeeze %dma_start3A_46 : memref<1x1x1x80xi32, #tpu.memory_space<hbm>> -> memref<80xi32, #tpu.memory_space<hbm>>
    tpu.enqueue_dma source(%dma_start3A_47 : memref<80xi32, #tpu.memory_space<hbm>>) target(%arg16 : memref<80xi32, #tpu.memory_space<vmem>>) target_semaphore(%arg26 : memref<!tpu.dma_semaphore, #tpu.memory_space<semaphore_mem>>)
    %dma_start3A_48 = arith.constant 1 : i32
    %dma_start3A_49 = arith.constant 0 : i32
    %dma_start3A_50 = tpu.memref_slice %arg7[%arg0, %arg1, %dma_start3A_48, %dma_start3A_49] : memref<2x16x125x80xf32, #tpu.memory_space<hbm>> -> memref<1x1x1x80xf32, #tpu.memory_space<hbm>>
    %dma_start3A_51 = tpu.memref_squeeze %dma_start3A_50 : memref<1x1x1x80xf32, #tpu.memory_space<hbm>> -> memref<80xf32, #tpu.memory_space<hbm>>
    %dma_start3A_52 = arith.constant 0 : i32
    %dma_start3A_53 = tpu.memref_slice %arg7[%arg0, %arg1, %dma_start3A_48, %dma_start3A_52] : memref<2x16x125x80xf32, #tpu.memory_space<hbm>> -> memref<1x1x1x80xf32, #tpu.memory_space<hbm>>
    %dma_start3A_54 = tpu.memref_squeeze %dma_start3A_53 : memref<1x1x1x80xf32, #tpu.memory_space<hbm>> -> memref<80xf32, #tpu.memory_space<hbm>>
    tpu.enqueue_dma source(%dma_start3A_54 : memref<80xf32, #tpu.memory_space<hbm>>) target(%arg20 : memref<80xf32, #tpu.memory_space<vmem>>) target_semaphore(%arg26 : memref<!tpu.dma_semaphore, #tpu.memory_space<semaphore_mem>>)
    %mul3A = arith.constant 632 : i32
    %mul3A_55 = arith.muli %arg1, %mul3A : i32
    "tpu.region"() ({
      %run_scoped3A = tpu.sem_alloc : memref<!tpu.dma_semaphore, #tpu.memory_space<semaphore_mem>>
      %dma_start3A_98 = arith.constant 0 : i32
      %dma_start3A_99 = tpu.memref_slice %arg10[%mul3A_55, %dma_start3A_98] : memref<10112x128xf32, #tpu.memory_space<vmem_shared>> -> memref<632x128xf32, #tpu.memory_space<vmem_shared>>
      tpu.enqueue_dma source(%arg8 : memref<632x128xf32, #tpu.memory_space<hbm>>) target(%dma_start3A_99 : memref<632x128xf32, #tpu.memory_space<vmem_shared>>) target_semaphore(%run_scoped3A : memref<!tpu.dma_semaphore, #tpu.memory_space<semaphore_mem>>)
      %dma_wait3A_100 = arith.constant 0 : i32
      %dma_wait3A_101 = tpu.memref_slice %arg10[%mul3A_55, %dma_wait3A_100] : memref<10112x128xf32, #tpu.memory_space<vmem_shared>> -> memref<632x128xf32, #tpu.memory_space<vmem_shared>>
      tpu.wait_dma2 semaphore(%run_scoped3A : memref<!tpu.dma_semaphore, #tpu.memory_space<semaphore_mem>>) src(%arg8 : memref<632x128xf32, #tpu.memory_space<hbm>>) dst(%dma_wait3A_101 : memref<632x128xf32, #tpu.memory_space<vmem_shared>>)
      tpu.yield
    }) : () -> ()
    %dma_wait3A = arith.constant 0 : i32
    %dma_wait3A_56 = arith.constant 0 : i32
    %dma_wait3A_57 = tpu.memref_slice %arg4[%arg0, %arg1, %dma_wait3A, %dma_wait3A_56] : memref<2x16x125x80xi32, #tpu.memory_space<hbm>> -> memref<1x1x1x80xi32, #tpu.memory_space<hbm>>
    %dma_wait3A_58 = tpu.memref_squeeze %dma_wait3A_57 : memref<1x1x1x80xi32, #tpu.memory_space<hbm>> -> memref<80xi32, #tpu.memory_space<hbm>>
    %dma_wait3A_59 = arith.constant 0 : i32
    %dma_wait3A_60 = tpu.memref_slice %arg4[%arg0, %arg1, %dma_wait3A, %dma_wait3A_59] : memref<2x16x125x80xi32, #tpu.memory_space<hbm>> -> memref<1x1x1x80xi32, #tpu.memory_space<hbm>>
    %dma_wait3A_61 = tpu.memref_squeeze %dma_wait3A_60 : memref<1x1x1x80xi32, #tpu.memory_space<hbm>> -> memref<80xi32, #tpu.memory_space<hbm>>
    tpu.wait_dma2 semaphore(%arg25 : memref<!tpu.dma_semaphore, #tpu.memory_space<semaphore_mem>>) src(%dma_wait3A_61 : memref<80xi32, #tpu.memory_space<hbm>>) dst(%arg11 : memref<80xi32, #tpu.memory_space<vmem>>)
    %dma_wait3A_62 = arith.constant 0 : i32
    %dma_wait3A_63 = arith.constant 0 : i32
    %dma_wait3A_64 = tpu.memref_slice %arg6[%arg0, %arg1, %dma_wait3A_62, %dma_wait3A_63] : memref<2x16x125x80xi32, #tpu.memory_space<hbm>> -> memref<1x1x1x80xi32, #tpu.memory_space<hbm>>
    %dma_wait3A_65 = tpu.memref_squeeze %dma_wait3A_64 : memref<1x1x1x80xi32, #tpu.memory_space<hbm>> -> memref<80xi32, #tpu.memory_space<hbm>>
    %dma_wait3A_66 = arith.constant 0 : i32
    %dma_wait3A_67 = tpu.memref_slice %arg6[%arg0, %arg1, %dma_wait3A_62, %dma_wait3A_66] : memref<2x16x125x80xi32, #tpu.memory_space<hbm>> -> memref<1x1x1x80xi32, #tpu.memory_space<hbm>>
    %dma_wait3A_68 = tpu.memref_squeeze %dma_wait3A_67 : memref<1x1x1x80xi32, #tpu.memory_space<hbm>> -> memref<80xi32, #tpu.memory_space<hbm>>
    tpu.wait_dma2 semaphore(%arg25 : memref<!tpu.dma_semaphore, #tpu.memory_space<semaphore_mem>>) src(%dma_wait3A_68 : memref<80xi32, #tpu.memory_space<hbm>>) dst(%arg13 : memref<80xi32, #tpu.memory_space<vmem>>)
    %dma_wait3A_69 = arith.constant 0 : i32
    %dma_wait3A_70 = arith.constant 0 : i32
    %dma_wait3A_71 = tpu.memref_slice %arg5[%arg0, %arg1, %dma_wait3A_69, %dma_wait3A_70] : memref<2x16x125x80xi32, #tpu.memory_space<hbm>> -> memref<1x1x1x80xi32, #tpu.memory_space<hbm>>
    %dma_wait3A_72 = tpu.memref_squeeze %dma_wait3A_71 : memref<1x1x1x80xi32, #tpu.memory_space<hbm>> -> memref<80xi32, #tpu.memory_space<hbm>>
    %dma_wait3A_73 = arith.constant 0 : i32
    %dma_wait3A_74 = tpu.memref_slice %arg5[%arg0, %arg1, %dma_wait3A_69, %dma_wait3A_73] : memref<2x16x125x80xi32, #tpu.memory_space<hbm>> -> memref<1x1x1x80xi32, #tpu.memory_space<hbm>>
    %dma_wait3A_75 = tpu.memref_squeeze %dma_wait3A_74 : memref<1x1x1x80xi32, #tpu.memory_space<hbm>> -> memref<80xi32, #tpu.memory_space<hbm>>
    tpu.wait_dma2 semaphore(%arg25 : memref<!tpu.dma_semaphore, #tpu.memory_space<semaphore_mem>>) src(%dma_wait3A_75 : memref<80xi32, #tpu.memory_space<hbm>>) dst(%arg15 : memref<80xi32, #tpu.memory_space<vmem>>)
    %dma_wait3A_76 = arith.constant 0 : i32
    %dma_wait3A_77 = arith.constant 0 : i32
    %dma_wait3A_78 = tpu.memref_slice %arg7[%arg0, %arg1, %dma_wait3A_76, %dma_wait3A_77] : memref<2x16x125x80xf32, #tpu.memory_space<hbm>> -> memref<1x1x1x80xf32, #tpu.memory_space<hbm>>
    %dma_wait3A_79 = tpu.memref_squeeze %dma_wait3A_78 : memref<1x1x1x80xf32, #tpu.memory_space<hbm>> -> memref<80xf32, #tpu.memory_space<hbm>>
    %dma_wait3A_80 = arith.constant 0 : i32
    %dma_wait3A_81 = tpu.memref_slice %arg7[%arg0, %arg1, %dma_wait3A_76, %dma_wait3A_80] : memref<2x16x125x80xf32, #tpu.memory_space<hbm>> -> memref<1x1x1x80xf32, #tpu.memory_space<hbm>>
    %dma_wait3A_82 = tpu.memref_squeeze %dma_wait3A_81 : memref<1x1x1x80xf32, #tpu.memory_space<hbm>> -> memref<80xf32, #tpu.memory_space<hbm>>
    tpu.wait_dma2 semaphore(%arg25 : memref<!tpu.dma_semaphore, #tpu.memory_space<semaphore_mem>>) src(%dma_wait3A_82 : memref<80xf32, #tpu.memory_space<hbm>>) dst(%arg19 : memref<80xf32, #tpu.memory_space<vmem>>)
    %dma_start3A_83 = arith.constant 0 : i32
    %dma_start3A_84 = arith.constant 0 : i32
    %dma_start3A_85 = tpu.memref_slice %arg2[%dma_start3A_83, %dma_start3A_84] : memref<10000x128xf32, #tpu.memory_space<hbm>> -> memref<10000x128xf32, #tpu.memory_space<hbm>>
    tpu.enqueue_indirect_dma source(%dma_start3A_85 : memref<10000x128xf32, #tpu.memory_space<hbm>>) target(%arg21 : memref<80x128xf32, #tpu.memory_space<vmem>>) offsets(%arg11 : memref<80xi32, #tpu.memory_space<vmem>>) semaphore(%arg27 : memref<!tpu.dma_semaphore, #tpu.memory_space<semaphore_mem>>)
    %dma_start3A_86 = arith.constant 0 : i32
    %dma_start3A_87 = arith.constant 0 : i32
    %dma_start3A_88 = tpu.memref_slice %arg3[%dma_start3A_86, %dma_start3A_87] : memref<200x128xf32, #tpu.memory_space<hbm>> -> memref<200x128xf32, #tpu.memory_space<hbm>>
    tpu.enqueue_indirect_dma source(%dma_start3A_88 : memref<200x128xf32, #tpu.memory_space<hbm>>) target(%arg23 : memref<80x128xf32, #tpu.memory_space<vmem>>) offsets(%arg13 : memref<80xi32, #tpu.memory_space<vmem>>) semaphore(%arg27 : memref<!tpu.dma_semaphore, #tpu.memory_space<semaphore_mem>>)
    %barrier3A = arith.constant 0 : index
    tpu.barrier barrier_id(%barrier3A)
    %scan3A = arith.constant 0 : i32
    %scan3A_89 = arith.constant 32 : i32
    %scan3A_90 = arith.addi %scan3A, %scan3A_89 : i32
    %scan3A_91 = arith.constant 1 : i32
    scf.for %scan3A_98 = %scan3A to %scan3A_90 step %scan3A_91  : i32 {
      %mul3A_99 = arith.constant 4 : i32
      %mul3A_100 = arith.muli %scan3A_98, %mul3A_99 : i32
      %add3A = arith.constant 0 : i32
      %add3A_101 = arith.addi %add3A, %mul3A_100 : i32
      %dma_wait3A_102 = arith.constant 0 : i32
      %dma_wait3A_103 = arith.constant 0 : i32
      %dma_wait3A_104 = tpu.memref_slice %arg2[%dma_wait3A_102, %dma_wait3A_103] : memref<10000x128xf32, #tpu.memory_space<hbm>> -> memref<10000x128xf32, #tpu.memory_space<hbm>>
      tpu.wait_indirect_dma semaphore(%arg27 : memref<!tpu.dma_semaphore, #tpu.memory_space<semaphore_mem>>) src(%dma_wait3A_104 : memref<10000x128xf32, #tpu.memory_space<hbm>>) dst(%arg21 : memref<80x128xf32, #tpu.memory_space<vmem>>)
      %dma_wait3A_105 = arith.constant 0 : i32
      %dma_wait3A_106 = arith.constant 0 : i32
      %dma_wait3A_107 = tpu.memref_slice %arg3[%dma_wait3A_105, %dma_wait3A_106] : memref<200x128xf32, #tpu.memory_space<hbm>> -> memref<200x128xf32, #tpu.memory_space<hbm>>
      tpu.wait_indirect_dma semaphore(%arg27 : memref<!tpu.dma_semaphore, #tpu.memory_space<semaphore_mem>>) src(%dma_wait3A_107 : memref<200x128xf32, #tpu.memory_space<hbm>>) dst(%arg23 : memref<80x128xf32, #tpu.memory_space<vmem>>)
      %add3A_108 = arith.constant 1 : i32
      %add3A_109 = arith.addi %add3A_101, %add3A_108 : i32
      %lt3A = arith.constant 125 : i32
      %lt3A_110 = arith.cmpi slt, %add3A_109, %lt3A : i32
      %convert_element_type3A = arith.extui %lt3A_110 : i1 to i32
      %cond3A = arith.constant 0 : i32
      %cond3A_111 = arith.cmpi ne, %convert_element_type3A, %cond3A : i32
      scf.if %cond3A_111 {
        %add3A_144 = arith.constant 1 : i32
        %add3A_145 = arith.addi %add3A_101, %add3A_144 : i32
        %dma_wait3A_146 = arith.constant 0 : i32
        %dma_wait3A_147 = tpu.memref_slice %arg4[%arg0, %arg1, %add3A_145, %dma_wait3A_146] : memref<2x16x125x80xi32, #tpu.memory_space<hbm>> -> memref<1x1x1x80xi32, #tpu.memory_space<hbm>>
        %dma_wait3A_148 = tpu.memref_squeeze %dma_wait3A_147 : memref<1x1x1x80xi32, #tpu.memory_space<hbm>> -> memref<80xi32, #tpu.memory_space<hbm>>
        %dma_wait3A_149 = arith.constant 0 : i32
        %dma_wait3A_150 = tpu.memref_slice %arg4[%arg0, %arg1, %add3A_145, %dma_wait3A_149] : memref<2x16x125x80xi32, #tpu.memory_space<hbm>> -> memref<1x1x1x80xi32, #tpu.memory_space<hbm>>
        %dma_wait3A_151 = tpu.memref_squeeze %dma_wait3A_150 : memref<1x1x1x80xi32, #tpu.memory_space<hbm>> -> memref<80xi32, #tpu.memory_space<hbm>>
        tpu.wait_dma2 semaphore(%arg26 : memref<!tpu.dma_semaphore, #tpu.memory_space<semaphore_mem>>) src(%dma_wait3A_151 : memref<80xi32, #tpu.memory_space<hbm>>) dst(%arg12 : memref<80xi32, #tpu.memory_space<vmem>>)
        %dma_wait3A_152 = arith.constant 0 : i32
        %dma_wait3A_153 = tpu.memref_slice %arg6[%arg0, %arg1, %add3A_145, %dma_wait3A_152] : memref<2x16x125x80xi32, #tpu.memory_space<hbm>> -> memref<1x1x1x80xi32, #tpu.memory_space<hbm>>
        %dma_wait3A_154 = tpu.memref_squeeze %dma_wait3A_153 : memref<1x1x1x80xi32, #tpu.memory_space<hbm>> -> memref<80xi32, #tpu.memory_space<hbm>>
        %dma_wait3A_155 = arith.constant 0 : i32
        %dma_wait3A_156 = tpu.memref_slice %arg6[%arg0, %arg1, %add3A_145, %dma_wait3A_155] : memref<2x16x125x80xi32, #tpu.memory_space<hbm>> -> memref<1x1x1x80xi32, #tpu.memory_space<hbm>>
        %dma_wait3A_157 = tpu.memref_squeeze %dma_wait3A_156 : memref<1x1x1x80xi32, #tpu.memory_space<hbm>> -> memref<80xi32, #tpu.memory_space<hbm>>
        tpu.wait_dma2 semaphore(%arg26 : memref<!tpu.dma_semaphore, #tpu.memory_space<semaphore_mem>>) src(%dma_wait3A_157 : memref<80xi32, #tpu.memory_space<hbm>>) dst(%arg14 : memref<80xi32, #tpu.memory_space<vmem>>)
        %dma_wait3A_158 = arith.constant 0 : i32
        %dma_wait3A_159 = tpu.memref_slice %arg5[%arg0, %arg1, %add3A_145, %dma_wait3A_158] : memref<2x16x125x80xi32, #tpu.memory_space<hbm>> -> memref<1x1x1x80xi32, #tpu.memory_space<hbm>>
        %dma_wait3A_160 = tpu.memref_squeeze %dma_wait3A_159 : memref<1x1x1x80xi32, #tpu.memory_space<hbm>> -> memref<80xi32, #tpu.memory_space<hbm>>
        %dma_wait3A_161 = arith.constant 0 : i32
        %dma_wait3A_162 = tpu.memref_slice %arg5[%arg0, %arg1, %add3A_145, %dma_wait3A_161] : memref<2x16x125x80xi32, #tpu.memory_space<hbm>> -> memref<1x1x1x80xi32, #tpu.memory_space<hbm>>
        %dma_wait3A_163 = tpu.memref_squeeze %dma_wait3A_162 : memref<1x1x1x80xi32, #tpu.memory_space<hbm>> -> memref<80xi32, #tpu.memory_space<hbm>>
        tpu.wait_dma2 semaphore(%arg26 : memref<!tpu.dma_semaphore, #tpu.memory_space<semaphore_mem>>) src(%dma_wait3A_163 : memref<80xi32, #tpu.memory_space<hbm>>) dst(%arg16 : memref<80xi32, #tpu.memory_space<vmem>>)
        %dma_wait3A_164 = arith.constant 0 : i32
        %dma_wait3A_165 = tpu.memref_slice %arg7[%arg0, %arg1, %add3A_145, %dma_wait3A_164] : memref<2x16x125x80xf32, #tpu.memory_space<hbm>> -> memref<1x1x1x80xf32, #tpu.memory_space<hbm>>
        %dma_wait3A_166 = tpu.memref_squeeze %dma_wait3A_165 : memref<1x1x1x80xf32, #tpu.memory_space<hbm>> -> memref<80xf32, #tpu.memory_space<hbm>>
        %dma_wait3A_167 = arith.constant 0 : i32
        %dma_wait3A_168 = tpu.memref_slice %arg7[%arg0, %arg1, %add3A_145, %dma_wait3A_167] : memref<2x16x125x80xf32, #tpu.memory_space<hbm>> -> memref<1x1x1x80xf32, #tpu.memory_space<hbm>>
        %dma_wait3A_169 = tpu.memref_squeeze %dma_wait3A_168 : memref<1x1x1x80xf32, #tpu.memory_space<hbm>> -> memref<80xf32, #tpu.memory_space<hbm>>
        tpu.wait_dma2 semaphore(%arg26 : memref<!tpu.dma_semaphore, #tpu.memory_space<semaphore_mem>>) src(%dma_wait3A_169 : memref<80xf32, #tpu.memory_space<hbm>>) dst(%arg20 : memref<80xf32, #tpu.memory_space<vmem>>)
        %dma_start3A_170 = arith.constant 0 : i32
        %dma_start3A_171 = arith.constant 0 : i32
        %dma_start3A_172 = tpu.memref_slice %arg2[%dma_start3A_170, %dma_start3A_171] : memref<10000x128xf32, #tpu.memory_space<hbm>> -> memref<10000x128xf32, #tpu.memory_space<hbm>>
        tpu.enqueue_indirect_dma source(%dma_start3A_172 : memref<10000x128xf32, #tpu.memory_space<hbm>>) target(%arg22 : memref<80x128xf32, #tpu.memory_space<vmem>>) offsets(%arg12 : memref<80xi32, #tpu.memory_space<vmem>>) semaphore(%arg28 : memref<!tpu.dma_semaphore, #tpu.memory_space<semaphore_mem>>)
        %dma_start3A_173 = arith.constant 0 : i32
        %dma_start3A_174 = arith.constant 0 : i32
        %dma_start3A_175 = tpu.memref_slice %arg3[%dma_start3A_173, %dma_start3A_174] : memref<200x128xf32, #tpu.memory_space<hbm>> -> memref<200x128xf32, #tpu.memory_space<hbm>>
        tpu.enqueue_indirect_dma source(%dma_start3A_175 : memref<200x128xf32, #tpu.memory_space<hbm>>) target(%arg24 : memref<80x128xf32, #tpu.memory_space<vmem>>) offsets(%arg14 : memref<80xi32, #tpu.memory_space<vmem>>) semaphore(%arg28 : memref<!tpu.dma_semaphore, #tpu.memory_space<semaphore_mem>>)
      } else {
      }
      %iota3A = tpu.iota {dimensions = array<i32: 0>} : vector<16xi32>
      %eq3A = arith.constant 0 : i32
      %eq3A_112 = vector.broadcast %eq3A : i32 to vector<16xi32>
      %eq3A_113 = arith.cmpi eq, %iota3A, %eq3A_112 : vector<16xi32>
      %parallel_loop3A = arith.constant 0 : i32
      %parallel_loop3A_114 = arith.constant 80 : i32
      %parallel_loop3A_115 = arith.constant 1 : i32
      scf.for %parallel_loop3A_144 = %parallel_loop3A to %parallel_loop3A_114 step %parallel_loop3A_115  : i32 {
        %parallel_loop3A_145 = arith.constant 0 : i32
        %parallel_loop3A_146 = vector.broadcast %parallel_loop3A_145 : i32 to vector<16xi32>
        %parallel_loop3A_147 = vector.broadcast %parallel_loop3A_144 : i32 to vector<16xi32>
        %parallel_loop3A_148 = arith.addi %parallel_loop3A_146, %parallel_loop3A_147 : vector<16xi32>
        %parallel_loop3A_149 = tpu.vector_load_idx %arg19[%parallel_loop3A_148] : memref<80xf32, #tpu.memory_space<vmem>>[vector<16xi32>], vector<16xf32>,
        %parallel_loop3A_150 = arith.index_cast %parallel_loop3A_144 : i32 to index
        %parallel_loop3A_151 = arith.constant 0 : index
        %parallel_loop3A_152 = tpu.vector_load %arg21[%parallel_loop3A_150, %parallel_loop3A_151] {strides = array<i32>} : memref<80x128xf32, #tpu.memory_space<vmem>>, vector<16xf32>,
        %parallel_loop3A_153 = arith.index_cast %parallel_loop3A_144 : i32 to index
        %parallel_loop3A_154 = arith.constant 64 : index
        %parallel_loop3A_155 = tpu.vector_load %arg21[%parallel_loop3A_153, %parallel_loop3A_154] {strides = array<i32>} : memref<80x128xf32, #tpu.memory_space<vmem>>, vector<16xf32>,
        %parallel_loop3A_156 = arith.index_cast %parallel_loop3A_144 : i32 to index
        %parallel_loop3A_157 = arith.constant 0 : index
        %parallel_loop3A_158 = tpu.vector_load %arg23[%parallel_loop3A_156, %parallel_loop3A_157] {strides = array<i32>} : memref<80x128xf32, #tpu.memory_space<vmem>>, vector<16xf32>,
        %parallel_loop3A_159 = arith.index_cast %parallel_loop3A_144 : i32 to index
        %parallel_loop3A_160 = arith.constant 64 : index
        %parallel_loop3A_161 = tpu.vector_load %arg23[%parallel_loop3A_159, %parallel_loop3A_160] {strides = array<i32>} : memref<80x128xf32, #tpu.memory_space<vmem>>, vector<16xf32>,
        %parallel_loop3A_162 = arith.mulf %parallel_loop3A_152, %parallel_loop3A_158 : vector<16xf32>
        %parallel_loop3A_163 = arith.mulf %parallel_loop3A_155, %parallel_loop3A_161 : vector<16xf32>
        %parallel_loop3A_164 = arith.addf %parallel_loop3A_162, %parallel_loop3A_163 : vector<16xf32>
        %parallel_loop3A_165 = arith.mulf %parallel_loop3A_152, %parallel_loop3A_161 : vector<16xf32>
        %parallel_loop3A_166 = arith.mulf %parallel_loop3A_155, %parallel_loop3A_158 : vector<16xf32>
        %parallel_loop3A_167 = arith.subf %parallel_loop3A_165, %parallel_loop3A_166 : vector<16xf32>
        %parallel_loop3A_168 = arith.select %eq3A_113, %parallel_loop3A_162, %parallel_loop3A_164 : vector<16xi1>, vector<16xf32>
        %parallel_loop3A_169 = arith.select %eq3A_113, %parallel_loop3A_163, %parallel_loop3A_167 : vector<16xi1>, vector<16xf32>
        %parallel_loop3A_170 = arith.mulf %parallel_loop3A_168, %parallel_loop3A_149 : vector<16xf32>
        %parallel_loop3A_171 = arith.index_cast %parallel_loop3A_144 : i32 to index
        %parallel_loop3A_172 = arith.constant 0 : index
        %parallel_loop3A_173 = tpu.vector_load %arg21[%parallel_loop3A_171, %parallel_loop3A_172] {strides = array<i32>} : memref<80x128xf32, #tpu.memory_space<vmem>>, vector<16xf32>,
        tpu.vector_store %arg21[%parallel_loop3A_171, %parallel_loop3A_172], %parallel_loop3A_170 {strides = array<i32>} : memref<80x128xf32, #tpu.memory_space<vmem>>, vector<16xf32>,
        %parallel_loop3A_174 = arith.mulf %parallel_loop3A_169, %parallel_loop3A_149 : vector<16xf32>
        %parallel_loop3A_175 = arith.index_cast %parallel_loop3A_144 : i32 to index
        %parallel_loop3A_176 = arith.constant 64 : index
        %parallel_loop3A_177 = tpu.vector_load %arg21[%parallel_loop3A_175, %parallel_loop3A_176] {strides = array<i32>} : memref<80x128xf32, #tpu.memory_space<vmem>>, vector<16xf32>,
        tpu.vector_store %arg21[%parallel_loop3A_175, %parallel_loop3A_176], %parallel_loop3A_174 {strides = array<i32>} : memref<80x128xf32, #tpu.memory_space<vmem>>, vector<16xf32>,
        %parallel_loop3A_178 = arith.index_cast %parallel_loop3A_144 : i32 to index
        %parallel_loop3A_179 = arith.constant 16 : index
        %parallel_loop3A_180 = tpu.vector_load %arg21[%parallel_loop3A_178, %parallel_loop3A_179] {strides = array<i32>} : memref<80x128xf32, #tpu.memory_space<vmem>>, vector<16xf32>,
        %parallel_loop3A_181 = arith.index_cast %parallel_loop3A_144 : i32 to index
        %parallel_loop3A_182 = arith.constant 80 : index
        %parallel_loop3A_183 = tpu.vector_load %arg21[%parallel_loop3A_181, %parallel_loop3A_182] {strides = array<i32>} : memref<80x128xf32, #tpu.memory_space<vmem>>, vector<16xf32>,
        %parallel_loop3A_184 = arith.index_cast %parallel_loop3A_144 : i32 to index
        %parallel_loop3A_185 = arith.constant 16 : index
        %parallel_loop3A_186 = tpu.vector_load %arg23[%parallel_loop3A_184, %parallel_loop3A_185] {strides = array<i32>} : memref<80x128xf32, #tpu.memory_space<vmem>>, vector<16xf32>,
        %parallel_loop3A_187 = arith.index_cast %parallel_loop3A_144 : i32 to index
        %parallel_loop3A_188 = arith.constant 80 : index
        %parallel_loop3A_189 = tpu.vector_load %arg23[%parallel_loop3A_187, %parallel_loop3A_188] {strides = array<i32>} : memref<80x128xf32, #tpu.memory_space<vmem>>, vector<16xf32>,
        %parallel_loop3A_190 = arith.mulf %parallel_loop3A_180, %parallel_loop3A_186 : vector<16xf32>
        %parallel_loop3A_191 = arith.mulf %parallel_loop3A_183, %parallel_loop3A_189 : vector<16xf32>
        %parallel_loop3A_192 = arith.addf %parallel_loop3A_190, %parallel_loop3A_191 : vector<16xf32>
        %parallel_loop3A_193 = arith.mulf %parallel_loop3A_180, %parallel_loop3A_189 : vector<16xf32>
        %parallel_loop3A_194 = arith.mulf %parallel_loop3A_183, %parallel_loop3A_186 : vector<16xf32>
        %parallel_loop3A_195 = arith.subf %parallel_loop3A_193, %parallel_loop3A_194 : vector<16xf32>
        %parallel_loop3A_196 = arith.mulf %parallel_loop3A_192, %parallel_loop3A_149 : vector<16xf32>
        %parallel_loop3A_197 = arith.index_cast %parallel_loop3A_144 : i32 to index
        %parallel_loop3A_198 = arith.constant 16 : index
        %parallel_loop3A_199 = tpu.vector_load %arg21[%parallel_loop3A_197, %parallel_loop3A_198] {strides = array<i32>} : memref<80x128xf32, #tpu.memory_space<vmem>>, vector<16xf32>,
        tpu.vector_store %arg21[%parallel_loop3A_197, %parallel_loop3A_198], %parallel_loop3A_196 {strides = array<i32>} : memref<80x128xf32, #tpu.memory_space<vmem>>, vector<16xf32>,
        %parallel_loop3A_200 = arith.mulf %parallel_loop3A_195, %parallel_loop3A_149 : vector<16xf32>
        %parallel_loop3A_201 = arith.index_cast %parallel_loop3A_144 : i32 to index
        %parallel_loop3A_202 = arith.constant 80 : index
        %parallel_loop3A_203 = tpu.vector_load %arg21[%parallel_loop3A_201, %parallel_loop3A_202] {strides = array<i32>} : memref<80x128xf32, #tpu.memory_space<vmem>>, vector<16xf32>,
        tpu.vector_store %arg21[%parallel_loop3A_201, %parallel_loop3A_202], %parallel_loop3A_200 {strides = array<i32>} : memref<80x128xf32, #tpu.memory_space<vmem>>, vector<16xf32>,
        %parallel_loop3A_204 = arith.index_cast %parallel_loop3A_144 : i32 to index
        %parallel_loop3A_205 = arith.constant 32 : index
        %parallel_loop3A_206 = tpu.vector_load %arg21[%parallel_loop3A_204, %parallel_loop3A_205] {strides = array<i32>} : memref<80x128xf32, #tpu.memory_space<vmem>>, vector<16xf32>,
        %parallel_loop3A_207 = arith.index_cast %parallel_loop3A_144 : i32 to index
        %parallel_loop3A_208 = arith.constant 96 : index
        %parallel_loop3A_209 = tpu.vector_load %arg21[%parallel_loop3A_207, %parallel_loop3A_208] {strides = array<i32>} : memref<80x128xf32, #tpu.memory_space<vmem>>, vector<16xf32>,
        %parallel_loop3A_210 = arith.index_cast %parallel_loop3A_144 : i32 to index
        %parallel_loop3A_211 = arith.constant 32 : index
        %parallel_loop3A_212 = tpu.vector_load %arg23[%parallel_loop3A_210, %parallel_loop3A_211] {strides = array<i32>} : memref<80x128xf32, #tpu.memory_space<vmem>>, vector<16xf32>,
        %parallel_loop3A_213 = arith.index_cast %parallel_loop3A_144 : i32 to index
        %parallel_loop3A_214 = arith.constant 96 : index
        %parallel_loop3A_215 = tpu.vector_load %arg23[%parallel_loop3A_213, %parallel_loop3A_214] {strides = array<i32>} : memref<80x128xf32, #tpu.memory_space<vmem>>, vector<16xf32>,
        %parallel_loop3A_216 = arith.mulf %parallel_loop3A_206, %parallel_loop3A_212 : vector<16xf32>
        %parallel_loop3A_217 = arith.mulf %parallel_loop3A_209, %parallel_loop3A_215 : vector<16xf32>
        %parallel_loop3A_218 = arith.addf %parallel_loop3A_216, %parallel_loop3A_217 : vector<16xf32>
        %parallel_loop3A_219 = arith.mulf %parallel_loop3A_206, %parallel_loop3A_215 : vector<16xf32>
        %parallel_loop3A_220 = arith.mulf %parallel_loop3A_209, %parallel_loop3A_212 : vector<16xf32>
        %parallel_loop3A_221 = arith.subf %parallel_loop3A_219, %parallel_loop3A_220 : vector<16xf32>
        %parallel_loop3A_222 = arith.mulf %parallel_loop3A_218, %parallel_loop3A_149 : vector<16xf32>
        %parallel_loop3A_223 = arith.index_cast %parallel_loop3A_144 : i32 to index
        %parallel_loop3A_224 = arith.constant 32 : index
        %parallel_loop3A_225 = tpu.vector_load %arg21[%parallel_loop3A_223, %parallel_loop3A_224] {strides = array<i32>} : memref<80x128xf32, #tpu.memory_space<vmem>>, vector<16xf32>,
        tpu.vector_store %arg21[%parallel_loop3A_223, %parallel_loop3A_224], %parallel_loop3A_222 {strides = array<i32>} : memref<80x128xf32, #tpu.memory_space<vmem>>, vector<16xf32>,
        %parallel_loop3A_226 = arith.mulf %parallel_loop3A_221, %parallel_loop3A_149 : vector<16xf32>
        %parallel_loop3A_227 = arith.index_cast %parallel_loop3A_144 : i32 to index
        %parallel_loop3A_228 = arith.constant 96 : index
        %parallel_loop3A_229 = tpu.vector_load %arg21[%parallel_loop3A_227, %parallel_loop3A_228] {strides = array<i32>} : memref<80x128xf32, #tpu.memory_space<vmem>>, vector<16xf32>,
        tpu.vector_store %arg21[%parallel_loop3A_227, %parallel_loop3A_228], %parallel_loop3A_226 {strides = array<i32>} : memref<80x128xf32, #tpu.memory_space<vmem>>, vector<16xf32>,
        %parallel_loop3A_230 = arith.index_cast %parallel_loop3A_144 : i32 to index
        %parallel_loop3A_231 = arith.constant 48 : index
        %parallel_loop3A_232 = tpu.vector_load %arg21[%parallel_loop3A_230, %parallel_loop3A_231] {strides = array<i32>} : memref<80x128xf32, #tpu.memory_space<vmem>>, vector<16xf32>,
        %parallel_loop3A_233 = arith.index_cast %parallel_loop3A_144 : i32 to index
        %parallel_loop3A_234 = arith.constant 112 : index
        %parallel_loop3A_235 = tpu.vector_load %arg21[%parallel_loop3A_233, %parallel_loop3A_234] {strides = array<i32>} : memref<80x128xf32, #tpu.memory_space<vmem>>, vector<16xf32>,
        %parallel_loop3A_236 = arith.index_cast %parallel_loop3A_144 : i32 to index
        %parallel_loop3A_237 = arith.constant 48 : index
        %parallel_loop3A_238 = tpu.vector_load %arg23[%parallel_loop3A_236, %parallel_loop3A_237] {strides = array<i32>} : memref<80x128xf32, #tpu.memory_space<vmem>>, vector<16xf32>,
        %parallel_loop3A_239 = arith.index_cast %parallel_loop3A_144 : i32 to index
        %parallel_loop3A_240 = arith.constant 112 : index
        %parallel_loop3A_241 = tpu.vector_load %arg23[%parallel_loop3A_239, %parallel_loop3A_240] {strides = array<i32>} : memref<80x128xf32, #tpu.memory_space<vmem>>, vector<16xf32>,
        %parallel_loop3A_242 = arith.mulf %parallel_loop3A_232, %parallel_loop3A_238 : vector<16xf32>
        %parallel_loop3A_243 = arith.mulf %parallel_loop3A_235, %parallel_loop3A_241 : vector<16xf32>
        %parallel_loop3A_244 = arith.addf %parallel_loop3A_242, %parallel_loop3A_243 : vector<16xf32>
        %parallel_loop3A_245 = arith.mulf %parallel_loop3A_232, %parallel_loop3A_241 : vector<16xf32>
        %parallel_loop3A_246 = arith.mulf %parallel_loop3A_235, %parallel_loop3A_238 : vector<16xf32>
        %parallel_loop3A_247 = arith.subf %parallel_loop3A_245, %parallel_loop3A_246 : vector<16xf32>
        %parallel_loop3A_248 = arith.mulf %parallel_loop3A_244, %parallel_loop3A_149 : vector<16xf32>
        %parallel_loop3A_249 = arith.index_cast %parallel_loop3A_144 : i32 to index
        %parallel_loop3A_250 = arith.constant 48 : index
        %parallel_loop3A_251 = tpu.vector_load %arg21[%parallel_loop3A_249, %parallel_loop3A_250] {strides = array<i32>} : memref<80x128xf32, #tpu.memory_space<vmem>>, vector<16xf32>,
        tpu.vector_store %arg21[%parallel_loop3A_249, %parallel_loop3A_250], %parallel_loop3A_248 {strides = array<i32>} : memref<80x128xf32, #tpu.memory_space<vmem>>, vector<16xf32>,
        %parallel_loop3A_252 = arith.mulf %parallel_loop3A_247, %parallel_loop3A_149 : vector<16xf32>
        %parallel_loop3A_253 = arith.index_cast %parallel_loop3A_144 : i32 to index
        %parallel_loop3A_254 = arith.constant 112 : index
        %parallel_loop3A_255 = tpu.vector_load %arg21[%parallel_loop3A_253, %parallel_loop3A_254] {strides = array<i32>} : memref<80x128xf32, #tpu.memory_space<vmem>>, vector<16xf32>,
        tpu.vector_store %arg21[%parallel_loop3A_253, %parallel_loop3A_254], %parallel_loop3A_252 {strides = array<i32>} : memref<80x128xf32, #tpu.memory_space<vmem>>, vector<16xf32>,
      } {sc.loop_unroll_factor = 4 : i64, sc.parallel_access}
      "tpu.region"() ({
        %run_scoped3A = tpu.sem_alloc : memref<!tpu.dma_semaphore, #tpu.memory_space<semaphore_mem>>
        %dma_start3A_144 = arith.constant 0 : i32
        %dma_start3A_145 = arith.constant 0 : i32
        %dma_start3A_146 = tpu.memref_slice %arg10[%dma_start3A_144, %dma_start3A_145] : memref<10112x128xf32, #tpu.memory_space<vmem_shared>> -> memref<10112x128xf32, #tpu.memory_space<vmem_shared>>
        tpu.enqueue_indirect_dma source(%arg21 : memref<80x128xf32, #tpu.memory_space<vmem>>) target(%dma_start3A_146 : memref<10112x128xf32, #tpu.memory_space<vmem_shared>>) offsets(%arg15 : memref<80xi32, #tpu.memory_space<vmem>>) semaphore(%run_scoped3A : memref<!tpu.dma_semaphore, #tpu.memory_space<semaphore_mem>>) {add = true}
        %dma_wait3A_147 = arith.constant 0 : i32
        %dma_wait3A_148 = arith.constant 0 : i32
        %dma_wait3A_149 = tpu.memref_slice %arg10[%dma_wait3A_147, %dma_wait3A_148] : memref<10112x128xf32, #tpu.memory_space<vmem_shared>> -> memref<10112x128xf32, #tpu.memory_space<vmem_shared>>
        tpu.wait_indirect_dma semaphore(%run_scoped3A : memref<!tpu.dma_semaphore, #tpu.memory_space<semaphore_mem>>) src(%arg21 : memref<80x128xf32, #tpu.memory_space<vmem>>) dst(%dma_wait3A_149 : memref<10112x128xf32, #tpu.memory_space<vmem_shared>>)
        tpu.yield
      }) : () -> ()
      %add3A_116 = arith.constant 2 : i32
      %add3A_117 = arith.addi %add3A_101, %add3A_116 : i32
      %lt3A_118 = arith.constant 125 : i32
      %lt3A_119 = arith.cmpi slt, %add3A_117, %lt3A_118 : i32
      %convert_element_type3A_120 = arith.extui %lt3A_119 : i1 to i32
      %cond3A_121 = arith.constant 0 : i32
      %cond3A_122 = arith.cmpi ne, %convert_element_type3A_120, %cond3A_121 : i32
      scf.if %cond3A_122 {
        %add3A_144 = arith.constant 2 : i32
        %add3A_145 = arith.addi %add3A_101, %add3A_144 : i32
        %dma_start3A_146 = arith.constant 0 : i32
        %dma_start3A_147 = tpu.memref_slice %arg4[%arg0, %arg1, %add3A_145, %dma_start3A_146] : memref<2x16x125x80xi32, #tpu.memory_space<hbm>> -> memref<1x1x1x80xi32, #tpu.memory_space<hbm>>
        %dma_start3A_148 = tpu.memref_squeeze %dma_start3A_147 : memref<1x1x1x80xi32, #tpu.memory_space<hbm>> -> memref<80xi32, #tpu.memory_space<hbm>>
        %dma_start3A_149 = arith.constant 0 : i32
        %dma_start3A_150 = tpu.memref_slice %arg4[%arg0, %arg1, %add3A_145, %dma_start3A_149] : memref<2x16x125x80xi32, #tpu.memory_space<hbm>> -> memref<1x1x1x80xi32, #tpu.memory_space<hbm>>
        %dma_start3A_151 = tpu.memref_squeeze %dma_start3A_150 : memref<1x1x1x80xi32, #tpu.memory_space<hbm>> -> memref<80xi32, #tpu.memory_space<hbm>>
        tpu.enqueue_dma source(%dma_start3A_151 : memref<80xi32, #tpu.memory_space<hbm>>) target(%arg11 : memref<80xi32, #tpu.memory_space<vmem>>) target_semaphore(%arg25 : memref<!tpu.dma_semaphore, #tpu.memory_space<semaphore_mem>>)
        %dma_start3A_152 = arith.constant 0 : i32
        %dma_start3A_153 = tpu.memref_slice %arg6[%arg0, %arg1, %add3A_145, %dma_start3A_152] : memref<2x16x125x80xi32, #tpu.memory_space<hbm>> -> memref<1x1x1x80xi32, #tpu.memory_space<hbm>>
        %dma_start3A_154 = tpu.memref_squeeze %dma_start3A_153 : memref<1x1x1x80xi32, #tpu.memory_space<hbm>> -> memref<80xi32, #tpu.memory_space<hbm>>
        %dma_start3A_155 = arith.constant 0 : i32
        %dma_start3A_156 = tpu.memref_slice %arg6[%arg0, %arg1, %add3A_145, %dma_start3A_155] : memref<2x16x125x80xi32, #tpu.memory_space<hbm>> -> memref<1x1x1x80xi32, #tpu.memory_space<hbm>>
        %dma_start3A_157 = tpu.memref_squeeze %dma_start3A_156 : memref<1x1x1x80xi32, #tpu.memory_space<hbm>> -> memref<80xi32, #tpu.memory_space<hbm>>
        tpu.enqueue_dma source(%dma_start3A_157 : memref<80xi32, #tpu.memory_space<hbm>>) target(%arg13 : memref<80xi32, #tpu.memory_space<vmem>>) target_semaphore(%arg25 : memref<!tpu.dma_semaphore, #tpu.memory_space<semaphore_mem>>)
        %dma_start3A_158 = arith.constant 0 : i32
        %dma_start3A_159 = tpu.memref_slice %arg5[%arg0, %arg1, %add3A_145, %dma_start3A_158] : memref<2x16x125x80xi32, #tpu.memory_space<hbm>> -> memref<1x1x1x80xi32, #tpu.memory_space<hbm>>
        %dma_start3A_160 = tpu.memref_squeeze %dma_start3A_159 : memref<1x1x1x80xi32, #tpu.memory_space<hbm>> -> memref<80xi32, #tpu.memory_space<hbm>>
        %dma_start3A_161 = arith.constant 0 : i32
        %dma_start3A_162 = tpu.memref_slice %arg5[%arg0, %arg1, %add3A_145, %dma_start3A_161] : memref<2x16x125x80xi32, #tpu.memory_space<hbm>> -> memref<1x1x1x80xi32, #tpu.memory_space<hbm>>
        %dma_start3A_163 = tpu.memref_squeeze %dma_start3A_162 : memref<1x1x1x80xi32, #tpu.memory_space<hbm>> -> memref<80xi32, #tpu.memory_space<hbm>>
        tpu.enqueue_dma source(%dma_start3A_163 : memref<80xi32, #tpu.memory_space<hbm>>) target(%arg17 : memref<80xi32, #tpu.memory_space<vmem>>) target_semaphore(%arg25 : memref<!tpu.dma_semaphore, #tpu.memory_space<semaphore_mem>>)
        %dma_start3A_164 = arith.constant 0 : i32
        %dma_start3A_165 = tpu.memref_slice %arg7[%arg0, %arg1, %add3A_145, %dma_start3A_164] : memref<2x16x125x80xf32, #tpu.memory_space<hbm>> -> memref<1x1x1x80xf32, #tpu.memory_space<hbm>>
        %dma_start3A_166 = tpu.memref_squeeze %dma_start3A_165 : memref<1x1x1x80xf32, #tpu.memory_space<hbm>> -> memref<80xf32, #tpu.memory_space<hbm>>
        %dma_start3A_167 = arith.constant 0 : i32
        %dma_start3A_168 = tpu.memref_slice %arg7[%arg0, %arg1, %add3A_145, %dma_start3A_167] : memref<2x16x125x80xf32, #tpu.memory_space<hbm>> -> memref<1x1x1x80xf32, #tpu.memory_space<hbm>>
        %dma_start3A_169 = tpu.memref_squeeze %dma_start3A_168 : memref<1x1x1x80xf32, #tpu.memory_space<hbm>> -> memref<80xf32, #tpu.memory_space<hbm>>
        tpu.enqueue_dma source(%dma_start3A_169 : memref<80xf32, #tpu.memory_space<hbm>>) target(%arg19 : memref<80xf32, #tpu.memory_space<vmem>>) target_semaphore(%arg25 : memref<!tpu.dma_semaphore, #tpu.memory_space<semaphore_mem>>)
      } else {
      }
      %add3A_123 = arith.constant 1 : i32
      %add3A_124 = arith.addi %add3A_101, %add3A_123 : i32
      %lt3A_125 = arith.constant 125 : i32
      %lt3A_126 = arith.cmpi slt, %add3A_124, %lt3A_125 : i32
      %convert_element_type3A_127 = arith.extui %lt3A_126 : i1 to i32
      %cond3A_128 = arith.constant 0 : i32
      %cond3A_129 = arith.cmpi ne, %convert_element_type3A_127, %cond3A_128 : i32
      scf.if %cond3A_129 {
        %add3A_144 = arith.constant 1 : i32
        %add3A_145 = arith.addi %add3A_101, %add3A_144 : i32
        %dma_wait3A_146 = arith.constant 0 : i32
        %dma_wait3A_147 = arith.constant 0 : i32
        %dma_wait3A_148 = tpu.memref_slice %arg2[%dma_wait3A_146, %dma_wait3A_147] : memref<10000x128xf32, #tpu.memory_space<hbm>> -> memref<10000x128xf32, #tpu.memory_space<hbm>>
        tpu.wait_indirect_dma semaphore(%arg28 : memref<!tpu.dma_semaphore, #tpu.memory_space<semaphore_mem>>) src(%dma_wait3A_148 : memref<10000x128xf32, #tpu.memory_space<hbm>>) dst(%arg22 : memref<80x128xf32, #tpu.memory_space<vmem>>)
        %dma_wait3A_149 = arith.constant 0 : i32
        %dma_wait3A_150 = arith.constant 0 : i32
        %dma_wait3A_151 = tpu.memref_slice %arg3[%dma_wait3A_149, %dma_wait3A_150] : memref<200x128xf32, #tpu.memory_space<hbm>> -> memref<200x128xf32, #tpu.memory_space<hbm>>
        tpu.wait_indirect_dma semaphore(%arg28 : memref<!tpu.dma_semaphore, #tpu.memory_space<semaphore_mem>>) src(%dma_wait3A_151 : memref<200x128xf32, #tpu.memory_space<hbm>>) dst(%arg24 : memref<80x128xf32, #tpu.memory_space<vmem>>)
        %add3A_152 = arith.constant 1 : i32
        %add3A_153 = arith.addi %add3A_145, %add3A_152 : i32
        %lt3A_154 = arith.constant 125 : i32
        %lt3A_155 = arith.cmpi slt, %add3A_153, %lt3A_154 : i32
        %convert_element_type3A_156 = arith.extui %lt3A_155 : i1 to i32
        %cond3A_157 = arith.constant 0 : i32
        %cond3A_158 = arith.cmpi ne, %convert_element_type3A_156, %cond3A_157 : i32
        scf.if %cond3A_158 {
          %add3A_173 = arith.constant 1 : i32
          %add3A_174 = arith.addi %add3A_145, %add3A_173 : i32
          %dma_wait3A_175 = arith.constant 0 : i32
          %dma_wait3A_176 = tpu.memref_slice %arg4[%arg0, %arg1, %add3A_174, %dma_wait3A_175] : memref<2x16x125x80xi32, #tpu.memory_space<hbm>> -> memref<1x1x1x80xi32, #tpu.memory_space<hbm>>
          %dma_wait3A_177 = tpu.memref_squeeze %dma_wait3A_176 : memref<1x1x1x80xi32, #tpu.memory_space<hbm>> -> memref<80xi32, #tpu.memory_space<hbm>>
          %dma_wait3A_178 = arith.constant 0 : i32
          %dma_wait3A_179 = tpu.memref_slice %arg4[%arg0, %arg1, %add3A_174, %dma_wait3A_178] : memref<2x16x125x80xi32, #tpu.memory_space<hbm>> -> memref<1x1x1x80xi32, #tpu.memory_space<hbm>>
          %dma_wait3A_180 = tpu.memref_squeeze %dma_wait3A_179 : memref<1x1x1x80xi32, #tpu.memory_space<hbm>> -> memref<80xi32, #tpu.memory_space<hbm>>
          tpu.wait_dma2 semaphore(%arg25 : memref<!tpu.dma_semaphore, #tpu.memory_space<semaphore_mem>>) src(%dma_wait3A_180 : memref<80xi32, #tpu.memory_space<hbm>>) dst(%arg11 : memref<80xi32, #tpu.memory_space<vmem>>)
          %dma_wait3A_181 = arith.constant 0 : i32
          %dma_wait3A_182 = tpu.memref_slice %arg6[%arg0, %arg1, %add3A_174, %dma_wait3A_181] : memref<2x16x125x80xi32, #tpu.memory_space<hbm>> -> memref<1x1x1x80xi32, #tpu.memory_space<hbm>>
          %dma_wait3A_183 = tpu.memref_squeeze %dma_wait3A_182 : memref<1x1x1x80xi32, #tpu.memory_space<hbm>> -> memref<80xi32, #tpu.memory_space<hbm>>
          %dma_wait3A_184 = arith.constant 0 : i32
          %dma_wait3A_185 = tpu.memref_slice %arg6[%arg0, %arg1, %add3A_174, %dma_wait3A_184] : memref<2x16x125x80xi32, #tpu.memory_space<hbm>> -> memref<1x1x1x80xi32, #tpu.memory_space<hbm>>
          %dma_wait3A_186 = tpu.memref_squeeze %dma_wait3A_185 : memref<1x1x1x80xi32, #tpu.memory_space<hbm>> -> memref<80xi32, #tpu.memory_space<hbm>>
          tpu.wait_dma2 semaphore(%arg25 : memref<!tpu.dma_semaphore, #tpu.memory_space<semaphore_mem>>) src(%dma_wait3A_186 : memref<80xi32, #tpu.memory_space<hbm>>) dst(%arg13 : memref<80xi32, #tpu.memory_space<vmem>>)
          %dma_wait3A_187 = arith.constant 0 : i32
          %dma_wait3A_188 = tpu.memref_slice %arg5[%arg0, %arg1, %add3A_174, %dma_wait3A_187] : memref<2x16x125x80xi32, #tpu.memory_space<hbm>> -> memref<1x1x1x80xi32, #tpu.memory_space<hbm>>
          %dma_wait3A_189 = tpu.memref_squeeze %dma_wait3A_188 : memref<1x1x1x80xi32, #tpu.memory_space<hbm>> -> memref<80xi32, #tpu.memory_space<hbm>>
          %dma_wait3A_190 = arith.constant 0 : i32
          %dma_wait3A_191 = tpu.memref_slice %arg5[%arg0, %arg1, %add3A_174, %dma_wait3A_190] : memref<2x16x125x80xi32, #tpu.memory_space<hbm>> -> memref<1x1x1x80xi32, #tpu.memory_space<hbm>>
          %dma_wait3A_192 = tpu.memref_squeeze %dma_wait3A_191 : memref<1x1x1x80xi32, #tpu.memory_space<hbm>> -> memref<80xi32, #tpu.memory_space<hbm>>
          tpu.wait_dma2 semaphore(%arg25 : memref<!tpu.dma_semaphore, #tpu.memory_space<semaphore_mem>>) src(%dma_wait3A_192 : memref<80xi32, #tpu.memory_space<hbm>>) dst(%arg17 : memref<80xi32, #tpu.memory_space<vmem>>)
          %dma_wait3A_193 = arith.constant 0 : i32
          %dma_wait3A_194 = tpu.memref_slice %arg7[%arg0, %arg1, %add3A_174, %dma_wait3A_193] : memref<2x16x125x80xf32, #tpu.memory_space<hbm>> -> memref<1x1x1x80xf32, #tpu.memory_space<hbm>>
          %dma_wait3A_195 = tpu.memref_squeeze %dma_wait3A_194 : memref<1x1x1x80xf32, #tpu.memory_space<hbm>> -> memref<80xf32, #tpu.memory_space<hbm>>
          %dma_wait3A_196 = arith.constant 0 : i32
          %dma_wait3A_197 = tpu.memref_slice %arg7[%arg0, %arg1, %add3A_174, %dma_wait3A_196] : memref<2x16x125x80xf32, #tpu.memory_space<hbm>> -> memref<1x1x1x80xf32, #tpu.memory_space<hbm>>
          %dma_wait3A_198 = tpu.memref_squeeze %dma_wait3A_197 : memref<1x1x1x80xf32, #tpu.memory_space<hbm>> -> memref<80xf32, #tpu.memory_space<hbm>>
          tpu.wait_dma2 semaphore(%arg25 : memref<!tpu.dma_semaphore, #tpu.memory_space<semaphore_mem>>) src(%dma_wait3A_198 : memref<80xf32, #tpu.memory_space<hbm>>) dst(%arg19 : memref<80xf32, #tpu.memory_space<vmem>>)
          %dma_start3A_199 = arith.constant 0 : i32
          %dma_start3A_200 = arith.constant 0 : i32
          %dma_start3A_201 = tpu.memref_slice %arg2[%dma_start3A_199, %dma_start3A_200] : memref<10000x128xf32, #tpu.memory_space<hbm>> -> memref<10000x128xf32, #tpu.memory_space<hbm>>
          tpu.enqueue_indirect_dma source(%dma_start3A_201 : memref<10000x128xf32, #tpu.memory_space<hbm>>) target(%arg21 : memref<80x128xf32, #tpu.memory_space<vmem>>) offsets(%arg11 : memref<80xi32, #tpu.memory_space<vmem>>) semaphore(%arg27 : memref<!tpu.dma_semaphore, #tpu.memory_space<semaphore_mem>>)
          %dma_start3A_202 = arith.constant 0 : i32
          %dma_start3A_203 = arith.constant 0 : i32
          %dma_start3A_204 = tpu.memref_slice %arg3[%dma_start3A_202, %dma_start3A_203] : memref<200x128xf32, #tpu.memory_space<hbm>> -> memref<200x128xf32, #tpu.memory_space<hbm>>
          tpu.enqueue_indirect_dma source(%dma_start3A_204 : memref<200x128xf32, #tpu.memory_space<hbm>>) target(%arg23 : memref<80x128xf32, #tpu.memory_space<vmem>>) offsets(%arg13 : memref<80xi32, #tpu.memory_space<vmem>>) semaphore(%arg27 : memref<!tpu.dma_semaphore, #tpu.memory_space<semaphore_mem>>)
        } else {
        }
        %iota3A_159 = tpu.iota {dimensions = array<i32: 0>} : vector<16xi32>
        %eq3A_160 = arith.constant 0 : i32
        %eq3A_161 = vector.broadcast %eq3A_160 : i32 to vector<16xi32>
        %eq3A_162 = arith.cmpi eq, %iota3A_159, %eq3A_161 : vector<16xi32>
        %parallel_loop3A_163 = arith.constant 0 : i32
        %parallel_loop3A_164 = arith.constant 80 : i32
        %parallel_loop3A_165 = arith.constant 1 : i32
        scf.for %parallel_loop3A_173 = %parallel_loop3A_163 to %parallel_loop3A_164 step %parallel_loop3A_165  : i32 {
          %parallel_loop3A_174 = arith.constant 0 : i32
          %parallel_loop3A_175 = vector.broadcast %parallel_loop3A_174 : i32 to vector<16xi32>
          %parallel_loop3A_176 = vector.broadcast %parallel_loop3A_173 : i32 to vector<16xi32>
          %parallel_loop3A_177 = arith.addi %parallel_loop3A_175, %parallel_loop3A_176 : vector<16xi32>
          %parallel_loop3A_178 = tpu.vector_load_idx %arg20[%parallel_loop3A_177] : memref<80xf32, #tpu.memory_space<vmem>>[vector<16xi32>], vector<16xf32>,
          %parallel_loop3A_179 = arith.index_cast %parallel_loop3A_173 : i32 to index
          %parallel_loop3A_180 = arith.constant 0 : index
          %parallel_loop3A_181 = tpu.vector_load %arg22[%parallel_loop3A_179, %parallel_loop3A_180] {strides = array<i32>} : memref<80x128xf32, #tpu.memory_space<vmem>>, vector<16xf32>,
          %parallel_loop3A_182 = arith.index_cast %parallel_loop3A_173 : i32 to index
          %parallel_loop3A_183 = arith.constant 64 : index
          %parallel_loop3A_184 = tpu.vector_load %arg22[%parallel_loop3A_182, %parallel_loop3A_183] {strides = array<i32>} : memref<80x128xf32, #tpu.memory_space<vmem>>, vector<16xf32>,
          %parallel_loop3A_185 = arith.index_cast %parallel_loop3A_173 : i32 to index
          %parallel_loop3A_186 = arith.constant 0 : index
          %parallel_loop3A_187 = tpu.vector_load %arg24[%parallel_loop3A_185, %parallel_loop3A_186] {strides = array<i32>} : memref<80x128xf32, #tpu.memory_space<vmem>>, vector<16xf32>,
          %parallel_loop3A_188 = arith.index_cast %parallel_loop3A_173 : i32 to index
          %parallel_loop3A_189 = arith.constant 64 : index
          %parallel_loop3A_190 = tpu.vector_load %arg24[%parallel_loop3A_188, %parallel_loop3A_189] {strides = array<i32>} : memref<80x128xf32, #tpu.memory_space<vmem>>, vector<16xf32>,
          %parallel_loop3A_191 = arith.mulf %parallel_loop3A_181, %parallel_loop3A_187 : vector<16xf32>
          %parallel_loop3A_192 = arith.mulf %parallel_loop3A_184, %parallel_loop3A_190 : vector<16xf32>
          %parallel_loop3A_193 = arith.addf %parallel_loop3A_191, %parallel_loop3A_192 : vector<16xf32>
          %parallel_loop3A_194 = arith.mulf %parallel_loop3A_181, %parallel_loop3A_190 : vector<16xf32>
          %parallel_loop3A_195 = arith.mulf %parallel_loop3A_184, %parallel_loop3A_187 : vector<16xf32>
          %parallel_loop3A_196 = arith.subf %parallel_loop3A_194, %parallel_loop3A_195 : vector<16xf32>
          %parallel_loop3A_197 = arith.select %eq3A_162, %parallel_loop3A_191, %parallel_loop3A_193 : vector<16xi1>, vector<16xf32>
          %parallel_loop3A_198 = arith.select %eq3A_162, %parallel_loop3A_192, %parallel_loop3A_196 : vector<16xi1>, vector<16xf32>
          %parallel_loop3A_199 = arith.mulf %parallel_loop3A_197, %parallel_loop3A_178 : vector<16xf32>
          %parallel_loop3A_200 = arith.index_cast %parallel_loop3A_173 : i32 to index
          %parallel_loop3A_201 = arith.constant 0 : index
          %parallel_loop3A_202 = tpu.vector_load %arg22[%parallel_loop3A_200, %parallel_loop3A_201] {strides = array<i32>} : memref<80x128xf32, #tpu.memory_space<vmem>>, vector<16xf32>,
          tpu.vector_store %arg22[%parallel_loop3A_200, %parallel_loop3A_201], %parallel_loop3A_199 {strides = array<i32>} : memref<80x128xf32, #tpu.memory_space<vmem>>, vector<16xf32>,
          %parallel_loop3A_203 = arith.mulf %parallel_loop3A_198, %parallel_loop3A_178 : vector<16xf32>
          %parallel_loop3A_204 = arith.index_cast %parallel_loop3A_173 : i32 to index
          %parallel_loop3A_205 = arith.constant 64 : index
          %parallel_loop3A_206 = tpu.vector_load %arg22[%parallel_loop3A_204, %parallel_loop3A_205] {strides = array<i32>} : memref<80x128xf32, #tpu.memory_space<vmem>>, vector<16xf32>,
          tpu.vector_store %arg22[%parallel_loop3A_204, %parallel_loop3A_205], %parallel_loop3A_203 {strides = array<i32>} : memref<80x128xf32, #tpu.memory_space<vmem>>, vector<16xf32>,
          %parallel_loop3A_207 = arith.index_cast %parallel_loop3A_173 : i32 to index
          %parallel_loop3A_208 = arith.constant 16 : index
          %parallel_loop3A_209 = tpu.vector_load %arg22[%parallel_loop3A_207, %parallel_loop3A_208] {strides = array<i32>} : memref<80x128xf32, #tpu.memory_space<vmem>>, vector<16xf32>,
          %parallel_loop3A_210 = arith.index_cast %parallel_loop3A_173 : i32 to index
          %parallel_loop3A_211 = arith.constant 80 : index
          %parallel_loop3A_212 = tpu.vector_load %arg22[%parallel_loop3A_210, %parallel_loop3A_211] {strides = array<i32>} : memref<80x128xf32, #tpu.memory_space<vmem>>, vector<16xf32>,
          %parallel_loop3A_213 = arith.index_cast %parallel_loop3A_173 : i32 to index
          %parallel_loop3A_214 = arith.constant 16 : index
          %parallel_loop3A_215 = tpu.vector_load %arg24[%parallel_loop3A_213, %parallel_loop3A_214] {strides = array<i32>} : memref<80x128xf32, #tpu.memory_space<vmem>>, vector<16xf32>,
          %parallel_loop3A_216 = arith.index_cast %parallel_loop3A_173 : i32 to index
          %parallel_loop3A_217 = arith.constant 80 : index
          %parallel_loop3A_218 = tpu.vector_load %arg24[%parallel_loop3A_216, %parallel_loop3A_217] {strides = array<i32>} : memref<80x128xf32, #tpu.memory_space<vmem>>, vector<16xf32>,
          %parallel_loop3A_219 = arith.mulf %parallel_loop3A_209, %parallel_loop3A_215 : vector<16xf32>
          %parallel_loop3A_220 = arith.mulf %parallel_loop3A_212, %parallel_loop3A_218 : vector<16xf32>
          %parallel_loop3A_221 = arith.addf %parallel_loop3A_219, %parallel_loop3A_220 : vector<16xf32>
          %parallel_loop3A_222 = arith.mulf %parallel_loop3A_209, %parallel_loop3A_218 : vector<16xf32>
          %parallel_loop3A_223 = arith.mulf %parallel_loop3A_212, %parallel_loop3A_215 : vector<16xf32>
          %parallel_loop3A_224 = arith.subf %parallel_loop3A_222, %parallel_loop3A_223 : vector<16xf32>
          %parallel_loop3A_225 = arith.mulf %parallel_loop3A_221, %parallel_loop3A_178 : vector<16xf32>
          %parallel_loop3A_226 = arith.index_cast %parallel_loop3A_173 : i32 to index
          %parallel_loop3A_227 = arith.constant 16 : index
          %parallel_loop3A_228 = tpu.vector_load %arg22[%parallel_loop3A_226, %parallel_loop3A_227] {strides = array<i32>} : memref<80x128xf32, #tpu.memory_space<vmem>>, vector<16xf32>,
          tpu.vector_store %arg22[%parallel_loop3A_226, %parallel_loop3A_227], %parallel_loop3A_225 {strides = array<i32>} : memref<80x128xf32, #tpu.memory_space<vmem>>, vector<16xf32>,
          %parallel_loop3A_229 = arith.mulf %parallel_loop3A_224, %parallel_loop3A_178 : vector<16xf32>
          %parallel_loop3A_230 = arith.index_cast %parallel_loop3A_173 : i32 to index
          %parallel_loop3A_231 = arith.constant 80 : index
          %parallel_loop3A_232 = tpu.vector_load %arg22[%parallel_loop3A_230, %parallel_loop3A_231] {strides = array<i32>} : memref<80x128xf32, #tpu.memory_space<vmem>>, vector<16xf32>,
          tpu.vector_store %arg22[%parallel_loop3A_230, %parallel_loop3A_231], %parallel_loop3A_229 {strides = array<i32>} : memref<80x128xf32, #tpu.memory_space<vmem>>, vector<16xf32>,
          %parallel_loop3A_233 = arith.index_cast %parallel_loop3A_173 : i32 to index
          %parallel_loop3A_234 = arith.constant 32 : index
          %parallel_loop3A_235 = tpu.vector_load %arg22[%parallel_loop3A_233, %parallel_loop3A_234] {strides = array<i32>} : memref<80x128xf32, #tpu.memory_space<vmem>>, vector<16xf32>,
          %parallel_loop3A_236 = arith.index_cast %parallel_loop3A_173 : i32 to index
          %parallel_loop3A_237 = arith.constant 96 : index
          %parallel_loop3A_238 = tpu.vector_load %arg22[%parallel_loop3A_236, %parallel_loop3A_237] {strides = array<i32>} : memref<80x128xf32, #tpu.memory_space<vmem>>, vector<16xf32>,
          %parallel_loop3A_239 = arith.index_cast %parallel_loop3A_173 : i32 to index
          %parallel_loop3A_240 = arith.constant 32 : index
          %parallel_loop3A_241 = tpu.vector_load %arg24[%parallel_loop3A_239, %parallel_loop3A_240] {strides = array<i32>} : memref<80x128xf32, #tpu.memory_space<vmem>>, vector<16xf32>,
          %parallel_loop3A_242 = arith.index_cast %parallel_loop3A_173 : i32 to index
          %parallel_loop3A_243 = arith.constant 96 : index
          %parallel_loop3A_244 = tpu.vector_load %arg24[%parallel_loop3A_242, %parallel_loop3A_243] {strides = array<i32>} : memref<80x128xf32, #tpu.memory_space<vmem>>, vector<16xf32>,
          %parallel_loop3A_245 = arith.mulf %parallel_loop3A_235, %parallel_loop3A_241 : vector<16xf32>
          %parallel_loop3A_246 = arith.mulf %parallel_loop3A_238, %parallel_loop3A_244 : vector<16xf32>
          %parallel_loop3A_247 = arith.addf %parallel_loop3A_245, %parallel_loop3A_246 : vector<16xf32>
          %parallel_loop3A_248 = arith.mulf %parallel_loop3A_235, %parallel_loop3A_244 : vector<16xf32>
          %parallel_loop3A_249 = arith.mulf %parallel_loop3A_238, %parallel_loop3A_241 : vector<16xf32>
          %parallel_loop3A_250 = arith.subf %parallel_loop3A_248, %parallel_loop3A_249 : vector<16xf32>
          %parallel_loop3A_251 = arith.mulf %parallel_loop3A_247, %parallel_loop3A_178 : vector<16xf32>
          %parallel_loop3A_252 = arith.index_cast %parallel_loop3A_173 : i32 to index
          %parallel_loop3A_253 = arith.constant 32 : index
          %parallel_loop3A_254 = tpu.vector_load %arg22[%parallel_loop3A_252, %parallel_loop3A_253] {strides = array<i32>} : memref<80x128xf32, #tpu.memory_space<vmem>>, vector<16xf32>,
          tpu.vector_store %arg22[%parallel_loop3A_252, %parallel_loop3A_253], %parallel_loop3A_251 {strides = array<i32>} : memref<80x128xf32, #tpu.memory_space<vmem>>, vector<16xf32>,
          %parallel_loop3A_255 = arith.mulf %parallel_loop3A_250, %parallel_loop3A_178 : vector<16xf32>
          %parallel_loop3A_256 = arith.index_cast %parallel_loop3A_173 : i32 to index
          %parallel_loop3A_257 = arith.constant 96 : index
          %parallel_loop3A_258 = tpu.vector_load %arg22[%parallel_loop3A_256, %parallel_loop3A_257] {strides = array<i32>} : memref<80x128xf32, #tpu.memory_space<vmem>>, vector<16xf32>,
          tpu.vector_store %arg22[%parallel_loop3A_256, %parallel_loop3A_257], %parallel_loop3A_255 {strides = array<i32>} : memref<80x128xf32, #tpu.memory_space<vmem>>, vector<16xf32>,
          %parallel_loop3A_259 = arith.index_cast %parallel_loop3A_173 : i32 to index
          %parallel_loop3A_260 = arith.constant 48 : index
          %parallel_loop3A_261 = tpu.vector_load %arg22[%parallel_loop3A_259, %parallel_loop3A_260] {strides = array<i32>} : memref<80x128xf32, #tpu.memory_space<vmem>>, vector<16xf32>,
          %parallel_loop3A_262 = arith.index_cast %parallel_loop3A_173 : i32 to index
          %parallel_loop3A_263 = arith.constant 112 : index
          %parallel_loop3A_264 = tpu.vector_load %arg22[%parallel_loop3A_262, %parallel_loop3A_263] {strides = array<i32>} : memref<80x128xf32, #tpu.memory_space<vmem>>, vector<16xf32>,
          %parallel_loop3A_265 = arith.index_cast %parallel_loop3A_173 : i32 to index
          %parallel_loop3A_266 = arith.constant 48 : index
          %parallel_loop3A_267 = tpu.vector_load %arg24[%parallel_loop3A_265, %parallel_loop3A_266] {strides = array<i32>} : memref<80x128xf32, #tpu.memory_space<vmem>>, vector<16xf32>,
          %parallel_loop3A_268 = arith.index_cast %parallel_loop3A_173 : i32 to index
          %parallel_loop3A_269 = arith.constant 112 : index
          %parallel_loop3A_270 = tpu.vector_load %arg24[%parallel_loop3A_268, %parallel_loop3A_269] {strides = array<i32>} : memref<80x128xf32, #tpu.memory_space<vmem>>, vector<16xf32>,
          %parallel_loop3A_271 = arith.mulf %parallel_loop3A_261, %parallel_loop3A_267 : vector<16xf32>
          %parallel_loop3A_272 = arith.mulf %parallel_loop3A_264, %parallel_loop3A_270 : vector<16xf32>
          %parallel_loop3A_273 = arith.addf %parallel_loop3A_271, %parallel_loop3A_272 : vector<16xf32>
          %parallel_loop3A_274 = arith.mulf %parallel_loop3A_261, %parallel_loop3A_270 : vector<16xf32>
          %parallel_loop3A_275 = arith.mulf %parallel_loop3A_264, %parallel_loop3A_267 : vector<16xf32>
          %parallel_loop3A_276 = arith.subf %parallel_loop3A_274, %parallel_loop3A_275 : vector<16xf32>
          %parallel_loop3A_277 = arith.mulf %parallel_loop3A_273, %parallel_loop3A_178 : vector<16xf32>
          %parallel_loop3A_278 = arith.index_cast %parallel_loop3A_173 : i32 to index
          %parallel_loop3A_279 = arith.constant 48 : index
          %parallel_loop3A_280 = tpu.vector_load %arg22[%parallel_loop3A_278, %parallel_loop3A_279] {strides = array<i32>} : memref<80x128xf32, #tpu.memory_space<vmem>>, vector<16xf32>,
          tpu.vector_store %arg22[%parallel_loop3A_278, %parallel_loop3A_279], %parallel_loop3A_277 {strides = array<i32>} : memref<80x128xf32, #tpu.memory_space<vmem>>, vector<16xf32>,
          %parallel_loop3A_281 = arith.mulf %parallel_loop3A_276, %parallel_loop3A_178 : vector<16xf32>
          %parallel_loop3A_282 = arith.index_cast %parallel_loop3A_173 : i32 to index
          %parallel_loop3A_283 = arith.constant 112 : index
          %parallel_loop3A_284 = tpu.vector_load %arg22[%parallel_loop3A_282, %parallel_loop3A_283] {strides = array<i32>} : memref<80x128xf32, #tpu.memory_space<vmem>>, vector<16xf32>,
          tpu.vector_store %arg22[%parallel_loop3A_282, %parallel_loop3A_283], %parallel_loop3A_281 {strides = array<i32>} : memref<80x128xf32, #tpu.memory_space<vmem>>, vector<16xf32>,
        } {sc.loop_unroll_factor = 4 : i64, sc.parallel_access}
        "tpu.region"() ({
          %run_scoped3A = tpu.sem_alloc : memref<!tpu.dma_semaphore, #tpu.memory_space<semaphore_mem>>
          %dma_start3A_173 = arith.constant 0 : i32
          %dma_start3A_174 = arith.constant 0 : i32
          %dma_start3A_175 = tpu.memref_slice %arg10[%dma_start3A_173, %dma_start3A_174] : memref<10112x128xf32, #tpu.memory_space<vmem_shared>> -> memref<10112x128xf32, #tpu.memory_space<vmem_shared>>
          tpu.enqueue_indirect_dma source(%arg22 : memref<80x128xf32, #tpu.memory_space<vmem>>) target(%dma_start3A_175 : memref<10112x128xf32, #tpu.memory_space<vmem_shared>>) offsets(%arg16 : memref<80xi32, #tpu.memory_space<vmem>>) semaphore(%run_scoped3A : memref<!tpu.dma_semaphore, #tpu.memory_space<semaphore_mem>>) {add = true}
          %dma_wait3A_176 = arith.constant 0 : i32
          %dma_wait3A_177 = arith.constant 0 : i32
          %dma_wait3A_178 = tpu.memref_slice %arg10[%dma_wait3A_176, %dma_wait3A_177] : memref<10112x128xf32, #tpu.memory_space<vmem_shared>> -> memref<10112x128xf32, #tpu.memory_space<vmem_shared>>
          tpu.wait_indirect_dma semaphore(%run_scoped3A : memref<!tpu.dma_semaphore, #tpu.memory_space<semaphore_mem>>) src(%arg22 : memref<80x128xf32, #tpu.memory_space<vmem>>) dst(%dma_wait3A_178 : memref<10112x128xf32, #tpu.memory_space<vmem_shared>>)
          tpu.yield
        }) : () -> ()
        %add3A_166 = arith.constant 2 : i32
        %add3A_167 = arith.addi %add3A_145, %add3A_166 : i32
        %lt3A_168 = arith.constant 125 : i32
        %lt3A_169 = arith.cmpi slt, %add3A_167, %lt3A_168 : i32
        %convert_element_type3A_170 = arith.extui %lt3A_169 : i1 to i32
        %cond3A_171 = arith.constant 0 : i32
        %cond3A_172 = arith.cmpi ne, %convert_element_type3A_170, %cond3A_171 : i32
        scf.if %cond3A_172 {
          %add3A_173 = arith.constant 2 : i32
          %add3A_174 = arith.addi %add3A_145, %add3A_173 : i32
          %dma_start3A_175 = arith.constant 0 : i32
          %dma_start3A_176 = tpu.memref_slice %arg4[%arg0, %arg1, %add3A_174, %dma_start3A_175] : memref<2x16x125x80xi32, #tpu.memory_space<hbm>> -> memref<1x1x1x80xi32, #tpu.memory_space<hbm>>
          %dma_start3A_177 = tpu.memref_squeeze %dma_start3A_176 : memref<1x1x1x80xi32, #tpu.memory_space<hbm>> -> memref<80xi32, #tpu.memory_space<hbm>>
          %dma_start3A_178 = arith.constant 0 : i32
          %dma_start3A_179 = tpu.memref_slice %arg4[%arg0, %arg1, %add3A_174, %dma_start3A_178] : memref<2x16x125x80xi32, #tpu.memory_space<hbm>> -> memref<1x1x1x80xi32, #tpu.memory_space<hbm>>
          %dma_start3A_180 = tpu.memref_squeeze %dma_start3A_179 : memref<1x1x1x80xi32, #tpu.memory_space<hbm>> -> memref<80xi32, #tpu.memory_space<hbm>>
          tpu.enqueue_dma source(%dma_start3A_180 : memref<80xi32, #tpu.memory_space<hbm>>) target(%arg12 : memref<80xi32, #tpu.memory_space<vmem>>) target_semaphore(%arg26 : memref<!tpu.dma_semaphore, #tpu.memory_space<semaphore_mem>>)
          %dma_start3A_181 = arith.constant 0 : i32
          %dma_start3A_182 = tpu.memref_slice %arg6[%arg0, %arg1, %add3A_174, %dma_start3A_181] : memref<2x16x125x80xi32, #tpu.memory_space<hbm>> -> memref<1x1x1x80xi32, #tpu.memory_space<hbm>>
          %dma_start3A_183 = tpu.memref_squeeze %dma_start3A_182 : memref<1x1x1x80xi32, #tpu.memory_space<hbm>> -> memref<80xi32, #tpu.memory_space<hbm>>
          %dma_start3A_184 = arith.constant 0 : i32
          %dma_start3A_185 = tpu.memref_slice %arg6[%arg0, %arg1, %add3A_174, %dma_start3A_184] : memref<2x16x125x80xi32, #tpu.memory_space<hbm>> -> memref<1x1x1x80xi32, #tpu.memory_space<hbm>>
          %dma_start3A_186 = tpu.memref_squeeze %dma_start3A_185 : memref<1x1x1x80xi32, #tpu.memory_space<hbm>> -> memref<80xi32, #tpu.memory_space<hbm>>
          tpu.enqueue_dma source(%dma_start3A_186 : memref<80xi32, #tpu.memory_space<hbm>>) target(%arg14 : memref<80xi32, #tpu.memory_space<vmem>>) target_semaphore(%arg26 : memref<!tpu.dma_semaphore, #tpu.memory_space<semaphore_mem>>)
          %dma_start3A_187 = arith.constant 0 : i32
          %dma_start3A_188 = tpu.memref_slice %arg5[%arg0, %arg1, %add3A_174, %dma_start3A_187] : memref<2x16x125x80xi32, #tpu.memory_space<hbm>> -> memref<1x1x1x80xi32, #tpu.memory_space<hbm>>
          %dma_start3A_189 = tpu.memref_squeeze %dma_start3A_188 : memref<1x1x1x80xi32, #tpu.memory_space<hbm>> -> memref<80xi32, #tpu.memory_space<hbm>>
          %dma_start3A_190 = arith.constant 0 : i32
          %dma_start3A_191 = tpu.memref_slice %arg5[%arg0, %arg1, %add3A_174, %dma_start3A_190] : memref<2x16x125x80xi32, #tpu.memory_space<hbm>> -> memref<1x1x1x80xi32, #tpu.memory_space<hbm>>
          %dma_start3A_192 = tpu.memref_squeeze %dma_start3A_191 : memref<1x1x1x80xi32, #tpu.memory_space<hbm>> -> memref<80xi32, #tpu.memory_space<hbm>>
          tpu.enqueue_dma source(%dma_start3A_192 : memref<80xi32, #tpu.memory_space<hbm>>) target(%arg18 : memref<80xi32, #tpu.memory_space<vmem>>) target_semaphore(%arg26 : memref<!tpu.dma_semaphore, #tpu.memory_space<semaphore_mem>>)
          %dma_start3A_193 = arith.constant 0 : i32
          %dma_start3A_194 = tpu.memref_slice %arg7[%arg0, %arg1, %add3A_174, %dma_start3A_193] : memref<2x16x125x80xf32, #tpu.memory_space<hbm>> -> memref<1x1x1x80xf32, #tpu.memory_space<hbm>>
          %dma_start3A_195 = tpu.memref_squeeze %dma_start3A_194 : memref<1x1x1x80xf32, #tpu.memory_space<hbm>> -> memref<80xf32, #tpu.memory_space<hbm>>
          %dma_start3A_196 = arith.constant 0 : i32
          %dma_start3A_197 = tpu.memref_slice %arg7[%arg0, %arg1, %add3A_174, %dma_start3A_196] : memref<2x16x125x80xf32, #tpu.memory_space<hbm>> -> memref<1x1x1x80xf32, #tpu.memory_space<hbm>>
          %dma_start3A_198 = tpu.memref_squeeze %dma_start3A_197 : memref<1x1x1x80xf32, #tpu.memory_space<hbm>> -> memref<80xf32, #tpu.memory_space<hbm>>
          tpu.enqueue_dma source(%dma_start3A_198 : memref<80xf32, #tpu.memory_space<hbm>>) target(%arg20 : memref<80xf32, #tpu.memory_space<vmem>>) target_semaphore(%arg26 : memref<!tpu.dma_semaphore, #tpu.memory_space<semaphore_mem>>)
        } else {
        }
      } else {
      }
      %add3A_130 = arith.constant 2 : i32
      %add3A_131 = arith.addi %add3A_101, %add3A_130 : i32
      %lt3A_132 = arith.constant 125 : i32
      %lt3A_133 = arith.cmpi slt, %add3A_131, %lt3A_132 : i32
      %convert_element_type3A_134 = arith.extui %lt3A_133 : i1 to i32
      %cond3A_135 = arith.constant 0 : i32
      %cond3A_136 = arith.cmpi ne, %convert_element_type3A_134, %cond3A_135 : i32
      scf.if %cond3A_136 {
        %add3A_144 = arith.constant 2 : i32
        %add3A_145 = arith.addi %add3A_101, %add3A_144 : i32
        %dma_wait3A_146 = arith.constant 0 : i32
        %dma_wait3A_147 = arith.constant 0 : i32
        %dma_wait3A_148 = tpu.memref_slice %arg2[%dma_wait3A_146, %dma_wait3A_147] : memref<10000x128xf32, #tpu.memory_space<hbm>> -> memref<10000x128xf32, #tpu.memory_space<hbm>>
        tpu.wait_indirect_dma semaphore(%arg27 : memref<!tpu.dma_semaphore, #tpu.memory_space<semaphore_mem>>) src(%dma_wait3A_148 : memref<10000x128xf32, #tpu.memory_space<hbm>>) dst(%arg21 : memref<80x128xf32, #tpu.memory_space<vmem>>)
        %dma_wait3A_149 = arith.constant 0 : i32
        %dma_wait3A_150 = arith.constant 0 : i32
        %dma_wait3A_151 = tpu.memref_slice %arg3[%dma_wait3A_149, %dma_wait3A_150] : memref<200x128xf32, #tpu.memory_space<hbm>> -> memref<200x128xf32, #tpu.memory_space<hbm>>
        tpu.wait_indirect_dma semaphore(%arg27 : memref<!tpu.dma_semaphore, #tpu.memory_space<semaphore_mem>>) src(%dma_wait3A_151 : memref<200x128xf32, #tpu.memory_space<hbm>>) dst(%arg23 : memref<80x128xf32, #tpu.memory_space<vmem>>)
        %add3A_152 = arith.constant 1 : i32
        %add3A_153 = arith.addi %add3A_145, %add3A_152 : i32
        %lt3A_154 = arith.constant 125 : i32
        %lt3A_155 = arith.cmpi slt, %add3A_153, %lt3A_154 : i32
        %convert_element_type3A_156 = arith.extui %lt3A_155 : i1 to i32
        %cond3A_157 = arith.constant 0 : i32
        %cond3A_158 = arith.cmpi ne, %convert_element_type3A_156, %cond3A_157 : i32
        scf.if %cond3A_158 {
          %add3A_173 = arith.constant 1 : i32
          %add3A_174 = arith.addi %add3A_145, %add3A_173 : i32
          %dma_wait3A_175 = arith.constant 0 : i32
          %dma_wait3A_176 = tpu.memref_slice %arg4[%arg0, %arg1, %add3A_174, %dma_wait3A_175] : memref<2x16x125x80xi32, #tpu.memory_space<hbm>> -> memref<1x1x1x80xi32, #tpu.memory_space<hbm>>
          %dma_wait3A_177 = tpu.memref_squeeze %dma_wait3A_176 : memref<1x1x1x80xi32, #tpu.memory_space<hbm>> -> memref<80xi32, #tpu.memory_space<hbm>>
          %dma_wait3A_178 = arith.constant 0 : i32
          %dma_wait3A_179 = tpu.memref_slice %arg4[%arg0, %arg1, %add3A_174, %dma_wait3A_178] : memref<2x16x125x80xi32, #tpu.memory_space<hbm>> -> memref<1x1x1x80xi32, #tpu.memory_space<hbm>>
          %dma_wait3A_180 = tpu.memref_squeeze %dma_wait3A_179 : memref<1x1x1x80xi32, #tpu.memory_space<hbm>> -> memref<80xi32, #tpu.memory_space<hbm>>
          tpu.wait_dma2 semaphore(%arg26 : memref<!tpu.dma_semaphore, #tpu.memory_space<semaphore_mem>>) src(%dma_wait3A_180 : memref<80xi32, #tpu.memory_space<hbm>>) dst(%arg12 : memref<80xi32, #tpu.memory_space<vmem>>)
          %dma_wait3A_181 = arith.constant 0 : i32
          %dma_wait3A_182 = tpu.memref_slice %arg6[%arg0, %arg1, %add3A_174, %dma_wait3A_181] : memref<2x16x125x80xi32, #tpu.memory_space<hbm>> -> memref<1x1x1x80xi32, #tpu.memory_space<hbm>>
          %dma_wait3A_183 = tpu.memref_squeeze %dma_wait3A_182 : memref<1x1x1x80xi32, #tpu.memory_space<hbm>> -> memref<80xi32, #tpu.memory_space<hbm>>
          %dma_wait3A_184 = arith.constant 0 : i32
          %dma_wait3A_185 = tpu.memref_slice %arg6[%arg0, %arg1, %add3A_174, %dma_wait3A_184] : memref<2x16x125x80xi32, #tpu.memory_space<hbm>> -> memref<1x1x1x80xi32, #tpu.memory_space<hbm>>
          %dma_wait3A_186 = tpu.memref_squeeze %dma_wait3A_185 : memref<1x1x1x80xi32, #tpu.memory_space<hbm>> -> memref<80xi32, #tpu.memory_space<hbm>>
          tpu.wait_dma2 semaphore(%arg26 : memref<!tpu.dma_semaphore, #tpu.memory_space<semaphore_mem>>) src(%dma_wait3A_186 : memref<80xi32, #tpu.memory_space<hbm>>) dst(%arg14 : memref<80xi32, #tpu.memory_space<vmem>>)
          %dma_wait3A_187 = arith.constant 0 : i32
          %dma_wait3A_188 = tpu.memref_slice %arg5[%arg0, %arg1, %add3A_174, %dma_wait3A_187] : memref<2x16x125x80xi32, #tpu.memory_space<hbm>> -> memref<1x1x1x80xi32, #tpu.memory_space<hbm>>
          %dma_wait3A_189 = tpu.memref_squeeze %dma_wait3A_188 : memref<1x1x1x80xi32, #tpu.memory_space<hbm>> -> memref<80xi32, #tpu.memory_space<hbm>>
          %dma_wait3A_190 = arith.constant 0 : i32
          %dma_wait3A_191 = tpu.memref_slice %arg5[%arg0, %arg1, %add3A_174, %dma_wait3A_190] : memref<2x16x125x80xi32, #tpu.memory_space<hbm>> -> memref<1x1x1x80xi32, #tpu.memory_space<hbm>>
          %dma_wait3A_192 = tpu.memref_squeeze %dma_wait3A_191 : memref<1x1x1x80xi32, #tpu.memory_space<hbm>> -> memref<80xi32, #tpu.memory_space<hbm>>
          tpu.wait_dma2 semaphore(%arg26 : memref<!tpu.dma_semaphore, #tpu.memory_space<semaphore_mem>>) src(%dma_wait3A_192 : memref<80xi32, #tpu.memory_space<hbm>>) dst(%arg18 : memref<80xi32, #tpu.memory_space<vmem>>)
          %dma_wait3A_193 = arith.constant 0 : i32
          %dma_wait3A_194 = tpu.memref_slice %arg7[%arg0, %arg1, %add3A_174, %dma_wait3A_193] : memref<2x16x125x80xf32, #tpu.memory_space<hbm>> -> memref<1x1x1x80xf32, #tpu.memory_space<hbm>>
          %dma_wait3A_195 = tpu.memref_squeeze %dma_wait3A_194 : memref<1x1x1x80xf32, #tpu.memory_space<hbm>> -> memref<80xf32, #tpu.memory_space<hbm>>
          %dma_wait3A_196 = arith.constant 0 : i32
          %dma_wait3A_197 = tpu.memref_slice %arg7[%arg0, %arg1, %add3A_174, %dma_wait3A_196] : memref<2x16x125x80xf32, #tpu.memory_space<hbm>> -> memref<1x1x1x80xf32, #tpu.memory_space<hbm>>
          %dma_wait3A_198 = tpu.memref_squeeze %dma_wait3A_197 : memref<1x1x1x80xf32, #tpu.memory_space<hbm>> -> memref<80xf32, #tpu.memory_space<hbm>>
          tpu.wait_dma2 semaphore(%arg26 : memref<!tpu.dma_semaphore, #tpu.memory_space<semaphore_mem>>) src(%dma_wait3A_198 : memref<80xf32, #tpu.memory_space<hbm>>) dst(%arg20 : memref<80xf32, #tpu.memory_space<vmem>>)
          %dma_start3A_199 = arith.constant 0 : i32
          %dma_start3A_200 = arith.constant 0 : i32
          %dma_start3A_201 = tpu.memref_slice %arg2[%dma_start3A_199, %dma_start3A_200] : memref<10000x128xf32, #tpu.memory_space<hbm>> -> memref<10000x128xf32, #tpu.memory_space<hbm>>
          tpu.enqueue_indirect_dma source(%dma_start3A_201 : memref<10000x128xf32, #tpu.memory_space<hbm>>) target(%arg22 : memref<80x128xf32, #tpu.memory_space<vmem>>) offsets(%arg12 : memref<80xi32, #tpu.memory_space<vmem>>) semaphore(%arg28 : memref<!tpu.dma_semaphore, #tpu.memory_space<semaphore_mem>>)
          %dma_start3A_202 = arith.constant 0 : i32
          %dma_start3A_203 = arith.constant 0 : i32
          %dma_start3A_204 = tpu.memref_slice %arg3[%dma_start3A_202, %dma_start3A_203] : memref<200x128xf32, #tpu.memory_space<hbm>> -> memref<200x128xf32, #tpu.memory_space<hbm>>
          tpu.enqueue_indirect_dma source(%dma_start3A_204 : memref<200x128xf32, #tpu.memory_space<hbm>>) target(%arg24 : memref<80x128xf32, #tpu.memory_space<vmem>>) offsets(%arg14 : memref<80xi32, #tpu.memory_space<vmem>>) semaphore(%arg28 : memref<!tpu.dma_semaphore, #tpu.memory_space<semaphore_mem>>)
        } else {
        }
        %iota3A_159 = tpu.iota {dimensions = array<i32: 0>} : vector<16xi32>
        %eq3A_160 = arith.constant 0 : i32
        %eq3A_161 = vector.broadcast %eq3A_160 : i32 to vector<16xi32>
        %eq3A_162 = arith.cmpi eq, %iota3A_159, %eq3A_161 : vector<16xi32>
        %parallel_loop3A_163 = arith.constant 0 : i32
        %parallel_loop3A_164 = arith.constant 80 : i32
        %parallel_loop3A_165 = arith.constant 1 : i32
        scf.for %parallel_loop3A_173 = %parallel_loop3A_163 to %parallel_loop3A_164 step %parallel_loop3A_165  : i32 {
          %parallel_loop3A_174 = arith.constant 0 : i32
          %parallel_loop3A_175 = vector.broadcast %parallel_loop3A_174 : i32 to vector<16xi32>
          %parallel_loop3A_176 = vector.broadcast %parallel_loop3A_173 : i32 to vector<16xi32>
          %parallel_loop3A_177 = arith.addi %parallel_loop3A_175, %parallel_loop3A_176 : vector<16xi32>
          %parallel_loop3A_178 = tpu.vector_load_idx %arg19[%parallel_loop3A_177] : memref<80xf32, #tpu.memory_space<vmem>>[vector<16xi32>], vector<16xf32>,
          %parallel_loop3A_179 = arith.index_cast %parallel_loop3A_173 : i32 to index
          %parallel_loop3A_180 = arith.constant 0 : index
          %parallel_loop3A_181 = tpu.vector_load %arg21[%parallel_loop3A_179, %parallel_loop3A_180] {strides = array<i32>} : memref<80x128xf32, #tpu.memory_space<vmem>>, vector<16xf32>,
          %parallel_loop3A_182 = arith.index_cast %parallel_loop3A_173 : i32 to index
          %parallel_loop3A_183 = arith.constant 64 : index
          %parallel_loop3A_184 = tpu.vector_load %arg21[%parallel_loop3A_182, %parallel_loop3A_183] {strides = array<i32>} : memref<80x128xf32, #tpu.memory_space<vmem>>, vector<16xf32>,
          %parallel_loop3A_185 = arith.index_cast %parallel_loop3A_173 : i32 to index
          %parallel_loop3A_186 = arith.constant 0 : index
          %parallel_loop3A_187 = tpu.vector_load %arg23[%parallel_loop3A_185, %parallel_loop3A_186] {strides = array<i32>} : memref<80x128xf32, #tpu.memory_space<vmem>>, vector<16xf32>,
          %parallel_loop3A_188 = arith.index_cast %parallel_loop3A_173 : i32 to index
          %parallel_loop3A_189 = arith.constant 64 : index
          %parallel_loop3A_190 = tpu.vector_load %arg23[%parallel_loop3A_188, %parallel_loop3A_189] {strides = array<i32>} : memref<80x128xf32, #tpu.memory_space<vmem>>, vector<16xf32>,
          %parallel_loop3A_191 = arith.mulf %parallel_loop3A_181, %parallel_loop3A_187 : vector<16xf32>
          %parallel_loop3A_192 = arith.mulf %parallel_loop3A_184, %parallel_loop3A_190 : vector<16xf32>
          %parallel_loop3A_193 = arith.addf %parallel_loop3A_191, %parallel_loop3A_192 : vector<16xf32>
          %parallel_loop3A_194 = arith.mulf %parallel_loop3A_181, %parallel_loop3A_190 : vector<16xf32>
          %parallel_loop3A_195 = arith.mulf %parallel_loop3A_184, %parallel_loop3A_187 : vector<16xf32>
          %parallel_loop3A_196 = arith.subf %parallel_loop3A_194, %parallel_loop3A_195 : vector<16xf32>
          %parallel_loop3A_197 = arith.select %eq3A_162, %parallel_loop3A_191, %parallel_loop3A_193 : vector<16xi1>, vector<16xf32>
          %parallel_loop3A_198 = arith.select %eq3A_162, %parallel_loop3A_192, %parallel_loop3A_196 : vector<16xi1>, vector<16xf32>
          %parallel_loop3A_199 = arith.mulf %parallel_loop3A_197, %parallel_loop3A_178 : vector<16xf32>
          %parallel_loop3A_200 = arith.index_cast %parallel_loop3A_173 : i32 to index
          %parallel_loop3A_201 = arith.constant 0 : index
          %parallel_loop3A_202 = tpu.vector_load %arg21[%parallel_loop3A_200, %parallel_loop3A_201] {strides = array<i32>} : memref<80x128xf32, #tpu.memory_space<vmem>>, vector<16xf32>,
          tpu.vector_store %arg21[%parallel_loop3A_200, %parallel_loop3A_201], %parallel_loop3A_199 {strides = array<i32>} : memref<80x128xf32, #tpu.memory_space<vmem>>, vector<16xf32>,
          %parallel_loop3A_203 = arith.mulf %parallel_loop3A_198, %parallel_loop3A_178 : vector<16xf32>
          %parallel_loop3A_204 = arith.index_cast %parallel_loop3A_173 : i32 to index
          %parallel_loop3A_205 = arith.constant 64 : index
          %parallel_loop3A_206 = tpu.vector_load %arg21[%parallel_loop3A_204, %parallel_loop3A_205] {strides = array<i32>} : memref<80x128xf32, #tpu.memory_space<vmem>>, vector<16xf32>,
          tpu.vector_store %arg21[%parallel_loop3A_204, %parallel_loop3A_205], %parallel_loop3A_203 {strides = array<i32>} : memref<80x128xf32, #tpu.memory_space<vmem>>, vector<16xf32>,
          %parallel_loop3A_207 = arith.index_cast %parallel_loop3A_173 : i32 to index
          %parallel_loop3A_208 = arith.constant 16 : index
          %parallel_loop3A_209 = tpu.vector_load %arg21[%parallel_loop3A_207, %parallel_loop3A_208] {strides = array<i32>} : memref<80x128xf32, #tpu.memory_space<vmem>>, vector<16xf32>,
          %parallel_loop3A_210 = arith.index_cast %parallel_loop3A_173 : i32 to index
          %parallel_loop3A_211 = arith.constant 80 : index
          %parallel_loop3A_212 = tpu.vector_load %arg21[%parallel_loop3A_210, %parallel_loop3A_211] {strides = array<i32>} : memref<80x128xf32, #tpu.memory_space<vmem>>, vector<16xf32>,
          %parallel_loop3A_213 = arith.index_cast %parallel_loop3A_173 : i32 to index
          %parallel_loop3A_214 = arith.constant 16 : index
          %parallel_loop3A_215 = tpu.vector_load %arg23[%parallel_loop3A_213, %parallel_loop3A_214] {strides = array<i32>} : memref<80x128xf32, #tpu.memory_space<vmem>>, vector<16xf32>,
          %parallel_loop3A_216 = arith.index_cast %parallel_loop3A_173 : i32 to index
          %parallel_loop3A_217 = arith.constant 80 : index
          %parallel_loop3A_218 = tpu.vector_load %arg23[%parallel_loop3A_216, %parallel_loop3A_217] {strides = array<i32>} : memref<80x128xf32, #tpu.memory_space<vmem>>, vector<16xf32>,
          %parallel_loop3A_219 = arith.mulf %parallel_loop3A_209, %parallel_loop3A_215 : vector<16xf32>
          %parallel_loop3A_220 = arith.mulf %parallel_loop3A_212, %parallel_loop3A_218 : vector<16xf32>
          %parallel_loop3A_221 = arith.addf %parallel_loop3A_219, %parallel_loop3A_220 : vector<16xf32>
          %parallel_loop3A_222 = arith.mulf %parallel_loop3A_209, %parallel_loop3A_218 : vector<16xf32>
          %parallel_loop3A_223 = arith.mulf %parallel_loop3A_212, %parallel_loop3A_215 : vector<16xf32>
          %parallel_loop3A_224 = arith.subf %parallel_loop3A_222, %parallel_loop3A_223 : vector<16xf32>
          %parallel_loop3A_225 = arith.mulf %parallel_loop3A_221, %parallel_loop3A_178 : vector<16xf32>
          %parallel_loop3A_226 = arith.index_cast %parallel_loop3A_173 : i32 to index
          %parallel_loop3A_227 = arith.constant 16 : index
          %parallel_loop3A_228 = tpu.vector_load %arg21[%parallel_loop3A_226, %parallel_loop3A_227] {strides = array<i32>} : memref<80x128xf32, #tpu.memory_space<vmem>>, vector<16xf32>,
          tpu.vector_store %arg21[%parallel_loop3A_226, %parallel_loop3A_227], %parallel_loop3A_225 {strides = array<i32>} : memref<80x128xf32, #tpu.memory_space<vmem>>, vector<16xf32>,
          %parallel_loop3A_229 = arith.mulf %parallel_loop3A_224, %parallel_loop3A_178 : vector<16xf32>
          %parallel_loop3A_230 = arith.index_cast %parallel_loop3A_173 : i32 to index
          %parallel_loop3A_231 = arith.constant 80 : index
          %parallel_loop3A_232 = tpu.vector_load %arg21[%parallel_loop3A_230, %parallel_loop3A_231] {strides = array<i32>} : memref<80x128xf32, #tpu.memory_space<vmem>>, vector<16xf32>,
          tpu.vector_store %arg21[%parallel_loop3A_230, %parallel_loop3A_231], %parallel_loop3A_229 {strides = array<i32>} : memref<80x128xf32, #tpu.memory_space<vmem>>, vector<16xf32>,
          %parallel_loop3A_233 = arith.index_cast %parallel_loop3A_173 : i32 to index
          %parallel_loop3A_234 = arith.constant 32 : index
          %parallel_loop3A_235 = tpu.vector_load %arg21[%parallel_loop3A_233, %parallel_loop3A_234] {strides = array<i32>} : memref<80x128xf32, #tpu.memory_space<vmem>>, vector<16xf32>,
          %parallel_loop3A_236 = arith.index_cast %parallel_loop3A_173 : i32 to index
          %parallel_loop3A_237 = arith.constant 96 : index
          %parallel_loop3A_238 = tpu.vector_load %arg21[%parallel_loop3A_236, %parallel_loop3A_237] {strides = array<i32>} : memref<80x128xf32, #tpu.memory_space<vmem>>, vector<16xf32>,
          %parallel_loop3A_239 = arith.index_cast %parallel_loop3A_173 : i32 to index
          %parallel_loop3A_240 = arith.constant 32 : index
          %parallel_loop3A_241 = tpu.vector_load %arg23[%parallel_loop3A_239, %parallel_loop3A_240] {strides = array<i32>} : memref<80x128xf32, #tpu.memory_space<vmem>>, vector<16xf32>,
          %parallel_loop3A_242 = arith.index_cast %parallel_loop3A_173 : i32 to index
          %parallel_loop3A_243 = arith.constant 96 : index
          %parallel_loop3A_244 = tpu.vector_load %arg23[%parallel_loop3A_242, %parallel_loop3A_243] {strides = array<i32>} : memref<80x128xf32, #tpu.memory_space<vmem>>, vector<16xf32>,
          %parallel_loop3A_245 = arith.mulf %parallel_loop3A_235, %parallel_loop3A_241 : vector<16xf32>
          %parallel_loop3A_246 = arith.mulf %parallel_loop3A_238, %parallel_loop3A_244 : vector<16xf32>
          %parallel_loop3A_247 = arith.addf %parallel_loop3A_245, %parallel_loop3A_246 : vector<16xf32>
          %parallel_loop3A_248 = arith.mulf %parallel_loop3A_235, %parallel_loop3A_244 : vector<16xf32>
          %parallel_loop3A_249 = arith.mulf %parallel_loop3A_238, %parallel_loop3A_241 : vector<16xf32>
          %parallel_loop3A_250 = arith.subf %parallel_loop3A_248, %parallel_loop3A_249 : vector<16xf32>
          %parallel_loop3A_251 = arith.mulf %parallel_loop3A_247, %parallel_loop3A_178 : vector<16xf32>
          %parallel_loop3A_252 = arith.index_cast %parallel_loop3A_173 : i32 to index
          %parallel_loop3A_253 = arith.constant 32 : index
          %parallel_loop3A_254 = tpu.vector_load %arg21[%parallel_loop3A_252, %parallel_loop3A_253] {strides = array<i32>} : memref<80x128xf32, #tpu.memory_space<vmem>>, vector<16xf32>,
          tpu.vector_store %arg21[%parallel_loop3A_252, %parallel_loop3A_253], %parallel_loop3A_251 {strides = array<i32>} : memref<80x128xf32, #tpu.memory_space<vmem>>, vector<16xf32>,
          %parallel_loop3A_255 = arith.mulf %parallel_loop3A_250, %parallel_loop3A_178 : vector<16xf32>
          %parallel_loop3A_256 = arith.index_cast %parallel_loop3A_173 : i32 to index
          %parallel_loop3A_257 = arith.constant 96 : index
          %parallel_loop3A_258 = tpu.vector_load %arg21[%parallel_loop3A_256, %parallel_loop3A_257] {strides = array<i32>} : memref<80x128xf32, #tpu.memory_space<vmem>>, vector<16xf32>,
          tpu.vector_store %arg21[%parallel_loop3A_256, %parallel_loop3A_257], %parallel_loop3A_255 {strides = array<i32>} : memref<80x128xf32, #tpu.memory_space<vmem>>, vector<16xf32>,
          %parallel_loop3A_259 = arith.index_cast %parallel_loop3A_173 : i32 to index
          %parallel_loop3A_260 = arith.constant 48 : index
          %parallel_loop3A_261 = tpu.vector_load %arg21[%parallel_loop3A_259, %parallel_loop3A_260] {strides = array<i32>} : memref<80x128xf32, #tpu.memory_space<vmem>>, vector<16xf32>,
          %parallel_loop3A_262 = arith.index_cast %parallel_loop3A_173 : i32 to index
          %parallel_loop3A_263 = arith.constant 112 : index
          %parallel_loop3A_264 = tpu.vector_load %arg21[%parallel_loop3A_262, %parallel_loop3A_263] {strides = array<i32>} : memref<80x128xf32, #tpu.memory_space<vmem>>, vector<16xf32>,
          %parallel_loop3A_265 = arith.index_cast %parallel_loop3A_173 : i32 to index
          %parallel_loop3A_266 = arith.constant 48 : index
          %parallel_loop3A_267 = tpu.vector_load %arg23[%parallel_loop3A_265, %parallel_loop3A_266] {strides = array<i32>} : memref<80x128xf32, #tpu.memory_space<vmem>>, vector<16xf32>,
          %parallel_loop3A_268 = arith.index_cast %parallel_loop3A_173 : i32 to index
          %parallel_loop3A_269 = arith.constant 112 : index
          %parallel_loop3A_270 = tpu.vector_load %arg23[%parallel_loop3A_268, %parallel_loop3A_269] {strides = array<i32>} : memref<80x128xf32, #tpu.memory_space<vmem>>, vector<16xf32>,
          %parallel_loop3A_271 = arith.mulf %parallel_loop3A_261, %parallel_loop3A_267 : vector<16xf32>
          %parallel_loop3A_272 = arith.mulf %parallel_loop3A_264, %parallel_loop3A_270 : vector<16xf32>
          %parallel_loop3A_273 = arith.addf %parallel_loop3A_271, %parallel_loop3A_272 : vector<16xf32>
          %parallel_loop3A_274 = arith.mulf %parallel_loop3A_261, %parallel_loop3A_270 : vector<16xf32>
          %parallel_loop3A_275 = arith.mulf %parallel_loop3A_264, %parallel_loop3A_267 : vector<16xf32>
          %parallel_loop3A_276 = arith.subf %parallel_loop3A_274, %parallel_loop3A_275 : vector<16xf32>
          %parallel_loop3A_277 = arith.mulf %parallel_loop3A_273, %parallel_loop3A_178 : vector<16xf32>
          %parallel_loop3A_278 = arith.index_cast %parallel_loop3A_173 : i32 to index
          %parallel_loop3A_279 = arith.constant 48 : index
          %parallel_loop3A_280 = tpu.vector_load %arg21[%parallel_loop3A_278, %parallel_loop3A_279] {strides = array<i32>} : memref<80x128xf32, #tpu.memory_space<vmem>>, vector<16xf32>,
          tpu.vector_store %arg21[%parallel_loop3A_278, %parallel_loop3A_279], %parallel_loop3A_277 {strides = array<i32>} : memref<80x128xf32, #tpu.memory_space<vmem>>, vector<16xf32>,
          %parallel_loop3A_281 = arith.mulf %parallel_loop3A_276, %parallel_loop3A_178 : vector<16xf32>
          %parallel_loop3A_282 = arith.index_cast %parallel_loop3A_173 : i32 to index
          %parallel_loop3A_283 = arith.constant 112 : index
          %parallel_loop3A_284 = tpu.vector_load %arg21[%parallel_loop3A_282, %parallel_loop3A_283] {strides = array<i32>} : memref<80x128xf32, #tpu.memory_space<vmem>>, vector<16xf32>,
          tpu.vector_store %arg21[%parallel_loop3A_282, %parallel_loop3A_283], %parallel_loop3A_281 {strides = array<i32>} : memref<80x128xf32, #tpu.memory_space<vmem>>, vector<16xf32>,
        } {sc.loop_unroll_factor = 4 : i64, sc.parallel_access}
        "tpu.region"() ({
          %run_scoped3A = tpu.sem_alloc : memref<!tpu.dma_semaphore, #tpu.memory_space<semaphore_mem>>
          %dma_start3A_173 = arith.constant 0 : i32
          %dma_start3A_174 = arith.constant 0 : i32
          %dma_start3A_175 = tpu.memref_slice %arg10[%dma_start3A_173, %dma_start3A_174] : memref<10112x128xf32, #tpu.memory_space<vmem_shared>> -> memref<10112x128xf32, #tpu.memory_space<vmem_shared>>
          tpu.enqueue_indirect_dma source(%arg21 : memref<80x128xf32, #tpu.memory_space<vmem>>) target(%dma_start3A_175 : memref<10112x128xf32, #tpu.memory_space<vmem_shared>>) offsets(%arg17 : memref<80xi32, #tpu.memory_space<vmem>>) semaphore(%run_scoped3A : memref<!tpu.dma_semaphore, #tpu.memory_space<semaphore_mem>>) {add = true}
          %dma_wait3A_176 = arith.constant 0 : i32
          %dma_wait3A_177 = arith.constant 0 : i32
          %dma_wait3A_178 = tpu.memref_slice %arg10[%dma_wait3A_176, %dma_wait3A_177] : memref<10112x128xf32, #tpu.memory_space<vmem_shared>> -> memref<10112x128xf32, #tpu.memory_space<vmem_shared>>
          tpu.wait_indirect_dma semaphore(%run_scoped3A : memref<!tpu.dma_semaphore, #tpu.memory_space<semaphore_mem>>) src(%arg21 : memref<80x128xf32, #tpu.memory_space<vmem>>) dst(%dma_wait3A_178 : memref<10112x128xf32, #tpu.memory_space<vmem_shared>>)
          tpu.yield
        }) : () -> ()
        %add3A_166 = arith.constant 2 : i32
        %add3A_167 = arith.addi %add3A_145, %add3A_166 : i32
        %lt3A_168 = arith.constant 125 : i32
        %lt3A_169 = arith.cmpi slt, %add3A_167, %lt3A_168 : i32
        %convert_element_type3A_170 = arith.extui %lt3A_169 : i1 to i32
        %cond3A_171 = arith.constant 0 : i32
        %cond3A_172 = arith.cmpi ne, %convert_element_type3A_170, %cond3A_171 : i32
        scf.if %cond3A_172 {
          %add3A_173 = arith.constant 2 : i32
          %add3A_174 = arith.addi %add3A_145, %add3A_173 : i32
          %dma_start3A_175 = arith.constant 0 : i32
          %dma_start3A_176 = tpu.memref_slice %arg4[%arg0, %arg1, %add3A_174, %dma_start3A_175] : memref<2x16x125x80xi32, #tpu.memory_space<hbm>> -> memref<1x1x1x80xi32, #tpu.memory_space<hbm>>
          %dma_start3A_177 = tpu.memref_squeeze %dma_start3A_176 : memref<1x1x1x80xi32, #tpu.memory_space<hbm>> -> memref<80xi32, #tpu.memory_space<hbm>>
          %dma_start3A_178 = arith.constant 0 : i32
          %dma_start3A_179 = tpu.memref_slice %arg4[%arg0, %arg1, %add3A_174, %dma_start3A_178] : memref<2x16x125x80xi32, #tpu.memory_space<hbm>> -> memref<1x1x1x80xi32, #tpu.memory_space<hbm>>
          %dma_start3A_180 = tpu.memref_squeeze %dma_start3A_179 : memref<1x1x1x80xi32, #tpu.memory_space<hbm>> -> memref<80xi32, #tpu.memory_space<hbm>>
          tpu.enqueue_dma source(%dma_start3A_180 : memref<80xi32, #tpu.memory_space<hbm>>) target(%arg11 : memref<80xi32, #tpu.memory_space<vmem>>) target_semaphore(%arg25 : memref<!tpu.dma_semaphore, #tpu.memory_space<semaphore_mem>>)
          %dma_start3A_181 = arith.constant 0 : i32
          %dma_start3A_182 = tpu.memref_slice %arg6[%arg0, %arg1, %add3A_174, %dma_start3A_181] : memref<2x16x125x80xi32, #tpu.memory_space<hbm>> -> memref<1x1x1x80xi32, #tpu.memory_space<hbm>>
          %dma_start3A_183 = tpu.memref_squeeze %dma_start3A_182 : memref<1x1x1x80xi32, #tpu.memory_space<hbm>> -> memref<80xi32, #tpu.memory_space<hbm>>
          %dma_start3A_184 = arith.constant 0 : i32
          %dma_start3A_185 = tpu.memref_slice %arg6[%arg0, %arg1, %add3A_174, %dma_start3A_184] : memref<2x16x125x80xi32, #tpu.memory_space<hbm>> -> memref<1x1x1x80xi32, #tpu.memory_space<hbm>>
          %dma_start3A_186 = tpu.memref_squeeze %dma_start3A_185 : memref<1x1x1x80xi32, #tpu.memory_space<hbm>> -> memref<80xi32, #tpu.memory_space<hbm>>
          tpu.enqueue_dma source(%dma_start3A_186 : memref<80xi32, #tpu.memory_space<hbm>>) target(%arg13 : memref<80xi32, #tpu.memory_space<vmem>>) target_semaphore(%arg25 : memref<!tpu.dma_semaphore, #tpu.memory_space<semaphore_mem>>)
          %dma_start3A_187 = arith.constant 0 : i32
          %dma_start3A_188 = tpu.memref_slice %arg5[%arg0, %arg1, %add3A_174, %dma_start3A_187] : memref<2x16x125x80xi32, #tpu.memory_space<hbm>> -> memref<1x1x1x80xi32, #tpu.memory_space<hbm>>
          %dma_start3A_189 = tpu.memref_squeeze %dma_start3A_188 : memref<1x1x1x80xi32, #tpu.memory_space<hbm>> -> memref<80xi32, #tpu.memory_space<hbm>>
          %dma_start3A_190 = arith.constant 0 : i32
          %dma_start3A_191 = tpu.memref_slice %arg5[%arg0, %arg1, %add3A_174, %dma_start3A_190] : memref<2x16x125x80xi32, #tpu.memory_space<hbm>> -> memref<1x1x1x80xi32, #tpu.memory_space<hbm>>
          %dma_start3A_192 = tpu.memref_squeeze %dma_start3A_191 : memref<1x1x1x80xi32, #tpu.memory_space<hbm>> -> memref<80xi32, #tpu.memory_space<hbm>>
          tpu.enqueue_dma source(%dma_start3A_192 : memref<80xi32, #tpu.memory_space<hbm>>) target(%arg15 : memref<80xi32, #tpu.memory_space<vmem>>) target_semaphore(%arg25 : memref<!tpu.dma_semaphore, #tpu.memory_space<semaphore_mem>>)
          %dma_start3A_193 = arith.constant 0 : i32
          %dma_start3A_194 = tpu.memref_slice %arg7[%arg0, %arg1, %add3A_174, %dma_start3A_193] : memref<2x16x125x80xf32, #tpu.memory_space<hbm>> -> memref<1x1x1x80xf32, #tpu.memory_space<hbm>>
          %dma_start3A_195 = tpu.memref_squeeze %dma_start3A_194 : memref<1x1x1x80xf32, #tpu.memory_space<hbm>> -> memref<80xf32, #tpu.memory_space<hbm>>
          %dma_start3A_196 = arith.constant 0 : i32
          %dma_start3A_197 = tpu.memref_slice %arg7[%arg0, %arg1, %add3A_174, %dma_start3A_196] : memref<2x16x125x80xf32, #tpu.memory_space<hbm>> -> memref<1x1x1x80xf32, #tpu.memory_space<hbm>>
          %dma_start3A_198 = tpu.memref_squeeze %dma_start3A_197 : memref<1x1x1x80xf32, #tpu.memory_space<hbm>> -> memref<80xf32, #tpu.memory_space<hbm>>
          tpu.enqueue_dma source(%dma_start3A_198 : memref<80xf32, #tpu.memory_space<hbm>>) target(%arg19 : memref<80xf32, #tpu.memory_space<vmem>>) target_semaphore(%arg25 : memref<!tpu.dma_semaphore, #tpu.memory_space<semaphore_mem>>)
        } else {
        }
      } else {
      }
      %add3A_137 = arith.constant 3 : i32
      %add3A_138 = arith.addi %add3A_101, %add3A_137 : i32
      %lt3A_139 = arith.constant 125 : i32
      %lt3A_140 = arith.cmpi slt, %add3A_138, %lt3A_139 : i32
      %convert_element_type3A_141 = arith.extui %lt3A_140 : i1 to i32
      %cond3A_142 = arith.constant 0 : i32
      %cond3A_143 = arith.cmpi ne, %convert_element_type3A_141, %cond3A_142 : i32
      scf.if %cond3A_143 {
        %add3A_144 = arith.constant 3 : i32
        %add3A_145 = arith.addi %add3A_101, %add3A_144 : i32
        %dma_wait3A_146 = arith.constant 0 : i32
        %dma_wait3A_147 = arith.constant 0 : i32
        %dma_wait3A_148 = tpu.memref_slice %arg2[%dma_wait3A_146, %dma_wait3A_147] : memref<10000x128xf32, #tpu.memory_space<hbm>> -> memref<10000x128xf32, #tpu.memory_space<hbm>>
        tpu.wait_indirect_dma semaphore(%arg28 : memref<!tpu.dma_semaphore, #tpu.memory_space<semaphore_mem>>) src(%dma_wait3A_148 : memref<10000x128xf32, #tpu.memory_space<hbm>>) dst(%arg22 : memref<80x128xf32, #tpu.memory_space<vmem>>)
        %dma_wait3A_149 = arith.constant 0 : i32
        %dma_wait3A_150 = arith.constant 0 : i32
        %dma_wait3A_151 = tpu.memref_slice %arg3[%dma_wait3A_149, %dma_wait3A_150] : memref<200x128xf32, #tpu.memory_space<hbm>> -> memref<200x128xf32, #tpu.memory_space<hbm>>
        tpu.wait_indirect_dma semaphore(%arg28 : memref<!tpu.dma_semaphore, #tpu.memory_space<semaphore_mem>>) src(%dma_wait3A_151 : memref<200x128xf32, #tpu.memory_space<hbm>>) dst(%arg24 : memref<80x128xf32, #tpu.memory_space<vmem>>)
        %add3A_152 = arith.constant 1 : i32
        %add3A_153 = arith.addi %add3A_145, %add3A_152 : i32
        %lt3A_154 = arith.constant 125 : i32
        %lt3A_155 = arith.cmpi slt, %add3A_153, %lt3A_154 : i32
        %convert_element_type3A_156 = arith.extui %lt3A_155 : i1 to i32
        %cond3A_157 = arith.constant 0 : i32
        %cond3A_158 = arith.cmpi ne, %convert_element_type3A_156, %cond3A_157 : i32
        scf.if %cond3A_158 {
          %add3A_173 = arith.constant 1 : i32
          %add3A_174 = arith.addi %add3A_145, %add3A_173 : i32
          %dma_wait3A_175 = arith.constant 0 : i32
          %dma_wait3A_176 = tpu.memref_slice %arg4[%arg0, %arg1, %add3A_174, %dma_wait3A_175] : memref<2x16x125x80xi32, #tpu.memory_space<hbm>> -> memref<1x1x1x80xi32, #tpu.memory_space<hbm>>
          %dma_wait3A_177 = tpu.memref_squeeze %dma_wait3A_176 : memref<1x1x1x80xi32, #tpu.memory_space<hbm>> -> memref<80xi32, #tpu.memory_space<hbm>>
          %dma_wait3A_178 = arith.constant 0 : i32
          %dma_wait3A_179 = tpu.memref_slice %arg4[%arg0, %arg1, %add3A_174, %dma_wait3A_178] : memref<2x16x125x80xi32, #tpu.memory_space<hbm>> -> memref<1x1x1x80xi32, #tpu.memory_space<hbm>>
          %dma_wait3A_180 = tpu.memref_squeeze %dma_wait3A_179 : memref<1x1x1x80xi32, #tpu.memory_space<hbm>> -> memref<80xi32, #tpu.memory_space<hbm>>
          tpu.wait_dma2 semaphore(%arg25 : memref<!tpu.dma_semaphore, #tpu.memory_space<semaphore_mem>>) src(%dma_wait3A_180 : memref<80xi32, #tpu.memory_space<hbm>>) dst(%arg11 : memref<80xi32, #tpu.memory_space<vmem>>)
          %dma_wait3A_181 = arith.constant 0 : i32
          %dma_wait3A_182 = tpu.memref_slice %arg6[%arg0, %arg1, %add3A_174, %dma_wait3A_181] : memref<2x16x125x80xi32, #tpu.memory_space<hbm>> -> memref<1x1x1x80xi32, #tpu.memory_space<hbm>>
          %dma_wait3A_183 = tpu.memref_squeeze %dma_wait3A_182 : memref<1x1x1x80xi32, #tpu.memory_space<hbm>> -> memref<80xi32, #tpu.memory_space<hbm>>
          %dma_wait3A_184 = arith.constant 0 : i32
          %dma_wait3A_185 = tpu.memref_slice %arg6[%arg0, %arg1, %add3A_174, %dma_wait3A_184] : memref<2x16x125x80xi32, #tpu.memory_space<hbm>> -> memref<1x1x1x80xi32, #tpu.memory_space<hbm>>
          %dma_wait3A_186 = tpu.memref_squeeze %dma_wait3A_185 : memref<1x1x1x80xi32, #tpu.memory_space<hbm>> -> memref<80xi32, #tpu.memory_space<hbm>>
          tpu.wait_dma2 semaphore(%arg25 : memref<!tpu.dma_semaphore, #tpu.memory_space<semaphore_mem>>) src(%dma_wait3A_186 : memref<80xi32, #tpu.memory_space<hbm>>) dst(%arg13 : memref<80xi32, #tpu.memory_space<vmem>>)
          %dma_wait3A_187 = arith.constant 0 : i32
          %dma_wait3A_188 = tpu.memref_slice %arg5[%arg0, %arg1, %add3A_174, %dma_wait3A_187] : memref<2x16x125x80xi32, #tpu.memory_space<hbm>> -> memref<1x1x1x80xi32, #tpu.memory_space<hbm>>
          %dma_wait3A_189 = tpu.memref_squeeze %dma_wait3A_188 : memref<1x1x1x80xi32, #tpu.memory_space<hbm>> -> memref<80xi32, #tpu.memory_space<hbm>>
          %dma_wait3A_190 = arith.constant 0 : i32
          %dma_wait3A_191 = tpu.memref_slice %arg5[%arg0, %arg1, %add3A_174, %dma_wait3A_190] : memref<2x16x125x80xi32, #tpu.memory_space<hbm>> -> memref<1x1x1x80xi32, #tpu.memory_space<hbm>>
          %dma_wait3A_192 = tpu.memref_squeeze %dma_wait3A_191 : memref<1x1x1x80xi32, #tpu.memory_space<hbm>> -> memref<80xi32, #tpu.memory_space<hbm>>
          tpu.wait_dma2 semaphore(%arg25 : memref<!tpu.dma_semaphore, #tpu.memory_space<semaphore_mem>>) src(%dma_wait3A_192 : memref<80xi32, #tpu.memory_space<hbm>>) dst(%arg15 : memref<80xi32, #tpu.memory_space<vmem>>)
          %dma_wait3A_193 = arith.constant 0 : i32
          %dma_wait3A_194 = tpu.memref_slice %arg7[%arg0, %arg1, %add3A_174, %dma_wait3A_193] : memref<2x16x125x80xf32, #tpu.memory_space<hbm>> -> memref<1x1x1x80xf32, #tpu.memory_space<hbm>>
          %dma_wait3A_195 = tpu.memref_squeeze %dma_wait3A_194 : memref<1x1x1x80xf32, #tpu.memory_space<hbm>> -> memref<80xf32, #tpu.memory_space<hbm>>
          %dma_wait3A_196 = arith.constant 0 : i32
          %dma_wait3A_197 = tpu.memref_slice %arg7[%arg0, %arg1, %add3A_174, %dma_wait3A_196] : memref<2x16x125x80xf32, #tpu.memory_space<hbm>> -> memref<1x1x1x80xf32, #tpu.memory_space<hbm>>
          %dma_wait3A_198 = tpu.memref_squeeze %dma_wait3A_197 : memref<1x1x1x80xf32, #tpu.memory_space<hbm>> -> memref<80xf32, #tpu.memory_space<hbm>>
          tpu.wait_dma2 semaphore(%arg25 : memref<!tpu.dma_semaphore, #tpu.memory_space<semaphore_mem>>) src(%dma_wait3A_198 : memref<80xf32, #tpu.memory_space<hbm>>) dst(%arg19 : memref<80xf32, #tpu.memory_space<vmem>>)
          %dma_start3A_199 = arith.constant 0 : i32
          %dma_start3A_200 = arith.constant 0 : i32
          %dma_start3A_201 = tpu.memref_slice %arg2[%dma_start3A_199, %dma_start3A_200] : memref<10000x128xf32, #tpu.memory_space<hbm>> -> memref<10000x128xf32, #tpu.memory_space<hbm>>
          tpu.enqueue_indirect_dma source(%dma_start3A_201 : memref<10000x128xf32, #tpu.memory_space<hbm>>) target(%arg21 : memref<80x128xf32, #tpu.memory_space<vmem>>) offsets(%arg11 : memref<80xi32, #tpu.memory_space<vmem>>) semaphore(%arg27 : memref<!tpu.dma_semaphore, #tpu.memory_space<semaphore_mem>>)
          %dma_start3A_202 = arith.constant 0 : i32
          %dma_start3A_203 = arith.constant 0 : i32
          %dma_start3A_204 = tpu.memref_slice %arg3[%dma_start3A_202, %dma_start3A_203] : memref<200x128xf32, #tpu.memory_space<hbm>> -> memref<200x128xf32, #tpu.memory_space<hbm>>
          tpu.enqueue_indirect_dma source(%dma_start3A_204 : memref<200x128xf32, #tpu.memory_space<hbm>>) target(%arg23 : memref<80x128xf32, #tpu.memory_space<vmem>>) offsets(%arg13 : memref<80xi32, #tpu.memory_space<vmem>>) semaphore(%arg27 : memref<!tpu.dma_semaphore, #tpu.memory_space<semaphore_mem>>)
        } else {
        }
        %iota3A_159 = tpu.iota {dimensions = array<i32: 0>} : vector<16xi32>
        %eq3A_160 = arith.constant 0 : i32
        %eq3A_161 = vector.broadcast %eq3A_160 : i32 to vector<16xi32>
        %eq3A_162 = arith.cmpi eq, %iota3A_159, %eq3A_161 : vector<16xi32>
        %parallel_loop3A_163 = arith.constant 0 : i32
        %parallel_loop3A_164 = arith.constant 80 : i32
        %parallel_loop3A_165 = arith.constant 1 : i32
        scf.for %parallel_loop3A_173 = %parallel_loop3A_163 to %parallel_loop3A_164 step %parallel_loop3A_165  : i32 {
          %parallel_loop3A_174 = arith.constant 0 : i32
          %parallel_loop3A_175 = vector.broadcast %parallel_loop3A_174 : i32 to vector<16xi32>
          %parallel_loop3A_176 = vector.broadcast %parallel_loop3A_173 : i32 to vector<16xi32>
          %parallel_loop3A_177 = arith.addi %parallel_loop3A_175, %parallel_loop3A_176 : vector<16xi32>
          %parallel_loop3A_178 = tpu.vector_load_idx %arg20[%parallel_loop3A_177] : memref<80xf32, #tpu.memory_space<vmem>>[vector<16xi32>], vector<16xf32>,
          %parallel_loop3A_179 = arith.index_cast %parallel_loop3A_173 : i32 to index
          %parallel_loop3A_180 = arith.constant 0 : index
          %parallel_loop3A_181 = tpu.vector_load %arg22[%parallel_loop3A_179, %parallel_loop3A_180] {strides = array<i32>} : memref<80x128xf32, #tpu.memory_space<vmem>>, vector<16xf32>,
          %parallel_loop3A_182 = arith.index_cast %parallel_loop3A_173 : i32 to index
          %parallel_loop3A_183 = arith.constant 64 : index
          %parallel_loop3A_184 = tpu.vector_load %arg22[%parallel_loop3A_182, %parallel_loop3A_183] {strides = array<i32>} : memref<80x128xf32, #tpu.memory_space<vmem>>, vector<16xf32>,
          %parallel_loop3A_185 = arith.index_cast %parallel_loop3A_173 : i32 to index
          %parallel_loop3A_186 = arith.constant 0 : index
          %parallel_loop3A_187 = tpu.vector_load %arg24[%parallel_loop3A_185, %parallel_loop3A_186] {strides = array<i32>} : memref<80x128xf32, #tpu.memory_space<vmem>>, vector<16xf32>,
          %parallel_loop3A_188 = arith.index_cast %parallel_loop3A_173 : i32 to index
          %parallel_loop3A_189 = arith.constant 64 : index
          %parallel_loop3A_190 = tpu.vector_load %arg24[%parallel_loop3A_188, %parallel_loop3A_189] {strides = array<i32>} : memref<80x128xf32, #tpu.memory_space<vmem>>, vector<16xf32>,
          %parallel_loop3A_191 = arith.mulf %parallel_loop3A_181, %parallel_loop3A_187 : vector<16xf32>
          %parallel_loop3A_192 = arith.mulf %parallel_loop3A_184, %parallel_loop3A_190 : vector<16xf32>
          %parallel_loop3A_193 = arith.addf %parallel_loop3A_191, %parallel_loop3A_192 : vector<16xf32>
          %parallel_loop3A_194 = arith.mulf %parallel_loop3A_181, %parallel_loop3A_190 : vector<16xf32>
          %parallel_loop3A_195 = arith.mulf %parallel_loop3A_184, %parallel_loop3A_187 : vector<16xf32>
          %parallel_loop3A_196 = arith.subf %parallel_loop3A_194, %parallel_loop3A_195 : vector<16xf32>
          %parallel_loop3A_197 = arith.select %eq3A_162, %parallel_loop3A_191, %parallel_loop3A_193 : vector<16xi1>, vector<16xf32>
          %parallel_loop3A_198 = arith.select %eq3A_162, %parallel_loop3A_192, %parallel_loop3A_196 : vector<16xi1>, vector<16xf32>
          %parallel_loop3A_199 = arith.mulf %parallel_loop3A_197, %parallel_loop3A_178 : vector<16xf32>
          %parallel_loop3A_200 = arith.index_cast %parallel_loop3A_173 : i32 to index
          %parallel_loop3A_201 = arith.constant 0 : index
          %parallel_loop3A_202 = tpu.vector_load %arg22[%parallel_loop3A_200, %parallel_loop3A_201] {strides = array<i32>} : memref<80x128xf32, #tpu.memory_space<vmem>>, vector<16xf32>,
          tpu.vector_store %arg22[%parallel_loop3A_200, %parallel_loop3A_201], %parallel_loop3A_199 {strides = array<i32>} : memref<80x128xf32, #tpu.memory_space<vmem>>, vector<16xf32>,
          %parallel_loop3A_203 = arith.mulf %parallel_loop3A_198, %parallel_loop3A_178 : vector<16xf32>
          %parallel_loop3A_204 = arith.index_cast %parallel_loop3A_173 : i32 to index
          %parallel_loop3A_205 = arith.constant 64 : index
          %parallel_loop3A_206 = tpu.vector_load %arg22[%parallel_loop3A_204, %parallel_loop3A_205] {strides = array<i32>} : memref<80x128xf32, #tpu.memory_space<vmem>>, vector<16xf32>,
          tpu.vector_store %arg22[%parallel_loop3A_204, %parallel_loop3A_205], %parallel_loop3A_203 {strides = array<i32>} : memref<80x128xf32, #tpu.memory_space<vmem>>, vector<16xf32>,
          %parallel_loop3A_207 = arith.index_cast %parallel_loop3A_173 : i32 to index
          %parallel_loop3A_208 = arith.constant 16 : index
          %parallel_loop3A_209 = tpu.vector_load %arg22[%parallel_loop3A_207, %parallel_loop3A_208] {strides = array<i32>} : memref<80x128xf32, #tpu.memory_space<vmem>>, vector<16xf32>,
          %parallel_loop3A_210 = arith.index_cast %parallel_loop3A_173 : i32 to index
          %parallel_loop3A_211 = arith.constant 80 : index
          %parallel_loop3A_212 = tpu.vector_load %arg22[%parallel_loop3A_210, %parallel_loop3A_211] {strides = array<i32>} : memref<80x128xf32, #tpu.memory_space<vmem>>, vector<16xf32>,
          %parallel_loop3A_213 = arith.index_cast %parallel_loop3A_173 : i32 to index
          %parallel_loop3A_214 = arith.constant 16 : index
          %parallel_loop3A_215 = tpu.vector_load %arg24[%parallel_loop3A_213, %parallel_loop3A_214] {strides = array<i32>} : memref<80x128xf32, #tpu.memory_space<vmem>>, vector<16xf32>,
          %parallel_loop3A_216 = arith.index_cast %parallel_loop3A_173 : i32 to index
          %parallel_loop3A_217 = arith.constant 80 : index
          %parallel_loop3A_218 = tpu.vector_load %arg24[%parallel_loop3A_216, %parallel_loop3A_217] {strides = array<i32>} : memref<80x128xf32, #tpu.memory_space<vmem>>, vector<16xf32>,
          %parallel_loop3A_219 = arith.mulf %parallel_loop3A_209, %parallel_loop3A_215 : vector<16xf32>
          %parallel_loop3A_220 = arith.mulf %parallel_loop3A_212, %parallel_loop3A_218 : vector<16xf32>
          %parallel_loop3A_221 = arith.addf %parallel_loop3A_219, %parallel_loop3A_220 : vector<16xf32>
          %parallel_loop3A_222 = arith.mulf %parallel_loop3A_209, %parallel_loop3A_218 : vector<16xf32>
          %parallel_loop3A_223 = arith.mulf %parallel_loop3A_212, %parallel_loop3A_215 : vector<16xf32>
          %parallel_loop3A_224 = arith.subf %parallel_loop3A_222, %parallel_loop3A_223 : vector<16xf32>
          %parallel_loop3A_225 = arith.mulf %parallel_loop3A_221, %parallel_loop3A_178 : vector<16xf32>
          %parallel_loop3A_226 = arith.index_cast %parallel_loop3A_173 : i32 to index
          %parallel_loop3A_227 = arith.constant 16 : index
          %parallel_loop3A_228 = tpu.vector_load %arg22[%parallel_loop3A_226, %parallel_loop3A_227] {strides = array<i32>} : memref<80x128xf32, #tpu.memory_space<vmem>>, vector<16xf32>,
          tpu.vector_store %arg22[%parallel_loop3A_226, %parallel_loop3A_227], %parallel_loop3A_225 {strides = array<i32>} : memref<80x128xf32, #tpu.memory_space<vmem>>, vector<16xf32>,
          %parallel_loop3A_229 = arith.mulf %parallel_loop3A_224, %parallel_loop3A_178 : vector<16xf32>
          %parallel_loop3A_230 = arith.index_cast %parallel_loop3A_173 : i32 to index
          %parallel_loop3A_231 = arith.constant 80 : index
          %parallel_loop3A_232 = tpu.vector_load %arg22[%parallel_loop3A_230, %parallel_loop3A_231] {strides = array<i32>} : memref<80x128xf32, #tpu.memory_space<vmem>>, vector<16xf32>,
          tpu.vector_store %arg22[%parallel_loop3A_230, %parallel_loop3A_231], %parallel_loop3A_229 {strides = array<i32>} : memref<80x128xf32, #tpu.memory_space<vmem>>, vector<16xf32>,
          %parallel_loop3A_233 = arith.index_cast %parallel_loop3A_173 : i32 to index
          %parallel_loop3A_234 = arith.constant 32 : index
          %parallel_loop3A_235 = tpu.vector_load %arg22[%parallel_loop3A_233, %parallel_loop3A_234] {strides = array<i32>} : memref<80x128xf32, #tpu.memory_space<vmem>>, vector<16xf32>,
          %parallel_loop3A_236 = arith.index_cast %parallel_loop3A_173 : i32 to index
          %parallel_loop3A_237 = arith.constant 96 : index
          %parallel_loop3A_238 = tpu.vector_load %arg22[%parallel_loop3A_236, %parallel_loop3A_237] {strides = array<i32>} : memref<80x128xf32, #tpu.memory_space<vmem>>, vector<16xf32>,
          %parallel_loop3A_239 = arith.index_cast %parallel_loop3A_173 : i32 to index
          %parallel_loop3A_240 = arith.constant 32 : index
          %parallel_loop3A_241 = tpu.vector_load %arg24[%parallel_loop3A_239, %parallel_loop3A_240] {strides = array<i32>} : memref<80x128xf32, #tpu.memory_space<vmem>>, vector<16xf32>,
          %parallel_loop3A_242 = arith.index_cast %parallel_loop3A_173 : i32 to index
          %parallel_loop3A_243 = arith.constant 96 : index
          %parallel_loop3A_244 = tpu.vector_load %arg24[%parallel_loop3A_242, %parallel_loop3A_243] {strides = array<i32>} : memref<80x128xf32, #tpu.memory_space<vmem>>, vector<16xf32>,
          %parallel_loop3A_245 = arith.mulf %parallel_loop3A_235, %parallel_loop3A_241 : vector<16xf32>
          %parallel_loop3A_246 = arith.mulf %parallel_loop3A_238, %parallel_loop3A_244 : vector<16xf32>
          %parallel_loop3A_247 = arith.addf %parallel_loop3A_245, %parallel_loop3A_246 : vector<16xf32>
          %parallel_loop3A_248 = arith.mulf %parallel_loop3A_235, %parallel_loop3A_244 : vector<16xf32>
          %parallel_loop3A_249 = arith.mulf %parallel_loop3A_238, %parallel_loop3A_241 : vector<16xf32>
          %parallel_loop3A_250 = arith.subf %parallel_loop3A_248, %parallel_loop3A_249 : vector<16xf32>
          %parallel_loop3A_251 = arith.mulf %parallel_loop3A_247, %parallel_loop3A_178 : vector<16xf32>
          %parallel_loop3A_252 = arith.index_cast %parallel_loop3A_173 : i32 to index
          %parallel_loop3A_253 = arith.constant 32 : index
          %parallel_loop3A_254 = tpu.vector_load %arg22[%parallel_loop3A_252, %parallel_loop3A_253] {strides = array<i32>} : memref<80x128xf32, #tpu.memory_space<vmem>>, vector<16xf32>,
          tpu.vector_store %arg22[%parallel_loop3A_252, %parallel_loop3A_253], %parallel_loop3A_251 {strides = array<i32>} : memref<80x128xf32, #tpu.memory_space<vmem>>, vector<16xf32>,
          %parallel_loop3A_255 = arith.mulf %parallel_loop3A_250, %parallel_loop3A_178 : vector<16xf32>
          %parallel_loop3A_256 = arith.index_cast %parallel_loop3A_173 : i32 to index
          %parallel_loop3A_257 = arith.constant 96 : index
          %parallel_loop3A_258 = tpu.vector_load %arg22[%parallel_loop3A_256, %parallel_loop3A_257] {strides = array<i32>} : memref<80x128xf32, #tpu.memory_space<vmem>>, vector<16xf32>,
          tpu.vector_store %arg22[%parallel_loop3A_256, %parallel_loop3A_257], %parallel_loop3A_255 {strides = array<i32>} : memref<80x128xf32, #tpu.memory_space<vmem>>, vector<16xf32>,
          %parallel_loop3A_259 = arith.index_cast %parallel_loop3A_173 : i32 to index
          %parallel_loop3A_260 = arith.constant 48 : index
          %parallel_loop3A_261 = tpu.vector_load %arg22[%parallel_loop3A_259, %parallel_loop3A_260] {strides = array<i32>} : memref<80x128xf32, #tpu.memory_space<vmem>>, vector<16xf32>,
          %parallel_loop3A_262 = arith.index_cast %parallel_loop3A_173 : i32 to index
          %parallel_loop3A_263 = arith.constant 112 : index
          %parallel_loop3A_264 = tpu.vector_load %arg22[%parallel_loop3A_262, %parallel_loop3A_263] {strides = array<i32>} : memref<80x128xf32, #tpu.memory_space<vmem>>, vector<16xf32>,
          %parallel_loop3A_265 = arith.index_cast %parallel_loop3A_173 : i32 to index
          %parallel_loop3A_266 = arith.constant 48 : index
          %parallel_loop3A_267 = tpu.vector_load %arg24[%parallel_loop3A_265, %parallel_loop3A_266] {strides = array<i32>} : memref<80x128xf32, #tpu.memory_space<vmem>>, vector<16xf32>,
          %parallel_loop3A_268 = arith.index_cast %parallel_loop3A_173 : i32 to index
          %parallel_loop3A_269 = arith.constant 112 : index
          %parallel_loop3A_270 = tpu.vector_load %arg24[%parallel_loop3A_268, %parallel_loop3A_269] {strides = array<i32>} : memref<80x128xf32, #tpu.memory_space<vmem>>, vector<16xf32>,
          %parallel_loop3A_271 = arith.mulf %parallel_loop3A_261, %parallel_loop3A_267 : vector<16xf32>
          %parallel_loop3A_272 = arith.mulf %parallel_loop3A_264, %parallel_loop3A_270 : vector<16xf32>
          %parallel_loop3A_273 = arith.addf %parallel_loop3A_271, %parallel_loop3A_272 : vector<16xf32>
          %parallel_loop3A_274 = arith.mulf %parallel_loop3A_261, %parallel_loop3A_270 : vector<16xf32>
          %parallel_loop3A_275 = arith.mulf %parallel_loop3A_264, %parallel_loop3A_267 : vector<16xf32>
          %parallel_loop3A_276 = arith.subf %parallel_loop3A_274, %parallel_loop3A_275 : vector<16xf32>
          %parallel_loop3A_277 = arith.mulf %parallel_loop3A_273, %parallel_loop3A_178 : vector<16xf32>
          %parallel_loop3A_278 = arith.index_cast %parallel_loop3A_173 : i32 to index
          %parallel_loop3A_279 = arith.constant 48 : index
          %parallel_loop3A_280 = tpu.vector_load %arg22[%parallel_loop3A_278, %parallel_loop3A_279] {strides = array<i32>} : memref<80x128xf32, #tpu.memory_space<vmem>>, vector<16xf32>,
          tpu.vector_store %arg22[%parallel_loop3A_278, %parallel_loop3A_279], %parallel_loop3A_277 {strides = array<i32>} : memref<80x128xf32, #tpu.memory_space<vmem>>, vector<16xf32>,
          %parallel_loop3A_281 = arith.mulf %parallel_loop3A_276, %parallel_loop3A_178 : vector<16xf32>
          %parallel_loop3A_282 = arith.index_cast %parallel_loop3A_173 : i32 to index
          %parallel_loop3A_283 = arith.constant 112 : index
          %parallel_loop3A_284 = tpu.vector_load %arg22[%parallel_loop3A_282, %parallel_loop3A_283] {strides = array<i32>} : memref<80x128xf32, #tpu.memory_space<vmem>>, vector<16xf32>,
          tpu.vector_store %arg22[%parallel_loop3A_282, %parallel_loop3A_283], %parallel_loop3A_281 {strides = array<i32>} : memref<80x128xf32, #tpu.memory_space<vmem>>, vector<16xf32>,
        } {sc.loop_unroll_factor = 4 : i64, sc.parallel_access}
        "tpu.region"() ({
          %run_scoped3A = tpu.sem_alloc : memref<!tpu.dma_semaphore, #tpu.memory_space<semaphore_mem>>
          %dma_start3A_173 = arith.constant 0 : i32
          %dma_start3A_174 = arith.constant 0 : i32
          %dma_start3A_175 = tpu.memref_slice %arg10[%dma_start3A_173, %dma_start3A_174] : memref<10112x128xf32, #tpu.memory_space<vmem_shared>> -> memref<10112x128xf32, #tpu.memory_space<vmem_shared>>
          tpu.enqueue_indirect_dma source(%arg22 : memref<80x128xf32, #tpu.memory_space<vmem>>) target(%dma_start3A_175 : memref<10112x128xf32, #tpu.memory_space<vmem_shared>>) offsets(%arg18 : memref<80xi32, #tpu.memory_space<vmem>>) semaphore(%run_scoped3A : memref<!tpu.dma_semaphore, #tpu.memory_space<semaphore_mem>>) {add = true}
          %dma_wait3A_176 = arith.constant 0 : i32
          %dma_wait3A_177 = arith.constant 0 : i32
          %dma_wait3A_178 = tpu.memref_slice %arg10[%dma_wait3A_176, %dma_wait3A_177] : memref<10112x128xf32, #tpu.memory_space<vmem_shared>> -> memref<10112x128xf32, #tpu.memory_space<vmem_shared>>
          tpu.wait_indirect_dma semaphore(%run_scoped3A : memref<!tpu.dma_semaphore, #tpu.memory_space<semaphore_mem>>) src(%arg22 : memref<80x128xf32, #tpu.memory_space<vmem>>) dst(%dma_wait3A_178 : memref<10112x128xf32, #tpu.memory_space<vmem_shared>>)
          tpu.yield
        }) : () -> ()
        %add3A_166 = arith.constant 2 : i32
        %add3A_167 = arith.addi %add3A_145, %add3A_166 : i32
        %lt3A_168 = arith.constant 125 : i32
        %lt3A_169 = arith.cmpi slt, %add3A_167, %lt3A_168 : i32
        %convert_element_type3A_170 = arith.extui %lt3A_169 : i1 to i32
        %cond3A_171 = arith.constant 0 : i32
        %cond3A_172 = arith.cmpi ne, %convert_element_type3A_170, %cond3A_171 : i32
        scf.if %cond3A_172 {
          %add3A_173 = arith.constant 2 : i32
          %add3A_174 = arith.addi %add3A_145, %add3A_173 : i32
          %dma_start3A_175 = arith.constant 0 : i32
          %dma_start3A_176 = tpu.memref_slice %arg4[%arg0, %arg1, %add3A_174, %dma_start3A_175] : memref<2x16x125x80xi32, #tpu.memory_space<hbm>> -> memref<1x1x1x80xi32, #tpu.memory_space<hbm>>
          %dma_start3A_177 = tpu.memref_squeeze %dma_start3A_176 : memref<1x1x1x80xi32, #tpu.memory_space<hbm>> -> memref<80xi32, #tpu.memory_space<hbm>>
          %dma_start3A_178 = arith.constant 0 : i32
          %dma_start3A_179 = tpu.memref_slice %arg4[%arg0, %arg1, %add3A_174, %dma_start3A_178] : memref<2x16x125x80xi32, #tpu.memory_space<hbm>> -> memref<1x1x1x80xi32, #tpu.memory_space<hbm>>
          %dma_start3A_180 = tpu.memref_squeeze %dma_start3A_179 : memref<1x1x1x80xi32, #tpu.memory_space<hbm>> -> memref<80xi32, #tpu.memory_space<hbm>>
          tpu.enqueue_dma source(%dma_start3A_180 : memref<80xi32, #tpu.memory_space<hbm>>) target(%arg12 : memref<80xi32, #tpu.memory_space<vmem>>) target_semaphore(%arg26 : memref<!tpu.dma_semaphore, #tpu.memory_space<semaphore_mem>>)
          %dma_start3A_181 = arith.constant 0 : i32
          %dma_start3A_182 = tpu.memref_slice %arg6[%arg0, %arg1, %add3A_174, %dma_start3A_181] : memref<2x16x125x80xi32, #tpu.memory_space<hbm>> -> memref<1x1x1x80xi32, #tpu.memory_space<hbm>>
          %dma_start3A_183 = tpu.memref_squeeze %dma_start3A_182 : memref<1x1x1x80xi32, #tpu.memory_space<hbm>> -> memref<80xi32, #tpu.memory_space<hbm>>
          %dma_start3A_184 = arith.constant 0 : i32
          %dma_start3A_185 = tpu.memref_slice %arg6[%arg0, %arg1, %add3A_174, %dma_start3A_184] : memref<2x16x125x80xi32, #tpu.memory_space<hbm>> -> memref<1x1x1x80xi32, #tpu.memory_space<hbm>>
          %dma_start3A_186 = tpu.memref_squeeze %dma_start3A_185 : memref<1x1x1x80xi32, #tpu.memory_space<hbm>> -> memref<80xi32, #tpu.memory_space<hbm>>
          tpu.enqueue_dma source(%dma_start3A_186 : memref<80xi32, #tpu.memory_space<hbm>>) target(%arg14 : memref<80xi32, #tpu.memory_space<vmem>>) target_semaphore(%arg26 : memref<!tpu.dma_semaphore, #tpu.memory_space<semaphore_mem>>)
          %dma_start3A_187 = arith.constant 0 : i32
          %dma_start3A_188 = tpu.memref_slice %arg5[%arg0, %arg1, %add3A_174, %dma_start3A_187] : memref<2x16x125x80xi32, #tpu.memory_space<hbm>> -> memref<1x1x1x80xi32, #tpu.memory_space<hbm>>
          %dma_start3A_189 = tpu.memref_squeeze %dma_start3A_188 : memref<1x1x1x80xi32, #tpu.memory_space<hbm>> -> memref<80xi32, #tpu.memory_space<hbm>>
          %dma_start3A_190 = arith.constant 0 : i32
          %dma_start3A_191 = tpu.memref_slice %arg5[%arg0, %arg1, %add3A_174, %dma_start3A_190] : memref<2x16x125x80xi32, #tpu.memory_space<hbm>> -> memref<1x1x1x80xi32, #tpu.memory_space<hbm>>
          %dma_start3A_192 = tpu.memref_squeeze %dma_start3A_191 : memref<1x1x1x80xi32, #tpu.memory_space<hbm>> -> memref<80xi32, #tpu.memory_space<hbm>>
          tpu.enqueue_dma source(%dma_start3A_192 : memref<80xi32, #tpu.memory_space<hbm>>) target(%arg16 : memref<80xi32, #tpu.memory_space<vmem>>) target_semaphore(%arg26 : memref<!tpu.dma_semaphore, #tpu.memory_space<semaphore_mem>>)
          %dma_start3A_193 = arith.constant 0 : i32
          %dma_start3A_194 = tpu.memref_slice %arg7[%arg0, %arg1, %add3A_174, %dma_start3A_193] : memref<2x16x125x80xf32, #tpu.memory_space<hbm>> -> memref<1x1x1x80xf32, #tpu.memory_space<hbm>>
          %dma_start3A_195 = tpu.memref_squeeze %dma_start3A_194 : memref<1x1x1x80xf32, #tpu.memory_space<hbm>> -> memref<80xf32, #tpu.memory_space<hbm>>
          %dma_start3A_196 = arith.constant 0 : i32
          %dma_start3A_197 = tpu.memref_slice %arg7[%arg0, %arg1, %add3A_174, %dma_start3A_196] : memref<2x16x125x80xf32, #tpu.memory_space<hbm>> -> memref<1x1x1x80xf32, #tpu.memory_space<hbm>>
          %dma_start3A_198 = tpu.memref_squeeze %dma_start3A_197 : memref<1x1x1x80xf32, #tpu.memory_space<hbm>> -> memref<80xf32, #tpu.memory_space<hbm>>
          tpu.enqueue_dma source(%dma_start3A_198 : memref<80xf32, #tpu.memory_space<hbm>>) target(%arg20 : memref<80xf32, #tpu.memory_space<vmem>>) target_semaphore(%arg26 : memref<!tpu.dma_semaphore, #tpu.memory_space<semaphore_mem>>)
        } else {
        }
      } else {
      }
    }
    %scan3A_92 = arith.constant 32 : i32
    %barrier3A_93 = arith.constant 0 : index
    tpu.barrier barrier_id(%barrier3A_93)
    %mul3A_94 = arith.constant 632 : i32
    %mul3A_95 = arith.muli %arg1, %mul3A_94 : i32
    %mul3A_96 = arith.constant 632 : i32
    %mul3A_97 = arith.muli %arg1, %mul3A_96 : i32
    "tpu.region"() ({
      %run_scoped3A = tpu.sem_alloc : memref<!tpu.dma_semaphore, #tpu.memory_space<semaphore_mem>>
      %dma_start3A_98 = arith.constant 0 : i32
      %dma_start3A_99 = tpu.memref_slice %arg9[%arg0, %mul3A_97, %dma_start3A_98] : memref<2x10112x128xf32, #tpu.memory_space<hbm>> -> memref<1x632x128xf32, #tpu.memory_space<hbm>>
      %dma_start3A_100 = tpu.memref_squeeze %dma_start3A_99 : memref<1x632x128xf32, #tpu.memory_space<hbm>> -> memref<632x128xf32, #tpu.memory_space<hbm>>
      %dma_start3A_101 = arith.constant 0 : i32
      %dma_start3A_102 = tpu.memref_slice %arg10[%mul3A_95, %dma_start3A_101] : memref<10112x128xf32, #tpu.memory_space<vmem_shared>> -> memref<632x128xf32, #tpu.memory_space<vmem_shared>>
      tpu.enqueue_dma source(%dma_start3A_102 : memref<632x128xf32, #tpu.memory_space<vmem_shared>>) target(%dma_start3A_100 : memref<632x128xf32, #tpu.memory_space<hbm>>) target_semaphore(%run_scoped3A : memref<!tpu.dma_semaphore, #tpu.memory_space<semaphore_mem>>)
      %dma_wait3A_103 = arith.constant 0 : i32
      %dma_wait3A_104 = tpu.memref_slice %arg9[%arg0, %mul3A_97, %dma_wait3A_103] : memref<2x10112x128xf32, #tpu.memory_space<hbm>> -> memref<1x632x128xf32, #tpu.memory_space<hbm>>
      %dma_wait3A_105 = tpu.memref_squeeze %dma_wait3A_104 : memref<1x632x128xf32, #tpu.memory_space<hbm>> -> memref<632x128xf32, #tpu.memory_space<hbm>>
      %dma_wait3A_106 = arith.constant 0 : i32
      %dma_wait3A_107 = tpu.memref_slice %arg10[%mul3A_95, %dma_wait3A_106] : memref<10112x128xf32, #tpu.memory_space<vmem_shared>> -> memref<632x128xf32, #tpu.memory_space<vmem_shared>>
      tpu.wait_dma2 semaphore(%run_scoped3A : memref<!tpu.dma_semaphore, #tpu.memory_space<semaphore_mem>>) src(%dma_wait3A_107 : memref<632x128xf32, #tpu.memory_space<vmem_shared>>) dst(%dma_wait3A_105 : memref<632x128xf32, #tpu.memory_space<hbm>>)
      tpu.yield
    }) : () -> ()
    return
  }
}

module attributes {stable_mosaic.version = 14 : i64} {
  func.func @_pre_body(%arg0: memref<10000x128xf32, #tpu.memory_space<vmem>>, %arg1: memref<200x128xf32, #tpu.memory_space<vmem>>, %arg2: memref<128x128xf32, #tpu.memory_space<vmem>>, %arg3: memref<128x128xf32, #tpu.memory_space<vmem>>, %arg4: memref<10000x128xf32, #tpu.memory_space<vmem>>, %arg5: memref<200x128xf32, #tpu.memory_space<vmem>>, %arg6: memref<200x128xf32, #tpu.memory_space<vmem>>) attributes {dimension_semantics = [], scalar_prefetch = 0 : i64, scratch_operands = 0 : i64, tpu.core_type = #tpu.core_type<tc>} {
    %get3A = arith.constant 0 : index
    %get3A_0 = arith.constant 0 : index
    %get3A_1 = vector.load %arg2[%get3A, %get3A_0] : memref<128x128xf32, #tpu.memory_space<vmem>>, vector<128x128xf32>
    %get3A_2 = arith.constant 0 : index
    %get3A_3 = arith.constant 0 : index
    %get3A_4 = vector.load %arg0[%get3A_2, %get3A_3] : memref<10000x128xf32, #tpu.memory_space<vmem>>, vector<10000x128xf32>
    %dot_general3A = arith.constant dense<0.000000e+00> : vector<10000x128xf32>
    %dot_general3A_5 = tpu.matmul %get3A_4, %get3A_1, %dot_general3A {dimension_numbers = #tpu.dot_dimension_numbers<[1], [0], [0], [1], [0, 0, 1, 1], [], []>, precision = #tpu.contract_precision<fp32>, transpose_lhs_hint = false} : vector<10000x128xf32>, vector<128x128xf32>, vector<10000x128xf32> -> vector<10000x128xf32>
    %swap3A = arith.constant 0 : index
    %swap3A_6 = arith.constant 0 : index
    %swap3A_7 = vector.load %arg4[%swap3A, %swap3A_6] : memref<10000x128xf32, #tpu.memory_space<vmem>>, vector<10000x128xf32>
    tpu.vector_store %arg4[%swap3A, %swap3A_6], %dot_general3A_5 {strides = array<i32>} : memref<10000x128xf32, #tpu.memory_space<vmem>>, vector<10000x128xf32>,
    %get3A_8 = arith.constant 0 : index
    %get3A_9 = arith.constant 0 : index
    %get3A_10 = vector.load %arg1[%get3A_8, %get3A_9] : memref<200x128xf32, #tpu.memory_space<vmem>>, vector<200x128xf32>
    %dot_general3A_11 = arith.constant dense<0.000000e+00> : vector<200x128xf32>
    %dot_general3A_12 = tpu.matmul %get3A_10, %get3A_1, %dot_general3A_11 {dimension_numbers = #tpu.dot_dimension_numbers<[1], [0], [0], [1], [0, 0, 1, 1], [], []>, precision = #tpu.contract_precision<fp32>, transpose_lhs_hint = false} : vector<200x128xf32>, vector<128x128xf32>, vector<200x128xf32> -> vector<200x128xf32>
    %swap3A_13 = arith.constant 0 : index
    %swap3A_14 = arith.constant 0 : index
    %swap3A_15 = vector.load %arg5[%swap3A_13, %swap3A_14] : memref<200x128xf32, #tpu.memory_space<vmem>>, vector<200x128xf32>
    tpu.vector_store %arg5[%swap3A_13, %swap3A_14], %dot_general3A_12 {strides = array<i32>} : memref<200x128xf32, #tpu.memory_space<vmem>>, vector<200x128xf32>,
    %get3A_16 = arith.constant 0 : index
    %get3A_17 = arith.constant 0 : index
    %get3A_18 = vector.load %arg1[%get3A_16, %get3A_17] : memref<200x128xf32, #tpu.memory_space<vmem>>, vector<200x128xf32>
    %get3A_19 = arith.constant 0 : index
    %get3A_20 = arith.constant 0 : index
    %get3A_21 = vector.load %arg3[%get3A_19, %get3A_20] : memref<128x128xf32, #tpu.memory_space<vmem>>, vector<128x128xf32>
    %dot_general3A_22 = arith.constant dense<0.000000e+00> : vector<200x128xf32>
    %dot_general3A_23 = tpu.matmul %get3A_18, %get3A_21, %dot_general3A_22 {dimension_numbers = #tpu.dot_dimension_numbers<[1], [0], [0], [1], [0, 0, 1, 1], [], []>, precision = #tpu.contract_precision<fp32>, transpose_lhs_hint = false} : vector<200x128xf32>, vector<128x128xf32>, vector<200x128xf32> -> vector<200x128xf32>
    %swap3A_24 = arith.constant 0 : index
    %swap3A_25 = arith.constant 0 : index
    %swap3A_26 = vector.load %arg6[%swap3A_24, %swap3A_25] : memref<200x128xf32, #tpu.memory_space<vmem>>, vector<200x128xf32>
    tpu.vector_store %arg6[%swap3A_24, %swap3A_25], %dot_general3A_23 {strides = array<i32>} : memref<200x128xf32, #tpu.memory_space<vmem>>, vector<200x128xf32>,
    return
  }
}

module attributes {stable_mosaic.version = 14 : i64} {
  func.func @_post_body(%arg0: i32, %arg1: i32, %arg2: memref<1000x128xf32, #tpu.memory_space<vmem>>, %arg3: memref<1000x128xf32, #tpu.memory_space<vmem>>, %arg4: memref<1000x128xf32, #tpu.memory_space<vmem>>, %arg5: memref<128x128xf32, #tpu.memory_space<vmem>>, %arg6: memref<128x128xf32, #tpu.memory_space<vmem>>, %arg7: memref<128x128xf32, #tpu.memory_space<vmem>>, %arg8: memref<128x128xf32, #tpu.memory_space<vmem>>, %arg9: memref<128x128xf32, #tpu.memory_space<vmem>>, %arg10: memref<1x128xf32, #tpu.memory_space<vmem>>, %arg11: memref<1x128xf32, #tpu.memory_space<vmem>>, %arg12: memref<1x128xf32, #tpu.memory_space<vmem>>, %arg13: memref<1x128xf32, #tpu.memory_space<vmem>>, %arg14: memref<1000x128xf32, #tpu.memory_space<vmem>>, %arg15: memref<10000x128xf32, #tpu.memory_space<vmem>>, %arg16: memref<8x128xf32, #tpu.memory_space<vmem>>) attributes {dimension_semantics = [#tpu.dimension_semantics<arbitrary>, #tpu.dimension_semantics<arbitrary>], iteration_bounds = array<i64: 2, 10>, scalar_prefetch = 0 : i64, scratch_operands = 2 : i64, tpu.core_type = #tpu.core_type<tc>, window_params = [{transform_indices = @transform_0, window_bounds = array<i64: 1000, 128>}, {transform_indices = @transform_1, window_bounds = array<i64: 1000, 128>}, {transform_indices = @transform_2, window_bounds = array<i64: 1000, 128>}, {pipeline_mode = #tpu.pipeline_mode<synchronous>, transform_indices = @transform_3, window_bounds = array<i64: 128, 128>}, {pipeline_mode = #tpu.pipeline_mode<synchronous>, transform_indices = @transform_4, window_bounds = array<i64: 128, 128>}, {pipeline_mode = #tpu.pipeline_mode<synchronous>, transform_indices = @transform_5, window_bounds = array<i64: 128, 128>}, {pipeline_mode = #tpu.pipeline_mode<synchronous>, transform_indices = @transform_6, window_bounds = array<i64: 128, 128>}, {pipeline_mode = #tpu.pipeline_mode<synchronous>, transform_indices = @transform_7, window_bounds = array<i64: 128, 128>}, {pipeline_mode = #tpu.pipeline_mode<synchronous>, transform_indices = @transform_8, window_bounds = array<i64: 1, 128>}, {pipeline_mode = #tpu.pipeline_mode<synchronous>, transform_indices = @transform_9, window_bounds = array<i64: 1, 128>}, {pipeline_mode = #tpu.pipeline_mode<synchronous>, transform_indices = @transform_10, window_bounds = array<i64: 1, 128>}, {pipeline_mode = #tpu.pipeline_mode<synchronous>, transform_indices = @transform_11, window_bounds = array<i64: 1, 128>}, {transform_indices = @transform_12, window_bounds = array<i64: 1000, 128>}]} {
    %eq3A = arith.constant 0 : i32
    %eq3A_0 = arith.cmpi eq, %arg0, %eq3A : i32
    %convert_element_type3A = arith.extui %eq3A_0 : i1 to i32
    %cond3A = arith.constant 0 : i32
    %cond3A_1 = arith.cmpi ne, %convert_element_type3A, %cond3A : i32
    scf.if %cond3A_1 {
      %get3A = arith.constant 0 : index
      %get3A_7 = arith.constant 0 : index
      %get3A_8 = vector.load %arg5[%get3A, %get3A_7] : memref<128x128xf32, #tpu.memory_space<vmem>>, vector<128x128xf32>
      %get3A_9 = arith.constant 0 : index
      %get3A_10 = arith.constant 0 : index
      %get3A_11 = vector.load %arg7[%get3A_9, %get3A_10] : memref<128x128xf32, #tpu.memory_space<vmem>>, vector<128x128xf32>
      %dot_general3A = arith.constant dense<0.000000e+00> : vector<128x128xf32>
      %dot_general3A_12 = tpu.matmul %get3A_8, %get3A_11, %dot_general3A {dimension_numbers = #tpu.dot_dimension_numbers<[1], [0], [0], [1], [0, 0, 1, 1], [], []>, precision = #tpu.contract_precision<fp32>, transpose_lhs_hint = false} : vector<128x128xf32>, vector<128x128xf32>, vector<128x128xf32> -> vector<128x128xf32>
      %get3A_13 = arith.constant 0 : index
      %get3A_14 = arith.constant 0 : index
      %get3A_15 = vector.load %arg8[%get3A_13, %get3A_14] : memref<128x128xf32, #tpu.memory_space<vmem>>, vector<128x128xf32>
      %dot_general3A_16 = arith.constant dense<0.000000e+00> : vector<128x128xf32>
      %dot_general3A_17 = tpu.matmul %get3A_8, %get3A_15, %dot_general3A_16 {dimension_numbers = #tpu.dot_dimension_numbers<[1], [0], [0], [1], [0, 0, 1, 1], [], []>, precision = #tpu.contract_precision<fp32>, transpose_lhs_hint = false} : vector<128x128xf32>, vector<128x128xf32>, vector<128x128xf32> -> vector<128x128xf32>
      %get3A_18 = arith.constant 0 : index
      %get3A_19 = arith.constant 0 : index
      %get3A_20 = vector.load %arg9[%get3A_18, %get3A_19] : memref<128x128xf32, #tpu.memory_space<vmem>>, vector<128x128xf32>
      %dot_general3A_21 = arith.constant dense<0.000000e+00> : vector<128x128xf32>
      %dot_general3A_22 = tpu.matmul %get3A_8, %get3A_20, %dot_general3A_21 {dimension_numbers = #tpu.dot_dimension_numbers<[1], [0], [0], [1], [0, 0, 1, 1], [], []>, precision = #tpu.contract_precision<fp32>, transpose_lhs_hint = false} : vector<128x128xf32>, vector<128x128xf32>, vector<128x128xf32> -> vector<128x128xf32>
      %get3A_23 = arith.constant 0 : index
      %get3A_24 = arith.constant 0 : index
      %get3A_25 = vector.load %arg10[%get3A_23, %get3A_24] : memref<1x128xf32, #tpu.memory_space<vmem>>, vector<1x128xf32>
      %get3A_26 = arith.constant 0 : index
      %get3A_27 = arith.constant 0 : index
      %get3A_28 = vector.load %arg6[%get3A_26, %get3A_27] : memref<128x128xf32, #tpu.memory_space<vmem>>, vector<128x128xf32>
      %dot_general3A_29 = arith.constant dense<0.000000e+00> : vector<1x128xf32>
      %dot_general3A_30 = tpu.matmul %get3A_25, %get3A_28, %dot_general3A_29 {dimension_numbers = #tpu.dot_dimension_numbers<[1], [0], [0], [1], [0, 0, 1, 1], [], []>, precision = #tpu.contract_precision<fp32>, transpose_lhs_hint = false} : vector<1x128xf32>, vector<128x128xf32>, vector<1x128xf32> -> vector<1x128xf32>
      %slice3A = vector.extract_strided_slice %dot_general3A_30 {offsets = [0, 0], sizes = [1, 64], strides = [1, 1]} : vector<1x128xf32> to vector<1x64xf32>
      %slice3A_31 = vector.extract_strided_slice %dot_general3A_30 {offsets = [0, 64], sizes = [1, 64], strides = [1, 1]} : vector<1x128xf32> to vector<1x64xf32>
      %get3A_32 = arith.constant 0 : index
      %get3A_33 = arith.constant 0 : index
      %get3A_34 = vector.load %arg4[%get3A_32, %get3A_33] : memref<1000x128xf32, #tpu.memory_space<vmem>>, vector<1000x128xf32>
      %slice3A_35 = vector.extract_strided_slice %get3A_34 {offsets = [0, 0], sizes = [1000, 64], strides = [1, 1]} : vector<1000x128xf32> to vector<1000x64xf32>
      %slice3A_36 = vector.extract_strided_slice %get3A_34 {offsets = [0, 64], sizes = [1000, 64], strides = [1, 1]} : vector<1000x128xf32> to vector<1000x64xf32>
      %mul3A = vector.broadcast %slice3A : vector<1x64xf32> to vector<1000x64xf32>
      %mul3A_37 = arith.mulf %slice3A_35, %mul3A : vector<1000x64xf32>
      %mul3A_38 = vector.broadcast %slice3A_31 : vector<1x64xf32> to vector<1000x64xf32>
      %mul3A_39 = arith.mulf %slice3A_36, %mul3A_38 : vector<1000x64xf32>
      %add3A = arith.addf %mul3A_37, %mul3A_39 : vector<1000x64xf32>
      %mul3A_40 = vector.broadcast %slice3A_31 : vector<1x64xf32> to vector<1000x64xf32>
      %mul3A_41 = arith.mulf %slice3A_35, %mul3A_40 : vector<1000x64xf32>
      %mul3A_42 = vector.broadcast %slice3A : vector<1x64xf32> to vector<1000x64xf32>
      %mul3A_43 = arith.mulf %slice3A_36, %mul3A_42 : vector<1000x64xf32>
      %sub3A = arith.subf %mul3A_41, %mul3A_43 : vector<1000x64xf32>
      %iota3A = tpu.iota {dimensions = array<i32: 1>} : vector<1x64xi32>
      %eq3A_44 = arith.constant 0 : i32
      %eq3A_45 = vector.broadcast %eq3A_44 : i32 to vector<1x64xi32>
      %eq3A_46 = arith.cmpi eq, %iota3A, %eq3A_45 : vector<1x64xi32>
      %mul3A_47 = vector.broadcast %slice3A : vector<1x64xf32> to vector<1000x64xf32>
      %mul3A_48 = arith.mulf %slice3A_35, %mul3A_47 : vector<1000x64xf32>
      %broadcast_in_dim3A = vector.shape_cast %eq3A_46 : vector<1x64xi1> to vector<1x64xi1>
      %broadcast_in_dim3A_49 = vector.broadcast %broadcast_in_dim3A : vector<1x64xi1> to vector<1000x64xi1>
      %select_n3A = arith.select %broadcast_in_dim3A_49, %mul3A_48, %add3A : vector<1000x64xi1>, vector<1000x64xf32>
      %mul3A_50 = vector.broadcast %slice3A_31 : vector<1x64xf32> to vector<1000x64xf32>
      %mul3A_51 = arith.mulf %slice3A_36, %mul3A_50 : vector<1000x64xf32>
      %broadcast_in_dim3A_52 = vector.shape_cast %eq3A_46 : vector<1x64xi1> to vector<1x64xi1>
      %broadcast_in_dim3A_53 = vector.broadcast %broadcast_in_dim3A_52 : vector<1x64xi1> to vector<1000x64xi1>
      %select_n3A_54 = arith.select %broadcast_in_dim3A_53, %mul3A_51, %sub3A : vector<1000x64xi1>, vector<1000x64xf32>
      %concatenate3A = tpu.concatenate %select_n3A, %select_n3A_54 in 1 : vector<1000x64xf32>, vector<1000x64xf32> -> vector<1000x128xf32>
      %get3A_55 = arith.constant 0 : index
      %get3A_56 = arith.constant 0 : index
      %get3A_57 = vector.load %arg2[%get3A_55, %get3A_56] : memref<1000x128xf32, #tpu.memory_space<vmem>>, vector<1000x128xf32>
      %dot_general3A_58 = arith.constant dense<0.000000e+00> : vector<1000x128xf32>
      %dot_general3A_59 = tpu.matmul %get3A_57, %dot_general3A_12, %dot_general3A_58 {dimension_numbers = #tpu.dot_dimension_numbers<[1], [0], [0], [1], [0, 0, 1, 1], [], []>, precision = #tpu.contract_precision<fp32>, transpose_lhs_hint = false} : vector<1000x128xf32>, vector<128x128xf32>, vector<1000x128xf32> -> vector<1000x128xf32>
      %get3A_60 = arith.constant 0 : index
      %get3A_61 = arith.constant 0 : index
      %get3A_62 = vector.load %arg3[%get3A_60, %get3A_61] : memref<1000x128xf32, #tpu.memory_space<vmem>>, vector<1000x128xf32>
      %dot_general3A_63 = arith.constant dense<0.000000e+00> : vector<1000x128xf32>
      %dot_general3A_64 = tpu.matmul %get3A_62, %dot_general3A_17, %dot_general3A_63 {dimension_numbers = #tpu.dot_dimension_numbers<[1], [0], [0], [1], [0, 0, 1, 1], [], []>, precision = #tpu.contract_precision<fp32>, transpose_lhs_hint = false} : vector<1000x128xf32>, vector<128x128xf32>, vector<1000x128xf32> -> vector<1000x128xf32>
      %add3A_65 = arith.addf %dot_general3A_59, %dot_general3A_64 : vector<1000x128xf32>
      %dot_general3A_66 = arith.constant dense<0.000000e+00> : vector<1000x128xf32>
      %dot_general3A_67 = tpu.matmul %concatenate3A, %dot_general3A_22, %dot_general3A_66 {dimension_numbers = #tpu.dot_dimension_numbers<[1], [0], [0], [1], [0, 0, 1, 1], [], []>, precision = #tpu.contract_precision<fp32>, transpose_lhs_hint = false} : vector<1000x128xf32>, vector<128x128xf32>, vector<1000x128xf32> -> vector<1000x128xf32>
      %add3A_68 = arith.addf %add3A_65, %dot_general3A_67 : vector<1000x128xf32>
      %div3A = arith.constant 3.000000e+00 : f32
      %div3A_69 = vector.broadcast %div3A : f32 to vector<1000x128xf32>
      %div3A_70 = arith.divf %add3A_68, %div3A_69 : vector<1000x128xf32>
      %get3A_71 = arith.constant 0 : index
      %get3A_72 = arith.constant 0 : index
      %get3A_73 = vector.load %arg11[%get3A_71, %get3A_72] : memref<1x128xf32, #tpu.memory_space<vmem>>, vector<1x128xf32>
      %add3A_74 = vector.broadcast %get3A_73 : vector<1x128xf32> to vector<1000x128xf32>
      %add3A_75 = arith.addf %div3A_70, %add3A_74 : vector<1000x128xf32>
      %mul3A_76 = arith.constant 1000 : i32
      %mul3A_77 = arith.muli %arg1, %mul3A_76 : i32
      %swap3A = arith.index_cast %mul3A_77 : i32 to index
      %swap3A_78 = arith.constant 0 : index
      %swap3A_79 = vector.load %arg15[%swap3A, %swap3A_78] : memref<10000x128xf32, #tpu.memory_space<vmem>>, vector<1000x128xf32>
      tpu.vector_store %arg15[%swap3A, %swap3A_78], %add3A_75 {strides = array<i32>} : memref<10000x128xf32, #tpu.memory_space<vmem>>, vector<1000x128xf32>,
      %eq3A_80 = arith.constant 0 : i32
      %eq3A_81 = arith.cmpi eq, %arg1, %eq3A_80 : i32
      %convert_element_type3A_82 = arith.extui %eq3A_81 : i1 to i32
      %cond3A_83 = arith.constant 0 : i32
      %cond3A_84 = arith.cmpi ne, %convert_element_type3A_82, %cond3A_83 : i32
      scf.if %cond3A_84 {
        %broadcast_in_dim3A_101 = arith.constant 0.000000e+00 : f32
        %broadcast_in_dim3A_102 = vector.broadcast %broadcast_in_dim3A_101 : f32 to vector<8x128xf32>
        %swap3A_103 = arith.constant 0 : index
        %swap3A_104 = arith.constant 0 : index
        %swap3A_105 = vector.load %arg16[%swap3A_103, %swap3A_104] : memref<8x128xf32, #tpu.memory_space<vmem>>, vector<8x128xf32>
        tpu.vector_store %arg16[%swap3A_103, %swap3A_104], %broadcast_in_dim3A_102 {strides = array<i32>} : memref<8x128xf32, #tpu.memory_space<vmem>>, vector<8x128xf32>,
      } else {
      }
      %reduce_sum3A = arith.constant dense<0.000000e+00> : vector<128xf32>
      %reduce_sum3A_85 = vector.multi_reduction <add>, %add3A_75, %reduce_sum3A [0] : vector<1000x128xf32> to vector<128xf32>
      %broadcast_in_dim3A_86 = vector.shape_cast %reduce_sum3A_85 : vector<128xf32> to vector<1x128xf32>
      %mul3A_87 = arith.mulf %add3A_75, %add3A_75 : vector<1000x128xf32>
      %reduce_sum3A_88 = arith.constant dense<0.000000e+00> : vector<128xf32>
      %reduce_sum3A_89 = vector.multi_reduction <add>, %mul3A_87, %reduce_sum3A_88 [0] : vector<1000x128xf32> to vector<128xf32>
      %broadcast_in_dim3A_90 = vector.shape_cast %reduce_sum3A_89 : vector<128xf32> to vector<1x128xf32>
      %broadcast_in_dim3A_91 = arith.constant 0.000000e+00 : f32
      %broadcast_in_dim3A_92 = vector.broadcast %broadcast_in_dim3A_91 : f32 to vector<6x128xf32>
      %concatenate3A_93 = tpu.concatenate %broadcast_in_dim3A_86, %broadcast_in_dim3A_90, %broadcast_in_dim3A_92 in 0 : vector<1x128xf32>, vector<1x128xf32>, vector<6x128xf32> -> vector<8x128xf32>
      %get3A_94 = arith.constant 0 : index
      %get3A_95 = arith.constant 0 : index
      %get3A_96 = vector.load %arg16[%get3A_94, %get3A_95] : memref<8x128xf32, #tpu.memory_space<vmem>>, vector<8x128xf32>
      %add3A_97 = arith.addf %get3A_96, %concatenate3A_93 : vector<8x128xf32>
      %swap3A_98 = arith.constant 0 : index
      %swap3A_99 = arith.constant 0 : index
      %swap3A_100 = vector.load %arg16[%swap3A_98, %swap3A_99] : memref<8x128xf32, #tpu.memory_space<vmem>>, vector<8x128xf32>
      tpu.vector_store %arg16[%swap3A_98, %swap3A_99], %add3A_97 {strides = array<i32>} : memref<8x128xf32, #tpu.memory_space<vmem>>, vector<8x128xf32>,
    } else {
    }
    %eq3A_2 = arith.constant 1 : i32
    %eq3A_3 = arith.cmpi eq, %arg0, %eq3A_2 : i32
    %convert_element_type3A_4 = arith.extui %eq3A_3 : i1 to i32
    %cond3A_5 = arith.constant 0 : i32
    %cond3A_6 = arith.cmpi ne, %convert_element_type3A_4, %cond3A_5 : i32
    scf.if %cond3A_6 {
      %get3A = arith.constant 0 : index
      %get3A_7 = arith.constant 0 : index
      %get3A_8 = vector.load %arg16[%get3A, %get3A_7] : memref<8x128xf32, #tpu.memory_space<vmem>>, vector<1x128xf32>
      %get3A_9 = vector.shape_cast %get3A_8 : vector<1x128xf32> to vector<128xf32>
      %div3A = arith.constant 1.000000e+04 : f32
      %div3A_10 = vector.broadcast %div3A : f32 to vector<128xf32>
      %div3A_11 = arith.divf %get3A_9, %div3A_10 : vector<128xf32>
      %get3A_12 = arith.constant 1 : index
      %get3A_13 = arith.constant 0 : index
      %get3A_14 = vector.load %arg16[%get3A_12, %get3A_13] : memref<8x128xf32, #tpu.memory_space<vmem>>, vector<1x128xf32>
      %get3A_15 = vector.shape_cast %get3A_14 : vector<1x128xf32> to vector<128xf32>
      %div3A_16 = arith.constant 1.000000e+04 : f32
      %div3A_17 = vector.broadcast %div3A_16 : f32 to vector<128xf32>
      %div3A_18 = arith.divf %get3A_15, %div3A_17 : vector<128xf32>
      %mul3A = arith.mulf %div3A_11, %div3A_11 : vector<128xf32>
      %sub3A = arith.subf %div3A_18, %mul3A : vector<128xf32>
      %add3A = arith.constant 9.99999974E-6 : f32
      %add3A_19 = vector.broadcast %add3A : f32 to vector<128xf32>
      %add3A_20 = arith.addf %sub3A, %add3A_19 : vector<128xf32>
      %rsqrt3A = math.rsqrt %add3A_20 : vector<128xf32>
      %get3A_21 = arith.constant 0 : index
      %get3A_22 = arith.constant 0 : index
      %get3A_23 = vector.load %arg12[%get3A_21, %get3A_22] : memref<1x128xf32, #tpu.memory_space<vmem>>, vector<1x128xf32>
      %get3A_24 = vector.shape_cast %get3A_23 : vector<1x128xf32> to vector<128xf32>
      %mul3A_25 = arith.mulf %rsqrt3A, %get3A_24 : vector<128xf32>
      %get3A_26 = arith.constant 0 : index
      %get3A_27 = arith.constant 0 : index
      %get3A_28 = vector.load %arg13[%get3A_26, %get3A_27] : memref<1x128xf32, #tpu.memory_space<vmem>>, vector<1x128xf32>
      %get3A_29 = vector.shape_cast %get3A_28 : vector<1x128xf32> to vector<128xf32>
      %mul3A_30 = arith.mulf %div3A_11, %mul3A_25 : vector<128xf32>
      %sub3A_31 = arith.subf %get3A_29, %mul3A_30 : vector<128xf32>
      %mul3A_32 = arith.constant 1000 : i32
      %mul3A_33 = arith.muli %arg1, %mul3A_32 : i32
      %get3A_34 = arith.index_cast %mul3A_33 : i32 to index
      %get3A_35 = arith.constant 0 : index
      %get3A_36 = vector.load %arg15[%get3A_34, %get3A_35] : memref<10000x128xf32, #tpu.memory_space<vmem>>, vector<1000x128xf32>
      %broadcast_in_dim3A = vector.shape_cast %mul3A_25 : vector<128xf32> to vector<1x128xf32>
      %mul3A_37 = vector.broadcast %broadcast_in_dim3A : vector<1x128xf32> to vector<1000x128xf32>
      %mul3A_38 = arith.mulf %get3A_36, %mul3A_37 : vector<1000x128xf32>
      %broadcast_in_dim3A_39 = vector.shape_cast %sub3A_31 : vector<128xf32> to vector<1x128xf32>
      %add3A_40 = vector.broadcast %broadcast_in_dim3A_39 : vector<1x128xf32> to vector<1000x128xf32>
      %add3A_41 = arith.addf %mul3A_38, %add3A_40 : vector<1000x128xf32>
      %swap3A = arith.constant 0 : index
      %swap3A_42 = arith.constant 0 : index
      %swap3A_43 = vector.load %arg14[%swap3A, %swap3A_42] : memref<1000x128xf32, #tpu.memory_space<vmem>>, vector<1000x128xf32>
      tpu.vector_store %arg14[%swap3A, %swap3A_42], %add3A_41 {strides = array<i32>} : memref<1000x128xf32, #tpu.memory_space<vmem>>, vector<1000x128xf32>,
    } else {
    }
    return
  }
  func.func @transform_0(%arg0: i32, %arg1: i32) -> (i32, i32) {
    %c0_i32 = arith.constant 0 : i32
    %c0_i32_0 = arith.constant 0 : i32
    return %arg1, %c0_i32 : i32, i32
  }
  func.func @transform_1(%arg0: i32, %arg1: i32) -> (i32, i32) {
    %c0_i32 = arith.constant 0 : i32
    %c0_i32_0 = arith.constant 0 : i32
    return %arg1, %c0_i32 : i32, i32
  }
  func.func @transform_2(%arg0: i32, %arg1: i32) -> (i32, i32) {
    %c0_i32 = arith.constant 0 : i32
    %c0_i32_0 = arith.constant 0 : i32
    return %arg1, %c0_i32 : i32, i32
  }
  func.func @transform_3(%arg0: i32, %arg1: i32) -> (i32, i32) {
    %c0_i32 = arith.constant 0 : i32
    %c0_i32_0 = arith.constant 0 : i32
    %c0_i32_1 = arith.constant 0 : i32
    return %c0_i32, %c0_i32_0 : i32, i32
  }
  func.func @transform_4(%arg0: i32, %arg1: i32) -> (i32, i32) {
    %c0_i32 = arith.constant 0 : i32
    %c0_i32_0 = arith.constant 0 : i32
    %c0_i32_1 = arith.constant 0 : i32
    return %c0_i32, %c0_i32_0 : i32, i32
  }
  func.func @transform_5(%arg0: i32, %arg1: i32) -> (i32, i32) {
    %c0_i32 = arith.constant 0 : i32
    %c0_i32_0 = arith.constant 0 : i32
    %c0_i32_1 = arith.constant 0 : i32
    return %c0_i32, %c0_i32_0 : i32, i32
  }
  func.func @transform_6(%arg0: i32, %arg1: i32) -> (i32, i32) {
    %c0_i32 = arith.constant 0 : i32
    %c0_i32_0 = arith.constant 0 : i32
    %c0_i32_1 = arith.constant 0 : i32
    return %c0_i32, %c0_i32_0 : i32, i32
  }
  func.func @transform_7(%arg0: i32, %arg1: i32) -> (i32, i32) {
    %c0_i32 = arith.constant 0 : i32
    %c0_i32_0 = arith.constant 0 : i32
    %c0_i32_1 = arith.constant 0 : i32
    return %c0_i32, %c0_i32_0 : i32, i32
  }
  func.func @transform_8(%arg0: i32, %arg1: i32) -> (i32, i32) {
    %c0_i32 = arith.constant 0 : i32
    %c0_i32_0 = arith.constant 0 : i32
    %c0_i32_1 = arith.constant 0 : i32
    return %c0_i32, %c0_i32_0 : i32, i32
  }
  func.func @transform_9(%arg0: i32, %arg1: i32) -> (i32, i32) {
    %c0_i32 = arith.constant 0 : i32
    %c0_i32_0 = arith.constant 0 : i32
    %c0_i32_1 = arith.constant 0 : i32
    return %c0_i32, %c0_i32_0 : i32, i32
  }
  func.func @transform_10(%arg0: i32, %arg1: i32) -> (i32, i32) {
    %c0_i32 = arith.constant 0 : i32
    %c0_i32_0 = arith.constant 0 : i32
    %c0_i32_1 = arith.constant 0 : i32
    return %c0_i32, %c0_i32_0 : i32, i32
  }
  func.func @transform_11(%arg0: i32, %arg1: i32) -> (i32, i32) {
    %c0_i32 = arith.constant 0 : i32
    %c0_i32_0 = arith.constant 0 : i32
    %c0_i32_1 = arith.constant 0 : i32
    return %c0_i32, %c0_i32_0 : i32, i32
  }
  func.func @transform_12(%arg0: i32, %arg1: i32) -> (i32, i32) {
    %c0_i32 = arith.constant 0 : i32
    %c0_i32_0 = arith.constant 0 : i32
    return %arg1, %c0_i32 : i32, i32
  }
}

</mosaic_0001>

<sc_bundles>
// kernel: kernel.5.cloned.1.call-start
scs
__scs_entry_jumppad:
0x0: {  	(pc) =	sbr.rel $0x88, $3  }
0x1: {  	(tag) =	ssettag $0x0;
	lr =	simm.s32 $0x1  }
0x2: {  	[smem:$0x3F94] =	sst lr;
	_ =	strace $0xD0000000  }
0x3: {  	_ = 	snop  }
0x4: {  	_ = 	snop  }
0x5: {  	_ = 	snop  }
0x6: {  	_ = 	snop  }
0x7: {  	_ = 	snop  }
__scs_overlays_trampoline_lowered:
0x8: {  	[smem:$0x3FA3] =	sst s0  }
0x9: {  	[smem:$0x3FA4] =	sst s1  }
0xa: {  	[smem:$0x3FA5] =	sst s2  }
0xb: {  	[smem:$0x3FA6] =	sst s3  }
0xc: {  	[smem:$0x3FA7] =	sst s4  }
0xd: {  	[smem:$0x3FA8] =	sst s5  }
0xe: {  	[smem:$0x3FA9] =	sst s6  }
0xf: {  	[smem:$0x3FAA] =	sst s7  }
0x10: {  	[smem:$0x3FAB] =	sst s8  }
0x11: {  	[smem:$0x3FAC] =	sst s9;
	s0 =	simm.s32 @!p0 $0x0  }
0x12: {  	s1 =	sld [smem:$0x3F92];
	s0 =	simm.s32 @p0 $0x1  }
0x13: {  	[smem:$0x3FAD] =	sst s0;
	s0 =	simm.s32 @!p1 $0x0  }
0x14: {  	s2 =	sld [smem:$0x3F91];
	s0 =	simm.s32 @p1 $0x1  }
0x15: {  	[smem:$0x3FAE] =	sst s0;
	s0 =	simm.s32 @!p2 $0x0  }
0x16: {  	s3 =	sld [smem:$0x3FDB];
	s0 =	simm.s32 @p2 $0x1  }
0x17: {  	s4 =	simm.s32 $0x1BF5;
	[smem:$0x3FB0] =	sst s0  }
0x18: {  	s0 =	sld [smem:$0x3F93];
	_ =	swait.ge [sflag:s4], $0x0  }
0x19: {  	s7 =	sld [smem:$0x3F94]  }
0x1a: {  	s8 =	sadd.s32 $0xFFFFE003, lr  }
0x1b: {  	s9 =	sadd.s32 $0xFFFFFEF7, lr;
	s5 =	simm.s32 $0xFFFFFFFF;
	p2 =	slt.u32 s8, $0xFFFFF086  }
0x1c: {  	p1 =	slt.u32 s9, $0xF7A;
	s5 =	simm.s32 @!p2 $0x0  }
0x1d: {  	s5 =	simm.s32 @p1 $0x1;
	p0 =	seq.s32 s7, s2  }
0x1e: {  	s7 =	smul.u32 @!p0 $0xF7A, s2;
	p2 =	seq.s32 @!p0 s5, $0x0  }
0x1f: {  	s9 =	smul.u32 $0xF7A, s1;
	s8 =	simm.s32 @!p0 $0x1BF5;
	p2 =	por !p2, p0  }
0x20: {  	[sflag:s8] =	ssyncset.s32 @!p0 $0xFFFFF086;
	s6 =	sadd.s32 @!p0 s3, s7;
	s7 =	simm.s32 @!p0 $0x108  }
0x21: {  	s3 =	sadd.s32 s3, s9;
	s6 =	sadd.s32 @!p0 $0x88, s6;
	s7 =	simm.s32 @p2 $0x1082  }
0x22: {  	[simem:s7], [sflag:s8] =	dma.local @!p0 [hbm:s6], $0xF7A  }
0x23: {  	s9 =	sor.u32 $0xD0000000, s2;
	s6 =	simm.s32 $0x108;
	_ =	swait.ge @!p0 [sflag:s8], $0x0  }
0x24: {  	s3 =	sadd.s32 $0x88, s3;
	s6 =	simm.s32 @!p1 $0x1082;
	[sflag:s4] =	ssyncset.s32 $0xFFFFF086  }
0x25: {  	[simem:s6], [sflag:s4] =	dma.local [hbm:s3], $0xF7A  }
0x26: {  	[smem:$0x3F94] =	sst s1;
	(tag) =	ssettag s2;
	_ =	strace s9  }
0x27: {  	s1 =	sld [smem:$0x3FA4]  }
0x28: {  	s2 =	sld [smem:$0x3FA5]  }
0x29: {  	s4 =	sld [smem:$0x3FA7]  }
0x2a: {  	p0 =	seq.s32 s5, $0x0;
	s5 =	sld [smem:$0x3FA8]  }
0x2b: {  	s6 =	sld [smem:$0x3FA9]  }
0x2c: {  	s7 =	sld [smem:$0x3FAA]  }
0x2d: {  	s3 =	simm.s32 $0x108;
	s8 =	sld [smem:$0x3FAB]  }
0x2e: {  	s3 =	simm.s32 @!p0 $0x1082;
	s9 =	sld [smem:$0x3FAC]  }
0x2f: {  	lr =	sadd.s32 s0, s3;
	s0 =	sld [smem:$0x3FA3]  }
0x30: {  	s3 =	sld [smem:$0x3FA6]  }
0x31: {  	[smem:$0x3FAF] =	sst s10  }
0x32: {  	s10 =	sld [smem:$0x3FAD];
	_ =	sdelay $0x3  }
0x33: {  	p0 =	seq.s32 s10, $0x1;
	s10 =	sld [smem:$0x3FAF];
	_ =	sdelay $0x3  }
0x34: {  	[smem:$0x3FAF] =	sst s10  }
0x35: {  	s10 =	sld [smem:$0x3FAE];
	_ =	sdelay $0x3  }
0x36: {  	p1 =	seq.s32 s10, $0x1;
	s10 =	sld [smem:$0x3FAF];
	_ =	sdelay $0x3  }
0x37: {  	[smem:$0x3FAF] =	sst s10  }
0x38: {  	s10 =	sld [smem:$0x3FB0]  }
0x39: {  	_ = 	snop;
	(pc) =	sbr.ind lr, $3  }
0x3a: {  	_ = 	snop  }
0x3b: {  	_ = 	snop  }
0x3c: {  	p2 =	seq.s32 s10, $0x1;
	s10 =	sld [smem:$0x3FAF]  }
0x3d: {  	_ =	shalt  }
0x3e: {  	_ =	shalt  }
0x3f: {  	_ =	shalt  }
0x40: {  	_ =	shalt  }
0x41: {  	_ =	shalt  }
0x42: {  	_ =	shalt  }
0x43: {  	_ =	shalt  }
0x44: {  	_ =	shalt  }
0x45: {  	_ =	shalt  }
0x46: {  	_ =	shalt  }
0x47: {  	_ =	shalt  }
0x48: {  	_ =	shalt  }
0x49: {  	_ =	shalt  }
0x4a: {  	_ =	shalt  }
0x4b: {  	_ =	shalt  }
0x4c: {  	_ =	shalt  }
0x4d: {  	_ =	shalt  }
0x4e: {  	_ =	shalt  }
0x4f: {  	_ =	shalt  }
0x50: {  	_ =	shalt  }
0x51: {  	_ =	shalt  }
0x52: {  	_ =	shalt  }
0x53: {  	_ =	shalt  }
0x54: {  	_ =	shalt  }
0x55: {  	_ =	shalt  }
0x56: {  	_ =	shalt  }
0x57: {  	_ =	shalt  }
0x58: {  	_ =	shalt  }
0x59: {  	_ =	shalt  }
0x5a: {  	_ =	shalt  }
0x5b: {  	_ =	shalt  }
0x5c: {  	_ =	shalt  }
0x5d: {  	_ =	shalt  }
0x5e: {  	_ =	shalt  }
0x5f: {  	_ =	shalt  }
0x60: {  	_ =	shalt  }
0x61: {  	_ =	shalt  }
0x62: {  	_ =	shalt  }
0x63: {  	_ =	shalt  }
0x64: {  	_ =	shalt  }
0x65: {  	_ =	shalt  }
0x66: {  	_ =	shalt  }
0x67: {  	_ =	shalt  }
0x68: {  	_ =	shalt  }
0x69: {  	_ =	shalt  }
0x6a: {  	_ =	shalt  }
0x6b: {  	_ =	shalt  }
0x6c: {  	_ =	shalt  }
0x6d: {  	_ =	shalt  }
0x6e: {  	_ =	shalt  }
0x6f: {  	_ =	shalt  }
0x70: {  	_ =	shalt  }
0x71: {  	_ =	shalt  }
0x72: {  	_ =	shalt  }
0x73: {  	_ =	shalt  }
0x74: {  	_ =	shalt  }
0x75: {  	_ =	shalt  }
0x76: {  	_ =	shalt  }
0x77: {  	_ =	shalt  }
0x78: {  	_ =	shalt  }
0x79: {  	_ =	shalt  }
0x7a: {  	_ =	shalt  }
0x7b: {  	_ =	shalt  }
0x7c: {  	_ =	shalt  }
0x7d: {  	_ =	shalt  }
0x7e: {  	_ =	shalt  }
0x7f: {  	_ =	shalt  }
0x80: {  	_ =	shalt  }
0x81: {  	_ =	shalt  }
0x82: {  	_ =	shalt  }
0x83: {  	_ =	shalt  }
0x84: {  	_ =	shalt  }
0x85: {  	_ =	shalt  }
0x86: {  	_ =	shalt  }
0x87: {  	_ =	shalt  }
.Lfunc_end0:
.L_simem_size_0:
called_computation_lowered:
.L_overlay_start_0:
0x88: {  	s2 =	sld [smem:$0x3FD9]  }
0x89: {  	s3 =	sld [smem:$0x3FFE];
	_ =	sdelay $0x1  }
0x8a: {  	s1 =	srdreg.scid  }
0x8b: {  	s0 =	sand.u32 $0x1, s1  }
0x8c: {  	s14 =	sshll.u32 s0, $0xA;
	s2 =	sadd.s32 s3, s2  }
0x8d: {  	s2 =	sadd.s32 s2, s14  }
0x8e: {  	[smem:$0x3FBB] =	sst s2  }
0x8f: {  	_ = 	snop  }
0x90: {  	s2 =	sld [smem:$0x3FD0];
	_ =	sdelay $0x2  }
0x91: {  	s15 =	simm.s32 $0xA;
	s4 =	simm.s32 $0x10  }
0x92: {  	[smem:s4], [sflag:s15] =	dma.local [hbm:s2], $0x1  }
0x93: {  	_ =	swait.eq [sflag:s15], $0x1  }
0x94: {  	[sflag:s15] =	ssyncset.done $0x0  }
0x95: {  	[sflag:s15] =	ssyncadd.s32 $0xFFFFFFFF  }
0x96: {  	s16 =	sld [smem:$0x10];
	(tm) =	ssettm $0x1  }
0x97: {  	s17 =	sld [smem:$0x3FFB];
	_ =	sdelay $0x3  }
0x98: {  	_ =	strace s17  }
0x99: {  	s3 =	sld [smem:$0x3FFC];
	_ =	sdelay $0x3  }
0x9a: {  	_ =	strace s3  }
0x9b: {  	s3 =	sld [smem:$0x3FFD];
	_ =	sdelay $0x3  }
0x9c: {  	_ =	strace s3  }
0x9d: {  	_ =	strace $0x8FFFFFFF  }
0x9e: {  	s18 =	sld [smem:$0x3FDB];
	_ =	sdelay $0x1  }
0x9f: {  	s19 =	simm.s32 $_scs_section_size  }
0xa0: {  	s5 =	simm.s32 $_size__tile_overlayer_lowered;
	s6 =	simm.s32 $_tile_overlayer_lowered  }
0xa1: {  	s22 =	simm.s32 $0x1BFF;
	s21 =	sshll.u32 s6, $0x1;
	s3 =	sadd.s32 s19, s18  }
0xa2: {  	s7 =	simm.s32 $0x0;
	s20 =	sshll.u32 s5, $0x1;
	s5 =	sadd.s32 s21, s3  }
0xa3: {  	[timem:s7], [sflag:s22] =	dma.local [hbm:s5], s20  }
0xa4: {  	_ =	swait.ge [sflag:s22], s20  }
0xa5: {  	s4 =	ssub.s32 $0x0, s20;
	[sflag:s22] =	ssyncset.done $0x0  }
0xa6: {  	[sflag:s22] =	ssyncadd.s32 s4;
	_ =	sdelay $0x1  }
0xa7: {  	s23 =	simm.s32 $0x1B8B  }
0xa8: {  	_ =	swait.ge [sflag:s23], $0x1  }
0xa9: {  	[sflag:s23] =	ssyncset.done $0x0  }
0xaa: {  	s25 =	simm.s32 $0x1B8E;
	s24 =	sld [smem:$0x3FFE];
	[sflag:s23] =	ssyncadd.s32 $0xFFFFFFFF  }
0xab: {  	s26 =	simm.s32 $execute0_lowered;
	[smem:$0x3FD2] =	sst s25  }
0xac: {  	s5 =	sshll.u32 s26, $0x1;
	_ =	strace $0x80000046;
	[dreg:$0x1] =	wrdreg $0xFFFFFFFF  }
0xad: {  	s28 =	simm.s32 $_size_execute0_lowered;
	s3 =	sadd.s32 s3, s5;
	[dreg:$0x0] =	wrdreg $0x0  }
0xae: {  	s5 =	sshll.u32 s28, $0x1;
	[dreg:$0x2] =	wrdreg s3  }
0xaf: {  	[dreg:$0x3] =	wrdreg s5  }
0xb0: {  	[dreg:$0x4] =	wrdreg $0xC0  }
0xb1: {  	_ =	task [dreg:s7], $0x5FFFF  }
0xb2: {  	[dreg:$0x1] =	wrdreg $0xFFFFFFFF  }
0xb3: {  	[dreg:$0x0] =	wrdreg $0x60  }
0xb4: {  	[dreg:$0x2] =	wrdreg s16  }
0xb5: {  	[dreg:$0x3] =	wrdreg s24  }
0xb6: {  	[dreg:$0x4] =	wrdreg $0x0  }
0xb7: {  	[dreg:$0x5] =	wrdreg $0x9  }
0xb8: {  	_ =	task.clear_ibuf [dreg:s7], $0x6FFFF;
	_ =	strace $0x90000046  }
0xb9: {  	s29 =	simm.s32 $0x9;
	_ =	strace $0x80000048  }
0xba: {  	_ =	swait.ge [sflag:s29], $0x1  }
0xbb: {  	[sflag:s29] =	ssyncadd.s32 $0xFFFFFFFF  }
0xbc: {  	_ =	strace $0x90000048  }
0xbd: {  	_ =	sfence  }
0xbe: {  	s30 =	sld [smem:$0x0];
	_ =	sdelay $0x2  }
0xbf: {  	s31 =	sshll.u32 s1, $0xD;
	s1 =	sshrl.u32 s1, $0x2  }
0xc0: {  	s3 =	sand.u32 $0x4000, s31;
	s1 =	sadd.s32 s1, s30  }
0xc1: {  	s0 =	sor.u32 s3, s0;
	s1 =	sshll.u32 s1, $0x11  }
0xc2: {  	s0 =	sor.u32 s1, s0  }
0xc3: {  	s0 =	sadd.s32 $0x8F2B, s0  }
0xc4: {  	[sflag:s0] =	ssyncadd.remote.s32 $0x1  }
0xc5: {  	_ =	sfence.sel $0xFFFF  }
0xc6: {  	[dreg:$0x0] =	wrdreg $0xFFFFFFFF;
	(pc) =	sbr.abs _section_cstart, $3  }
0xc7: {  	[dreg:$0x1] =	wrdreg $0xFFFFFFFF  }
0xc8: {  	_ =	task.clear_ibuf [dreg:s7], $0x2FFFF;
	_ =	strace $0x9FFFFFFF  }
0xc9: {  	(tm) =	ssettm $0x7FFFFFFF  }
tec
execute0_lowered:
.L_overlay_start_1:
0x0: {  	(tag) =	ssettag $0x1  }
0x1: {  	s1 =	rddreg [dreg:$0x0]  }
0x2: {  	s0 =	rddreg [dreg:$0x1]  }
0x3: {  	s2 =	rddreg [dreg:$0x2]  }
0x4: {  	s3 =	simm.s32 $0x0;
	s4 =	srdreg.scid;
	s14 =	stileid.u32  }
0x5: {  	s28 =	simm.s32 $0x14000;
	s31 =	simm.s32 $0x13E80;
	s29 =	simm.s32 $0x1  }
0x6: {  	s30 =	simm.s32 $0x50;
	[smem:$0x7FF] =	sst s3;
	s4 =	sand.u32 $0x1, s4  }
0x7: {  	s5 =	sadd.s32 $0x42E00, s0;
	s6 =	sadd.s32 $0x32E00, s0;
	s7 =	sadd.s32 $0x22E00, s0  }
0x8: {  	s11 =	smul.u32 $0x13C00, s14;
	s8 =	sadd.s32 $0x2E00, s0;
	s9 =	sadd.s32 $0x12E00, s0  }
0x9: {  	s12 =	sadd.s32 $0x43C00, s0;
	_ =	strace $0x80000047;
	s10 =	smul.u32 $0x13C000, s4  }
0xa: {  	[dreg:$0x4] =	wrdreg s12;
	s12 =	sshll.u32 s4, $0x12;
	s4 =	ssub.s32 $0x2, s4  }
0xb: {  	s13 =	sshll.u32 s14, $0xE;
	s24 =	sshll.u32 s14, $0x6;
	s15 =	sshrl.u32 s4, $0x1  }
0xc: {  	s10 =	sadd.s32 s11, s10;
	s11 =	sor.u32 s13, s12;
	s4 =	ssub.s32 s4, s15  }
0xd: {  	s13 =	smul.u32 $0x4F000, s14;
	s14 =	simm.s32 $0x4;
	s15 =	simm.s32 $0x16900  }
0xe: {  	s10 =	sshrl.u32 s10, $0x3;
	s12 =	sshrl.u32 s11, $0x3;
	s26 =	smax.u32 s4, $0x1  }
0xf: {  	s4 =	simm.s32 $0x5;
	s16 =	sadd.s32 s6, s12;
	[dreg:$0x10] =	wrdreg s26  }
0x10: {  	s0 =	sadd.s32 s10, s0;
	s17 =	sadd.s32 s8, s12;
	[dreg:$0x5] =	wrdreg s16  }
0x11: {  	s18 =	sadd.s32 s7, s12;
	s19 =	sor.u32 $0x10, s12;
	[dreg:$0x6] =	wrdreg s17  }
0x12: {  	s12 =	sadd.s32 s9, s12;
	s23 =	sshrl.u32 s13, $0x2;
	[dreg:$0x7] =	wrdreg s18  }
0x13: {  	s26 =	simm.s32 $0x13E00;
	[dreg:$0x8] =	wrdreg s12;
	s20 =	sadd.s32 s6, s19  }
0x14: {  	s13 =	simm.s32 $0x3;
	s21 =	sadd.s32 s8, s19;
	[dreg:$0x9] =	wrdreg s20  }
0x15: {  	s22 =	sadd.s32 s7, s19;
	s10 =	sadd.s32 s9, s19;
	[dreg:$0xa] =	wrdreg s21  }
.Ltmp0:
0x16: {  	s25 =	sadd.s32 s23, s2;
	[dreg:$0xb] =	wrdreg s22;
	(pc) =	sbr.rel .LBB2_1-.Ltmp0, $4  }
0x17: {  	s17 =	sor.u32 $0x1C05, s24;
	s0 =	sadd.s32 $0x46400, s0;
	[dreg:$0xc] =	wrdreg s10  }
0x18: {  	s24 =	simm.s32 $0x13C00;
	s12 =	simm.s32 $0x19100;
	[dreg:$0xd] =	wrdreg s25  }
0x19: {  	s18 =	simm.s32 $0x0;
	[dreg:$0xf] =	wrdreg s0;
	s25 =	simm.s32 $0x13D00  }
0x1a: {  	vm0 =	vmmov $0x1;
	s0 =	simm.s32 $0x14080;
	s10 =	simm.s32 $0x14100;
	[dreg:$0xe] =	wrdreg s17  }
.LBB2_17:
0x1b: {  	[bflag:$0x0] =	sbarrier.arrive $0xFFFF  }
0x1c: {  	s17 =	rddreg [dreg:$0xe]  }
0x1d: {  	s16 =	rddreg [dreg:$0xf]  }
0x1e: {  	s18 =	rddreg [dreg:$0x12]  }
0x1f: {  	[hbm:s16], [sflag:s17] =	dma.local [spmem:s18], $0x2780  }
0x20: {  	_ =	swait.ge [sflag:s4], $0x2780  }
0x21: {  	s22 =	rddreg [dreg:$0x11]  }
0x22: {  	s23 =	rddreg [dreg:$0x10];
	s18 =	sadd.s32 $0x1, s22  }
0x23: {  	p0 =	sne.s32 s18, s23  }
.Ltmp1:
0x24: {  	_ = 	snop;
	(pc) =	sbr.rel @!p0 .LBB2_18-.Ltmp1, $3  }
0x25: {  	_ =	sdelay $0x1  }
0x26: {  	[sflag:s4] =	ssyncset.done $0x0  }
0x27: {  	[sflag:s4] =	ssyncadd.s32 $0xFFFFD880  }
.LBB2_1:
0x28: {  	[dreg:$0x11] =	wrdreg s18  }
0x29: {  	s16 =	rddreg [dreg:$0x5]  }
0x2a: {  	s23 =	rddreg [dreg:$0x6]  }
0x2b: {  	s18 =	rddreg [dreg:$0x7]  }
0x2c: {  	[tilespmem:s24], [sflag:$0x1] =	stream.linear.gather [hbm4b:s16+s3], $0x80, $0x38;
	[tilespmem:$0x1E100] =	vst v63  }
0x2d: {  	s19 =	rddreg [dreg:$0x8]  }
0x2e: {  	[tilespmem:s25], [sflag:$0x1] =	stream.linear.gather [hbm4b:s23+s3], $0x80, $0x38;
	[tilespmem:$0x1E100] =	vst v63  }
0x2f: {  	s20 =	rddreg [dreg:$0x9]  }
0x30: {  	[tilespmem:s26], [sflag:$0x1] =	stream.linear.gather [hbm4b:s18+s3], $0x80, $0x38;
	[tilespmem:$0x1E100] =	vst v63  }
0x31: {  	s22 =	rddreg [dreg:$0xa]  }
0x32: {  	[tilespmem:s28], [sflag:$0x1] =	stream.linear.gather [hbm4b:s19+s3], $0x80, $0x38;
	[tilespmem:$0x1E100] =	vst v63  }
0x33: {  	s21 =	simm.s32 $0x13C80;
	s19 =	rddreg [dreg:$0xb]  }
0x34: {  	[tilespmem:s21], [sflag:$0x2] =	stream.linear.gather [hbm4b:s20+s3], $0x80, $0x38;
	[tilespmem:$0x1E100] =	vst v63  }
0x35: {  	s20 =	rddreg [dreg:$0xc]  }
0x36: {  	s23 =	simm.s32 $0x13D80;
	s21 =	rddreg [dreg:$0xd]  }
0x37: {  	[tilespmem:s23], [sflag:$0x2] =	stream.linear.gather [hbm4b:s22+s3], $0x80, $0x38;
	[tilespmem:$0x1E100] =	vst v63  }
0x38: {  	s22 =	sshrl.u32 s21, $0x3;
	s23 =	rddreg [dreg:$0x4]  }
0x39: {  	[tilespmem:s31], [sflag:$0x2] =	stream.linear.gather [hbm4b:s19+s3], $0x80, $0x38;
	[tilespmem:$0x1E100] =	vst v63  }
0x3a: {  	[dreg:$0x12] =	wrdreg s22  }
0x3b: {  	[tilespmem:s0], [sflag:$0x2] =	stream.linear.gather [hbm4b:s20+s3], $0x80, $0x38;
	[tilespmem:$0x1E100] =	vst v63  }
0x3c: {  	[spmem:s22], [sflag:s17] =	dma.local [hbm:s23], $0x2780  }
0x3d: {  	_ =	swait.ge [sflag:s4], $0x2780  }
0x3e: {  	[sflag:s4] =	ssyncset.done $0x0  }
0x3f: {  	[sflag:s4] =	ssyncadd.s32 $0xFFFFD880  }
0x40: {  	_ =	swait.ge [sflag:s29], $0x80  }
0x41: {  	[sflag:s29] =	ssyncset.done $0x0  }
0x42: {  	[sflag:s29] =	ssyncadd.s32 $0xFFFFFF80  }
0x43: {  	_ =	swait.ge [sflag:s29], $0x80  }
0x44: {  	[sflag:s29] =	ssyncset.done $0x0  }
0x45: {  	[sflag:s29] =	ssyncadd.s32 $0xFFFFFF80  }
0x46: {  	_ =	swait.ge [sflag:s29], $0x80  }
0x47: {  	[sflag:s29] =	ssyncset.done $0x0  }
0x48: {  	[sflag:s29] =	ssyncadd.s32 $0xFFFFFF80  }
0x49: {  	_ =	swait.ge [sflag:s29], $0x80  }
0x4a: {  	[sflag:s29] =	ssyncset.done $0x0  }
0x4b: {  	[sflag:s29] =	ssyncadd.s32 $0xFFFFFF80  }
0x4c: {  	[tilespmem:s10], [sflag:$0x3] =	stream.indirect.gather [hbm4b:s1+s30], $0x80, s24, s30, $0xb8;
	[tilespmem:$0x1E100] =	vst v63  }
.Ltmp2:
0x4d: {  	_ = 	snop;
	(pc) =	sbr.rel .LBB2_2-.Ltmp2, $4  }
0x4e: {  	_ = 	snop  }
0x4f: {  	[tilespmem:s12], [sflag:$0x3] =	stream.indirect.gather [hbm4b:s5+s30], $0x80, s25, s30, $0xb8;
	[tilespmem:$0x1E100] =	vst v63  }
0x50: {  	[bflag:$0x0] =	sbarrier.arrive $0xFFFF  }
0x51: {  	s20 =	simm.s32 $0x0  }
.LBB2_16:
0x52: {  	s20 =	sadd.s32 $0x1, s20  }
0x53: {  	p0 =	sne.s32 s20, $0x20  }
.Ltmp3:
0x54: {  	_ = 	snop;
	(pc) =	sbr.rel @!p0 .LBB2_17-.Ltmp3, $1  }
0x55: {  	_ =	sdelay $0x3  }
.LBB2_2:
0x56: {  	_ =	swait.ge [sflag:s13], $0x2800  }
0x57: {  	[sflag:s13] =	ssyncset.done $0x0  }
0x58: {  	[sflag:s13] =	ssyncadd.s32 $0xFFFFD800  }
0x59: {  	_ =	swait.ge [sflag:s13], $0x2800  }
0x5a: {  	p0 =	sgt.u32 s20, $0x1E;
	[sflag:s13] =	ssyncset.done $0x0  }
0x5b: {  	s18 =	simm.s32 @!p0 $0x2;
	[sflag:s13] =	ssyncadd.s32 $0xFFFFD800  }
0x5c: {  	_ =	swait.ge @!p0 [sflag:s18], $0x80  }
0x5d: {  	[sflag:s18] =	ssyncset.done @!p0 $0x0  }
0x5e: {  	[sflag:s18] =	ssyncadd.s32 @!p0 $0xFFFFFF80  }
0x5f: {  	_ =	swait.ge @!p0 [sflag:s18], $0x80  }
0x60: {  	[sflag:s18] =	ssyncset.done @!p0 $0x0  }
0x61: {  	[sflag:s18] =	ssyncadd.s32 @!p0 $0xFFFFFF80  }
0x62: {  	_ =	swait.ge @!p0 [sflag:s18], $0x80  }
0x63: {  	[sflag:s18] =	ssyncset.done @!p0 $0x0  }
0x64: {  	[sflag:s18] =	ssyncadd.s32 @!p0 $0xFFFFFF80  }
0x65: {  	s23 =	simm.s32 $0x14200;
	_ =	swait.ge @!p0 [sflag:s18], $0x80  }
0x66: {  	s16 =	simm.s32 $0x3;
	s19 =	simm.s32 @!p0 $0x13C80;
	[sflag:s18] =	ssyncset.done @!p0 $0x0  }
0x67: {  	s21 =	simm.s32 @!p0 $0x16900;
	[sflag:s18] =	ssyncadd.s32 @!p0 $0xFFFFFF80;
	s18 =	simm.s32 @!p0 $0x50  }
0x68: {  	[tilespmem:s21], [sflag:$0x4] =	stream.indirect.gather @!p0 [hbm4b:s1+s18], $0x80, s19, s18, $0xb8;
	[tilespmem:$0x1E100] =	vst v63  }
0x69: {  	s17 =	simm.s32 $0x2;
	s19 =	simm.s32 @!p0 $0x13D80;
	s21 =	simm.s32 @!p0 $0x1B900  }
0x6a: {  	v0 =	vmov s16;
	[tilespmem:s21], [sflag:$0x4] =	stream.indirect.gather @!p0 [hbm4b:s5+s18], $0x80, s19, s18, $0xb8;
	[tilespmem:$0x1E100] =	vst v63  }
0x6b: {  	v1 =	vmov s17;
	v2 =	vld [tilespmem:s23+$0x0]  }
0x6c: {  	v1 =	vand.u32 $0xFFFFFFFE, v1;
	s18 =	simm.s32 $0x19200;
	v3 =	vld [tilespmem:s23+$0x40]  }
0x6d: {  	v1 =	vbroadcast v1, $0x0;
	v5 =	vld [tilespmem:s18+$0x0]  }
0x6e: {  	v6 =	vld [tilespmem:s18+$0x40]  }
0x6f: {  	v0 =	vld.idx.msk [tilespmem:v0+s28+$0x0], $0xffff  }
0x70: {  	s21 =	simm.s32 $0x0;
	v7 =	vld [tilespmem:s23+$0xFFFFFF00]  }
0x71: {  	v4 =	vmov s21;
	v9 =	vld [tilespmem:s23+$0xFFFFFF40]  }
0x72: {  	s22 =	simm.s32 $0x1;
	v12 =	vld [tilespmem:s18+$0xFFFFFF00];
	v8 =	vand.u32 $0xFFFFFFFC, v4  }
0x73: {  	v10 =	vmov s22;
	v4 =	vld.idx.msk [tilespmem:v1+s28+$0x0], $0xffff;
	v8 =	vbroadcast v8, $0x0;
	v1 =	vmul.f32 v5, v2  }
0x74: {  	v10 =	vand.u32 $0xFFFFFFFD, v10;
	v13 =	vld [tilespmem:s18+$0xFFFFFF40];
	v11 =	vmul.f32 v6, v3;
	v2 =	vmul.f32 v6, v2  }
0x75: {  	v14 =	vld [tilespmem:s23+$0xFFFFFFC0];
	v3 =	vmul.f32 v5, v3;
	v6 =	vbroadcast v10, $0x0  }
0x76: {  	v15 =	vld [tilespmem:s18+$0xFFFFFFC0];
	v5 =	vadd.f32 v11, v1  }
0x77: {  	v10 =	vld [tilespmem:s23+$0xFFFFFF80];
	v2 =	vsub.f32 v2, v3  }
0x78: {  	v3 =	vld [tilespmem:s18+$0xFFFFFF80];
	v1 =	vsel vm0, v1, v5  }
0x79: {  	v2 =	vsel vm0, v11, v2;
	v5 =	vld.idx.msk [tilespmem:v8+s28+$0x0], $0xffff;
	v8 =	vmul.f32 v12, v7;
	v1 =	vmul.f32 v1, v4  }
0x7a: {  	v16 =	vld [tilespmem:s23+$0x10];
	v11 =	vmul.f32 v13, v9;
	v2 =	vmul.f32 v2, v4  }
0x7b: {  	v7 =	vmul.f32 v13, v7;
	[tilespmem:s23+$0x0] =	vst v1;
	v1 =	vld.idx.msk [tilespmem:v6+s28+$0x0], $0xffff;
	v6 =	vmul.f32 v12, v9  }
0x7c: {  	[tilespmem:s23+$0x40] =	vst v2;
	v2 =	vadd.f32 v11, v8;
	v9 =	vld [tilespmem:s23+$0x50]  }
0x7d: {  	v12 =	vmul.f32 v15, v14;
	v13 =	vld [tilespmem:s18+$0x10];
	v6 =	vsub.f32 v7, v6  }
0x7e: {  	v7 =	vmul.f32 v3, v10;
	v2 =	vsel vm0, v8, v2;
	v8 =	vmul.f32 v15, v10;
	v10 =	vld [tilespmem:s18+$0x50]  }
0x7f: {  	v3 =	vmul.f32 v3, v14;
	v14 =	vld [tilespmem:s23+$0x80]  }
0x80: {  	v15 =	vld [tilespmem:s23+$0xC0];
	v2 =	vmul.f32 v2, v5;
	v6 =	vsel vm0, v11, v6;
	v11 =	vadd.f32 v12, v7  }
0x81: {  	v3 =	vsub.f32 v8, v3;
	v8 =	vld [tilespmem:s18+$0x80];
	v6 =	vmul.f32 v6, v5  }
0x82: {  	[tilespmem:s23+$0xFFFFFF00] =	vst v2;
	v2 =	vsel vm0, v7, v11;
	v7 =	vld [tilespmem:s18+$0xC0];
	v11 =	vmul.f32 v13, v16  }
0x83: {  	v3 =	vsel vm0, v12, v3;
	[tilespmem:s23+$0xFFFFFF40] =	vst v6;
	v2 =	vmul.f32 v2, v1;
	v6 =	vld [tilespmem:s23+$0xFFFFFF10];
	v12 =	vmul.f32 v10, v9  }
0x84: {  	v3 =	vmul.f32 v3, v1;
	v17 =	vld [tilespmem:s18+$0xFFFFFF10]  }
0x85: {  	v9 =	vmul.f32 v13, v9;
	v18 =	vld [tilespmem:s18+$0xFFFFFF50];
	[tilespmem:s23+$0xFFFFFF80] =	vst v2;
	v2 =	vmul.f32 v10, v16;
	v10 =	vadd.f32 v12, v11  }
0x86: {  	v11 =	vld [tilespmem:s23+$0xFFFFFF50];
	v12 =	vmul.f32 v8, v14  }
0x87: {  	[tilespmem:s23+$0xFFFFFFC0] =	vst v3;
	v3 =	vld [tilespmem:s23+$0xFFFFFF90];
	v2 =	vsub.f32 v2, v9;
	v9 =	vmul.f32 v10, v4;
	v10 =	vmul.f32 v7, v15  }
0x88: {  	v8 =	vmul.f32 v8, v15;
	v16 =	vld [tilespmem:s23+$0xFFFFFFD0];
	v7 =	vmul.f32 v7, v14  }
0x89: {  	v13 =	vld [tilespmem:s18+$0xFFFFFF90];
	v2 =	vmul.f32 v2, v4;
	[tilespmem:s23+$0x10] =	vst v9;
	v9 =	vadd.f32 v10, v12  }
0x8a: {  	v14 =	vld [tilespmem:s18+$0xFFFFFFD0];
	v7 =	vsub.f32 v7, v8  }
0x8b: {  	v15 =	vld [tilespmem:s23+$0x20];
	[tilespmem:s23+$0x50] =	vst v2;
	v2 =	vmul.f32 v17, v6;
	v6 =	vmul.f32 v18, v6;
	v8 =	vsel vm0, v12, v9  }
0x8c: {  	v9 =	vld [tilespmem:s23+$0x60];
	v12 =	vmul.f32 v18, v11;
	v7 =	vsel vm0, v10, v7;
	v8 =	vmul.f32 v8, v0  }
0x8d: {  	v11 =	vmul.f32 v17, v11;
	v10 =	vld [tilespmem:s18+$0x20];
	v7 =	vmul.f32 v7, v0  }
0x8e: {  	v17 =	vld [tilespmem:s18+$0x60];
	v2 =	vadd.f32 v12, v2;
	[tilespmem:s23+$0x80] =	vst v8  }
0x8f: {  	v6 =	vsub.f32 v6, v11;
	v11 =	vmul.f32 v14, v16;
	[tilespmem:s23+$0xC0] =	vst v7;
	v8 =	vld [tilespmem:s23+$0x90]  }
0x90: {  	v7 =	vmul.f32 v13, v3;
	v2 =	vmul.f32 v2, v5;
	v12 =	vld [tilespmem:s18+$0x90]  }
0x91: {  	v6 =	vmul.f32 v6, v5;
	v18 =	vld [tilespmem:s18+$0xD0]  }
0x92: {  	v3 =	vmul.f32 v14, v3;
	v13 =	vmul.f32 v13, v16;
	v7 =	vadd.f32 v11, v7;
	v11 =	vld [tilespmem:s23+$0xD0];
	[tilespmem:s23+$0xFFFFFF10] =	vst v2  }
0x93: {  	v2 =	vmul.f32 v10, v15;
	v19 =	vmul.f32 v17, v9;
	[tilespmem:s23+$0xFFFFFF50] =	vst v6;
	v6 =	vld [tilespmem:s23+$0xFFFFFF20]  }
0x94: {  	v3 =	vsub.f32 v3, v13;
	v14 =	vmul.f32 v17, v15;
	v9 =	vmul.f32 v10, v9;
	v15 =	vld [tilespmem:s23+$0xFFFFFF60]  }
0x95: {  	v10 =	vld [tilespmem:s18+$0xFFFFFF20];
	v7 =	vmul.f32 v7, v1;
	v2 =	vadd.f32 v19, v2  }
0x96: {  	v13 =	vld [tilespmem:s18+$0xFFFFFF60];
	v3 =	vmul.f32 v3, v1;
	v9 =	vsub.f32 v14, v9  }
0x97: {  	[tilespmem:s23+$0xFFFFFF90] =	vst v7;
	v2 =	vmul.f32 v2, v4  }
0x98: {  	v14 =	vmul.f32 v12, v8;
	[tilespmem:s23+$0xFFFFFFD0] =	vst v3;
	v9 =	vmul.f32 v9, v4  }
0x99: {  	v7 =	vld [tilespmem:s23+$0xFFFFFFA0];
	v16 =	vmul.f32 v18, v11;
	v3 =	vmul.f32 v12, v11;
	[tilespmem:s23+$0x20] =	vst v2  }
0x9a: {  	v11 =	vld [tilespmem:s23+$0xFFFFFFE0];
	v2 =	vmul.f32 v18, v8;
	[tilespmem:s23+$0x60] =	vst v9;
	v9 =	vmul.f32 v10, v6  }
0x9b: {  	v8 =	vld [tilespmem:s23+$0x30];
	v12 =	vadd.f32 v16, v14;
	v6 =	vmul.f32 v13, v6;
	v10 =	vmul.f32 v10, v15  }
0x9c: {  	v14 =	vld [tilespmem:s23+$0x70];
	v2 =	vsub.f32 v2, v3  }
0x9d: {  	v3 =	vmul.f32 v13, v15;
	v13 =	vld [tilespmem:s18+$0x30];
	v12 =	vmul.f32 v12, v0;
	v6 =	vsub.f32 v6, v10  }
0x9e: {  	v15 =	vld [tilespmem:s18+$0x70];
	v2 =	vmul.f32 v2, v0  }
0x9f: {  	v10 =	vld [tilespmem:s18+$0xFFFFFFE0];
	v3 =	vadd.f32 v3, v9;
	[tilespmem:s23+$0x90] =	vst v12;
	v6 =	vmul.f32 v6, v5  }
0xa0: {  	v9 =	vld [tilespmem:s18+$0xFFFFFFA0];
	[tilespmem:s23+$0xD0] =	vst v2  }
0xa1: {  	v2 =	vmul.f32 v3, v5;
	[tilespmem:s23+$0xFFFFFF60] =	vst v6;
	v6 =	vld [tilespmem:s23+$0xE0]  }
0xa2: {  	v3 =	vld [tilespmem:s18+$0xA0]  }
0xa3: {  	[tilespmem:s23+$0xFFFFFF20] =	vst v2;
	v2 =	vld [tilespmem:s23+$0xA0]  }
0xa4: {  	v16 =	vld [tilespmem:s18+$0xE0];
	v17 =	vmul.f32 v13, v8;
	v8 =	vmul.f32 v15, v8  }
0xa5: {  	v58 =	vld [tilespmem:s23+$0xFFFFFF70];
	s21 =	simm.s32 $0x5;
	v13 =	vmul.f32 v13, v14;
	v20 =	vmul.f32 v10, v11  }
0xa6: {  	s17 =	simm.s32 $0x7;
	v23 =	vmov s21;
	v14 =	vmul.f32 v15, v14;
	v18 =	vld [tilespmem:s18+$0xFFFFFF30];
	v19 =	vmul.f32 v9, v7  }
0xa7: {  	v9 =	vmul.f32 v9, v11;
	v7 =	vmul.f32 v10, v7;
	v10 =	vld [tilespmem:s23+$0xFFFFFF30];
	v11 =	vmov s17  }
0xa8: {  	v21 =	vld [tilespmem:s18+$0xFFFFFF70];
	v8 =	vsub.f32 v8, v13;
	v19 =	vadd.f32 v20, v19;
	v22 =	vmul.f32 v3, v2  }
0xa9: {  	v59 =	vld [tilespmem:s23+$0xB0];
	s21 =	simm.s32 $0x14400;
	v7 =	vsub.f32 v7, v9;
	v2 =	vmul.f32 v16, v2;
	v16 =	vmul.f32 v16, v6  }
0xaa: {  	v13 =	vadd.f32 v14, v17;
	v14 =	vld [tilespmem:s21+$0x40];
	v3 =	vmul.f32 v3, v6;
	v6 =	vmul.f32 v19, v1  }
0xab: {  	v23 =	vand.u32 $0xFFFFFFFD, v23;
	v9 =	vld [tilespmem:s23+$0xFFFFFFB0];
	v7 =	vmul.f32 v7, v1;
	v16 =	vadd.f32 v16, v22  }
0xac: {  	s16 =	simm.s32 $0x4;
	v15 =	vbroadcast v23, $0x0;
	v19 =	vld [tilespmem:s23+$0xFFFFFFF0];
	v60 =	vmul.f32 v18, v10;
	v2 =	vsub.f32 v2, v3;
	[tilespmem:s23+$0xFFFFFFA0] =	vst v6  }
0xad: {  	v12 =	vmov s16;
	v10 =	vmul.f32 v21, v10;
	v3 =	vld.idx.msk [tilespmem:v11+s28+$0x0], $0xffff;
	[tilespmem:s23+$0xFFFFFFE0] =	vst v7;
	v7 =	vmul.f32 v16, v0  }
0xae: {  	v12 =	vand.u32 $0xFFFFFFFC, v12;
	v18 =	vmul.f32 v18, v58;
	v11 =	vmul.f32 v2, v0;
	v16 =	vld [tilespmem:s18+$0xFFFFFFB0]  }
0xaf: {  	v12 =	vbroadcast v12, $0x0;
	v21 =	vmul.f32 v21, v58;
	[tilespmem:s23+$0xA0] =	vst v7;
	v7 =	vld [tilespmem:s18+$0xFFFFFFF0]  }
0xb0: {  	v6 =	vld [tilespmem:s23+$0xF0];
	v10 =	vsub.f32 v10, v18;
	[tilespmem:s23+$0xE0] =	vst v11  }
0xb1: {  	v8 =	vmul.f32 v8, v4;
	v11 =	vadd.f32 v21, v60;
	v17 =	vld [tilespmem:s18+$0xB0]  }
0xb2: {  	s22 =	simm.s32 $0x6;
	v13 =	vmul.f32 v13, v4;
	v61 =	vmul.f32 v10, v5;
	v18 =	vld [tilespmem:s18+$0xF0]  }
0xb3: {  	s19 =	simm.s32 $0x19400;
	v4 =	vld.idx.msk [tilespmem:v15+s28+$0x0], $0xffff;
	v11 =	vmul.f32 v11, v5;
	v5 =	vmov s22;
	v62 =	vmul.f32 v16, v9  }
0xb4: {  	[tilespmem:s23+$0x70] =	vst v8;
	v15 =	vld [tilespmem:s19+$0x0];
	v8 =	vmul.f32 v16, v19;
	v5 =	vand.u32 $0xFFFFFFFE, v5;
	v63 =	vmul.f32 v7, v19  }
0xb5: {  	v2 =	vld.idx.msk [tilespmem:v12+s28+$0x0], $0xffff;
	v10 =	vbroadcast v5, $0x0;
	v19 =	vmul.f32 v7, v9  }
0xb6: {  	[tilespmem:s23+$0x30] =	vst v13;
	v12 =	vld [tilespmem:s21+$0x0];
	v7 =	vmul.f32 v17, v59;
	v5 =	vmul.f32 v17, v6;
	v21 =	vadd.f32 v63, v62  }
0xb7: {  	v16 =	vld [tilespmem:s19+$0x40];
	[tilespmem:s23+$0xFFFFFF30] =	vst v11;
	v9 =	vmul.f32 v18, v6;
	v11 =	vsub.f32 v19, v8;
	v8 =	vmul.f32 v18, v59  }
0xb8: {  	v13 =	vld [tilespmem:s21+$0xFFFFFF00];
	[tilespmem:s23+$0xFFFFFF70] =	vst v61;
	s18 =	simm.s32 $0x8;
	s22 =	sshll.u32 s20, $0x2;
	v6 =	vmul.f32 v21, v1  }
.LBB2_3:
0xb9: {  	p1 =	slt.u32 s18, $0x4C;
	v17 =	vld [tilespmem:s21+$0xFFFFFF40];
	v11 =	vmul.f32 v11, v1;
	v7 =	vadd.f32 v9, v7;
	v5 =	vsub.f32 v8, v5;
	v1 =	vmovc v4  }
0xba: {  	v8 =	vld [tilespmem:s19+$0xFFFFFF00];
	[tilespmem:s23+$0xFFFFFFB0] =	vst v6  }
0xbb: {  	v4 =	vld.idx.msk [tilespmem:v10+s28+$0x0], $0xffff;
	[tilespmem:s23+$0xFFFFFFF0] =	vst v11;
	v6 =	vmul.f32 v7, v0;
	v5 =	vmul.f32 v5, v0;
	v0 =	vmov v3  }
0xbc: {  	v7 =	vmul.f32 v15, v12;
	v3 =	vld [tilespmem:s19+$0xFFFFFF40];
	v9 =	vmul.f32 v16, v14  }
0xbd: {  	v11 =	vmul.f32 v16, v12;
	v12 =	vmul.f32 v15, v14;
	v10 =	vld [tilespmem:s21+$0xFFFFFF80];
	[tilespmem:s23+$0xB0] =	vst v6  }
0xbe: {  	v6 =	vld [tilespmem:s21+$0xFFFFFFC0];
	v14 =	vadd.f32 v9, v7;
	[tilespmem:s23+$0xF0] =	vst v5;
	s23 =	smov.u32 s21  }
0xbf: {  	v11 =	vsub.f32 v11, v12;
	v5 =	vmul.f32 v8, v13;
	v8 =	vmul.f32 v8, v17;
	v15 =	vld [tilespmem:s19+$0xFFFFFF80]  }
0xc0: {  	v12 =	vld [tilespmem:s19+$0xFFFFFFC0];
	v7 =	vsel vm0, v7, v14  }
0xc1: {  	v9 =	vsel vm0, v9, v11;
	v14 =	vmul.f32 v3, v17;
	v7 =	vmul.f32 v7, v4;
	v11 =	vld [tilespmem:s21+$0x80]  }
0xc2: {  	v3 =	vmul.f32 v3, v13;
	v9 =	vmul.f32 v9, v4;
	v13 =	vld [tilespmem:s21+$0xC0]  }
0xc3: {  	v16 =	vadd.f32 v14, v5;
	[tilespmem:s21+$0x0] =	vst v7;
	v7 =	vld [tilespmem:s21+$0x10]  }
0xc4: {  	v3 =	vsub.f32 v3, v8;
	v8 =	vmul.f32 v15, v10;
	v15 =	vmul.f32 v15, v6;
	[tilespmem:s21+$0x40] =	vst v9;
	v9 =	vld [tilespmem:s21+$0x50]  }
0xc5: {  	v5 =	vsel vm0, v5, v16;
	v6 =	vmul.f32 v12, v6;
	v10 =	vmul.f32 v12, v10;
	v12 =	vld [tilespmem:s19+$0x10]  }
0xc6: {  	v3 =	vsel vm0, v14, v3;
	v5 =	vmul.f32 v5, v2;
	v14 =	vld [tilespmem:s19+$0x50]  }
0xc7: {  	v3 =	vmul.f32 v3, v2;
	v16 =	vadd.f32 v6, v8;
	v10 =	vsub.f32 v10, v15;
	v15 =	vld [tilespmem:s19+$0x80]  }
0xc8: {  	[tilespmem:s21+$0xFFFFFF00] =	vst v5;
	v5 =	vld [tilespmem:s19+$0xC0]  }
0xc9: {  	[tilespmem:s21+$0xFFFFFF40] =	vst v3;
	v3 =	vld [tilespmem:s21+$0xFFFFFF10];
	v8 =	vsel vm0, v8, v16;
	v6 =	vsel vm0, v6, v10  }
0xca: {  	v10 =	vld [tilespmem:s19+$0xFFFFFF10];
	v8 =	vmul.f32 v8, v1;
	v6 =	vmul.f32 v6, v1  }
0xcb: {  	v17 =	vmul.f32 v12, v7;
	v16 =	vld [tilespmem:s19+$0xFFFFFF50];
	v18 =	vmul.f32 v14, v9  }
0xcc: {  	v7 =	vmul.f32 v14, v7;
	v19 =	vld [tilespmem:s21+$0xFFFFFF50];
	[tilespmem:s21+$0xFFFFFF80] =	vst v8;
	v8 =	vmul.f32 v12, v9  }
0xcd: {  	v12 =	vmul.f32 v15, v11;
	[tilespmem:s21+$0xFFFFFFC0] =	vst v6;
	v6 =	vld [tilespmem:s21+$0xFFFFFF90];
	v9 =	vadd.f32 v18, v17;
	v14 =	vmul.f32 v5, v13  }
0xce: {  	v5 =	vmul.f32 v5, v11;
	v17 =	vld [tilespmem:s19+$0xFFFFFF90];
	v7 =	vsub.f32 v7, v8;
	v8 =	vmul.f32 v15, v13  }
0xcf: {  	v11 =	vmul.f32 v10, v3;
	v13 =	vld [tilespmem:s19+$0xFFFFFFD0];
	v9 =	vmul.f32 v9, v4;
	v15 =	vadd.f32 v14, v12  }
0xd0: {  	v3 =	vmul.f32 v16, v3;
	v18 =	vld [tilespmem:s21+$0xFFFFFFD0];
	v7 =	vmul.f32 v7, v4;
	v5 =	vsub.f32 v5, v8  }
0xd1: {  	v8 =	vmul.f32 v16, v19;
	v10 =	vmul.f32 v10, v19;
	[tilespmem:s21+$0x10] =	vst v9;
	v9 =	vld [tilespmem:s21+$0x20];
	v12 =	vsel vm0, v12, v15  }
0xd2: {  	[tilespmem:s21+$0x50] =	vst v7;
	v7 =	vld [tilespmem:s21+$0x60];
	v5 =	vsel vm0, v14, v5;
	v12 =	vmul.f32 v12, v0  }
0xd3: {  	v8 =	vadd.f32 v8, v11;
	v11 =	vmul.f32 v17, v6;
	v14 =	vld [tilespmem:s19+$0x20];
	v5 =	vmul.f32 v5, v0  }
0xd4: {  	v3 =	vsub.f32 v3, v10;
	v6 =	vmul.f32 v13, v6;
	v10 =	vld [tilespmem:s19+$0x60];
	[tilespmem:s21+$0x80] =	vst v12  }
0xd5: {  	v12 =	vmul.f32 v13, v18;
	v13 =	vmul.f32 v17, v18;
	[tilespmem:s21+$0xC0] =	vst v5;
	v5 =	vld [tilespmem:s21+$0x90]  }
0xd6: {  	v8 =	vmul.f32 v8, v2;
	v3 =	vmul.f32 v3, v2;
	v15 =	vld [tilespmem:s19+$0x90]  }
0xd7: {  	v11 =	vadd.f32 v12, v11;
	v6 =	vsub.f32 v6, v13;
	v12 =	vld [tilespmem:s19+$0xD0]  }
0xd8: {  	[tilespmem:s21+$0xFFFFFF10] =	vst v8;
	v8 =	vld [tilespmem:s21+$0xD0]  }
0xd9: {  	v13 =	vmul.f32 v14, v9;
	[tilespmem:s21+$0xFFFFFF50] =	vst v3;
	v3 =	vld [tilespmem:s21+$0xFFFFFF20];
	v16 =	vmul.f32 v10, v7  }
0xda: {  	v9 =	vmul.f32 v10, v9;
	v7 =	vmul.f32 v14, v7;
	v17 =	vld [tilespmem:s19+$0xFFFFFF20]  }
0xdb: {  	v11 =	vmul.f32 v11, v1;
	v10 =	vld [tilespmem:s19+$0xFFFFFF60];
	v13 =	vadd.f32 v16, v13;
	v14 =	vmul.f32 v15, v5  }
0xdc: {  	v6 =	vmul.f32 v6, v1;
	v7 =	vsub.f32 v9, v7;
	v16 =	vld [tilespmem:s21+$0xFFFFFF60];
	v5 =	vmul.f32 v12, v5  }
0xdd: {  	[tilespmem:s21+$0xFFFFFF90] =	vst v11;
	v9 =	vld [tilespmem:s21+$0xFFFFFFA0];
	v11 =	vmul.f32 v13, v4;
	v12 =	vmul.f32 v12, v8  }
0xde: {  	v7 =	vmul.f32 v7, v4;
	v8 =	vmul.f32 v15, v8;
	[tilespmem:s21+$0xFFFFFFD0] =	vst v6;
	v6 =	vld [tilespmem:s21+$0xFFFFFFE0]  }
0xdf: {  	v13 =	vmul.f32 v17, v3;
	[tilespmem:s21+$0x20] =	vst v11;
	v11 =	vld [tilespmem:s21+$0x30];
	v12 =	vadd.f32 v12, v14  }
0xe0: {  	v5 =	vsub.f32 v5, v8;
	v3 =	vmul.f32 v10, v3;
	[tilespmem:s21+$0x60] =	vst v7;
	v7 =	vld [tilespmem:s21+$0x70]  }
0xe1: {  	v8 =	vmul.f32 v10, v16;
	v10 =	vld [tilespmem:s19+$0x30];
	v12 =	vmul.f32 v12, v0  }
0xe2: {  	v14 =	vmul.f32 v17, v16;
	v5 =	vmul.f32 v5, v0;
	v15 =	vld [tilespmem:s19+$0x70]  }
0xe3: {  	v16 =	vmov s18;
	v8 =	vadd.f32 v8, v13;
	v13 =	vld [tilespmem:s19+$0xFFFFFFA0];
	[tilespmem:s21+$0x90] =	vst v12  }
0xe4: {  	v12 =	vand.u32 $0xFFFFFFFC, v16;
	v3 =	vsub.f32 v3, v14;
	v14 =	vld [tilespmem:s19+$0xFFFFFFE0];
	[tilespmem:s21+$0xD0] =	vst v5  }
0xe5: {  	v5 =	vbroadcast v12, $0x0;
	v8 =	vmul.f32 v8, v2;
	v12 =	vld [tilespmem:s19+$0xA0]  }
0xe6: {  	s16 =	sadd.s32 $0x1, s18;
	v3 =	vmul.f32 v3, v2;
	v16 =	vmul.f32 v10, v11;
	v17 =	vld [tilespmem:s19+$0xE0]  }
0xe7: {  	v18 =	vmov s16;
	v10 =	vmul.f32 v10, v7;
	[tilespmem:s21+$0xFFFFFF20] =	vst v8;
	v8 =	vmul.f32 v15, v11;
	v11 =	vld [tilespmem:s21+$0xA0]  }
0xe8: {  	v18 =	vand.u32 $0xFFFFFFFD, v18;
	[tilespmem:s21+$0xFFFFFF60] =	vst v3;
	v3 =	vmul.f32 v13, v9;
	v13 =	vmul.f32 v13, v6;
	v19 =	vld [tilespmem:s21+$0xE0]  }
0xe9: {  	s16 =	sadd.s32 $0x3, s18;
	v20 =	vld [tilespmem:s19+$0xFFFFFF30];
	v6 =	vmul.f32 v14, v6;
	v9 =	vmul.f32 v14, v9;
	v8 =	vsub.f32 v8, v10  }
0xea: {  	v7 =	vmul.f32 v15, v7;
	v10 =	vbroadcast v18, $0x0;
	v14 =	vmov s16;
	v18 =	vld [tilespmem:s19+$0xFFFFFF70]  }
0xeb: {  	v15 =	vld [tilespmem:s21+$0xFFFFFF30];
	v3 =	vadd.f32 v6, v3;
	v6 =	vsub.f32 v9, v13;
	v8 =	vmul.f32 v8, v4  }
0xec: {  	v7 =	vadd.f32 v7, v16;
	v9 =	vld [tilespmem:s21+$0xFFFFFF70];
	v13 =	vmul.f32 v12, v11;
	v11 =	vmul.f32 v17, v11  }
0xed: {  	v16 =	vld [tilespmem:s21+$0xFFFFFFB0];
	[tilespmem:s21+$0x70] =	vst v8;
	v8 =	vmul.f32 v17, v19;
	v12 =	vmul.f32 v12, v19  }
0xee: {  	v3 =	vmul.f32 v3, v1;
	v6 =	vmul.f32 v6, v1;
	v17 =	vld [tilespmem:s21+$0xFFFFFFF0]  }
0xef: {  	v4 =	vmul.f32 v7, v4;
	v7 =	vadd.f32 v8, v13;
	v8 =	vsub.f32 v11, v12;
	v13 =	vld [tilespmem:s21+$0xB0]  }
0xf0: {  	v11 =	vmul.f32 v20, v15;
	v12 =	vmul.f32 v18, v15;
	[tilespmem:s21+$0xFFFFFFA0] =	vst v3;
	v19 =	vld [tilespmem:s21+$0xF0]  }
0xf1: {  	v3 =	vld.idx.msk [tilespmem:v14+s28+$0x0], $0xffff;
	[tilespmem:s21+$0xFFFFFFE0] =	vst v6;
	v6 =	vmul.f32 v7, v0;
	v7 =	vmul.f32 v8, v0  }
0xf2: {  	v8 =	vmul.f32 v18, v9;
	v9 =	vmul.f32 v20, v9;
	v14 =	vld [tilespmem:s19+$0xFFFFFFB0];
	[tilespmem:s21+$0x30] =	vst v4  }
0xf3: {  	v15 =	vld [tilespmem:s19+$0xFFFFFFF0];
	[tilespmem:s21+$0xA0] =	vst v6  }
0xf4: {  	v4 =	vadd.f32 v8, v11;
	v6 =	vld.idx.msk [tilespmem:v5+s28+$0x0], $0xffff;
	v5 =	vsub.f32 v12, v9;
	[tilespmem:s21+$0xE0] =	vst v7  }
0xf5: {  	v8 =	vld [tilespmem:s19+$0xB0]  }
0xf6: {  	s16 =	sadd.s32 $0x2, s18;
	v7 =	vmul.f32 v4, v2;
	v2 =	vmul.f32 v5, v2;
	v18 =	vld [tilespmem:s19+$0xF0]  }
0xf7: {  	s21 =	sadd.s32 $0x200, s21;
	v5 =	vmov s16;
	v4 =	vld.idx.msk [tilespmem:v10+s28+$0x0], $0xffff;
	v9 =	vmul.f32 v14, v16;
	v11 =	vmul.f32 v14, v17  }
.Ltmp4:
0xf8: {  	v5 =	vand.u32 $0xFFFFFFFE, v5;
	v12 =	vld [tilespmem:s21+$0x0];
	[tilespmem:s23+$0xFFFFFF30] =	vst v7;
	v7 =	vmul.f32 v15, v17;
	v17 =	vmul.f32 v15, v16;
	(pc) =	sbr.rel @p1 .LBB2_3-.Ltmp4, $4  }
0xf9: {  	s19 =	sadd.s32 $0x200, s19;
	v10 =	vbroadcast v5, $0x0;
	v14 =	vld [tilespmem:s21+$0x40];
	[tilespmem:s23+$0xFFFFFF70] =	vst v2  }
0xfa: {  	v15 =	vld [tilespmem:s19+$0x0];
	v20 =	vadd.f32 v7, v9;
	v7 =	vmul.f32 v8, v13;
	v5 =	vmul.f32 v8, v19;
	v2 =	vmovc v6  }
0xfb: {  	v11 =	vsub.f32 v17, v11;
	v16 =	vld [tilespmem:s19+$0x40];
	v9 =	vmul.f32 v18, v19;
	v8 =	vmul.f32 v18, v13  }
0xfc: {  	s18 =	sadd.s32 $0x4, s18;
	v13 =	vld [tilespmem:s21+$0xFFFFFF00];
	v6 =	vmul.f32 v20, v1  }
0xfd: {  	_ =	sdelay $0x2  }
0xfe: {  	v17 =	vld [tilespmem:s21+$0xFFFFFF40]  }
0xff: {  	v10 =	vld.idx.msk [tilespmem:v10+s28+$0x0], $0xffff  }
0x100: {  	v20 =	vld [tilespmem:s19+$0xFFFFFF00]  }
0x101: {  	v21 =	vld [tilespmem:s19+$0xFFFFFF40]  }
0x102: {  	v53 =	vld [tilespmem:s21+$0xFFFFFF80]  }
0x103: {  	v22 =	vld [tilespmem:s21+$0xFFFFFFC0]  }
0x104: {  	v55 =	vld [tilespmem:s19+$0xFFFFFF80];
	v18 =	vmul.f32 v15, v12;
	v19 =	vmul.f32 v16, v14  }
0x105: {  	v56 =	vld [tilespmem:s19+$0xFFFFFFC0];
	v51 =	vmul.f32 v15, v14;
	v50 =	vmul.f32 v16, v12  }
0x106: {  	v23 =	vld [tilespmem:s21+$0x10];
	v52 =	vadd.f32 v19, v18  }
0x107: {  	v59 =	vld [tilespmem:s21+$0x80];
	v12 =	vsub.f32 v50, v51  }
0x108: {  	v31 =	vld [tilespmem:s19+$0x80];
	v57 =	vmul.f32 v20, v13;
	v54 =	vsel vm0, v18, v52  }
0x109: {  	v29 =	vld [tilespmem:s21+$0xC0];
	v58 =	vmul.f32 v21, v17;
	v12 =	vsel vm0, v19, v12;
	v14 =	vmul.f32 v54, v10  }
0x10a: {  	v32 =	vld [tilespmem:s19+$0xC0];
	v17 =	vmul.f32 v20, v17;
	v12 =	vmul.f32 v12, v10  }
0x10b: {  	v62 =	vld [tilespmem:s21+$0x50];
	v60 =	vmul.f32 v21, v13;
	v63 =	vmul.f32 v55, v53;
	[tilespmem:s21+$0x0] =	vst v14  }
0x10c: {  	v35 =	vld [tilespmem:s21+$0xFFFFFF10];
	v24 =	vmul.f32 v56, v22;
	v15 =	vmul.f32 v55, v22;
	v61 =	vadd.f32 v58, v57;
	[tilespmem:s21+$0x40] =	vst v12  }
0x10d: {  	v27 =	vmul.f32 v56, v53;
	v41 =	vmul.f32 v31, v59;
	v25 =	vld [tilespmem:s19+$0x10]  }
0x10e: {  	v13 =	vsub.f32 v60, v17;
	v30 =	vadd.f32 v24, v63;
	v12 =	vsel vm0, v57, v61;
	v28 =	vld [tilespmem:s19+$0x50]  }
0x10f: {  	v42 =	vld [tilespmem:s21+$0xFFFFFF50];
	v43 =	vmul.f32 v32, v29;
	v14 =	vsub.f32 v27, v15;
	v12 =	vmul.f32 v12, v2  }
0x110: {  	v44 =	vld [tilespmem:s21+$0xFFFFFF90];
	v45 =	vmul.f32 v31, v29;
	v13 =	vsel vm0, v58, v13;
	v33 =	vsel vm0, v63, v30  }
0x111: {  	v49 =	vld [tilespmem:s21+$0x20];
	v13 =	vmul.f32 v13, v2;
	v14 =	vsel vm0, v24, v14;
	[tilespmem:s21+$0xFFFFFF00] =	vst v12;
	v12 =	vmul.f32 v32, v59  }
0x112: {  	v51 =	vld [tilespmem:s21+$0xFFFFFFD0];
	v47 =	vadd.f32 v43, v41;
	v34 =	vmul.f32 v33, v4;
	v14 =	vmul.f32 v14, v4  }
0x113: {  	v53 =	vld [tilespmem:s21+$0x60];
	[tilespmem:s21+$0xFFFFFF40] =	vst v13;
	v12 =	vsub.f32 v12, v45;
	v36 =	vmul.f32 v25, v23;
	v37 =	vmul.f32 v28, v62  }
0x114: {  	v50 =	vsel vm0, v41, v47;
	[tilespmem:s21+$0xFFFFFF80] =	vst v34;
	v38 =	vld [tilespmem:s19+$0xFFFFFF10];
	v16 =	vmul.f32 v28, v23;
	v40 =	vmul.f32 v25, v62  }
0x115: {  	v52 =	vmul.f32 v50, v3;
	v39 =	vld [tilespmem:s19+$0xFFFFFF50];
	[tilespmem:s21+$0xFFFFFFC0] =	vst v14;
	v12 =	vsel vm0, v43, v12;
	v17 =	vadd.f32 v37, v36  }
0x116: {  	v46 =	vld [tilespmem:s19+$0xFFFFFF90];
	v13 =	vsub.f32 v16, v40;
	v12 =	vmul.f32 v12, v3  }
0x117: {  	[tilespmem:s21+$0x80] =	vst v52;
	v48 =	vld [tilespmem:s19+$0xFFFFFFD0];
	v17 =	vmul.f32 v17, v10  }
0x118: {  	v60 =	vld [tilespmem:s21+$0x90];
	v13 =	vmul.f32 v13, v10;
	[tilespmem:s21+$0xC0] =	vst v12  }
0x119: {  	v30 =	vld [tilespmem:s21+$0xD0];
	[tilespmem:s21+$0x10] =	vst v17  }
0x11a: {  	v54 =	vmul.f32 v38, v35;
	v55 =	vmul.f32 v39, v42;
	v63 =	vld [tilespmem:s19+$0x90];
	[tilespmem:s21+$0x50] =	vst v13  }
0x11b: {  	v56 =	vmul.f32 v39, v35;
	v57 =	vmul.f32 v38, v42;
	v26 =	vld [tilespmem:s19+$0x20]  }
0x11c: {  	v59 =	vadd.f32 v55, v54;
	v61 =	vmul.f32 v46, v44;
	v28 =	vmul.f32 v48, v51;
	v58 =	vld [tilespmem:s19+$0x60]  }
0x11d: {  	v29 =	vld [tilespmem:s19+$0xD0];
	v13 =	vsub.f32 v56, v57  }
0x11e: {  	v47 =	vld [tilespmem:s21+$0x70];
	v12 =	vmul.f32 v59, v2;
	v22 =	vadd.f32 v28, v61  }
0x11f: {  	v34 =	vld [tilespmem:s21+$0xFFFFFF20];
	v62 =	vmul.f32 v48, v44;
	v13 =	vmul.f32 v13, v2  }
0x120: {  	v40 =	vld [tilespmem:s21+$0xFFFFFF60];
	v18 =	vmul.f32 v46, v51;
	[tilespmem:s21+$0xFFFFFF10] =	vst v12;
	v35 =	vmul.f32 v22, v4  }
0x121: {  	v42 =	vld [tilespmem:s21+$0xFFFFFFA0];
	[tilespmem:s21+$0xFFFFFF50] =	vst v13;
	v31 =	vmul.f32 v26, v49;
	v32 =	vmul.f32 v58, v53  }
0x122: {  	v15 =	vsub.f32 v62, v18;
	v17 =	vmul.f32 v29, v60;
	v41 =	vmul.f32 v63, v30;
	v36 =	vld [tilespmem:s19+$0xFFFFFF20]  }
0x123: {  	v37 =	vmul.f32 v63, v60;
	v39 =	vmul.f32 v29, v30;
	v38 =	vld [tilespmem:s19+$0xFFFFFF60];
	v12 =	vadd.f32 v32, v31  }
0x124: {  	v44 =	vld [tilespmem:s21+$0x30];
	v15 =	vmul.f32 v15, v4;
	v45 =	vsub.f32 v17, v41  }
0x125: {  	v46 =	vld [tilespmem:s21+$0xFFFFFFE0];
	[tilespmem:s21+$0xFFFFFF90] =	vst v35;
	v33 =	vmul.f32 v58, v49;
	v43 =	vadd.f32 v39, v37;
	v12 =	vmul.f32 v12, v10  }
0x126: {  	v57 =	vld [tilespmem:s21+$0xA0];
	[tilespmem:s21+$0xFFFFFFD0] =	vst v15;
	v14 =	vmul.f32 v26, v53;
	v15 =	vmul.f32 v45, v3  }
0x127: {  	v50 =	vld [tilespmem:s19+$0xFFFFFFA0];
	[tilespmem:s21+$0x20] =	vst v12;
	v12 =	vmul.f32 v43, v3  }
0x128: {  	v53 =	vld [tilespmem:s19+$0xFFFFFFE0];
	v13 =	vsub.f32 v33, v14;
	v48 =	vmul.f32 v36, v34;
	v49 =	vmul.f32 v38, v40;
	[tilespmem:s21+$0xD0] =	vst v15  }
0x129: {  	v58 =	vld [tilespmem:s21+$0xE0];
	v51 =	vmul.f32 v38, v34;
	v52 =	vmul.f32 v36, v40;
	[tilespmem:s21+$0x90] =	vst v12  }
0x12a: {  	v13 =	vmul.f32 v13, v10;
	v54 =	vadd.f32 v49, v48;
	v55 =	vld [tilespmem:s19+$0xA0]  }
0x12b: {  	v12 =	vsub.f32 v51, v52;
	v56 =	vld [tilespmem:s19+$0xE0]  }
0x12c: {  	v28 =	vld [tilespmem:s21+$0xFFFFFF30];
	[tilespmem:s21+$0x60] =	vst v13;
	v15 =	vmul.f32 v54, v2  }
0x12d: {  	v1 =	vmul.f32 v11, v1;
	v59 =	vld [tilespmem:s19+$0x30];
	v12 =	vmul.f32 v12, v2  }
0x12e: {  	v17 =	vmul.f32 v50, v46;
	v19 =	vmul.f32 v53, v42;
	v60 =	vld [tilespmem:s19+$0x70];
	[tilespmem:s21+$0xFFFFFF20] =	vst v15  }
0x12f: {  	v35 =	vld [tilespmem:s21+$0xFFFFFFF0];
	v61 =	vmul.f32 v50, v42;
	v62 =	vmul.f32 v53, v46;
	[tilespmem:s21+$0xFFFFFF60] =	vst v12  }
0x130: {  	v17 =	vsub.f32 v19, v17;
	v15 =	vld [tilespmem:s19+$0xFFFFFF30];
	v29 =	vmul.f32 v55, v57;
	v30 =	vmul.f32 v56, v58  }
0x131: {  	v12 =	vadd.f32 v62, v61;
	v63 =	vld [tilespmem:s19+$0xFFFFFF70];
	v16 =	vmul.f32 v56, v57;
	v18 =	vmul.f32 v55, v58  }
0x132: {  	v31 =	vld [tilespmem:s21+$0xFFFFFF70];
	v17 =	vmul.f32 v17, v4;
	v32 =	vmul.f32 v59, v44;
	v33 =	vadd.f32 v30, v29  }
0x133: {  	v37 =	vld [tilespmem:s21+$0xF0];
	v14 =	vmul.f32 v60, v44;
	v12 =	vmul.f32 v12, v4;
	v16 =	vsub.f32 v16, v18  }
0x134: {  	v34 =	vld [tilespmem:s21+$0xFFFFFFB0];
	[tilespmem:s21+$0xFFFFFFE0] =	vst v17;
	v24 =	vmul.f32 v59, v47;
	v23 =	vmul.f32 v33, v3  }
0x135: {  	v36 =	vld [tilespmem:s21+$0xB0];
	v11 =	vmul.f32 v60, v47;
	[tilespmem:s21+$0xFFFFFFA0] =	vst v12;
	v16 =	vmul.f32 v16, v3  }
0x136: {  	v7 =	vadd.f32 v9, v7;
	v40 =	vld [tilespmem:s19+$0xFFFFFFB0];
	v38 =	vmul.f32 v15, v28;
	v39 =	vmul.f32 v63, v28;
	[tilespmem:s21+$0xA0] =	vst v23  }
0x137: {  	v5 =	vsub.f32 v8, v5;
	v42 =	vld [tilespmem:s19+$0xFFFFFFF0];
	v41 =	vmul.f32 v63, v31;
	v15 =	vmul.f32 v15, v31;
	[tilespmem:s21+$0xE0] =	vst v16  }
0x138: {  	v7 =	vmul.f32 v7, v0;
	v14 =	vsub.f32 v14, v24;
	v11 =	vadd.f32 v11, v32;
	v43 =	vld [tilespmem:s19+$0xB0]  }
0x139: {  	v44 =	vmul.f32 v5, v0;
	v45 =	vadd.f32 v41, v38;
	v46 =	vsub.f32 v39, v15;
	v47 =	vld [tilespmem:s19+$0xF0]  }
0x13a: {  	[tilespmem:s23+$0xFFFFFFB0] =	vst v6;
	v48 =	vmul.f32 v14, v10;
	v10 =	vmul.f32 v11, v10  }
0x13b: {  	[tilespmem:s23+$0xFFFFFFF0] =	vst v1;
	v49 =	vmul.f32 v45, v2;
	v50 =	vmul.f32 v46, v2  }
0x13c: {  	[tilespmem:s23+$0xB0] =	vst v7;
	v51 =	vmul.f32 v40, v34;
	v52 =	vmul.f32 v42, v35  }
0x13d: {  	[tilespmem:s23+$0xF0] =	vst v44;
	v53 =	vmul.f32 v40, v35;
	v54 =	vmul.f32 v42, v34  }
0x13e: {  	[tilespmem:s21+$0x70] =	vst v48;
	v5 =	vadd.f32 v52, v51;
	v55 =	vmul.f32 v43, v36;
	v56 =	vmul.f32 v47, v37  }
0x13f: {  	[tilespmem:s21+$0x30] =	vst v10;
	v0 =	vsub.f32 v54, v53;
	v57 =	vmul.f32 v43, v37;
	v58 =	vmul.f32 v47, v36  }
0x140: {  	[tilespmem:s21+$0xFFFFFF30] =	vst v49;
	v59 =	vmul.f32 v5, v4;
	v60 =	vadd.f32 v56, v55  }
0x141: {  	s16 =	sor.u32 $0x2, s22;
	[tilespmem:s21+$0xFFFFFF70] =	vst v50;
	v0 =	vmul.f32 v0, v4;
	v61 =	vsub.f32 v58, v57  }
0x142: {  	p1 =	sgt.u32 s16, $0x7C;
	[tilespmem:s21+$0xFFFFFFB0] =	vst v59;
	v62 =	vmul.f32 v60, v3  }
0x143: {  	s16 =	sshll.u32 @!p1 s16, $0x7;
	s18 =	sshll.u32 @!p1 s20, $0x9;
	[tilespmem:s21+$0xFFFFFFF0] =	vst v0;
	v63 =	vmul.f32 v61, v3  }
0x144: {  	s16 =	sand.u32 @!p1 $0x300, s16;
	s18 =	sand.u32 @!p1 $0x3C00, s18;
	[tilespmem:s21+$0xB0] =	vst v62  }
0x145: {  	s16 =	sor.u32 @!p1 s16, s18;
	[tilespmem:s21+$0xF0] =	vst v63  }
0x146: {  	[spmem:s2] =	stream.indirect.scatter.add.f32 [tilespmem:s10], [sflag:$0x5], $0x80, s26, s30, $0xb8;
	[tilespmem:$0x1E100] =	vst v63  }
0x147: {  	s16 =	sor.u32 @!p1 s11, s16;
	_ =	swait.ge [sflag:s4], $0x2800  }
0x148: {  	s18 =	simm.s32 @!p1 $0x13C00;
	s16 =	sshrl.u32 @!p1 s16, $0x3;
	[sflag:s4] =	ssyncset.done $0x0  }
0x149: {  	s19 =	sadd.s32 @!p1 s6, s16;
	s21 =	simm.s32 @!p1 $0x0;
	[sflag:s4] =	ssyncadd.s32 $0xFFFFD800  }
0x14a: {  	[tilespmem:s18], [sflag:$0x1] =	stream.linear.gather @!p1 [hbm4b:s19+s21], $0x80, $0x38;
	[tilespmem:$0x1E100] =	vst v63  }
0x14b: {  	s23 =	sadd.s32 @!p1 s8, s16;
	s19 =	simm.s32 @!p1 $0x13D00  }
0x14c: {  	[tilespmem:s19], [sflag:$0x1] =	stream.linear.gather @!p1 [hbm4b:s23+s21], $0x80, $0x38;
	[tilespmem:$0x1E100] =	vst v63  }
.Ltmp5:
0x14d: {  	_ = 	snop;
	(pc) =	sbr.rel @p0 .LBB2_8-.Ltmp5, $4  }
0x14e: {  	s17 =	simm.s32 @!p1 $0x13F00;
	s23 =	sadd.s32 @!p1 s7, s16  }
0x14f: {  	[tilespmem:s17], [sflag:$0x1] =	stream.linear.gather @!p1 [hbm4b:s23+s21], $0x80, $0x38;
	[tilespmem:$0x1E100] =	vst v63  }
0x150: {  	s16 =	sadd.s32 @!p1 s9, s16;
	s17 =	simm.s32 @!p1 $0x14000  }
0x151: {  	[tilespmem:s17], [sflag:$0x1] =	stream.linear.gather @!p1 [hbm4b:s16+s21], $0x80, $0x38;
	[tilespmem:$0x1E100] =	vst v63  }
0x152: {  	_ =	swait.ge [sflag:s14], $0x2800  }
0x153: {  	[sflag:s14] =	ssyncset.done $0x0  }
0x154: {  	[sflag:s14] =	ssyncadd.s32 $0xFFFFD800  }
0x155: {  	_ =	swait.ge [sflag:s14], $0x2800  }
0x156: {  	[sflag:s14] =	ssyncset.done $0x0  }
0x157: {  	s16 =	simm.s32 @!p1 $0x1;
	[sflag:s14] =	ssyncadd.s32 $0xFFFFD800  }
0x158: {  	_ =	swait.ge @!p1 [sflag:s16], $0x80  }
0x159: {  	[sflag:s16] =	ssyncset.done @!p1 $0x0  }
0x15a: {  	[sflag:s16] =	ssyncadd.s32 @!p1 $0xFFFFFF80  }
0x15b: {  	_ =	swait.ge @!p1 [sflag:s16], $0x80  }
0x15c: {  	[sflag:s16] =	ssyncset.done @!p1 $0x0  }
0x15d: {  	[sflag:s16] =	ssyncadd.s32 @!p1 $0xFFFFFF80  }
0x15e: {  	_ =	swait.ge @!p1 [sflag:s16], $0x80  }
0x15f: {  	[sflag:s16] =	ssyncset.done @!p1 $0x0  }
0x160: {  	[sflag:s16] =	ssyncadd.s32 @!p1 $0xFFFFFF80  }
0x161: {  	_ =	swait.ge @!p1 [sflag:s16], $0x80  }
0x162: {  	[sflag:s16] =	ssyncset.done @!p1 $0x0  }
0x163: {  	s17 =	simm.s32 @!p1 $0x14100;
	[sflag:s16] =	ssyncadd.s32 @!p1 $0xFFFFFF80;
	s16 =	simm.s32 @!p1 $0x50  }
0x164: {  	[tilespmem:s17], [sflag:$0x3] =	stream.indirect.gather @!p1 [hbm4b:s1+s16], $0x80, s18, s16, $0xb8;
	[tilespmem:$0x1E100] =	vst v63  }
0x165: {  	s23 =	simm.s32 $0x16A00;
	s17 =	simm.s32 @!p1 $0x19100  }
0x166: {  	[tilespmem:s17], [sflag:$0x3] =	stream.indirect.gather @!p1 [hbm4b:s5+s16], $0x80, s19, s16, $0xb8;
	[tilespmem:$0x1E100] =	vst v63  }
0x167: {  	s18 =	simm.s32 $0x3;
	s19 =	simm.s32 $0x2;
	v2 =	vld [tilespmem:s23+$0x0]  }
0x168: {  	v0 =	vmov s18;
	s18 =	simm.s32 $0x1BA00;
	v1 =	vmov s19;
	v3 =	vld [tilespmem:s23+$0x40]  }
0x169: {  	v5 =	vld [tilespmem:s18+$0x0];
	v1 =	vand.u32 $0xFFFFFFFE, v1  }
0x16a: {  	v6 =	vld [tilespmem:s18+$0x40];
	v1 =	vbroadcast v1, $0x0  }
0x16b: {  	v7 =	vld [tilespmem:s23+$0xFFFFFF00]  }
0x16c: {  	s21 =	simm.s32 $0x0;
	v9 =	vld [tilespmem:s23+$0xFFFFFF40]  }
0x16d: {  	v4 =	vmov s21;
	v12 =	vld [tilespmem:s18+$0xFFFFFF00]  }
0x16e: {  	v8 =	vand.u32 $0xFFFFFFFC, v4;
	s17 =	simm.s32 $0x1;
	v13 =	vld [tilespmem:s18+$0xFFFFFF40]  }
0x16f: {  	v8 =	vbroadcast v8, $0x0;
	v10 =	vmov s17;
	v14 =	vld [tilespmem:s23+$0xFFFFFFC0];
	v11 =	vmul.f32 v6, v3  }
0x170: {  	v10 =	vand.u32 $0xFFFFFFFD, v10;
	v3 =	vmul.f32 v5, v3;
	v4 =	vld.idx.msk [tilespmem:v1+s0+$0x0], $0xffff;
	v1 =	vmul.f32 v5, v2  }
0x171: {  	v15 =	vld [tilespmem:s18+$0xFFFFFFC0];
	v2 =	vmul.f32 v6, v2;
	v6 =	vbroadcast v10, $0x0  }
0x172: {  	v16 =	vld [tilespmem:s23+$0x10];
	v5 =	vadd.f32 v11, v1  }
0x173: {  	v10 =	vld [tilespmem:s23+$0xFFFFFF80];
	v2 =	vsub.f32 v2, v3  }
0x174: {  	v3 =	vld [tilespmem:s18+$0xFFFFFF80];
	v1 =	vsel vm0, v1, v5  }
0x175: {  	v2 =	vsel vm0, v11, v2;
	v5 =	vld.idx.msk [tilespmem:v8+s0+$0x0], $0xffff;
	v8 =	vmul.f32 v12, v7;
	v1 =	vmul.f32 v1, v4  }
0x176: {  	v0 =	vld.idx.msk [tilespmem:v0+s0+$0x0], $0xffff;
	v11 =	vmul.f32 v13, v9;
	v2 =	vmul.f32 v2, v4  }
0x177: {  	v7 =	vmul.f32 v13, v7;
	[tilespmem:s23+$0x0] =	vst v1;
	v1 =	vld.idx.msk [tilespmem:v6+s0+$0x0], $0xffff;
	v6 =	vmul.f32 v12, v9  }
0x178: {  	[tilespmem:s23+$0x40] =	vst v2;
	v2 =	vadd.f32 v11, v8;
	v9 =	vld [tilespmem:s23+$0x50]  }
0x179: {  	v12 =	vmul.f32 v15, v14;
	v13 =	vld [tilespmem:s18+$0x10];
	v6 =	vsub.f32 v7, v6  }
0x17a: {  	v7 =	vmul.f32 v3, v10;
	v2 =	vsel vm0, v8, v2;
	v8 =	vmul.f32 v15, v10;
	v10 =	vld [tilespmem:s18+$0x50]  }
0x17b: {  	v3 =	vmul.f32 v3, v14;
	v14 =	vld [tilespmem:s23+$0x80]  }
0x17c: {  	v15 =	vld [tilespmem:s23+$0xC0];
	v2 =	vmul.f32 v2, v5;
	v6 =	vsel vm0, v11, v6;
	v11 =	vadd.f32 v12, v7  }
0x17d: {  	v3 =	vsub.f32 v8, v3;
	v8 =	vld [tilespmem:s18+$0x80];
	v6 =	vmul.f32 v6, v5  }
0x17e: {  	[tilespmem:s23+$0xFFFFFF00] =	vst v2;
	v2 =	vsel vm0, v7, v11;
	v7 =	vld [tilespmem:s18+$0xC0];
	v11 =	vmul.f32 v13, v16  }
0x17f: {  	v3 =	vsel vm0, v12, v3;
	[tilespmem:s23+$0xFFFFFF40] =	vst v6;
	v2 =	vmul.f32 v2, v1;
	v6 =	vld [tilespmem:s23+$0xFFFFFF10];
	v12 =	vmul.f32 v10, v9  }
0x180: {  	v3 =	vmul.f32 v3, v1;
	v17 =	vld [tilespmem:s18+$0xFFFFFF10]  }
0x181: {  	v9 =	vmul.f32 v13, v9;
	v18 =	vld [tilespmem:s18+$0xFFFFFF50];
	[tilespmem:s23+$0xFFFFFF80] =	vst v2;
	v2 =	vmul.f32 v10, v16;
	v10 =	vadd.f32 v12, v11  }
0x182: {  	v11 =	vld [tilespmem:s23+$0xFFFFFF50];
	v12 =	vmul.f32 v8, v14  }
0x183: {  	[tilespmem:s23+$0xFFFFFFC0] =	vst v3;
	v3 =	vld [tilespmem:s23+$0xFFFFFF90];
	v2 =	vsub.f32 v2, v9;
	v9 =	vmul.f32 v10, v4;
	v10 =	vmul.f32 v7, v15  }
0x184: {  	v8 =	vmul.f32 v8, v15;
	v16 =	vld [tilespmem:s23+$0xFFFFFFD0];
	v7 =	vmul.f32 v7, v14  }
0x185: {  	v13 =	vld [tilespmem:s18+$0xFFFFFF90];
	v2 =	vmul.f32 v2, v4;
	[tilespmem:s23+$0x10] =	vst v9;
	v9 =	vadd.f32 v10, v12  }
0x186: {  	v14 =	vld [tilespmem:s18+$0xFFFFFFD0];
	v7 =	vsub.f32 v7, v8  }
0x187: {  	v15 =	vld [tilespmem:s23+$0x20];
	[tilespmem:s23+$0x50] =	vst v2;
	v2 =	vmul.f32 v17, v6;
	v6 =	vmul.f32 v18, v6;
	v8 =	vsel vm0, v12, v9  }
0x188: {  	v9 =	vld [tilespmem:s23+$0x60];
	v12 =	vmul.f32 v18, v11;
	v7 =	vsel vm0, v10, v7;
	v8 =	vmul.f32 v8, v0  }
0x189: {  	v11 =	vmul.f32 v17, v11;
	v10 =	vld [tilespmem:s18+$0x20];
	v7 =	vmul.f32 v7, v0  }
0x18a: {  	v17 =	vld [tilespmem:s18+$0x60];
	v2 =	vadd.f32 v12, v2;
	[tilespmem:s23+$0x80] =	vst v8  }
0x18b: {  	v6 =	vsub.f32 v6, v11;
	v11 =	vmul.f32 v14, v16;
	[tilespmem:s23+$0xC0] =	vst v7;
	v8 =	vld [tilespmem:s23+$0x90]  }
0x18c: {  	v7 =	vmul.f32 v13, v3;
	v2 =	vmul.f32 v2, v5;
	v12 =	vld [tilespmem:s18+$0x90]  }
0x18d: {  	v6 =	vmul.f32 v6, v5;
	v18 =	vld [tilespmem:s18+$0xD0]  }
0x18e: {  	v3 =	vmul.f32 v14, v3;
	v13 =	vmul.f32 v13, v16;
	v7 =	vadd.f32 v11, v7;
	v11 =	vld [tilespmem:s23+$0xD0];
	[tilespmem:s23+$0xFFFFFF10] =	vst v2  }
0x18f: {  	v2 =	vmul.f32 v10, v15;
	v19 =	vmul.f32 v17, v9;
	[tilespmem:s23+$0xFFFFFF50] =	vst v6;
	v6 =	vld [tilespmem:s23+$0xFFFFFF20]  }
0x190: {  	v3 =	vsub.f32 v3, v13;
	v14 =	vmul.f32 v17, v15;
	v9 =	vmul.f32 v10, v9;
	v15 =	vld [tilespmem:s23+$0xFFFFFF60]  }
0x191: {  	v10 =	vld [tilespmem:s18+$0xFFFFFF20];
	v7 =	vmul.f32 v7, v1;
	v2 =	vadd.f32 v19, v2  }
0x192: {  	v13 =	vld [tilespmem:s18+$0xFFFFFF60];
	v3 =	vmul.f32 v3, v1;
	v9 =	vsub.f32 v14, v9  }
0x193: {  	[tilespmem:s23+$0xFFFFFF90] =	vst v7;
	v2 =	vmul.f32 v2, v4  }
0x194: {  	v14 =	vmul.f32 v12, v8;
	[tilespmem:s23+$0xFFFFFFD0] =	vst v3;
	v9 =	vmul.f32 v9, v4  }
0x195: {  	v7 =	vld [tilespmem:s23+$0xFFFFFFA0];
	v16 =	vmul.f32 v18, v11;
	v3 =	vmul.f32 v12, v11;
	[tilespmem:s23+$0x20] =	vst v2  }
0x196: {  	v11 =	vld [tilespmem:s23+$0xFFFFFFE0];
	v2 =	vmul.f32 v18, v8;
	[tilespmem:s23+$0x60] =	vst v9;
	v9 =	vmul.f32 v10, v6  }
0x197: {  	v8 =	vld [tilespmem:s23+$0x30];
	v12 =	vadd.f32 v16, v14;
	v6 =	vmul.f32 v13, v6;
	v10 =	vmul.f32 v10, v15  }
0x198: {  	v14 =	vld [tilespmem:s23+$0x70];
	v2 =	vsub.f32 v2, v3  }
0x199: {  	v3 =	vmul.f32 v13, v15;
	v13 =	vld [tilespmem:s18+$0x30];
	v12 =	vmul.f32 v12, v0;
	v6 =	vsub.f32 v6, v10  }
0x19a: {  	v15 =	vld [tilespmem:s18+$0x70];
	v2 =	vmul.f32 v2, v0  }
0x19b: {  	v10 =	vld [tilespmem:s18+$0xFFFFFFE0];
	v3 =	vadd.f32 v3, v9;
	[tilespmem:s23+$0x90] =	vst v12;
	v6 =	vmul.f32 v6, v5  }
0x19c: {  	v9 =	vld [tilespmem:s18+$0xFFFFFFA0];
	[tilespmem:s23+$0xD0] =	vst v2  }
0x19d: {  	v2 =	vmul.f32 v3, v5;
	[tilespmem:s23+$0xFFFFFF60] =	vst v6;
	v6 =	vld [tilespmem:s23+$0xE0]  }
0x19e: {  	s17 =	simm.s32 $0x5;
	v3 =	vld [tilespmem:s18+$0xA0]  }
0x19f: {  	v23 =	vmov s17;
	[tilespmem:s23+$0xFFFFFF20] =	vst v2;
	v2 =	vld [tilespmem:s23+$0xA0]  }
0x1a0: {  	s19 =	simm.s32 $0x4;
	v23 =	vand.u32 $0xFFFFFFFD, v23;
	v16 =	vld [tilespmem:s18+$0xE0];
	v17 =	vmul.f32 v13, v8;
	v8 =	vmul.f32 v15, v8  }
0x1a1: {  	v58 =	vld [tilespmem:s23+$0xFFFFFF70];
	v12 =	vmov s19;
	v13 =	vmul.f32 v13, v14;
	v20 =	vmul.f32 v10, v11  }
0x1a2: {  	s21 =	simm.s32 $0x7;
	v12 =	vand.u32 $0xFFFFFFFC, v12;
	v14 =	vmul.f32 v15, v14;
	v18 =	vld [tilespmem:s18+$0xFFFFFF30];
	v19 =	vmul.f32 v9, v7  }
0x1a3: {  	v9 =	vmul.f32 v9, v11;
	v7 =	vmul.f32 v10, v7;
	v10 =	vld [tilespmem:s23+$0xFFFFFF30];
	v11 =	vmov s21  }
0x1a4: {  	v21 =	vld [tilespmem:s18+$0xFFFFFF70];
	v8 =	vsub.f32 v8, v13;
	v19 =	vadd.f32 v20, v19;
	v22 =	vmul.f32 v3, v2  }
0x1a5: {  	v59 =	vld [tilespmem:s23+$0xB0];
	s21 =	simm.s32 $0x16C00;
	v7 =	vsub.f32 v7, v9;
	v2 =	vmul.f32 v16, v2;
	v16 =	vmul.f32 v16, v6  }
0x1a6: {  	v13 =	vadd.f32 v14, v17;
	v14 =	vld [tilespmem:s21+$0x40];
	v3 =	vmul.f32 v3, v6;
	v6 =	vmul.f32 v19, v1  }
0x1a7: {  	v12 =	vbroadcast v12, $0x0;
	v9 =	vld [tilespmem:s23+$0xFFFFFFB0];
	v7 =	vmul.f32 v7, v1;
	v16 =	vadd.f32 v16, v22  }
0x1a8: {  	v15 =	vbroadcast v23, $0x0;
	v19 =	vld [tilespmem:s23+$0xFFFFFFF0];
	v60 =	vmul.f32 v18, v10;
	v2 =	vsub.f32 v2, v3;
	[tilespmem:s23+$0xFFFFFFA0] =	vst v6  }
0x1a9: {  	v10 =	vmul.f32 v21, v10;
	v3 =	vld.idx.msk [tilespmem:v11+s0+$0x0], $0xffff;
	[tilespmem:s23+$0xFFFFFFE0] =	vst v7;
	v7 =	vmul.f32 v16, v0  }
0x1aa: {  	v18 =	vmul.f32 v18, v58;
	v11 =	vmul.f32 v2, v0;
	v16 =	vld [tilespmem:s18+$0xFFFFFFB0]  }
0x1ab: {  	v21 =	vmul.f32 v21, v58;
	[tilespmem:s23+$0xA0] =	vst v7;
	v7 =	vld [tilespmem:s18+$0xFFFFFFF0]  }
0x1ac: {  	v6 =	vld [tilespmem:s23+$0xF0];
	v10 =	vsub.f32 v10, v18;
	[tilespmem:s23+$0xE0] =	vst v11  }
0x1ad: {  	v8 =	vmul.f32 v8, v4;
	v11 =	vadd.f32 v21, v60;
	v17 =	vld [tilespmem:s18+$0xB0]  }
0x1ae: {  	s19 =	simm.s32 $0x6;
	v13 =	vmul.f32 v13, v4;
	v61 =	vmul.f32 v10, v5;
	v18 =	vld [tilespmem:s18+$0xF0]  }
0x1af: {  	v4 =	vld.idx.msk [tilespmem:v15+s0+$0x0], $0xffff;
	v11 =	vmul.f32 v11, v5;
	v5 =	vmov s19;
	v62 =	vmul.f32 v16, v9  }
0x1b0: {  	[tilespmem:s23+$0x70] =	vst v8;
	v2 =	vld.idx.msk [tilespmem:v12+s0+$0x0], $0xffff;
	v8 =	vmul.f32 v16, v19;
	v5 =	vand.u32 $0xFFFFFFFE, v5;
	v63 =	vmul.f32 v7, v19  }
0x1b1: {  	v12 =	vld [tilespmem:s21+$0x0];
	s19 =	simm.s32 $0x1BC00;
	v10 =	vbroadcast v5, $0x0;
	v19 =	vmul.f32 v7, v9  }
0x1b2: {  	[tilespmem:s23+$0x30] =	vst v13;
	v15 =	vld [tilespmem:s19+$0x0];
	v7 =	vmul.f32 v17, v59;
	v5 =	vmul.f32 v17, v6;
	v21 =	vadd.f32 v63, v62  }
0x1b3: {  	v16 =	vld [tilespmem:s19+$0x40];
	[tilespmem:s23+$0xFFFFFF30] =	vst v11;
	v9 =	vmul.f32 v18, v6;
	v11 =	vsub.f32 v19, v8;
	v8 =	vmul.f32 v18, v59  }
0x1b4: {  	v13 =	vld [tilespmem:s21+$0xFFFFFF00];
	[tilespmem:s23+$0xFFFFFF70] =	vst v61;
	s18 =	simm.s32 $0x8;
	v6 =	vmul.f32 v21, v1  }
.LBB2_6:
0x1b5: {  	p2 =	slt.u32 s18, $0x4C;
	v17 =	vld [tilespmem:s21+$0xFFFFFF40];
	v11 =	vmul.f32 v11, v1;
	v7 =	vadd.f32 v9, v7;
	v5 =	vsub.f32 v8, v5;
	v1 =	vmovc v4  }
0x1b6: {  	v8 =	vld [tilespmem:s19+$0xFFFFFF00];
	[tilespmem:s23+$0xFFFFFFB0] =	vst v6  }
0x1b7: {  	v4 =	vld.idx.msk [tilespmem:v10+s0+$0x0], $0xffff;
	[tilespmem:s23+$0xFFFFFFF0] =	vst v11;
	v6 =	vmul.f32 v7, v0;
	v5 =	vmul.f32 v5, v0;
	v0 =	vmov v3  }
0x1b8: {  	v7 =	vmul.f32 v15, v12;
	v3 =	vld [tilespmem:s19+$0xFFFFFF40];
	v9 =	vmul.f32 v16, v14  }
0x1b9: {  	v11 =	vmul.f32 v16, v12;
	v12 =	vmul.f32 v15, v14;
	v10 =	vld [tilespmem:s21+$0xFFFFFF80];
	[tilespmem:s23+$0xB0] =	vst v6  }
0x1ba: {  	v6 =	vld [tilespmem:s21+$0xFFFFFFC0];
	v14 =	vadd.f32 v9, v7;
	[tilespmem:s23+$0xF0] =	vst v5;
	s23 =	smov.u32 s21  }
0x1bb: {  	v11 =	vsub.f32 v11, v12;
	v5 =	vmul.f32 v8, v13;
	v8 =	vmul.f32 v8, v17;
	v15 =	vld [tilespmem:s19+$0xFFFFFF80]  }
0x1bc: {  	v12 =	vld [tilespmem:s19+$0xFFFFFFC0];
	v7 =	vsel vm0, v7, v14  }
0x1bd: {  	v9 =	vsel vm0, v9, v11;
	v14 =	vmul.f32 v3, v17;
	v7 =	vmul.f32 v7, v4;
	v11 =	vld [tilespmem:s21+$0x80]  }
0x1be: {  	v3 =	vmul.f32 v3, v13;
	v9 =	vmul.f32 v9, v4;
	v13 =	vld [tilespmem:s21+$0xC0]  }
0x1bf: {  	v16 =	vadd.f32 v14, v5;
	[tilespmem:s21+$0x0] =	vst v7;
	v7 =	vld [tilespmem:s21+$0x10]  }
0x1c0: {  	v3 =	vsub.f32 v3, v8;
	v8 =	vmul.f32 v15, v10;
	v15 =	vmul.f32 v15, v6;
	[tilespmem:s21+$0x40] =	vst v9;
	v9 =	vld [tilespmem:s21+$0x50]  }
0x1c1: {  	v5 =	vsel vm0, v5, v16;
	v6 =	vmul.f32 v12, v6;
	v10 =	vmul.f32 v12, v10;
	v12 =	vld [tilespmem:s19+$0x10]  }
0x1c2: {  	v3 =	vsel vm0, v14, v3;
	v5 =	vmul.f32 v5, v2;
	v14 =	vld [tilespmem:s19+$0x50]  }
0x1c3: {  	v3 =	vmul.f32 v3, v2;
	v16 =	vadd.f32 v6, v8;
	v10 =	vsub.f32 v10, v15;
	v15 =	vld [tilespmem:s19+$0x80]  }
0x1c4: {  	[tilespmem:s21+$0xFFFFFF00] =	vst v5;
	v5 =	vld [tilespmem:s19+$0xC0]  }
0x1c5: {  	[tilespmem:s21+$0xFFFFFF40] =	vst v3;
	v3 =	vld [tilespmem:s21+$0xFFFFFF10];
	v8 =	vsel vm0, v8, v16;
	v6 =	vsel vm0, v6, v10  }
0x1c6: {  	v10 =	vld [tilespmem:s19+$0xFFFFFF10];
	v8 =	vmul.f32 v8, v1;
	v6 =	vmul.f32 v6, v1  }
0x1c7: {  	v17 =	vmul.f32 v12, v7;
	v16 =	vld [tilespmem:s19+$0xFFFFFF50];
	v18 =	vmul.f32 v14, v9  }
0x1c8: {  	v7 =	vmul.f32 v14, v7;
	v19 =	vld [tilespmem:s21+$0xFFFFFF50];
	[tilespmem:s21+$0xFFFFFF80] =	vst v8;
	v8 =	vmul.f32 v12, v9  }
0x1c9: {  	v12 =	vmul.f32 v15, v11;
	[tilespmem:s21+$0xFFFFFFC0] =	vst v6;
	v6 =	vld [tilespmem:s21+$0xFFFFFF90];
	v9 =	vadd.f32 v18, v17;
	v14 =	vmul.f32 v5, v13  }
0x1ca: {  	v5 =	vmul.f32 v5, v11;
	v17 =	vld [tilespmem:s19+$0xFFFFFF90];
	v7 =	vsub.f32 v7, v8;
	v8 =	vmul.f32 v15, v13  }
0x1cb: {  	v11 =	vmul.f32 v10, v3;
	v13 =	vld [tilespmem:s19+$0xFFFFFFD0];
	v9 =	vmul.f32 v9, v4;
	v15 =	vadd.f32 v14, v12  }
0x1cc: {  	v3 =	vmul.f32 v16, v3;
	v18 =	vld [tilespmem:s21+$0xFFFFFFD0];
	v7 =	vmul.f32 v7, v4;
	v5 =	vsub.f32 v5, v8  }
0x1cd: {  	v8 =	vmul.f32 v16, v19;
	v10 =	vmul.f32 v10, v19;
	[tilespmem:s21+$0x10] =	vst v9;
	v9 =	vld [tilespmem:s21+$0x20];
	v12 =	vsel vm0, v12, v15  }
0x1ce: {  	[tilespmem:s21+$0x50] =	vst v7;
	v7 =	vld [tilespmem:s21+$0x60];
	v5 =	vsel vm0, v14, v5;
	v12 =	vmul.f32 v12, v0  }
0x1cf: {  	v8 =	vadd.f32 v8, v11;
	v11 =	vmul.f32 v17, v6;
	v14 =	vld [tilespmem:s19+$0x20];
	v5 =	vmul.f32 v5, v0  }
0x1d0: {  	v3 =	vsub.f32 v3, v10;
	v6 =	vmul.f32 v13, v6;
	v10 =	vld [tilespmem:s19+$0x60];
	[tilespmem:s21+$0x80] =	vst v12  }
0x1d1: {  	v12 =	vmul.f32 v13, v18;
	v13 =	vmul.f32 v17, v18;
	[tilespmem:s21+$0xC0] =	vst v5;
	v5 =	vld [tilespmem:s21+$0x90]  }
0x1d2: {  	v8 =	vmul.f32 v8, v2;
	v3 =	vmul.f32 v3, v2;
	v15 =	vld [tilespmem:s19+$0x90]  }
0x1d3: {  	v11 =	vadd.f32 v12, v11;
	v6 =	vsub.f32 v6, v13;
	v12 =	vld [tilespmem:s19+$0xD0]  }
0x1d4: {  	[tilespmem:s21+$0xFFFFFF10] =	vst v8;
	v8 =	vld [tilespmem:s21+$0xD0]  }
0x1d5: {  	v13 =	vmul.f32 v14, v9;
	[tilespmem:s21+$0xFFFFFF50] =	vst v3;
	v3 =	vld [tilespmem:s21+$0xFFFFFF20];
	v16 =	vmul.f32 v10, v7  }
0x1d6: {  	v9 =	vmul.f32 v10, v9;
	v7 =	vmul.f32 v14, v7;
	v17 =	vld [tilespmem:s19+$0xFFFFFF20]  }
0x1d7: {  	v11 =	vmul.f32 v11, v1;
	v10 =	vld [tilespmem:s19+$0xFFFFFF60];
	v13 =	vadd.f32 v16, v13;
	v14 =	vmul.f32 v15, v5  }
0x1d8: {  	v6 =	vmul.f32 v6, v1;
	v7 =	vsub.f32 v9, v7;
	v16 =	vld [tilespmem:s21+$0xFFFFFF60];
	v5 =	vmul.f32 v12, v5  }
0x1d9: {  	[tilespmem:s21+$0xFFFFFF90] =	vst v11;
	v9 =	vld [tilespmem:s21+$0xFFFFFFA0];
	v11 =	vmul.f32 v13, v4;
	v12 =	vmul.f32 v12, v8  }
0x1da: {  	v7 =	vmul.f32 v7, v4;
	v8 =	vmul.f32 v15, v8;
	[tilespmem:s21+$0xFFFFFFD0] =	vst v6;
	v6 =	vld [tilespmem:s21+$0xFFFFFFE0]  }
0x1db: {  	v13 =	vmul.f32 v17, v3;
	[tilespmem:s21+$0x20] =	vst v11;
	v11 =	vld [tilespmem:s21+$0x30];
	v12 =	vadd.f32 v12, v14  }
0x1dc: {  	v5 =	vsub.f32 v5, v8;
	v3 =	vmul.f32 v10, v3;
	[tilespmem:s21+$0x60] =	vst v7;
	v7 =	vld [tilespmem:s21+$0x70]  }
0x1dd: {  	v8 =	vmul.f32 v10, v16;
	v10 =	vld [tilespmem:s19+$0x30];
	v12 =	vmul.f32 v12, v0  }
0x1de: {  	v14 =	vmul.f32 v17, v16;
	v5 =	vmul.f32 v5, v0;
	v15 =	vld [tilespmem:s19+$0x70]  }
0x1df: {  	v16 =	vmov s18;
	v8 =	vadd.f32 v8, v13;
	v13 =	vld [tilespmem:s19+$0xFFFFFFA0];
	[tilespmem:s21+$0x90] =	vst v12  }
0x1e0: {  	v12 =	vand.u32 $0xFFFFFFFC, v16;
	v3 =	vsub.f32 v3, v14;
	v14 =	vld [tilespmem:s19+$0xFFFFFFE0];
	[tilespmem:s21+$0xD0] =	vst v5  }
0x1e1: {  	v5 =	vbroadcast v12, $0x0;
	v8 =	vmul.f32 v8, v2;
	v12 =	vld [tilespmem:s19+$0xA0]  }
0x1e2: {  	s16 =	sadd.s32 $0x1, s18;
	v3 =	vmul.f32 v3, v2;
	v16 =	vmul.f32 v10, v11;
	v17 =	vld [tilespmem:s19+$0xE0]  }
0x1e3: {  	v18 =	vmov s16;
	v10 =	vmul.f32 v10, v7;
	[tilespmem:s21+$0xFFFFFF20] =	vst v8;
	v8 =	vmul.f32 v15, v11;
	v11 =	vld [tilespmem:s21+$0xA0]  }
0x1e4: {  	v18 =	vand.u32 $0xFFFFFFFD, v18;
	[tilespmem:s21+$0xFFFFFF60] =	vst v3;
	v3 =	vmul.f32 v13, v9;
	v13 =	vmul.f32 v13, v6;
	v19 =	vld [tilespmem:s21+$0xE0]  }
0x1e5: {  	s16 =	sadd.s32 $0x3, s18;
	v20 =	vld [tilespmem:s19+$0xFFFFFF30];
	v6 =	vmul.f32 v14, v6;
	v9 =	vmul.f32 v14, v9;
	v8 =	vsub.f32 v8, v10  }
0x1e6: {  	v7 =	vmul.f32 v15, v7;
	v10 =	vbroadcast v18, $0x0;
	v14 =	vmov s16;
	v18 =	vld [tilespmem:s19+$0xFFFFFF70]  }
0x1e7: {  	v15 =	vld [tilespmem:s21+$0xFFFFFF30];
	v3 =	vadd.f32 v6, v3;
	v6 =	vsub.f32 v9, v13;
	v8 =	vmul.f32 v8, v4  }
0x1e8: {  	v7 =	vadd.f32 v7, v16;
	v9 =	vld [tilespmem:s21+$0xFFFFFF70];
	v13 =	vmul.f32 v12, v11;
	v11 =	vmul.f32 v17, v11  }
0x1e9: {  	v16 =	vld [tilespmem:s21+$0xFFFFFFB0];
	[tilespmem:s21+$0x70] =	vst v8;
	v8 =	vmul.f32 v17, v19;
	v12 =	vmul.f32 v12, v19  }
0x1ea: {  	v3 =	vmul.f32 v3, v1;
	v6 =	vmul.f32 v6, v1;
	v17 =	vld [tilespmem:s21+$0xFFFFFFF0]  }
0x1eb: {  	v4 =	vmul.f32 v7, v4;
	v7 =	vadd.f32 v8, v13;
	v8 =	vsub.f32 v11, v12;
	v13 =	vld [tilespmem:s21+$0xB0]  }
0x1ec: {  	v11 =	vmul.f32 v20, v15;
	v12 =	vmul.f32 v18, v15;
	[tilespmem:s21+$0xFFFFFFA0] =	vst v3;
	v19 =	vld [tilespmem:s21+$0xF0]  }
0x1ed: {  	v3 =	vld.idx.msk [tilespmem:v14+s0+$0x0], $0xffff;
	[tilespmem:s21+$0xFFFFFFE0] =	vst v6;
	v6 =	vmul.f32 v7, v0;
	v7 =	vmul.f32 v8, v0  }
0x1ee: {  	v8 =	vmul.f32 v18, v9;
	v9 =	vmul.f32 v20, v9;
	v14 =	vld [tilespmem:s19+$0xFFFFFFB0];
	[tilespmem:s21+$0x30] =	vst v4  }
0x1ef: {  	v15 =	vld [tilespmem:s19+$0xFFFFFFF0];
	[tilespmem:s21+$0xA0] =	vst v6  }
0x1f0: {  	v4 =	vadd.f32 v8, v11;
	v6 =	vld.idx.msk [tilespmem:v5+s0+$0x0], $0xffff;
	v5 =	vsub.f32 v12, v9;
	[tilespmem:s21+$0xE0] =	vst v7  }
0x1f1: {  	v8 =	vld [tilespmem:s19+$0xB0]  }
0x1f2: {  	s16 =	sadd.s32 $0x2, s18;
	v7 =	vmul.f32 v4, v2;
	v2 =	vmul.f32 v5, v2;
	v18 =	vld [tilespmem:s19+$0xF0]  }
0x1f3: {  	s21 =	sadd.s32 $0x200, s21;
	v5 =	vmov s16;
	v4 =	vld.idx.msk [tilespmem:v10+s0+$0x0], $0xffff;
	v9 =	vmul.f32 v14, v16;
	v11 =	vmul.f32 v14, v17  }
.Ltmp6:
0x1f4: {  	v5 =	vand.u32 $0xFFFFFFFE, v5;
	v12 =	vld [tilespmem:s21+$0x0];
	[tilespmem:s23+$0xFFFFFF30] =	vst v7;
	v7 =	vmul.f32 v15, v17;
	v17 =	vmul.f32 v15, v16;
	(pc) =	sbr.rel @p2 .LBB2_6-.Ltmp6, $4  }
0x1f5: {  	s19 =	sadd.s32 $0x200, s19;
	v10 =	vbroadcast v5, $0x0;
	v14 =	vld [tilespmem:s21+$0x40];
	[tilespmem:s23+$0xFFFFFF70] =	vst v2  }
0x1f6: {  	v15 =	vld [tilespmem:s19+$0x0];
	v20 =	vadd.f32 v7, v9;
	v7 =	vmul.f32 v8, v13;
	v5 =	vmul.f32 v8, v19;
	v2 =	vmovc v6  }
0x1f7: {  	v11 =	vsub.f32 v17, v11;
	v16 =	vld [tilespmem:s19+$0x40];
	v9 =	vmul.f32 v18, v19;
	v8 =	vmul.f32 v18, v13  }
0x1f8: {  	s18 =	sadd.s32 $0x4, s18;
	v13 =	vld [tilespmem:s21+$0xFFFFFF00];
	v6 =	vmul.f32 v20, v1  }
0x1f9: {  	_ =	sdelay $0x2  }
0x1fa: {  	v17 =	vld [tilespmem:s21+$0xFFFFFF40]  }
0x1fb: {  	v10 =	vld.idx.msk [tilespmem:v10+s0+$0x0], $0xffff  }
0x1fc: {  	v20 =	vld [tilespmem:s19+$0xFFFFFF00]  }
0x1fd: {  	v21 =	vld [tilespmem:s19+$0xFFFFFF40]  }
0x1fe: {  	v53 =	vld [tilespmem:s21+$0xFFFFFF80]  }
0x1ff: {  	v22 =	vld [tilespmem:s21+$0xFFFFFFC0]  }
0x200: {  	v55 =	vld [tilespmem:s19+$0xFFFFFF80];
	v18 =	vmul.f32 v15, v12;
	v19 =	vmul.f32 v16, v14  }
0x201: {  	v56 =	vld [tilespmem:s19+$0xFFFFFFC0];
	v51 =	vmul.f32 v15, v14;
	v50 =	vmul.f32 v16, v12  }
0x202: {  	v23 =	vld [tilespmem:s21+$0x10];
	v52 =	vadd.f32 v19, v18  }
0x203: {  	v59 =	vld [tilespmem:s21+$0x80];
	v12 =	vsub.f32 v50, v51  }
0x204: {  	v31 =	vld [tilespmem:s19+$0x80];
	v57 =	vmul.f32 v20, v13;
	v54 =	vsel vm0, v18, v52  }
0x205: {  	v29 =	vld [tilespmem:s21+$0xC0];
	v58 =	vmul.f32 v21, v17;
	v12 =	vsel vm0, v19, v12;
	v14 =	vmul.f32 v54, v10  }
0x206: {  	v32 =	vld [tilespmem:s19+$0xC0];
	v17 =	vmul.f32 v20, v17;
	v12 =	vmul.f32 v12, v10  }
0x207: {  	v62 =	vld [tilespmem:s21+$0x50];
	v60 =	vmul.f32 v21, v13;
	v63 =	vmul.f32 v55, v53;
	[tilespmem:s21+$0x0] =	vst v14  }
0x208: {  	v35 =	vld [tilespmem:s21+$0xFFFFFF10];
	v24 =	vmul.f32 v56, v22;
	v15 =	vmul.f32 v55, v22;
	v61 =	vadd.f32 v58, v57;
	[tilespmem:s21+$0x40] =	vst v12  }
0x209: {  	v27 =	vmul.f32 v56, v53;
	v41 =	vmul.f32 v31, v59;
	v25 =	vld [tilespmem:s19+$0x10]  }
0x20a: {  	v13 =	vsub.f32 v60, v17;
	v30 =	vadd.f32 v24, v63;
	v12 =	vsel vm0, v57, v61;
	v28 =	vld [tilespmem:s19+$0x50]  }
0x20b: {  	v42 =	vld [tilespmem:s21+$0xFFFFFF50];
	v43 =	vmul.f32 v32, v29;
	v14 =	vsub.f32 v27, v15;
	v12 =	vmul.f32 v12, v2  }
0x20c: {  	v44 =	vld [tilespmem:s21+$0xFFFFFF90];
	v45 =	vmul.f32 v31, v29;
	v13 =	vsel vm0, v58, v13;
	v33 =	vsel vm0, v63, v30  }
0x20d: {  	v49 =	vld [tilespmem:s21+$0x20];
	v13 =	vmul.f32 v13, v2;
	v14 =	vsel vm0, v24, v14;
	[tilespmem:s21+$0xFFFFFF00] =	vst v12;
	v12 =	vmul.f32 v32, v59  }
0x20e: {  	v51 =	vld [tilespmem:s21+$0xFFFFFFD0];
	v47 =	vadd.f32 v43, v41;
	v34 =	vmul.f32 v33, v4;
	v14 =	vmul.f32 v14, v4  }
0x20f: {  	v53 =	vld [tilespmem:s21+$0x60];
	[tilespmem:s21+$0xFFFFFF40] =	vst v13;
	v12 =	vsub.f32 v12, v45;
	v36 =	vmul.f32 v25, v23;
	v37 =	vmul.f32 v28, v62  }
0x210: {  	v50 =	vsel vm0, v41, v47;
	[tilespmem:s21+$0xFFFFFF80] =	vst v34;
	v38 =	vld [tilespmem:s19+$0xFFFFFF10];
	v16 =	vmul.f32 v28, v23;
	v40 =	vmul.f32 v25, v62  }
0x211: {  	v52 =	vmul.f32 v50, v3;
	v39 =	vld [tilespmem:s19+$0xFFFFFF50];
	[tilespmem:s21+$0xFFFFFFC0] =	vst v14;
	v12 =	vsel vm0, v43, v12;
	v17 =	vadd.f32 v37, v36  }
0x212: {  	v46 =	vld [tilespmem:s19+$0xFFFFFF90];
	v13 =	vsub.f32 v16, v40;
	v12 =	vmul.f32 v12, v3  }
0x213: {  	[tilespmem:s21+$0x80] =	vst v52;
	v48 =	vld [tilespmem:s19+$0xFFFFFFD0];
	v17 =	vmul.f32 v17, v10  }
0x214: {  	v60 =	vld [tilespmem:s21+$0x90];
	v13 =	vmul.f32 v13, v10;
	[tilespmem:s21+$0xC0] =	vst v12  }
0x215: {  	v30 =	vld [tilespmem:s21+$0xD0];
	[tilespmem:s21+$0x10] =	vst v17  }
0x216: {  	v54 =	vmul.f32 v38, v35;
	v55 =	vmul.f32 v39, v42;
	v63 =	vld [tilespmem:s19+$0x90];
	[tilespmem:s21+$0x50] =	vst v13  }
0x217: {  	v56 =	vmul.f32 v39, v35;
	v57 =	vmul.f32 v38, v42;
	v26 =	vld [tilespmem:s19+$0x20]  }
0x218: {  	v59 =	vadd.f32 v55, v54;
	v61 =	vmul.f32 v46, v44;
	v28 =	vmul.f32 v48, v51;
	v58 =	vld [tilespmem:s19+$0x60]  }
0x219: {  	v29 =	vld [tilespmem:s19+$0xD0];
	v13 =	vsub.f32 v56, v57  }
0x21a: {  	v47 =	vld [tilespmem:s21+$0x70];
	v12 =	vmul.f32 v59, v2;
	v22 =	vadd.f32 v28, v61  }
0x21b: {  	v34 =	vld [tilespmem:s21+$0xFFFFFF20];
	v62 =	vmul.f32 v48, v44;
	v13 =	vmul.f32 v13, v2  }
0x21c: {  	v40 =	vld [tilespmem:s21+$0xFFFFFF60];
	v18 =	vmul.f32 v46, v51;
	[tilespmem:s21+$0xFFFFFF10] =	vst v12;
	v35 =	vmul.f32 v22, v4  }
0x21d: {  	v42 =	vld [tilespmem:s21+$0xFFFFFFA0];
	[tilespmem:s21+$0xFFFFFF50] =	vst v13;
	v31 =	vmul.f32 v26, v49;
	v32 =	vmul.f32 v58, v53  }
0x21e: {  	v15 =	vsub.f32 v62, v18;
	v17 =	vmul.f32 v29, v60;
	v41 =	vmul.f32 v63, v30;
	v36 =	vld [tilespmem:s19+$0xFFFFFF20]  }
0x21f: {  	v37 =	vmul.f32 v63, v60;
	v39 =	vmul.f32 v29, v30;
	v38 =	vld [tilespmem:s19+$0xFFFFFF60];
	v12 =	vadd.f32 v32, v31  }
0x220: {  	v44 =	vld [tilespmem:s21+$0x30];
	v15 =	vmul.f32 v15, v4;
	v45 =	vsub.f32 v17, v41  }
0x221: {  	v46 =	vld [tilespmem:s21+$0xFFFFFFE0];
	[tilespmem:s21+$0xFFFFFF90] =	vst v35;
	v33 =	vmul.f32 v58, v49;
	v43 =	vadd.f32 v39, v37;
	v12 =	vmul.f32 v12, v10  }
0x222: {  	v57 =	vld [tilespmem:s21+$0xA0];
	[tilespmem:s21+$0xFFFFFFD0] =	vst v15;
	v14 =	vmul.f32 v26, v53;
	v15 =	vmul.f32 v45, v3  }
0x223: {  	v50 =	vld [tilespmem:s19+$0xFFFFFFA0];
	[tilespmem:s21+$0x20] =	vst v12;
	v12 =	vmul.f32 v43, v3  }
0x224: {  	v53 =	vld [tilespmem:s19+$0xFFFFFFE0];
	v13 =	vsub.f32 v33, v14;
	v48 =	vmul.f32 v36, v34;
	v49 =	vmul.f32 v38, v40;
	[tilespmem:s21+$0xD0] =	vst v15  }
0x225: {  	v58 =	vld [tilespmem:s21+$0xE0];
	v51 =	vmul.f32 v38, v34;
	v52 =	vmul.f32 v36, v40;
	[tilespmem:s21+$0x90] =	vst v12  }
0x226: {  	v13 =	vmul.f32 v13, v10;
	v54 =	vadd.f32 v49, v48;
	v55 =	vld [tilespmem:s19+$0xA0]  }
0x227: {  	v12 =	vsub.f32 v51, v52;
	v56 =	vld [tilespmem:s19+$0xE0]  }
0x228: {  	v28 =	vld [tilespmem:s21+$0xFFFFFF30];
	[tilespmem:s21+$0x60] =	vst v13;
	v15 =	vmul.f32 v54, v2  }
0x229: {  	v1 =	vmul.f32 v11, v1;
	v59 =	vld [tilespmem:s19+$0x30];
	v12 =	vmul.f32 v12, v2  }
0x22a: {  	v17 =	vmul.f32 v50, v46;
	v19 =	vmul.f32 v53, v42;
	v60 =	vld [tilespmem:s19+$0x70];
	[tilespmem:s21+$0xFFFFFF20] =	vst v15  }
0x22b: {  	v35 =	vld [tilespmem:s21+$0xFFFFFFF0];
	v61 =	vmul.f32 v50, v42;
	v62 =	vmul.f32 v53, v46;
	[tilespmem:s21+$0xFFFFFF60] =	vst v12  }
0x22c: {  	v17 =	vsub.f32 v19, v17;
	v15 =	vld [tilespmem:s19+$0xFFFFFF30];
	v29 =	vmul.f32 v55, v57;
	v30 =	vmul.f32 v56, v58  }
0x22d: {  	v12 =	vadd.f32 v62, v61;
	v63 =	vld [tilespmem:s19+$0xFFFFFF70];
	v16 =	vmul.f32 v56, v57;
	v18 =	vmul.f32 v55, v58  }
0x22e: {  	v31 =	vld [tilespmem:s21+$0xFFFFFF70];
	v17 =	vmul.f32 v17, v4;
	v32 =	vmul.f32 v59, v44;
	v33 =	vadd.f32 v30, v29  }
0x22f: {  	v37 =	vld [tilespmem:s21+$0xF0];
	v14 =	vmul.f32 v60, v44;
	v12 =	vmul.f32 v12, v4;
	v16 =	vsub.f32 v16, v18  }
0x230: {  	v34 =	vld [tilespmem:s21+$0xFFFFFFB0];
	[tilespmem:s21+$0xFFFFFFE0] =	vst v17;
	v24 =	vmul.f32 v59, v47;
	v23 =	vmul.f32 v33, v3  }
0x231: {  	v36 =	vld [tilespmem:s21+$0xB0];
	v11 =	vmul.f32 v60, v47;
	[tilespmem:s21+$0xFFFFFFA0] =	vst v12;
	v16 =	vmul.f32 v16, v3  }
0x232: {  	v7 =	vadd.f32 v9, v7;
	v40 =	vld [tilespmem:s19+$0xFFFFFFB0];
	v38 =	vmul.f32 v15, v28;
	v39 =	vmul.f32 v63, v28;
	[tilespmem:s21+$0xA0] =	vst v23  }
0x233: {  	v5 =	vsub.f32 v8, v5;
	v42 =	vld [tilespmem:s19+$0xFFFFFFF0];
	v41 =	vmul.f32 v63, v31;
	v15 =	vmul.f32 v15, v31;
	[tilespmem:s21+$0xE0] =	vst v16  }
0x234: {  	v7 =	vmul.f32 v7, v0;
	v14 =	vsub.f32 v14, v24;
	v11 =	vadd.f32 v11, v32;
	v43 =	vld [tilespmem:s19+$0xB0]  }
0x235: {  	v44 =	vmul.f32 v5, v0;
	v45 =	vadd.f32 v41, v38;
	v46 =	vsub.f32 v39, v15;
	v47 =	vld [tilespmem:s19+$0xF0]  }
0x236: {  	[tilespmem:s23+$0xFFFFFFB0] =	vst v6;
	v48 =	vmul.f32 v14, v10;
	v10 =	vmul.f32 v11, v10  }
0x237: {  	[tilespmem:s23+$0xFFFFFFF0] =	vst v1;
	v49 =	vmul.f32 v45, v2;
	v50 =	vmul.f32 v46, v2  }
0x238: {  	[tilespmem:s23+$0xB0] =	vst v7;
	v51 =	vmul.f32 v40, v34;
	v52 =	vmul.f32 v42, v35  }
0x239: {  	[tilespmem:s23+$0xF0] =	vst v44;
	v53 =	vmul.f32 v40, v35;
	v54 =	vmul.f32 v42, v34  }
0x23a: {  	[tilespmem:s21+$0x70] =	vst v48;
	v5 =	vadd.f32 v52, v51;
	v55 =	vmul.f32 v43, v36;
	v56 =	vmul.f32 v47, v37  }
0x23b: {  	[tilespmem:s21+$0x30] =	vst v10;
	v0 =	vsub.f32 v54, v53;
	v57 =	vmul.f32 v43, v37;
	v58 =	vmul.f32 v47, v36  }
0x23c: {  	[tilespmem:s21+$0xFFFFFF30] =	vst v49;
	v59 =	vmul.f32 v5, v4;
	v60 =	vadd.f32 v56, v55  }
0x23d: {  	s16 =	sor.u32 $0x3, s22;
	[tilespmem:s21+$0xFFFFFF70] =	vst v50;
	v0 =	vmul.f32 v0, v4;
	v61 =	vsub.f32 v58, v57  }
0x23e: {  	p2 =	sgt.u32 s16, $0x7C;
	[tilespmem:s21+$0xFFFFFFB0] =	vst v59;
	v62 =	vmul.f32 v60, v3  }
0x23f: {  	s16 =	sshll.u32 @!p2 s16, $0x7;
	s17 =	sshll.u32 @!p2 s20, $0x9;
	[tilespmem:s21+$0xFFFFFFF0] =	vst v0;
	v63 =	vmul.f32 v61, v3  }
0x240: {  	s16 =	sand.u32 @!p2 $0x380, s16;
	s17 =	sand.u32 @!p2 $0x3C00, s17;
	[tilespmem:s21+$0xB0] =	vst v62  }
0x241: {  	s16 =	sor.u32 @!p2 s16, s17;
	[tilespmem:s21+$0xF0] =	vst v63  }
0x242: {  	[spmem:s2] =	stream.indirect.scatter.add.f32 [tilespmem:s15], [sflag:$0x5], $0x80, s31, s30, $0xb8;
	[tilespmem:$0x1E100] =	vst v63  }
0x243: {  	s16 =	sor.u32 @!p2 s11, s16;
	_ =	swait.ge [sflag:s4], $0x2800  }
0x244: {  	s18 =	simm.s32 @!p2 $0x0;
	s16 =	sshrl.u32 @!p2 s16, $0x3;
	[sflag:s4] =	ssyncset.done $0x0  }
0x245: {  	s17 =	sadd.s32 @!p2 s6, s16;
	s19 =	simm.s32 @!p2 $0x13C80;
	[sflag:s4] =	ssyncadd.s32 $0xFFFFD800  }
0x246: {  	[tilespmem:s19], [sflag:$0x2] =	stream.linear.gather @!p2 [hbm4b:s17+s18], $0x80, $0x38;
	[tilespmem:$0x1E100] =	vst v63  }
0x247: {  	s17 =	sadd.s32 @!p2 s8, s16;
	s19 =	simm.s32 @!p2 $0x13D80  }
0x248: {  	[tilespmem:s19], [sflag:$0x2] =	stream.linear.gather @!p2 [hbm4b:s17+s18], $0x80, $0x38;
	[tilespmem:$0x1E100] =	vst v63  }
0x249: {  	s17 =	sadd.s32 @!p2 s7, s16;
	s19 =	simm.s32 @!p2 $0x13F80  }
0x24a: {  	[tilespmem:s19], [sflag:$0x2] =	stream.linear.gather @!p2 [hbm4b:s17+s18], $0x80, $0x38;
	[tilespmem:$0x1E100] =	vst v63  }
0x24b: {  	s16 =	sadd.s32 @!p2 s9, s16;
	s17 =	simm.s32 @!p2 $0x14080  }
0x24c: {  	[tilespmem:s17], [sflag:$0x2] =	stream.linear.gather @!p2 [hbm4b:s16+s18], $0x80, $0x38;
	[tilespmem:$0x1E100] =	vst v63  }
.LBB2_8:
.Ltmp7:
0x24d: {  	(pc) =	sbr.rel @p1 .LBB2_12-.Ltmp7, $1  }
0x24e: {  	_ =	sdelay $0x3  }
0x24f: {  	_ =	swait.ge [sflag:s13], $0x2800  }
0x250: {  	[sflag:s13] =	ssyncset.done $0x0  }
0x251: {  	[sflag:s13] =	ssyncadd.s32 $0xFFFFD800  }
0x252: {  	_ =	swait.ge [sflag:s13], $0x2800  }
0x253: {  	[sflag:s13] =	ssyncset.done $0x0  }
0x254: {  	s16 =	simm.s32 @!p0 $0x2;
	[sflag:s13] =	ssyncadd.s32 $0xFFFFD800  }
0x255: {  	_ =	swait.ge @!p0 [sflag:s16], $0x80  }
0x256: {  	[sflag:s16] =	ssyncset.done @!p0 $0x0  }
0x257: {  	[sflag:s16] =	ssyncadd.s32 @!p0 $0xFFFFFF80  }
0x258: {  	_ =	swait.ge @!p0 [sflag:s16], $0x80  }
0x259: {  	[sflag:s16] =	ssyncset.done @!p0 $0x0  }
0x25a: {  	[sflag:s16] =	ssyncadd.s32 @!p0 $0xFFFFFF80  }
0x25b: {  	_ =	swait.ge @!p0 [sflag:s16], $0x80  }
0x25c: {  	[sflag:s16] =	ssyncset.done @!p0 $0x0  }
0x25d: {  	[sflag:s16] =	ssyncadd.s32 @!p0 $0xFFFFFF80  }
0x25e: {  	_ =	swait.ge @!p0 [sflag:s16], $0x80  }
0x25f: {  	s17 =	simm.s32 @!p0 $0x13C80;
	s18 =	simm.s32 @!p0 $0x16900;
	[sflag:s16] =	ssyncset.done @!p0 $0x0  }
0x260: {  	s19 =	simm.s32 $0x2;
	[sflag:s16] =	ssyncadd.s32 @!p0 $0xFFFFFF80;
	s16 =	simm.s32 @!p0 $0x50  }
0x261: {  	[tilespmem:s18], [sflag:$0x4] =	stream.indirect.gather @!p0 [hbm4b:s1+s16], $0x80, s17, s16, $0xb8;
	[tilespmem:$0x1E100] =	vst v63  }
0x262: {  	s22 =	simm.s32 $0x14200;
	v1 =	vmov s19;
	s17 =	simm.s32 @!p0 $0x13D80;
	s18 =	simm.s32 @!p0 $0x1B900  }
0x263: {  	v1 =	vand.u32 $0xFFFFFFFE, v1;
	[tilespmem:s18], [sflag:$0x4] =	stream.indirect.gather @!p0 [hbm4b:s5+s16], $0x80, s17, s16, $0xb8;
	[tilespmem:$0x1E100] =	vst v63  }
0x264: {  	v1 =	vbroadcast v1, $0x0;
	v2 =	vld [tilespmem:s22+$0x0]  }
0x265: {  	s18 =	simm.s32 $0x3;
	v3 =	vld [tilespmem:s22+$0x40]  }
0x266: {  	v0 =	vmov s18;
	s18 =	simm.s32 $0x19200;
	v7 =	vld [tilespmem:s22+$0xFFFFFF00]  }
0x267: {  	v5 =	vld [tilespmem:s18+$0x0]  }
0x268: {  	s21 =	simm.s32 $0x0;
	v6 =	vld [tilespmem:s18+$0x40]  }
0x269: {  	v4 =	vmov s21;
	v9 =	vld [tilespmem:s22+$0xFFFFFF40]  }
0x26a: {  	v8 =	vand.u32 $0xFFFFFFFC, v4;
	v4 =	vld.idx.msk [tilespmem:v1+s28+$0x0], $0xffff  }
0x26b: {  	s23 =	simm.s32 $0x1;
	v14 =	vld [tilespmem:s22+$0xFFFFFFC0]  }
0x26c: {  	v10 =	vmov s23;
	v8 =	vbroadcast v8, $0x0;
	v16 =	vld [tilespmem:s22+$0x10];
	v1 =	vmul.f32 v5, v2  }
0x26d: {  	v10 =	vand.u32 $0xFFFFFFFD, v10;
	v12 =	vld [tilespmem:s18+$0xFFFFFF00];
	v11 =	vmul.f32 v6, v3;
	v2 =	vmul.f32 v6, v2  }
0x26e: {  	v13 =	vld [tilespmem:s18+$0xFFFFFF40];
	v3 =	vmul.f32 v5, v3;
	v6 =	vbroadcast v10, $0x0  }
0x26f: {  	v15 =	vld [tilespmem:s18+$0xFFFFFFC0];
	v5 =	vadd.f32 v11, v1  }
0x270: {  	v10 =	vld [tilespmem:s22+$0xFFFFFF80];
	v2 =	vsub.f32 v2, v3  }
0x271: {  	v3 =	vld [tilespmem:s18+$0xFFFFFF80];
	v1 =	vsel vm0, v1, v5  }
0x272: {  	v2 =	vsel vm0, v11, v2;
	v5 =	vld.idx.msk [tilespmem:v8+s28+$0x0], $0xffff;
	v8 =	vmul.f32 v12, v7;
	v1 =	vmul.f32 v1, v4  }
0x273: {  	v0 =	vld.idx.msk [tilespmem:v0+s28+$0x0], $0xffff;
	v11 =	vmul.f32 v13, v9;
	v2 =	vmul.f32 v2, v4  }
0x274: {  	v7 =	vmul.f32 v13, v7;
	[tilespmem:s22+$0x0] =	vst v1;
	v1 =	vld.idx.msk [tilespmem:v6+s28+$0x0], $0xffff;
	v6 =	vmul.f32 v12, v9  }
0x275: {  	[tilespmem:s22+$0x40] =	vst v2;
	v2 =	vadd.f32 v11, v8;
	v9 =	vld [tilespmem:s22+$0x50]  }
0x276: {  	v12 =	vmul.f32 v15, v14;
	v13 =	vld [tilespmem:s18+$0x10];
	v6 =	vsub.f32 v7, v6  }
0x277: {  	v7 =	vmul.f32 v3, v10;
	v2 =	vsel vm0, v8, v2;
	v8 =	vmul.f32 v15, v10;
	v10 =	vld [tilespmem:s18+$0x50]  }
0x278: {  	v3 =	vmul.f32 v3, v14;
	v14 =	vld [tilespmem:s22+$0x80]  }
0x279: {  	v15 =	vld [tilespmem:s22+$0xC0];
	v2 =	vmul.f32 v2, v5;
	v6 =	vsel vm0, v11, v6;
	v11 =	vadd.f32 v12, v7  }
0x27a: {  	v3 =	vsub.f32 v8, v3;
	v8 =	vld [tilespmem:s18+$0x80];
	v6 =	vmul.f32 v6, v5  }
0x27b: {  	[tilespmem:s22+$0xFFFFFF00] =	vst v2;
	v2 =	vsel vm0, v7, v11;
	v7 =	vld [tilespmem:s18+$0xC0];
	v11 =	vmul.f32 v13, v16  }
0x27c: {  	v3 =	vsel vm0, v12, v3;
	[tilespmem:s22+$0xFFFFFF40] =	vst v6;
	v2 =	vmul.f32 v2, v1;
	v6 =	vld [tilespmem:s22+$0xFFFFFF10];
	v12 =	vmul.f32 v10, v9  }
0x27d: {  	v3 =	vmul.f32 v3, v1;
	v17 =	vld [tilespmem:s18+$0xFFFFFF10]  }
0x27e: {  	v9 =	vmul.f32 v13, v9;
	v18 =	vld [tilespmem:s18+$0xFFFFFF50];
	[tilespmem:s22+$0xFFFFFF80] =	vst v2;
	v2 =	vmul.f32 v10, v16;
	v10 =	vadd.f32 v12, v11  }
0x27f: {  	v11 =	vld [tilespmem:s22+$0xFFFFFF50];
	v12 =	vmul.f32 v8, v14  }
0x280: {  	[tilespmem:s22+$0xFFFFFFC0] =	vst v3;
	v3 =	vld [tilespmem:s22+$0xFFFFFF90];
	v2 =	vsub.f32 v2, v9;
	v9 =	vmul.f32 v10, v4;
	v10 =	vmul.f32 v7, v15  }
0x281: {  	v8 =	vmul.f32 v8, v15;
	v16 =	vld [tilespmem:s22+$0xFFFFFFD0];
	v7 =	vmul.f32 v7, v14  }
0x282: {  	v13 =	vld [tilespmem:s18+$0xFFFFFF90];
	v2 =	vmul.f32 v2, v4;
	[tilespmem:s22+$0x10] =	vst v9;
	v9 =	vadd.f32 v10, v12  }
0x283: {  	v14 =	vld [tilespmem:s18+$0xFFFFFFD0];
	v7 =	vsub.f32 v7, v8  }
0x284: {  	v15 =	vld [tilespmem:s22+$0x20];
	[tilespmem:s22+$0x50] =	vst v2;
	v2 =	vmul.f32 v17, v6;
	v6 =	vmul.f32 v18, v6;
	v8 =	vsel vm0, v12, v9  }
0x285: {  	v9 =	vld [tilespmem:s22+$0x60];
	v12 =	vmul.f32 v18, v11;
	v7 =	vsel vm0, v10, v7;
	v8 =	vmul.f32 v8, v0  }
0x286: {  	v11 =	vmul.f32 v17, v11;
	v10 =	vld [tilespmem:s18+$0x20];
	v7 =	vmul.f32 v7, v0  }
0x287: {  	v17 =	vld [tilespmem:s18+$0x60];
	v2 =	vadd.f32 v12, v2;
	[tilespmem:s22+$0x80] =	vst v8  }
0x288: {  	v6 =	vsub.f32 v6, v11;
	v11 =	vmul.f32 v14, v16;
	[tilespmem:s22+$0xC0] =	vst v7;
	v8 =	vld [tilespmem:s22+$0x90]  }
0x289: {  	v7 =	vmul.f32 v13, v3;
	v2 =	vmul.f32 v2, v5;
	v12 =	vld [tilespmem:s18+$0x90]  }
0x28a: {  	v6 =	vmul.f32 v6, v5;
	v18 =	vld [tilespmem:s18+$0xD0]  }
0x28b: {  	v3 =	vmul.f32 v14, v3;
	v13 =	vmul.f32 v13, v16;
	v7 =	vadd.f32 v11, v7;
	v11 =	vld [tilespmem:s22+$0xD0];
	[tilespmem:s22+$0xFFFFFF10] =	vst v2  }
0x28c: {  	v2 =	vmul.f32 v10, v15;
	v19 =	vmul.f32 v17, v9;
	[tilespmem:s22+$0xFFFFFF50] =	vst v6;
	v6 =	vld [tilespmem:s22+$0xFFFFFF20]  }
0x28d: {  	v3 =	vsub.f32 v3, v13;
	v14 =	vmul.f32 v17, v15;
	v9 =	vmul.f32 v10, v9;
	v15 =	vld [tilespmem:s22+$0xFFFFFF60]  }
0x28e: {  	v10 =	vld [tilespmem:s18+$0xFFFFFF20];
	v7 =	vmul.f32 v7, v1;
	v2 =	vadd.f32 v19, v2  }
0x28f: {  	v13 =	vld [tilespmem:s18+$0xFFFFFF60];
	v3 =	vmul.f32 v3, v1;
	v9 =	vsub.f32 v14, v9  }
0x290: {  	[tilespmem:s22+$0xFFFFFF90] =	vst v7;
	v2 =	vmul.f32 v2, v4  }
0x291: {  	v14 =	vmul.f32 v12, v8;
	[tilespmem:s22+$0xFFFFFFD0] =	vst v3;
	v9 =	vmul.f32 v9, v4  }
0x292: {  	v7 =	vld [tilespmem:s22+$0xFFFFFFA0];
	v16 =	vmul.f32 v18, v11;
	v3 =	vmul.f32 v12, v11;
	[tilespmem:s22+$0x20] =	vst v2  }
0x293: {  	v11 =	vld [tilespmem:s22+$0xFFFFFFE0];
	v2 =	vmul.f32 v18, v8;
	[tilespmem:s22+$0x60] =	vst v9;
	v9 =	vmul.f32 v10, v6  }
0x294: {  	v8 =	vld [tilespmem:s22+$0x30];
	v12 =	vadd.f32 v16, v14;
	v6 =	vmul.f32 v13, v6;
	v10 =	vmul.f32 v10, v15  }
0x295: {  	v14 =	vld [tilespmem:s22+$0x70];
	v2 =	vsub.f32 v2, v3  }
0x296: {  	v3 =	vmul.f32 v13, v15;
	v13 =	vld [tilespmem:s18+$0x30];
	v12 =	vmul.f32 v12, v0;
	v6 =	vsub.f32 v6, v10  }
0x297: {  	v15 =	vld [tilespmem:s18+$0x70];
	v2 =	vmul.f32 v2, v0  }
0x298: {  	v10 =	vld [tilespmem:s18+$0xFFFFFFE0];
	v3 =	vadd.f32 v3, v9;
	[tilespmem:s22+$0x90] =	vst v12;
	v6 =	vmul.f32 v6, v5  }
0x299: {  	v9 =	vld [tilespmem:s18+$0xFFFFFFA0];
	[tilespmem:s22+$0xD0] =	vst v2  }
0x29a: {  	v2 =	vmul.f32 v3, v5;
	[tilespmem:s22+$0xFFFFFF60] =	vst v6;
	v6 =	vld [tilespmem:s22+$0xE0]  }
0x29b: {  	v3 =	vld [tilespmem:s18+$0xA0]  }
0x29c: {  	[tilespmem:s22+$0xFFFFFF20] =	vst v2;
	v2 =	vld [tilespmem:s22+$0xA0]  }
0x29d: {  	v16 =	vld [tilespmem:s18+$0xE0];
	v17 =	vmul.f32 v13, v8;
	v8 =	vmul.f32 v15, v8  }
0x29e: {  	s21 =	simm.s32 $0x5;
	v58 =	vld [tilespmem:s22+$0xFFFFFF70];
	v13 =	vmul.f32 v13, v14;
	v20 =	vmul.f32 v10, v11  }
0x29f: {  	s19 =	simm.s32 $0x7;
	v23 =	vmov s21;
	v14 =	vmul.f32 v15, v14;
	v18 =	vld [tilespmem:s18+$0xFFFFFF30];
	v19 =	vmul.f32 v9, v7  }
0x2a0: {  	v9 =	vmul.f32 v9, v11;
	v7 =	vmul.f32 v10, v7;
	v10 =	vld [tilespmem:s22+$0xFFFFFF30];
	v11 =	vmov s19  }
0x2a1: {  	v21 =	vld [tilespmem:s18+$0xFFFFFF70];
	v8 =	vsub.f32 v8, v13;
	v19 =	vadd.f32 v20, v19;
	v22 =	vmul.f32 v3, v2  }
0x2a2: {  	s21 =	simm.s32 $0x14400;
	v59 =	vld [tilespmem:s22+$0xB0];
	v7 =	vsub.f32 v7, v9;
	v2 =	vmul.f32 v16, v2;
	v16 =	vmul.f32 v16, v6  }
0x2a3: {  	v13 =	vadd.f32 v14, v17;
	v14 =	vld [tilespmem:s21+$0x40];
	v3 =	vmul.f32 v3, v6;
	v6 =	vmul.f32 v19, v1  }
0x2a4: {  	v23 =	vand.u32 $0xFFFFFFFD, v23;
	v9 =	vld [tilespmem:s22+$0xFFFFFFB0];
	v7 =	vmul.f32 v7, v1;
	v16 =	vadd.f32 v16, v22  }
0x2a5: {  	s17 =	simm.s32 $0x4;
	v15 =	vbroadcast v23, $0x0;
	v19 =	vld [tilespmem:s22+$0xFFFFFFF0];
	v60 =	vmul.f32 v18, v10;
	v2 =	vsub.f32 v2, v3;
	[tilespmem:s22+$0xFFFFFFA0] =	vst v6  }
0x2a6: {  	v12 =	vmov s17;
	v10 =	vmul.f32 v21, v10;
	v3 =	vld.idx.msk [tilespmem:v11+s28+$0x0], $0xffff;
	[tilespmem:s22+$0xFFFFFFE0] =	vst v7;
	v7 =	vmul.f32 v16, v0  }
0x2a7: {  	v12 =	vand.u32 $0xFFFFFFFC, v12;
	v18 =	vmul.f32 v18, v58;
	v11 =	vmul.f32 v2, v0;
	v16 =	vld [tilespmem:s18+$0xFFFFFFB0]  }
0x2a8: {  	v12 =	vbroadcast v12, $0x0;
	v21 =	vmul.f32 v21, v58;
	[tilespmem:s22+$0xA0] =	vst v7;
	v7 =	vld [tilespmem:s18+$0xFFFFFFF0]  }
0x2a9: {  	v6 =	vld [tilespmem:s22+$0xF0];
	v10 =	vsub.f32 v10, v18;
	[tilespmem:s22+$0xE0] =	vst v11  }
0x2aa: {  	v8 =	vmul.f32 v8, v4;
	v11 =	vadd.f32 v21, v60;
	v17 =	vld [tilespmem:s18+$0xB0]  }
0x2ab: {  	s23 =	simm.s32 $0x6;
	v13 =	vmul.f32 v13, v4;
	v61 =	vmul.f32 v10, v5;
	v18 =	vld [tilespmem:s18+$0xF0]  }
0x2ac: {  	s19 =	simm.s32 $0x19400;
	v4 =	vld.idx.msk [tilespmem:v15+s28+$0x0], $0xffff;
	v11 =	vmul.f32 v11, v5;
	v5 =	vmov s23;
	v62 =	vmul.f32 v16, v9  }
0x2ad: {  	[tilespmem:s22+$0x70] =	vst v8;
	v15 =	vld [tilespmem:s19+$0x0];
	v8 =	vmul.f32 v16, v19;
	v5 =	vand.u32 $0xFFFFFFFE, v5;
	v63 =	vmul.f32 v7, v19  }
0x2ae: {  	v2 =	vld.idx.msk [tilespmem:v12+s28+$0x0], $0xffff;
	v10 =	vbroadcast v5, $0x0;
	v19 =	vmul.f32 v7, v9  }
0x2af: {  	[tilespmem:s22+$0x30] =	vst v13;
	v12 =	vld [tilespmem:s21+$0x0];
	v7 =	vmul.f32 v17, v59;
	v5 =	vmul.f32 v17, v6;
	v21 =	vadd.f32 v63, v62  }
0x2b0: {  	v16 =	vld [tilespmem:s19+$0x40];
	[tilespmem:s22+$0xFFFFFF30] =	vst v11;
	v9 =	vmul.f32 v18, v6;
	v11 =	vsub.f32 v19, v8;
	v8 =	vmul.f32 v18, v59  }
0x2b1: {  	v13 =	vld [tilespmem:s21+$0xFFFFFF00];
	[tilespmem:s22+$0xFFFFFF70] =	vst v61;
	s18 =	simm.s32 $0x8;
	v6 =	vmul.f32 v21, v1  }
.LBB2_10:
0x2b2: {  	p1 =	slt.u32 s18, $0x4C;
	v17 =	vld [tilespmem:s21+$0xFFFFFF40];
	v11 =	vmul.f32 v11, v1;
	v7 =	vadd.f32 v9, v7;
	v5 =	vsub.f32 v8, v5;
	v1 =	vmovc v4  }
0x2b3: {  	v8 =	vld [tilespmem:s19+$0xFFFFFF00];
	[tilespmem:s22+$0xFFFFFFB0] =	vst v6  }
0x2b4: {  	v4 =	vld.idx.msk [tilespmem:v10+s28+$0x0], $0xffff;
	[tilespmem:s22+$0xFFFFFFF0] =	vst v11;
	v6 =	vmul.f32 v7, v0;
	v5 =	vmul.f32 v5, v0;
	v0 =	vmov v3  }
0x2b5: {  	v7 =	vmul.f32 v15, v12;
	v3 =	vld [tilespmem:s19+$0xFFFFFF40];
	v9 =	vmul.f32 v16, v14  }
0x2b6: {  	v11 =	vmul.f32 v16, v12;
	v12 =	vmul.f32 v15, v14;
	v10 =	vld [tilespmem:s21+$0xFFFFFF80];
	[tilespmem:s22+$0xB0] =	vst v6  }
0x2b7: {  	v6 =	vld [tilespmem:s21+$0xFFFFFFC0];
	v14 =	vadd.f32 v9, v7;
	[tilespmem:s22+$0xF0] =	vst v5;
	s22 =	smov.u32 s21  }
0x2b8: {  	v11 =	vsub.f32 v11, v12;
	v5 =	vmul.f32 v8, v13;
	v8 =	vmul.f32 v8, v17;
	v15 =	vld [tilespmem:s19+$0xFFFFFF80]  }
0x2b9: {  	v12 =	vld [tilespmem:s19+$0xFFFFFFC0];
	v7 =	vsel vm0, v7, v14  }
0x2ba: {  	v9 =	vsel vm0, v9, v11;
	v14 =	vmul.f32 v3, v17;
	v7 =	vmul.f32 v7, v4;
	v11 =	vld [tilespmem:s21+$0x80]  }
0x2bb: {  	v3 =	vmul.f32 v3, v13;
	v9 =	vmul.f32 v9, v4;
	v13 =	vld [tilespmem:s21+$0xC0]  }
0x2bc: {  	v16 =	vadd.f32 v14, v5;
	[tilespmem:s21+$0x0] =	vst v7;
	v7 =	vld [tilespmem:s21+$0x10]  }
0x2bd: {  	v3 =	vsub.f32 v3, v8;
	v8 =	vmul.f32 v15, v10;
	v15 =	vmul.f32 v15, v6;
	[tilespmem:s21+$0x40] =	vst v9;
	v9 =	vld [tilespmem:s21+$0x50]  }
0x2be: {  	v5 =	vsel vm0, v5, v16;
	v6 =	vmul.f32 v12, v6;
	v10 =	vmul.f32 v12, v10;
	v12 =	vld [tilespmem:s19+$0x10]  }
0x2bf: {  	v3 =	vsel vm0, v14, v3;
	v5 =	vmul.f32 v5, v2;
	v14 =	vld [tilespmem:s19+$0x50]  }
0x2c0: {  	v3 =	vmul.f32 v3, v2;
	v16 =	vadd.f32 v6, v8;
	v10 =	vsub.f32 v10, v15;
	v15 =	vld [tilespmem:s19+$0x80]  }
0x2c1: {  	[tilespmem:s21+$0xFFFFFF00] =	vst v5;
	v5 =	vld [tilespmem:s19+$0xC0]  }
0x2c2: {  	[tilespmem:s21+$0xFFFFFF40] =	vst v3;
	v3 =	vld [tilespmem:s21+$0xFFFFFF10];
	v8 =	vsel vm0, v8, v16;
	v6 =	vsel vm0, v6, v10  }
0x2c3: {  	v10 =	vld [tilespmem:s19+$0xFFFFFF10];
	v8 =	vmul.f32 v8, v1;
	v6 =	vmul.f32 v6, v1  }
0x2c4: {  	v17 =	vmul.f32 v12, v7;
	v16 =	vld [tilespmem:s19+$0xFFFFFF50];
	v18 =	vmul.f32 v14, v9  }
0x2c5: {  	v7 =	vmul.f32 v14, v7;
	v19 =	vld [tilespmem:s21+$0xFFFFFF50];
	[tilespmem:s21+$0xFFFFFF80] =	vst v8;
	v8 =	vmul.f32 v12, v9  }
0x2c6: {  	v12 =	vmul.f32 v15, v11;
	[tilespmem:s21+$0xFFFFFFC0] =	vst v6;
	v6 =	vld [tilespmem:s21+$0xFFFFFF90];
	v9 =	vadd.f32 v18, v17;
	v14 =	vmul.f32 v5, v13  }
0x2c7: {  	v5 =	vmul.f32 v5, v11;
	v17 =	vld [tilespmem:s19+$0xFFFFFF90];
	v7 =	vsub.f32 v7, v8;
	v8 =	vmul.f32 v15, v13  }
0x2c8: {  	v11 =	vmul.f32 v10, v3;
	v13 =	vld [tilespmem:s19+$0xFFFFFFD0];
	v9 =	vmul.f32 v9, v4;
	v15 =	vadd.f32 v14, v12  }
0x2c9: {  	v3 =	vmul.f32 v16, v3;
	v18 =	vld [tilespmem:s21+$0xFFFFFFD0];
	v7 =	vmul.f32 v7, v4;
	v5 =	vsub.f32 v5, v8  }
0x2ca: {  	v8 =	vmul.f32 v16, v19;
	v10 =	vmul.f32 v10, v19;
	[tilespmem:s21+$0x10] =	vst v9;
	v9 =	vld [tilespmem:s21+$0x20];
	v12 =	vsel vm0, v12, v15  }
0x2cb: {  	[tilespmem:s21+$0x50] =	vst v7;
	v7 =	vld [tilespmem:s21+$0x60];
	v5 =	vsel vm0, v14, v5;
	v12 =	vmul.f32 v12, v0  }
0x2cc: {  	v8 =	vadd.f32 v8, v11;
	v11 =	vmul.f32 v17, v6;
	v14 =	vld [tilespmem:s19+$0x20];
	v5 =	vmul.f32 v5, v0  }
0x2cd: {  	v3 =	vsub.f32 v3, v10;
	v6 =	vmul.f32 v13, v6;
	v10 =	vld [tilespmem:s19+$0x60];
	[tilespmem:s21+$0x80] =	vst v12  }
0x2ce: {  	v12 =	vmul.f32 v13, v18;
	v13 =	vmul.f32 v17, v18;
	[tilespmem:s21+$0xC0] =	vst v5;
	v5 =	vld [tilespmem:s21+$0x90]  }
0x2cf: {  	v8 =	vmul.f32 v8, v2;
	v3 =	vmul.f32 v3, v2;
	v15 =	vld [tilespmem:s19+$0x90]  }
0x2d0: {  	v11 =	vadd.f32 v12, v11;
	v6 =	vsub.f32 v6, v13;
	v12 =	vld [tilespmem:s19+$0xD0]  }
0x2d1: {  	[tilespmem:s21+$0xFFFFFF10] =	vst v8;
	v8 =	vld [tilespmem:s21+$0xD0]  }
0x2d2: {  	v13 =	vmul.f32 v14, v9;
	[tilespmem:s21+$0xFFFFFF50] =	vst v3;
	v3 =	vld [tilespmem:s21+$0xFFFFFF20];
	v16 =	vmul.f32 v10, v7  }
0x2d3: {  	v9 =	vmul.f32 v10, v9;
	v7 =	vmul.f32 v14, v7;
	v17 =	vld [tilespmem:s19+$0xFFFFFF20]  }
0x2d4: {  	v11 =	vmul.f32 v11, v1;
	v10 =	vld [tilespmem:s19+$0xFFFFFF60];
	v13 =	vadd.f32 v16, v13;
	v14 =	vmul.f32 v15, v5  }
0x2d5: {  	v6 =	vmul.f32 v6, v1;
	v7 =	vsub.f32 v9, v7;
	v16 =	vld [tilespmem:s21+$0xFFFFFF60];
	v5 =	vmul.f32 v12, v5  }
0x2d6: {  	[tilespmem:s21+$0xFFFFFF90] =	vst v11;
	v9 =	vld [tilespmem:s21+$0xFFFFFFA0];
	v11 =	vmul.f32 v13, v4;
	v12 =	vmul.f32 v12, v8  }
0x2d7: {  	v7 =	vmul.f32 v7, v4;
	v8 =	vmul.f32 v15, v8;
	[tilespmem:s21+$0xFFFFFFD0] =	vst v6;
	v6 =	vld [tilespmem:s21+$0xFFFFFFE0]  }
0x2d8: {  	v13 =	vmul.f32 v17, v3;
	[tilespmem:s21+$0x20] =	vst v11;
	v11 =	vld [tilespmem:s21+$0x30];
	v12 =	vadd.f32 v12, v14  }
0x2d9: {  	v5 =	vsub.f32 v5, v8;
	v3 =	vmul.f32 v10, v3;
	[tilespmem:s21+$0x60] =	vst v7;
	v7 =	vld [tilespmem:s21+$0x70]  }
0x2da: {  	v8 =	vmul.f32 v10, v16;
	v10 =	vld [tilespmem:s19+$0x30];
	v12 =	vmul.f32 v12, v0  }
0x2db: {  	v14 =	vmul.f32 v17, v16;
	v5 =	vmul.f32 v5, v0;
	v15 =	vld [tilespmem:s19+$0x70]  }
0x2dc: {  	v16 =	vmov s18;
	v8 =	vadd.f32 v8, v13;
	v13 =	vld [tilespmem:s19+$0xFFFFFFA0];
	[tilespmem:s21+$0x90] =	vst v12  }
0x2dd: {  	v12 =	vand.u32 $0xFFFFFFFC, v16;
	v3 =	vsub.f32 v3, v14;
	v14 =	vld [tilespmem:s19+$0xFFFFFFE0];
	[tilespmem:s21+$0xD0] =	vst v5  }
0x2de: {  	v5 =	vbroadcast v12, $0x0;
	v8 =	vmul.f32 v8, v2;
	v12 =	vld [tilespmem:s19+$0xA0]  }
0x2df: {  	s16 =	sadd.s32 $0x1, s18;
	v3 =	vmul.f32 v3, v2;
	v16 =	vmul.f32 v10, v11;
	v17 =	vld [tilespmem:s19+$0xE0]  }
0x2e0: {  	v18 =	vmov s16;
	v10 =	vmul.f32 v10, v7;
	[tilespmem:s21+$0xFFFFFF20] =	vst v8;
	v8 =	vmul.f32 v15, v11;
	v11 =	vld [tilespmem:s21+$0xA0]  }
0x2e1: {  	v18 =	vand.u32 $0xFFFFFFFD, v18;
	[tilespmem:s21+$0xFFFFFF60] =	vst v3;
	v3 =	vmul.f32 v13, v9;
	v13 =	vmul.f32 v13, v6;
	v19 =	vld [tilespmem:s21+$0xE0]  }
0x2e2: {  	s16 =	sadd.s32 $0x3, s18;
	v20 =	vld [tilespmem:s19+$0xFFFFFF30];
	v6 =	vmul.f32 v14, v6;
	v9 =	vmul.f32 v14, v9;
	v8 =	vsub.f32 v8, v10  }
0x2e3: {  	v7 =	vmul.f32 v15, v7;
	v10 =	vbroadcast v18, $0x0;
	v14 =	vmov s16;
	v18 =	vld [tilespmem:s19+$0xFFFFFF70]  }
0x2e4: {  	v15 =	vld [tilespmem:s21+$0xFFFFFF30];
	v3 =	vadd.f32 v6, v3;
	v6 =	vsub.f32 v9, v13;
	v8 =	vmul.f32 v8, v4  }
0x2e5: {  	v7 =	vadd.f32 v7, v16;
	v9 =	vld [tilespmem:s21+$0xFFFFFF70];
	v13 =	vmul.f32 v12, v11;
	v11 =	vmul.f32 v17, v11  }
0x2e6: {  	v16 =	vld [tilespmem:s21+$0xFFFFFFB0];
	[tilespmem:s21+$0x70] =	vst v8;
	v8 =	vmul.f32 v17, v19;
	v12 =	vmul.f32 v12, v19  }
0x2e7: {  	v3 =	vmul.f32 v3, v1;
	v6 =	vmul.f32 v6, v1;
	v17 =	vld [tilespmem:s21+$0xFFFFFFF0]  }
0x2e8: {  	v4 =	vmul.f32 v7, v4;
	v7 =	vadd.f32 v8, v13;
	v8 =	vsub.f32 v11, v12;
	v13 =	vld [tilespmem:s21+$0xB0]  }
0x2e9: {  	v11 =	vmul.f32 v20, v15;
	v12 =	vmul.f32 v18, v15;
	[tilespmem:s21+$0xFFFFFFA0] =	vst v3;
	v19 =	vld [tilespmem:s21+$0xF0]  }
0x2ea: {  	v3 =	vld.idx.msk [tilespmem:v14+s28+$0x0], $0xffff;
	[tilespmem:s21+$0xFFFFFFE0] =	vst v6;
	v6 =	vmul.f32 v7, v0;
	v7 =	vmul.f32 v8, v0  }
0x2eb: {  	v8 =	vmul.f32 v18, v9;
	v9 =	vmul.f32 v20, v9;
	v14 =	vld [tilespmem:s19+$0xFFFFFFB0];
	[tilespmem:s21+$0x30] =	vst v4  }
0x2ec: {  	v15 =	vld [tilespmem:s19+$0xFFFFFFF0];
	[tilespmem:s21+$0xA0] =	vst v6  }
0x2ed: {  	v4 =	vadd.f32 v8, v11;
	v6 =	vld.idx.msk [tilespmem:v5+s28+$0x0], $0xffff;
	v5 =	vsub.f32 v12, v9;
	[tilespmem:s21+$0xE0] =	vst v7  }
0x2ee: {  	v8 =	vld [tilespmem:s19+$0xB0]  }
0x2ef: {  	s16 =	sadd.s32 $0x2, s18;
	v7 =	vmul.f32 v4, v2;
	v2 =	vmul.f32 v5, v2;
	v18 =	vld [tilespmem:s19+$0xF0]  }
0x2f0: {  	s21 =	sadd.s32 $0x200, s21;
	v5 =	vmov s16;
	v4 =	vld.idx.msk [tilespmem:v10+s28+$0x0], $0xffff;
	v9 =	vmul.f32 v14, v16;
	v11 =	vmul.f32 v14, v17  }
.Ltmp8:
0x2f1: {  	v5 =	vand.u32 $0xFFFFFFFE, v5;
	v12 =	vld [tilespmem:s21+$0x0];
	[tilespmem:s22+$0xFFFFFF30] =	vst v7;
	v7 =	vmul.f32 v15, v17;
	v17 =	vmul.f32 v15, v16;
	(pc) =	sbr.rel @p1 .LBB2_10-.Ltmp8, $4  }
0x2f2: {  	s19 =	sadd.s32 $0x200, s19;
	v10 =	vbroadcast v5, $0x0;
	v14 =	vld [tilespmem:s21+$0x40];
	[tilespmem:s22+$0xFFFFFF70] =	vst v2  }
0x2f3: {  	v15 =	vld [tilespmem:s19+$0x0];
	v20 =	vadd.f32 v7, v9;
	v7 =	vmul.f32 v8, v13;
	v5 =	vmul.f32 v8, v19;
	v2 =	vmovc v6  }
0x2f4: {  	v11 =	vsub.f32 v17, v11;
	v16 =	vld [tilespmem:s19+$0x40];
	v9 =	vmul.f32 v18, v19;
	v8 =	vmul.f32 v18, v13  }
0x2f5: {  	s18 =	sadd.s32 $0x4, s18;
	v13 =	vld [tilespmem:s21+$0xFFFFFF00];
	v6 =	vmul.f32 v20, v1  }
0x2f6: {  	_ =	sdelay $0x2  }
0x2f7: {  	v17 =	vld [tilespmem:s21+$0xFFFFFF40]  }
0x2f8: {  	v10 =	vld.idx.msk [tilespmem:v10+s28+$0x0], $0xffff  }
0x2f9: {  	v20 =	vld [tilespmem:s19+$0xFFFFFF00]  }
0x2fa: {  	v21 =	vld [tilespmem:s19+$0xFFFFFF40]  }
0x2fb: {  	v53 =	vld [tilespmem:s21+$0xFFFFFF80]  }
0x2fc: {  	v22 =	vld [tilespmem:s21+$0xFFFFFFC0]  }
0x2fd: {  	v55 =	vld [tilespmem:s19+$0xFFFFFF80];
	v18 =	vmul.f32 v15, v12;
	v19 =	vmul.f32 v16, v14  }
0x2fe: {  	v56 =	vld [tilespmem:s19+$0xFFFFFFC0];
	v51 =	vmul.f32 v15, v14;
	v50 =	vmul.f32 v16, v12  }
0x2ff: {  	v23 =	vld [tilespmem:s21+$0x10];
	v52 =	vadd.f32 v19, v18  }
0x300: {  	v59 =	vld [tilespmem:s21+$0x80];
	v12 =	vsub.f32 v50, v51  }
0x301: {  	v31 =	vld [tilespmem:s19+$0x80];
	v57 =	vmul.f32 v20, v13;
	v54 =	vsel vm0, v18, v52  }
0x302: {  	v29 =	vld [tilespmem:s21+$0xC0];
	v58 =	vmul.f32 v21, v17;
	v12 =	vsel vm0, v19, v12;
	v14 =	vmul.f32 v54, v10  }
0x303: {  	v32 =	vld [tilespmem:s19+$0xC0];
	v17 =	vmul.f32 v20, v17;
	v12 =	vmul.f32 v12, v10  }
0x304: {  	v62 =	vld [tilespmem:s21+$0x50];
	v60 =	vmul.f32 v21, v13;
	v63 =	vmul.f32 v55, v53;
	[tilespmem:s21+$0x0] =	vst v14  }
0x305: {  	v35 =	vld [tilespmem:s21+$0xFFFFFF10];
	v24 =	vmul.f32 v56, v22;
	v15 =	vmul.f32 v55, v22;
	v61 =	vadd.f32 v58, v57;
	[tilespmem:s21+$0x40] =	vst v12  }
0x306: {  	v27 =	vmul.f32 v56, v53;
	v41 =	vmul.f32 v31, v59;
	v25 =	vld [tilespmem:s19+$0x10]  }
0x307: {  	v13 =	vsub.f32 v60, v17;
	v30 =	vadd.f32 v24, v63;
	v12 =	vsel vm0, v57, v61;
	v28 =	vld [tilespmem:s19+$0x50]  }
0x308: {  	v42 =	vld [tilespmem:s21+$0xFFFFFF50];
	v43 =	vmul.f32 v32, v29;
	v14 =	vsub.f32 v27, v15;
	v12 =	vmul.f32 v12, v2  }
0x309: {  	v44 =	vld [tilespmem:s21+$0xFFFFFF90];
	v45 =	vmul.f32 v31, v29;
	v13 =	vsel vm0, v58, v13;
	v33 =	vsel vm0, v63, v30  }
0x30a: {  	v49 =	vld [tilespmem:s21+$0x20];
	v13 =	vmul.f32 v13, v2;
	v14 =	vsel vm0, v24, v14;
	[tilespmem:s21+$0xFFFFFF00] =	vst v12;
	v12 =	vmul.f32 v32, v59  }
0x30b: {  	v51 =	vld [tilespmem:s21+$0xFFFFFFD0];
	v47 =	vadd.f32 v43, v41;
	v34 =	vmul.f32 v33, v4;
	v14 =	vmul.f32 v14, v4  }
0x30c: {  	v53 =	vld [tilespmem:s21+$0x60];
	[tilespmem:s21+$0xFFFFFF40] =	vst v13;
	v12 =	vsub.f32 v12, v45;
	v36 =	vmul.f32 v25, v23;
	v37 =	vmul.f32 v28, v62  }
0x30d: {  	v50 =	vsel vm0, v41, v47;
	[tilespmem:s21+$0xFFFFFF80] =	vst v34;
	v38 =	vld [tilespmem:s19+$0xFFFFFF10];
	v16 =	vmul.f32 v28, v23;
	v40 =	vmul.f32 v25, v62  }
0x30e: {  	v52 =	vmul.f32 v50, v3;
	v39 =	vld [tilespmem:s19+$0xFFFFFF50];
	[tilespmem:s21+$0xFFFFFFC0] =	vst v14;
	v12 =	vsel vm0, v43, v12;
	v17 =	vadd.f32 v37, v36  }
0x30f: {  	v46 =	vld [tilespmem:s19+$0xFFFFFF90];
	v13 =	vsub.f32 v16, v40;
	v12 =	vmul.f32 v12, v3  }
0x310: {  	[tilespmem:s21+$0x80] =	vst v52;
	v48 =	vld [tilespmem:s19+$0xFFFFFFD0];
	v17 =	vmul.f32 v17, v10  }
0x311: {  	v60 =	vld [tilespmem:s21+$0x90];
	v13 =	vmul.f32 v13, v10;
	[tilespmem:s21+$0xC0] =	vst v12  }
0x312: {  	v30 =	vld [tilespmem:s21+$0xD0];
	[tilespmem:s21+$0x10] =	vst v17  }
0x313: {  	v54 =	vmul.f32 v38, v35;
	v55 =	vmul.f32 v39, v42;
	v63 =	vld [tilespmem:s19+$0x90];
	[tilespmem:s21+$0x50] =	vst v13  }
0x314: {  	v56 =	vmul.f32 v39, v35;
	v57 =	vmul.f32 v38, v42;
	v26 =	vld [tilespmem:s19+$0x20]  }
0x315: {  	v59 =	vadd.f32 v55, v54;
	v61 =	vmul.f32 v46, v44;
	v28 =	vmul.f32 v48, v51;
	v58 =	vld [tilespmem:s19+$0x60]  }
0x316: {  	v29 =	vld [tilespmem:s19+$0xD0];
	v13 =	vsub.f32 v56, v57  }
0x317: {  	v47 =	vld [tilespmem:s21+$0x70];
	v12 =	vmul.f32 v59, v2;
	v22 =	vadd.f32 v28, v61  }
0x318: {  	v34 =	vld [tilespmem:s21+$0xFFFFFF20];
	v62 =	vmul.f32 v48, v44;
	v13 =	vmul.f32 v13, v2  }
0x319: {  	v40 =	vld [tilespmem:s21+$0xFFFFFF60];
	v18 =	vmul.f32 v46, v51;
	[tilespmem:s21+$0xFFFFFF10] =	vst v12;
	v35 =	vmul.f32 v22, v4  }
0x31a: {  	v42 =	vld [tilespmem:s21+$0xFFFFFFA0];
	[tilespmem:s21+$0xFFFFFF50] =	vst v13;
	v31 =	vmul.f32 v26, v49;
	v32 =	vmul.f32 v58, v53  }
0x31b: {  	v15 =	vsub.f32 v62, v18;
	v17 =	vmul.f32 v29, v60;
	v41 =	vmul.f32 v63, v30;
	v36 =	vld [tilespmem:s19+$0xFFFFFF20]  }
0x31c: {  	v37 =	vmul.f32 v63, v60;
	v39 =	vmul.f32 v29, v30;
	v38 =	vld [tilespmem:s19+$0xFFFFFF60];
	v12 =	vadd.f32 v32, v31  }
0x31d: {  	v44 =	vld [tilespmem:s21+$0x30];
	v15 =	vmul.f32 v15, v4;
	v45 =	vsub.f32 v17, v41  }
0x31e: {  	v46 =	vld [tilespmem:s21+$0xFFFFFFE0];
	[tilespmem:s21+$0xFFFFFF90] =	vst v35;
	v33 =	vmul.f32 v58, v49;
	v43 =	vadd.f32 v39, v37;
	v12 =	vmul.f32 v12, v10  }
0x31f: {  	v57 =	vld [tilespmem:s21+$0xA0];
	[tilespmem:s21+$0xFFFFFFD0] =	vst v15;
	v14 =	vmul.f32 v26, v53;
	v15 =	vmul.f32 v45, v3  }
0x320: {  	v50 =	vld [tilespmem:s19+$0xFFFFFFA0];
	[tilespmem:s21+$0x20] =	vst v12;
	v12 =	vmul.f32 v43, v3  }
0x321: {  	v53 =	vld [tilespmem:s19+$0xFFFFFFE0];
	v13 =	vsub.f32 v33, v14;
	v48 =	vmul.f32 v36, v34;
	v49 =	vmul.f32 v38, v40;
	[tilespmem:s21+$0xD0] =	vst v15  }
0x322: {  	v58 =	vld [tilespmem:s21+$0xE0];
	v51 =	vmul.f32 v38, v34;
	v52 =	vmul.f32 v36, v40;
	[tilespmem:s21+$0x90] =	vst v12  }
0x323: {  	v13 =	vmul.f32 v13, v10;
	v54 =	vadd.f32 v49, v48;
	v55 =	vld [tilespmem:s19+$0xA0]  }
0x324: {  	v12 =	vsub.f32 v51, v52;
	v56 =	vld [tilespmem:s19+$0xE0]  }
0x325: {  	v28 =	vld [tilespmem:s21+$0xFFFFFF30];
	[tilespmem:s21+$0x60] =	vst v13;
	v15 =	vmul.f32 v54, v2  }
0x326: {  	v1 =	vmul.f32 v11, v1;
	v59 =	vld [tilespmem:s19+$0x30];
	v12 =	vmul.f32 v12, v2  }
0x327: {  	v17 =	vmul.f32 v50, v46;
	v19 =	vmul.f32 v53, v42;
	v60 =	vld [tilespmem:s19+$0x70];
	[tilespmem:s21+$0xFFFFFF20] =	vst v15  }
0x328: {  	v35 =	vld [tilespmem:s21+$0xFFFFFFF0];
	v61 =	vmul.f32 v50, v42;
	v62 =	vmul.f32 v53, v46;
	[tilespmem:s21+$0xFFFFFF60] =	vst v12  }
0x329: {  	v17 =	vsub.f32 v19, v17;
	v15 =	vld [tilespmem:s19+$0xFFFFFF30];
	v29 =	vmul.f32 v55, v57;
	v30 =	vmul.f32 v56, v58  }
0x32a: {  	v12 =	vadd.f32 v62, v61;
	v63 =	vld [tilespmem:s19+$0xFFFFFF70];
	v16 =	vmul.f32 v56, v57;
	v18 =	vmul.f32 v55, v58  }
0x32b: {  	v31 =	vld [tilespmem:s21+$0xFFFFFF70];
	v17 =	vmul.f32 v17, v4;
	v32 =	vmul.f32 v59, v44;
	v33 =	vadd.f32 v30, v29  }
0x32c: {  	v37 =	vld [tilespmem:s21+$0xF0];
	v14 =	vmul.f32 v60, v44;
	v12 =	vmul.f32 v12, v4;
	v16 =	vsub.f32 v16, v18  }
0x32d: {  	v34 =	vld [tilespmem:s21+$0xFFFFFFB0];
	[tilespmem:s21+$0xFFFFFFE0] =	vst v17;
	v24 =	vmul.f32 v59, v47;
	v23 =	vmul.f32 v33, v3  }
0x32e: {  	v36 =	vld [tilespmem:s21+$0xB0];
	v11 =	vmul.f32 v60, v47;
	[tilespmem:s21+$0xFFFFFFA0] =	vst v12;
	v16 =	vmul.f32 v16, v3  }
0x32f: {  	v7 =	vadd.f32 v9, v7;
	v40 =	vld [tilespmem:s19+$0xFFFFFFB0];
	v38 =	vmul.f32 v15, v28;
	v39 =	vmul.f32 v63, v28;
	[tilespmem:s21+$0xA0] =	vst v23  }
0x330: {  	v5 =	vsub.f32 v8, v5;
	v42 =	vld [tilespmem:s19+$0xFFFFFFF0];
	v41 =	vmul.f32 v63, v31;
	v15 =	vmul.f32 v15, v31;
	[tilespmem:s21+$0xE0] =	vst v16  }
0x331: {  	v7 =	vmul.f32 v7, v0;
	v14 =	vsub.f32 v14, v24;
	v11 =	vadd.f32 v11, v32;
	v43 =	vld [tilespmem:s19+$0xB0]  }
0x332: {  	v44 =	vmul.f32 v5, v0;
	v45 =	vadd.f32 v41, v38;
	v46 =	vsub.f32 v39, v15;
	v47 =	vld [tilespmem:s19+$0xF0]  }
0x333: {  	[tilespmem:s22+$0xFFFFFFB0] =	vst v6;
	v48 =	vmul.f32 v14, v10;
	v10 =	vmul.f32 v11, v10  }
0x334: {  	[tilespmem:s22+$0xFFFFFFF0] =	vst v1;
	v49 =	vmul.f32 v45, v2;
	v50 =	vmul.f32 v46, v2  }
0x335: {  	[tilespmem:s22+$0xB0] =	vst v7;
	v51 =	vmul.f32 v40, v34;
	v52 =	vmul.f32 v42, v35  }
0x336: {  	[tilespmem:s22+$0xF0] =	vst v44;
	v53 =	vmul.f32 v40, v35;
	v54 =	vmul.f32 v42, v34  }
0x337: {  	[tilespmem:s21+$0x70] =	vst v48;
	v5 =	vadd.f32 v52, v51;
	v55 =	vmul.f32 v43, v36;
	v56 =	vmul.f32 v47, v37  }
0x338: {  	[tilespmem:s21+$0x30] =	vst v10;
	v0 =	vsub.f32 v54, v53;
	v57 =	vmul.f32 v43, v37;
	v58 =	vmul.f32 v47, v36  }
0x339: {  	[tilespmem:s21+$0xFFFFFF30] =	vst v49;
	v59 =	vmul.f32 v5, v4;
	v60 =	vadd.f32 v56, v55  }
0x33a: {  	[tilespmem:s21+$0xFFFFFF70] =	vst v50;
	v0 =	vmul.f32 v0, v4;
	v61 =	vsub.f32 v58, v57  }
0x33b: {  	[tilespmem:s21+$0xFFFFFFB0] =	vst v59;
	v62 =	vmul.f32 v60, v3  }
0x33c: {  	[tilespmem:s21+$0xFFFFFFF0] =	vst v0;
	v63 =	vmul.f32 v61, v3  }
0x33d: {  	[tilespmem:s21+$0xB0] =	vst v62  }
0x33e: {  	s16 =	simm.s32 $0x13F00;
	s19 =	sshll.u32 s20, $0x9;
	[tilespmem:s21+$0xF0] =	vst v63  }
0x33f: {  	[spmem:s2] =	stream.indirect.scatter.add.f32 [tilespmem:s10], [sflag:$0x5], $0x80, s16, s30, $0xb8;
	[tilespmem:$0x1E100] =	vst v63  }
0x340: {  	s16 =	sadd.s32 $0x200, s19  }
0x341: {  	s17 =	sand.u32 $0x7C00, s16  }
0x342: {  	s16 =	sand.u32 $0x200, s16;
	s17 =	sadd.s32 s11, s17  }
0x343: {  	_ =	swait.ge [sflag:s4], $0x2800;
	s16 =	sor.u32 s16, s17  }
0x344: {  	[sflag:s4] =	ssyncset.done $0x0;
	s16 =	sshrl.u32 s16, $0x3  }
0x345: {  	[sflag:s4] =	ssyncadd.s32 $0xFFFFD800;
	s21 =	sadd.s32 s6, s16  }
0x346: {  	[tilespmem:s24], [sflag:$0x1] =	stream.linear.gather [hbm4b:s21+s3], $0x80, $0x38;
	[tilespmem:$0x1E100] =	vst v63  }
0x347: {  	s22 =	sadd.s32 s8, s16  }
0x348: {  	[tilespmem:s25], [sflag:$0x1] =	stream.linear.gather [hbm4b:s22+s3], $0x80, $0x38;
	[tilespmem:$0x1E100] =	vst v63  }
0x349: {  	s23 =	sadd.s32 s7, s16  }
0x34a: {  	[tilespmem:s26], [sflag:$0x1] =	stream.linear.gather [hbm4b:s23+s3], $0x80, $0x38;
	[tilespmem:$0x1E100] =	vst v63  }
0x34b: {  	s16 =	sadd.s32 s9, s16  }
0x34c: {  	[tilespmem:s28], [sflag:$0x1] =	stream.linear.gather [hbm4b:s16+s3], $0x80, $0x38;
	[tilespmem:$0x1E100] =	vst v63  }
.LBB2_12:
.Ltmp9:
0x34d: {  	(pc) =	sbr.rel @p0 .LBB2_16-.Ltmp9, $1  }
0x34e: {  	_ =	sdelay $0x3  }
0x34f: {  	_ =	swait.ge [sflag:s14], $0x2800  }
0x350: {  	[sflag:s14] =	ssyncset.done $0x0  }
0x351: {  	[sflag:s14] =	ssyncadd.s32 $0xFFFFD800  }
0x352: {  	_ =	swait.ge [sflag:s14], $0x2800  }
0x353: {  	[sflag:s14] =	ssyncset.done $0x0  }
0x354: {  	[sflag:s14] =	ssyncadd.s32 $0xFFFFD800  }
0x355: {  	_ =	swait.ge [sflag:s29], $0x80  }
0x356: {  	[sflag:s29] =	ssyncset.done $0x0  }
0x357: {  	[sflag:s29] =	ssyncadd.s32 $0xFFFFFF80  }
0x358: {  	_ =	swait.ge [sflag:s29], $0x80  }
0x359: {  	[sflag:s29] =	ssyncset.done $0x0  }
0x35a: {  	[sflag:s29] =	ssyncadd.s32 $0xFFFFFF80  }
0x35b: {  	_ =	swait.ge [sflag:s29], $0x80  }
0x35c: {  	[sflag:s29] =	ssyncset.done $0x0  }
0x35d: {  	[sflag:s29] =	ssyncadd.s32 $0xFFFFFF80  }
0x35e: {  	_ =	swait.ge [sflag:s29], $0x80  }
0x35f: {  	[sflag:s29] =	ssyncset.done $0x0  }
0x360: {  	[sflag:s29] =	ssyncadd.s32 $0xFFFFFF80  }
0x361: {  	[tilespmem:s10], [sflag:$0x3] =	stream.indirect.gather [hbm4b:s1+s30], $0x80, s24, s30, $0xb8;
	[tilespmem:$0x1E100] =	vst v63  }
0x362: {  	s22 =	simm.s32 $0x16A00;
	s16 =	simm.s32 $0x3;
	s17 =	simm.s32 $0x2  }
0x363: {  	v0 =	vmov s16;
	v1 =	vmov s17;
	[tilespmem:s12], [sflag:$0x3] =	stream.indirect.gather [hbm4b:s5+s30], $0x80, s25, s30, $0xb8;
	[tilespmem:$0x1E100] =	vst v63  }
0x364: {  	v1 =	vand.u32 $0xFFFFFFFE, v1;
	v2 =	vld [tilespmem:s22+$0x0]  }
0x365: {  	s18 =	simm.s32 $0x1BA00;
	v1 =	vbroadcast v1, $0x0;
	v3 =	vld [tilespmem:s22+$0x40]  }
0x366: {  	v5 =	vld [tilespmem:s18+$0x0]  }
0x367: {  	v6 =	vld [tilespmem:s18+$0x40]  }
0x368: {  	v0 =	vld.idx.msk [tilespmem:v0+s0+$0x0], $0xffff  }
0x369: {  	s21 =	simm.s32 $0x0;
	v7 =	vld [tilespmem:s22+$0xFFFFFF00]  }
0x36a: {  	v4 =	vmov s21;
	v9 =	vld [tilespmem:s22+$0xFFFFFF40]  }
0x36b: {  	s23 =	simm.s32 $0x1;
	v8 =	vand.u32 $0xFFFFFFFC, v4;
	v4 =	vld.idx.msk [tilespmem:v1+s0+$0x0], $0xffff  }
0x36c: {  	v10 =	vmov s23;
	v8 =	vbroadcast v8, $0x0;
	v12 =	vld [tilespmem:s18+$0xFFFFFF00];
	v1 =	vmul.f32 v5, v2  }
0x36d: {  	v10 =	vand.u32 $0xFFFFFFFD, v10;
	v13 =	vld [tilespmem:s18+$0xFFFFFF40];
	v11 =	vmul.f32 v6, v3;
	v2 =	vmul.f32 v6, v2  }
0x36e: {  	v14 =	vld [tilespmem:s22+$0xFFFFFFC0];
	v3 =	vmul.f32 v5, v3;
	v6 =	vbroadcast v10, $0x0  }
0x36f: {  	v15 =	vld [tilespmem:s18+$0xFFFFFFC0];
	v5 =	vadd.f32 v11, v1  }
0x370: {  	v10 =	vld [tilespmem:s22+$0xFFFFFF80];
	v2 =	vsub.f32 v2, v3  }
0x371: {  	v3 =	vld [tilespmem:s18+$0xFFFFFF80];
	v1 =	vsel vm0, v1, v5  }
0x372: {  	v2 =	vsel vm0, v11, v2;
	v5 =	vld.idx.msk [tilespmem:v8+s0+$0x0], $0xffff;
	v8 =	vmul.f32 v12, v7;
	v1 =	vmul.f32 v1, v4  }
0x373: {  	v16 =	vld [tilespmem:s22+$0x10];
	v11 =	vmul.f32 v13, v9;
	v2 =	vmul.f32 v2, v4  }
0x374: {  	v7 =	vmul.f32 v13, v7;
	[tilespmem:s22+$0x0] =	vst v1;
	v1 =	vld.idx.msk [tilespmem:v6+s0+$0x0], $0xffff;
	v6 =	vmul.f32 v12, v9  }
0x375: {  	[tilespmem:s22+$0x40] =	vst v2;
	v2 =	vadd.f32 v11, v8;
	v9 =	vld [tilespmem:s22+$0x50]  }
0x376: {  	v12 =	vmul.f32 v15, v14;
	v13 =	vld [tilespmem:s18+$0x10];
	v6 =	vsub.f32 v7, v6  }
0x377: {  	v7 =	vmul.f32 v3, v10;
	v2 =	vsel vm0, v8, v2;
	v8 =	vmul.f32 v15, v10;
	v10 =	vld [tilespmem:s18+$0x50]  }
0x378: {  	v3 =	vmul.f32 v3, v14;
	v14 =	vld [tilespmem:s22+$0x80]  }
0x379: {  	v15 =	vld [tilespmem:s22+$0xC0];
	v2 =	vmul.f32 v2, v5;
	v6 =	vsel vm0, v11, v6;
	v11 =	vadd.f32 v12, v7  }
0x37a: {  	v3 =	vsub.f32 v8, v3;
	v8 =	vld [tilespmem:s18+$0x80];
	v6 =	vmul.f32 v6, v5  }
0x37b: {  	[tilespmem:s22+$0xFFFFFF00] =	vst v2;
	v2 =	vsel vm0, v7, v11;
	v7 =	vld [tilespmem:s18+$0xC0];
	v11 =	vmul.f32 v13, v16  }
0x37c: {  	v3 =	vsel vm0, v12, v3;
	[tilespmem:s22+$0xFFFFFF40] =	vst v6;
	v2 =	vmul.f32 v2, v1;
	v6 =	vld [tilespmem:s22+$0xFFFFFF10];
	v12 =	vmul.f32 v10, v9  }
0x37d: {  	v3 =	vmul.f32 v3, v1;
	v17 =	vld [tilespmem:s18+$0xFFFFFF10]  }
0x37e: {  	v9 =	vmul.f32 v13, v9;
	v18 =	vld [tilespmem:s18+$0xFFFFFF50];
	[tilespmem:s22+$0xFFFFFF80] =	vst v2;
	v2 =	vmul.f32 v10, v16;
	v10 =	vadd.f32 v12, v11  }
0x37f: {  	v11 =	vld [tilespmem:s22+$0xFFFFFF50];
	v12 =	vmul.f32 v8, v14  }
0x380: {  	[tilespmem:s22+$0xFFFFFFC0] =	vst v3;
	v3 =	vld [tilespmem:s22+$0xFFFFFF90];
	v2 =	vsub.f32 v2, v9;
	v9 =	vmul.f32 v10, v4;
	v10 =	vmul.f32 v7, v15  }
0x381: {  	v8 =	vmul.f32 v8, v15;
	v16 =	vld [tilespmem:s22+$0xFFFFFFD0];
	v7 =	vmul.f32 v7, v14  }
0x382: {  	v13 =	vld [tilespmem:s18+$0xFFFFFF90];
	v2 =	vmul.f32 v2, v4;
	[tilespmem:s22+$0x10] =	vst v9;
	v9 =	vadd.f32 v10, v12  }
0x383: {  	v14 =	vld [tilespmem:s18+$0xFFFFFFD0];
	v7 =	vsub.f32 v7, v8  }
0x384: {  	v15 =	vld [tilespmem:s22+$0x20];
	[tilespmem:s22+$0x50] =	vst v2;
	v2 =	vmul.f32 v17, v6;
	v6 =	vmul.f32 v18, v6;
	v8 =	vsel vm0, v12, v9  }
0x385: {  	v9 =	vld [tilespmem:s22+$0x60];
	v12 =	vmul.f32 v18, v11;
	v7 =	vsel vm0, v10, v7;
	v8 =	vmul.f32 v8, v0  }
0x386: {  	v11 =	vmul.f32 v17, v11;
	v10 =	vld [tilespmem:s18+$0x20];
	v7 =	vmul.f32 v7, v0  }
0x387: {  	v17 =	vld [tilespmem:s18+$0x60];
	v2 =	vadd.f32 v12, v2;
	[tilespmem:s22+$0x80] =	vst v8  }
0x388: {  	v6 =	vsub.f32 v6, v11;
	v11 =	vmul.f32 v14, v16;
	[tilespmem:s22+$0xC0] =	vst v7;
	v8 =	vld [tilespmem:s22+$0x90]  }
0x389: {  	v7 =	vmul.f32 v13, v3;
	v2 =	vmul.f32 v2, v5;
	v12 =	vld [tilespmem:s18+$0x90]  }
0x38a: {  	v6 =	vmul.f32 v6, v5;
	v18 =	vld [tilespmem:s18+$0xD0]  }
0x38b: {  	v3 =	vmul.f32 v14, v3;
	v13 =	vmul.f32 v13, v16;
	v7 =	vadd.f32 v11, v7;
	v11 =	vld [tilespmem:s22+$0xD0];
	[tilespmem:s22+$0xFFFFFF10] =	vst v2  }
0x38c: {  	v2 =	vmul.f32 v10, v15;
	v19 =	vmul.f32 v17, v9;
	[tilespmem:s22+$0xFFFFFF50] =	vst v6;
	v6 =	vld [tilespmem:s22+$0xFFFFFF20]  }
0x38d: {  	v3 =	vsub.f32 v3, v13;
	v14 =	vmul.f32 v17, v15;
	v9 =	vmul.f32 v10, v9;
	v15 =	vld [tilespmem:s22+$0xFFFFFF60]  }
0x38e: {  	v10 =	vld [tilespmem:s18+$0xFFFFFF20];
	v7 =	vmul.f32 v7, v1;
	v2 =	vadd.f32 v19, v2  }
0x38f: {  	v13 =	vld [tilespmem:s18+$0xFFFFFF60];
	v3 =	vmul.f32 v3, v1;
	v9 =	vsub.f32 v14, v9  }
0x390: {  	[tilespmem:s22+$0xFFFFFF90] =	vst v7;
	v2 =	vmul.f32 v2, v4  }
0x391: {  	v14 =	vmul.f32 v12, v8;
	[tilespmem:s22+$0xFFFFFFD0] =	vst v3;
	v9 =	vmul.f32 v9, v4  }
0x392: {  	v7 =	vld [tilespmem:s22+$0xFFFFFFA0];
	v16 =	vmul.f32 v18, v11;
	v3 =	vmul.f32 v12, v11;
	[tilespmem:s22+$0x20] =	vst v2  }
0x393: {  	v11 =	vld [tilespmem:s22+$0xFFFFFFE0];
	v2 =	vmul.f32 v18, v8;
	[tilespmem:s22+$0x60] =	vst v9;
	v9 =	vmul.f32 v10, v6  }
0x394: {  	v8 =	vld [tilespmem:s22+$0x30];
	v12 =	vadd.f32 v16, v14;
	v6 =	vmul.f32 v13, v6;
	v10 =	vmul.f32 v10, v15  }
0x395: {  	v14 =	vld [tilespmem:s22+$0x70];
	v2 =	vsub.f32 v2, v3  }
0x396: {  	v3 =	vmul.f32 v13, v15;
	v13 =	vld [tilespmem:s18+$0x30];
	v12 =	vmul.f32 v12, v0;
	v6 =	vsub.f32 v6, v10  }
0x397: {  	v15 =	vld [tilespmem:s18+$0x70];
	v2 =	vmul.f32 v2, v0  }
0x398: {  	v10 =	vld [tilespmem:s18+$0xFFFFFFE0];
	v3 =	vadd.f32 v3, v9;
	[tilespmem:s22+$0x90] =	vst v12;
	v6 =	vmul.f32 v6, v5  }
0x399: {  	v9 =	vld [tilespmem:s18+$0xFFFFFFA0];
	[tilespmem:s22+$0xD0] =	vst v2  }
0x39a: {  	v2 =	vmul.f32 v3, v5;
	[tilespmem:s22+$0xFFFFFF60] =	vst v6;
	v6 =	vld [tilespmem:s22+$0xE0]  }
0x39b: {  	v3 =	vld [tilespmem:s18+$0xA0]  }
0x39c: {  	[tilespmem:s22+$0xFFFFFF20] =	vst v2;
	v2 =	vld [tilespmem:s22+$0xA0]  }
0x39d: {  	v16 =	vld [tilespmem:s18+$0xE0];
	v17 =	vmul.f32 v13, v8;
	v8 =	vmul.f32 v15, v8  }
0x39e: {  	s21 =	simm.s32 $0x5;
	v58 =	vld [tilespmem:s22+$0xFFFFFF70];
	v13 =	vmul.f32 v13, v14;
	v20 =	vmul.f32 v10, v11  }
0x39f: {  	s19 =	simm.s32 $0x7;
	v23 =	vmov s21;
	v14 =	vmul.f32 v15, v14;
	v18 =	vld [tilespmem:s18+$0xFFFFFF30];
	v19 =	vmul.f32 v9, v7  }
0x3a0: {  	v9 =	vmul.f32 v9, v11;
	v7 =	vmul.f32 v10, v7;
	v10 =	vld [tilespmem:s22+$0xFFFFFF30];
	v11 =	vmov s19  }
0x3a1: {  	v21 =	vld [tilespmem:s18+$0xFFFFFF70];
	v8 =	vsub.f32 v8, v13;
	v19 =	vadd.f32 v20, v19;
	v22 =	vmul.f32 v3, v2  }
0x3a2: {  	s21 =	simm.s32 $0x16C00;
	v59 =	vld [tilespmem:s22+$0xB0];
	v7 =	vsub.f32 v7, v9;
	v2 =	vmul.f32 v16, v2;
	v16 =	vmul.f32 v16, v6  }
0x3a3: {  	v13 =	vadd.f32 v14, v17;
	v14 =	vld [tilespmem:s21+$0x40];
	v3 =	vmul.f32 v3, v6;
	v6 =	vmul.f32 v19, v1  }
0x3a4: {  	v23 =	vand.u32 $0xFFFFFFFD, v23;
	v9 =	vld [tilespmem:s22+$0xFFFFFFB0];
	v7 =	vmul.f32 v7, v1;
	v16 =	vadd.f32 v16, v22  }
0x3a5: {  	s17 =	simm.s32 $0x4;
	v15 =	vbroadcast v23, $0x0;
	v19 =	vld [tilespmem:s22+$0xFFFFFFF0];
	v60 =	vmul.f32 v18, v10;
	v2 =	vsub.f32 v2, v3;
	[tilespmem:s22+$0xFFFFFFA0] =	vst v6  }
0x3a6: {  	v12 =	vmov s17;
	v10 =	vmul.f32 v21, v10;
	v3 =	vld.idx.msk [tilespmem:v11+s0+$0x0], $0xffff;
	[tilespmem:s22+$0xFFFFFFE0] =	vst v7;
	v7 =	vmul.f32 v16, v0  }
0x3a7: {  	v12 =	vand.u32 $0xFFFFFFFC, v12;
	v18 =	vmul.f32 v18, v58;
	v11 =	vmul.f32 v2, v0;
	v16 =	vld [tilespmem:s18+$0xFFFFFFB0]  }
0x3a8: {  	v12 =	vbroadcast v12, $0x0;
	v21 =	vmul.f32 v21, v58;
	[tilespmem:s22+$0xA0] =	vst v7;
	v7 =	vld [tilespmem:s18+$0xFFFFFFF0]  }
0x3a9: {  	v6 =	vld [tilespmem:s22+$0xF0];
	v10 =	vsub.f32 v10, v18;
	[tilespmem:s22+$0xE0] =	vst v11  }
0x3aa: {  	v8 =	vmul.f32 v8, v4;
	v11 =	vadd.f32 v21, v60;
	v17 =	vld [tilespmem:s18+$0xB0]  }
0x3ab: {  	s23 =	simm.s32 $0x6;
	v13 =	vmul.f32 v13, v4;
	v61 =	vmul.f32 v10, v5;
	v18 =	vld [tilespmem:s18+$0xF0]  }
0x3ac: {  	s19 =	simm.s32 $0x1BC00;
	v4 =	vld.idx.msk [tilespmem:v15+s0+$0x0], $0xffff;
	v11 =	vmul.f32 v11, v5;
	v5 =	vmov s23;
	v62 =	vmul.f32 v16, v9  }
0x3ad: {  	[tilespmem:s22+$0x70] =	vst v8;
	v15 =	vld [tilespmem:s19+$0x0];
	v8 =	vmul.f32 v16, v19;
	v5 =	vand.u32 $0xFFFFFFFE, v5;
	v63 =	vmul.f32 v7, v19  }
0x3ae: {  	v2 =	vld.idx.msk [tilespmem:v12+s0+$0x0], $0xffff;
	v10 =	vbroadcast v5, $0x0;
	v19 =	vmul.f32 v7, v9  }
0x3af: {  	[tilespmem:s22+$0x30] =	vst v13;
	v12 =	vld [tilespmem:s21+$0x0];
	v7 =	vmul.f32 v17, v59;
	v5 =	vmul.f32 v17, v6;
	v21 =	vadd.f32 v63, v62  }
0x3b0: {  	v16 =	vld [tilespmem:s19+$0x40];
	[tilespmem:s22+$0xFFFFFF30] =	vst v11;
	v9 =	vmul.f32 v18, v6;
	v11 =	vsub.f32 v19, v8;
	v8 =	vmul.f32 v18, v59  }
0x3b1: {  	v13 =	vld [tilespmem:s21+$0xFFFFFF00];
	[tilespmem:s22+$0xFFFFFF70] =	vst v61;
	s18 =	simm.s32 $0x8;
	v6 =	vmul.f32 v21, v1  }
.LBB2_14:
0x3b2: {  	p0 =	slt.u32 s18, $0x4C;
	v17 =	vld [tilespmem:s21+$0xFFFFFF40];
	v11 =	vmul.f32 v11, v1;
	v7 =	vadd.f32 v9, v7;
	v5 =	vsub.f32 v8, v5;
	v1 =	vmovc v4  }
0x3b3: {  	v8 =	vld [tilespmem:s19+$0xFFFFFF00];
	[tilespmem:s22+$0xFFFFFFB0] =	vst v6  }
0x3b4: {  	v4 =	vld.idx.msk [tilespmem:v10+s0+$0x0], $0xffff;
	[tilespmem:s22+$0xFFFFFFF0] =	vst v11;
	v6 =	vmul.f32 v7, v0;
	v5 =	vmul.f32 v5, v0;
	v0 =	vmov v3  }
0x3b5: {  	v7 =	vmul.f32 v15, v12;
	v3 =	vld [tilespmem:s19+$0xFFFFFF40];
	v9 =	vmul.f32 v16, v14  }
0x3b6: {  	v11 =	vmul.f32 v16, v12;
	v12 =	vmul.f32 v15, v14;
	v10 =	vld [tilespmem:s21+$0xFFFFFF80];
	[tilespmem:s22+$0xB0] =	vst v6  }
0x3b7: {  	v6 =	vld [tilespmem:s21+$0xFFFFFFC0];
	v14 =	vadd.f32 v9, v7;
	[tilespmem:s22+$0xF0] =	vst v5;
	s22 =	smov.u32 s21  }
0x3b8: {  	v11 =	vsub.f32 v11, v12;
	v5 =	vmul.f32 v8, v13;
	v8 =	vmul.f32 v8, v17;
	v15 =	vld [tilespmem:s19+$0xFFFFFF80]  }
0x3b9: {  	v12 =	vld [tilespmem:s19+$0xFFFFFFC0];
	v7 =	vsel vm0, v7, v14  }
0x3ba: {  	v9 =	vsel vm0, v9, v11;
	v14 =	vmul.f32 v3, v17;
	v7 =	vmul.f32 v7, v4;
	v11 =	vld [tilespmem:s21+$0x80]  }
0x3bb: {  	v3 =	vmul.f32 v3, v13;
	v9 =	vmul.f32 v9, v4;
	v13 =	vld [tilespmem:s21+$0xC0]  }
0x3bc: {  	v16 =	vadd.f32 v14, v5;
	[tilespmem:s21+$0x0] =	vst v7;
	v7 =	vld [tilespmem:s21+$0x10]  }
0x3bd: {  	v3 =	vsub.f32 v3, v8;
	v8 =	vmul.f32 v15, v10;
	v15 =	vmul.f32 v15, v6;
	[tilespmem:s21+$0x40] =	vst v9;
	v9 =	vld [tilespmem:s21+$0x50]  }
0x3be: {  	v5 =	vsel vm0, v5, v16;
	v6 =	vmul.f32 v12, v6;
	v10 =	vmul.f32 v12, v10;
	v12 =	vld [tilespmem:s19+$0x10]  }
0x3bf: {  	v3 =	vsel vm0, v14, v3;
	v5 =	vmul.f32 v5, v2;
	v14 =	vld [tilespmem:s19+$0x50]  }
0x3c0: {  	v3 =	vmul.f32 v3, v2;
	v16 =	vadd.f32 v6, v8;
	v10 =	vsub.f32 v10, v15;
	v15 =	vld [tilespmem:s19+$0x80]  }
0x3c1: {  	[tilespmem:s21+$0xFFFFFF00] =	vst v5;
	v5 =	vld [tilespmem:s19+$0xC0]  }
0x3c2: {  	[tilespmem:s21+$0xFFFFFF40] =	vst v3;
	v3 =	vld [tilespmem:s21+$0xFFFFFF10];
	v8 =	vsel vm0, v8, v16;
	v6 =	vsel vm0, v6, v10  }
0x3c3: {  	v10 =	vld [tilespmem:s19+$0xFFFFFF10];
	v8 =	vmul.f32 v8, v1;
	v6 =	vmul.f32 v6, v1  }
0x3c4: {  	v17 =	vmul.f32 v12, v7;
	v16 =	vld [tilespmem:s19+$0xFFFFFF50];
	v18 =	vmul.f32 v14, v9  }
0x3c5: {  	v7 =	vmul.f32 v14, v7;
	v19 =	vld [tilespmem:s21+$0xFFFFFF50];
	[tilespmem:s21+$0xFFFFFF80] =	vst v8;
	v8 =	vmul.f32 v12, v9  }
0x3c6: {  	v12 =	vmul.f32 v15, v11;
	[tilespmem:s21+$0xFFFFFFC0] =	vst v6;
	v6 =	vld [tilespmem:s21+$0xFFFFFF90];
	v9 =	vadd.f32 v18, v17;
	v14 =	vmul.f32 v5, v13  }
0x3c7: {  	v5 =	vmul.f32 v5, v11;
	v17 =	vld [tilespmem:s19+$0xFFFFFF90];
	v7 =	vsub.f32 v7, v8;
	v8 =	vmul.f32 v15, v13  }
0x3c8: {  	v11 =	vmul.f32 v10, v3;
	v13 =	vld [tilespmem:s19+$0xFFFFFFD0];
	v9 =	vmul.f32 v9, v4;
	v15 =	vadd.f32 v14, v12  }
0x3c9: {  	v3 =	vmul.f32 v16, v3;
	v18 =	vld [tilespmem:s21+$0xFFFFFFD0];
	v7 =	vmul.f32 v7, v4;
	v5 =	vsub.f32 v5, v8  }
0x3ca: {  	v8 =	vmul.f32 v16, v19;
	v10 =	vmul.f32 v10, v19;
	[tilespmem:s21+$0x10] =	vst v9;
	v9 =	vld [tilespmem:s21+$0x20];
	v12 =	vsel vm0, v12, v15  }
0x3cb: {  	[tilespmem:s21+$0x50] =	vst v7;
	v7 =	vld [tilespmem:s21+$0x60];
	v5 =	vsel vm0, v14, v5;
	v12 =	vmul.f32 v12, v0  }
0x3cc: {  	v8 =	vadd.f32 v8, v11;
	v11 =	vmul.f32 v17, v6;
	v14 =	vld [tilespmem:s19+$0x20];
	v5 =	vmul.f32 v5, v0  }
0x3cd: {  	v3 =	vsub.f32 v3, v10;
	v6 =	vmul.f32 v13, v6;
	v10 =	vld [tilespmem:s19+$0x60];
	[tilespmem:s21+$0x80] =	vst v12  }
0x3ce: {  	v12 =	vmul.f32 v13, v18;
	v13 =	vmul.f32 v17, v18;
	[tilespmem:s21+$0xC0] =	vst v5;
	v5 =	vld [tilespmem:s21+$0x90]  }
0x3cf: {  	v8 =	vmul.f32 v8, v2;
	v3 =	vmul.f32 v3, v2;
	v15 =	vld [tilespmem:s19+$0x90]  }
0x3d0: {  	v11 =	vadd.f32 v12, v11;
	v6 =	vsub.f32 v6, v13;
	v12 =	vld [tilespmem:s19+$0xD0]  }
0x3d1: {  	[tilespmem:s21+$0xFFFFFF10] =	vst v8;
	v8 =	vld [tilespmem:s21+$0xD0]  }
0x3d2: {  	v13 =	vmul.f32 v14, v9;
	[tilespmem:s21+$0xFFFFFF50] =	vst v3;
	v3 =	vld [tilespmem:s21+$0xFFFFFF20];
	v16 =	vmul.f32 v10, v7  }
0x3d3: {  	v9 =	vmul.f32 v10, v9;
	v7 =	vmul.f32 v14, v7;
	v17 =	vld [tilespmem:s19+$0xFFFFFF20]  }
0x3d4: {  	v11 =	vmul.f32 v11, v1;
	v10 =	vld [tilespmem:s19+$0xFFFFFF60];
	v13 =	vadd.f32 v16, v13;
	v14 =	vmul.f32 v15, v5  }
0x3d5: {  	v6 =	vmul.f32 v6, v1;
	v7 =	vsub.f32 v9, v7;
	v16 =	vld [tilespmem:s21+$0xFFFFFF60];
	v5 =	vmul.f32 v12, v5  }
0x3d6: {  	[tilespmem:s21+$0xFFFFFF90] =	vst v11;
	v9 =	vld [tilespmem:s21+$0xFFFFFFA0];
	v11 =	vmul.f32 v13, v4;
	v12 =	vmul.f32 v12, v8  }
0x3d7: {  	v7 =	vmul.f32 v7, v4;
	v8 =	vmul.f32 v15, v8;
	[tilespmem:s21+$0xFFFFFFD0] =	vst v6;
	v6 =	vld [tilespmem:s21+$0xFFFFFFE0]  }
0x3d8: {  	v13 =	vmul.f32 v17, v3;
	[tilespmem:s21+$0x20] =	vst v11;
	v11 =	vld [tilespmem:s21+$0x30];
	v12 =	vadd.f32 v12, v14  }
0x3d9: {  	v5 =	vsub.f32 v5, v8;
	v3 =	vmul.f32 v10, v3;
	[tilespmem:s21+$0x60] =	vst v7;
	v7 =	vld [tilespmem:s21+$0x70]  }
0x3da: {  	v8 =	vmul.f32 v10, v16;
	v10 =	vld [tilespmem:s19+$0x30];
	v12 =	vmul.f32 v12, v0  }
0x3db: {  	v14 =	vmul.f32 v17, v16;
	v5 =	vmul.f32 v5, v0;
	v15 =	vld [tilespmem:s19+$0x70]  }
0x3dc: {  	v16 =	vmov s18;
	v8 =	vadd.f32 v8, v13;
	v13 =	vld [tilespmem:s19+$0xFFFFFFA0];
	[tilespmem:s21+$0x90] =	vst v12  }
0x3dd: {  	v12 =	vand.u32 $0xFFFFFFFC, v16;
	v3 =	vsub.f32 v3, v14;
	v14 =	vld [tilespmem:s19+$0xFFFFFFE0];
	[tilespmem:s21+$0xD0] =	vst v5  }
0x3de: {  	v5 =	vbroadcast v12, $0x0;
	v8 =	vmul.f32 v8, v2;
	v12 =	vld [tilespmem:s19+$0xA0]  }
0x3df: {  	s16 =	sadd.s32 $0x1, s18;
	v3 =	vmul.f32 v3, v2;
	v16 =	vmul.f32 v10, v11;
	v17 =	vld [tilespmem:s19+$0xE0]  }
0x3e0: {  	v18 =	vmov s16;
	v10 =	vmul.f32 v10, v7;
	[tilespmem:s21+$0xFFFFFF20] =	vst v8;
	v8 =	vmul.f32 v15, v11;
	v11 =	vld [tilespmem:s21+$0xA0]  }
0x3e1: {  	v18 =	vand.u32 $0xFFFFFFFD, v18;
	[tilespmem:s21+$0xFFFFFF60] =	vst v3;
	v3 =	vmul.f32 v13, v9;
	v13 =	vmul.f32 v13, v6;
	v19 =	vld [tilespmem:s21+$0xE0]  }
0x3e2: {  	s16 =	sadd.s32 $0x3, s18;
	v20 =	vld [tilespmem:s19+$0xFFFFFF30];
	v6 =	vmul.f32 v14, v6;
	v9 =	vmul.f32 v14, v9;
	v8 =	vsub.f32 v8, v10  }
0x3e3: {  	v7 =	vmul.f32 v15, v7;
	v10 =	vbroadcast v18, $0x0;
	v14 =	vmov s16;
	v18 =	vld [tilespmem:s19+$0xFFFFFF70]  }
0x3e4: {  	v15 =	vld [tilespmem:s21+$0xFFFFFF30];
	v3 =	vadd.f32 v6, v3;
	v6 =	vsub.f32 v9, v13;
	v8 =	vmul.f32 v8, v4  }
0x3e5: {  	v7 =	vadd.f32 v7, v16;
	v9 =	vld [tilespmem:s21+$0xFFFFFF70];
	v13 =	vmul.f32 v12, v11;
	v11 =	vmul.f32 v17, v11  }
0x3e6: {  	v16 =	vld [tilespmem:s21+$0xFFFFFFB0];
	[tilespmem:s21+$0x70] =	vst v8;
	v8 =	vmul.f32 v17, v19;
	v12 =	vmul.f32 v12, v19  }
0x3e7: {  	v3 =	vmul.f32 v3, v1;
	v6 =	vmul.f32 v6, v1;
	v17 =	vld [tilespmem:s21+$0xFFFFFFF0]  }
0x3e8: {  	v4 =	vmul.f32 v7, v4;
	v7 =	vadd.f32 v8, v13;
	v8 =	vsub.f32 v11, v12;
	v13 =	vld [tilespmem:s21+$0xB0]  }
0x3e9: {  	v11 =	vmul.f32 v20, v15;
	v12 =	vmul.f32 v18, v15;
	[tilespmem:s21+$0xFFFFFFA0] =	vst v3;
	v19 =	vld [tilespmem:s21+$0xF0]  }
0x3ea: {  	v3 =	vld.idx.msk [tilespmem:v14+s0+$0x0], $0xffff;
	[tilespmem:s21+$0xFFFFFFE0] =	vst v6;
	v6 =	vmul.f32 v7, v0;
	v7 =	vmul.f32 v8, v0  }
0x3eb: {  	v8 =	vmul.f32 v18, v9;
	v9 =	vmul.f32 v20, v9;
	v14 =	vld [tilespmem:s19+$0xFFFFFFB0];
	[tilespmem:s21+$0x30] =	vst v4  }
0x3ec: {  	v15 =	vld [tilespmem:s19+$0xFFFFFFF0];
	[tilespmem:s21+$0xA0] =	vst v6  }
0x3ed: {  	v4 =	vadd.f32 v8, v11;
	v6 =	vld.idx.msk [tilespmem:v5+s0+$0x0], $0xffff;
	v5 =	vsub.f32 v12, v9;
	[tilespmem:s21+$0xE0] =	vst v7  }
0x3ee: {  	v8 =	vld [tilespmem:s19+$0xB0]  }
0x3ef: {  	s16 =	sadd.s32 $0x2, s18;
	v7 =	vmul.f32 v4, v2;
	v2 =	vmul.f32 v5, v2;
	v18 =	vld [tilespmem:s19+$0xF0]  }
0x3f0: {  	s21 =	sadd.s32 $0x200, s21;
	v5 =	vmov s16;
	v4 =	vld.idx.msk [tilespmem:v10+s0+$0x0], $0xffff;
	v9 =	vmul.f32 v14, v16;
	v11 =	vmul.f32 v14, v17  }
.Ltmp10:
0x3f1: {  	v5 =	vand.u32 $0xFFFFFFFE, v5;
	v12 =	vld [tilespmem:s21+$0x0];
	[tilespmem:s22+$0xFFFFFF30] =	vst v7;
	v7 =	vmul.f32 v15, v17;
	v17 =	vmul.f32 v15, v16;
	(pc) =	sbr.rel @p0 .LBB2_14-.Ltmp10, $4  }
0x3f2: {  	s19 =	sadd.s32 $0x200, s19;
	v10 =	vbroadcast v5, $0x0;
	v14 =	vld [tilespmem:s21+$0x40];
	[tilespmem:s22+$0xFFFFFF70] =	vst v2  }
0x3f3: {  	v15 =	vld [tilespmem:s19+$0x0];
	v20 =	vadd.f32 v7, v9;
	v7 =	vmul.f32 v8, v13;
	v5 =	vmul.f32 v8, v19;
	v2 =	vmovc v6  }
0x3f4: {  	v11 =	vsub.f32 v17, v11;
	v16 =	vld [tilespmem:s19+$0x40];
	v9 =	vmul.f32 v18, v19;
	v8 =	vmul.f32 v18, v13  }
0x3f5: {  	s18 =	sadd.s32 $0x4, s18;
	v13 =	vld [tilespmem:s21+$0xFFFFFF00];
	v6 =	vmul.f32 v20, v1  }
0x3f6: {  	_ =	sdelay $0x2  }
0x3f7: {  	v17 =	vld [tilespmem:s21+$0xFFFFFF40]  }
0x3f8: {  	v10 =	vld.idx.msk [tilespmem:v10+s0+$0x0], $0xffff  }
0x3f9: {  	v20 =	vld [tilespmem:s19+$0xFFFFFF00]  }
0x3fa: {  	v21 =	vld [tilespmem:s19+$0xFFFFFF40]  }
0x3fb: {  	v53 =	vld [tilespmem:s21+$0xFFFFFF80]  }
0x3fc: {  	v22 =	vld [tilespmem:s21+$0xFFFFFFC0]  }
0x3fd: {  	v55 =	vld [tilespmem:s19+$0xFFFFFF80];
	v18 =	vmul.f32 v15, v12;
	v19 =	vmul.f32 v16, v14  }
0x3fe: {  	v56 =	vld [tilespmem:s19+$0xFFFFFFC0];
	v51 =	vmul.f32 v15, v14;
	v50 =	vmul.f32 v16, v12  }
0x3ff: {  	v23 =	vld [tilespmem:s21+$0x10];
	v52 =	vadd.f32 v19, v18  }
0x400: {  	v59 =	vld [tilespmem:s21+$0x80];
	v12 =	vsub.f32 v50, v51  }
0x401: {  	v31 =	vld [tilespmem:s19+$0x80];
	v57 =	vmul.f32 v20, v13;
	v54 =	vsel vm0, v18, v52  }
0x402: {  	v29 =	vld [tilespmem:s21+$0xC0];
	v58 =	vmul.f32 v21, v17;
	v12 =	vsel vm0, v19, v12;
	v14 =	vmul.f32 v54, v10  }
0x403: {  	v32 =	vld [tilespmem:s19+$0xC0];
	v17 =	vmul.f32 v20, v17;
	v12 =	vmul.f32 v12, v10  }
0x404: {  	v62 =	vld [tilespmem:s21+$0x50];
	v60 =	vmul.f32 v21, v13;
	v63 =	vmul.f32 v55, v53;
	[tilespmem:s21+$0x0] =	vst v14  }
0x405: {  	v35 =	vld [tilespmem:s21+$0xFFFFFF10];
	v24 =	vmul.f32 v56, v22;
	v15 =	vmul.f32 v55, v22;
	v61 =	vadd.f32 v58, v57;
	[tilespmem:s21+$0x40] =	vst v12  }
0x406: {  	v27 =	vmul.f32 v56, v53;
	v41 =	vmul.f32 v31, v59;
	v25 =	vld [tilespmem:s19+$0x10]  }
0x407: {  	v13 =	vsub.f32 v60, v17;
	v30 =	vadd.f32 v24, v63;
	v12 =	vsel vm0, v57, v61;
	v28 =	vld [tilespmem:s19+$0x50]  }
0x408: {  	v42 =	vld [tilespmem:s21+$0xFFFFFF50];
	v43 =	vmul.f32 v32, v29;
	v14 =	vsub.f32 v27, v15;
	v12 =	vmul.f32 v12, v2  }
0x409: {  	v44 =	vld [tilespmem:s21+$0xFFFFFF90];
	v45 =	vmul.f32 v31, v29;
	v13 =	vsel vm0, v58, v13;
	v33 =	vsel vm0, v63, v30  }
0x40a: {  	v49 =	vld [tilespmem:s21+$0x20];
	v13 =	vmul.f32 v13, v2;
	v14 =	vsel vm0, v24, v14;
	[tilespmem:s21+$0xFFFFFF00] =	vst v12;
	v12 =	vmul.f32 v32, v59  }
0x40b: {  	v51 =	vld [tilespmem:s21+$0xFFFFFFD0];
	v47 =	vadd.f32 v43, v41;
	v34 =	vmul.f32 v33, v4;
	v14 =	vmul.f32 v14, v4  }
0x40c: {  	v53 =	vld [tilespmem:s21+$0x60];
	[tilespmem:s21+$0xFFFFFF40] =	vst v13;
	v12 =	vsub.f32 v12, v45;
	v36 =	vmul.f32 v25, v23;
	v37 =	vmul.f32 v28, v62  }
0x40d: {  	v50 =	vsel vm0, v41, v47;
	[tilespmem:s21+$0xFFFFFF80] =	vst v34;
	v38 =	vld [tilespmem:s19+$0xFFFFFF10];
	v16 =	vmul.f32 v28, v23;
	v40 =	vmul.f32 v25, v62  }
0x40e: {  	v52 =	vmul.f32 v50, v3;
	v39 =	vld [tilespmem:s19+$0xFFFFFF50];
	[tilespmem:s21+$0xFFFFFFC0] =	vst v14;
	v12 =	vsel vm0, v43, v12;
	v17 =	vadd.f32 v37, v36  }
0x40f: {  	v46 =	vld [tilespmem:s19+$0xFFFFFF90];
	v13 =	vsub.f32 v16, v40;
	v12 =	vmul.f32 v12, v3  }
0x410: {  	[tilespmem:s21+$0x80] =	vst v52;
	v48 =	vld [tilespmem:s19+$0xFFFFFFD0];
	v17 =	vmul.f32 v17, v10  }
0x411: {  	v60 =	vld [tilespmem:s21+$0x90];
	v13 =	vmul.f32 v13, v10;
	[tilespmem:s21+$0xC0] =	vst v12  }
0x412: {  	v30 =	vld [tilespmem:s21+$0xD0];
	[tilespmem:s21+$0x10] =	vst v17  }
0x413: {  	v54 =	vmul.f32 v38, v35;
	v55 =	vmul.f32 v39, v42;
	v63 =	vld [tilespmem:s19+$0x90];
	[tilespmem:s21+$0x50] =	vst v13  }
0x414: {  	v56 =	vmul.f32 v39, v35;
	v57 =	vmul.f32 v38, v42;
	v26 =	vld [tilespmem:s19+$0x20]  }
0x415: {  	v59 =	vadd.f32 v55, v54;
	v61 =	vmul.f32 v46, v44;
	v28 =	vmul.f32 v48, v51;
	v58 =	vld [tilespmem:s19+$0x60]  }
0x416: {  	v29 =	vld [tilespmem:s19+$0xD0];
	v13 =	vsub.f32 v56, v57  }
0x417: {  	v47 =	vld [tilespmem:s21+$0x70];
	v12 =	vmul.f32 v59, v2;
	v22 =	vadd.f32 v28, v61  }
0x418: {  	v34 =	vld [tilespmem:s21+$0xFFFFFF20];
	v62 =	vmul.f32 v48, v44;
	v13 =	vmul.f32 v13, v2  }
0x419: {  	v40 =	vld [tilespmem:s21+$0xFFFFFF60];
	v18 =	vmul.f32 v46, v51;
	[tilespmem:s21+$0xFFFFFF10] =	vst v12;
	v35 =	vmul.f32 v22, v4  }
0x41a: {  	v42 =	vld [tilespmem:s21+$0xFFFFFFA0];
	[tilespmem:s21+$0xFFFFFF50] =	vst v13;
	v31 =	vmul.f32 v26, v49;
	v32 =	vmul.f32 v58, v53  }
0x41b: {  	v15 =	vsub.f32 v62, v18;
	v17 =	vmul.f32 v29, v60;
	v41 =	vmul.f32 v63, v30;
	v36 =	vld [tilespmem:s19+$0xFFFFFF20]  }
0x41c: {  	v37 =	vmul.f32 v63, v60;
	v39 =	vmul.f32 v29, v30;
	v38 =	vld [tilespmem:s19+$0xFFFFFF60];
	v12 =	vadd.f32 v32, v31  }
0x41d: {  	v44 =	vld [tilespmem:s21+$0x30];
	v15 =	vmul.f32 v15, v4;
	v45 =	vsub.f32 v17, v41  }
0x41e: {  	v46 =	vld [tilespmem:s21+$0xFFFFFFE0];
	[tilespmem:s21+$0xFFFFFF90] =	vst v35;
	v33 =	vmul.f32 v58, v49;
	v43 =	vadd.f32 v39, v37;
	v12 =	vmul.f32 v12, v10  }
0x41f: {  	v57 =	vld [tilespmem:s21+$0xA0];
	[tilespmem:s21+$0xFFFFFFD0] =	vst v15;
	v14 =	vmul.f32 v26, v53;
	v15 =	vmul.f32 v45, v3  }
0x420: {  	v50 =	vld [tilespmem:s19+$0xFFFFFFA0];
	[tilespmem:s21+$0x20] =	vst v12;
	v12 =	vmul.f32 v43, v3  }
0x421: {  	v53 =	vld [tilespmem:s19+$0xFFFFFFE0];
	v13 =	vsub.f32 v33, v14;
	v48 =	vmul.f32 v36, v34;
	v49 =	vmul.f32 v38, v40;
	[tilespmem:s21+$0xD0] =	vst v15  }
0x422: {  	v58 =	vld [tilespmem:s21+$0xE0];
	v51 =	vmul.f32 v38, v34;
	v52 =	vmul.f32 v36, v40;
	[tilespmem:s21+$0x90] =	vst v12  }
0x423: {  	v13 =	vmul.f32 v13, v10;
	v54 =	vadd.f32 v49, v48;
	v55 =	vld [tilespmem:s19+$0xA0]  }
0x424: {  	v12 =	vsub.f32 v51, v52;
	v56 =	vld [tilespmem:s19+$0xE0]  }
0x425: {  	v28 =	vld [tilespmem:s21+$0xFFFFFF30];
	[tilespmem:s21+$0x60] =	vst v13;
	v15 =	vmul.f32 v54, v2  }
0x426: {  	v1 =	vmul.f32 v11, v1;
	v59 =	vld [tilespmem:s19+$0x30];
	v12 =	vmul.f32 v12, v2  }
0x427: {  	v17 =	vmul.f32 v50, v46;
	v19 =	vmul.f32 v53, v42;
	v60 =	vld [tilespmem:s19+$0x70];
	[tilespmem:s21+$0xFFFFFF20] =	vst v15  }
0x428: {  	v35 =	vld [tilespmem:s21+$0xFFFFFFF0];
	v61 =	vmul.f32 v50, v42;
	v62 =	vmul.f32 v53, v46;
	[tilespmem:s21+$0xFFFFFF60] =	vst v12  }
0x429: {  	v17 =	vsub.f32 v19, v17;
	v15 =	vld [tilespmem:s19+$0xFFFFFF30];
	v29 =	vmul.f32 v55, v57;
	v30 =	vmul.f32 v56, v58  }
0x42a: {  	v12 =	vadd.f32 v62, v61;
	v63 =	vld [tilespmem:s19+$0xFFFFFF70];
	v16 =	vmul.f32 v56, v57;
	v18 =	vmul.f32 v55, v58  }
0x42b: {  	v31 =	vld [tilespmem:s21+$0xFFFFFF70];
	v17 =	vmul.f32 v17, v4;
	v32 =	vmul.f32 v59, v44;
	v33 =	vadd.f32 v30, v29  }
0x42c: {  	v37 =	vld [tilespmem:s21+$0xF0];
	v14 =	vmul.f32 v60, v44;
	v12 =	vmul.f32 v12, v4;
	v16 =	vsub.f32 v16, v18  }
0x42d: {  	v34 =	vld [tilespmem:s21+$0xFFFFFFB0];
	[tilespmem:s21+$0xFFFFFFE0] =	vst v17;
	v24 =	vmul.f32 v59, v47;
	v23 =	vmul.f32 v33, v3  }
0x42e: {  	v36 =	vld [tilespmem:s21+$0xB0];
	v11 =	vmul.f32 v60, v47;
	[tilespmem:s21+$0xFFFFFFA0] =	vst v12;
	v16 =	vmul.f32 v16, v3  }
0x42f: {  	v7 =	vadd.f32 v9, v7;
	v40 =	vld [tilespmem:s19+$0xFFFFFFB0];
	v38 =	vmul.f32 v15, v28;
	v39 =	vmul.f32 v63, v28;
	[tilespmem:s21+$0xA0] =	vst v23  }
0x430: {  	v5 =	vsub.f32 v8, v5;
	v42 =	vld [tilespmem:s19+$0xFFFFFFF0];
	v41 =	vmul.f32 v63, v31;
	v15 =	vmul.f32 v15, v31;
	[tilespmem:s21+$0xE0] =	vst v16  }
0x431: {  	v7 =	vmul.f32 v7, v0;
	v14 =	vsub.f32 v14, v24;
	v11 =	vadd.f32 v11, v32;
	v43 =	vld [tilespmem:s19+$0xB0]  }
0x432: {  	v44 =	vmul.f32 v5, v0;
	v45 =	vadd.f32 v41, v38;
	v46 =	vsub.f32 v39, v15;
	v47 =	vld [tilespmem:s19+$0xF0]  }
0x433: {  	[tilespmem:s22+$0xFFFFFFB0] =	vst v6;
	v48 =	vmul.f32 v14, v10;
	v10 =	vmul.f32 v11, v10  }
0x434: {  	[tilespmem:s22+$0xFFFFFFF0] =	vst v1;
	v49 =	vmul.f32 v45, v2;
	v50 =	vmul.f32 v46, v2  }
0x435: {  	[tilespmem:s22+$0xB0] =	vst v7;
	v51 =	vmul.f32 v40, v34;
	v52 =	vmul.f32 v42, v35  }
0x436: {  	[tilespmem:s22+$0xF0] =	vst v44;
	v53 =	vmul.f32 v40, v35;
	v54 =	vmul.f32 v42, v34  }
0x437: {  	[tilespmem:s21+$0x70] =	vst v48;
	v5 =	vadd.f32 v52, v51;
	v55 =	vmul.f32 v43, v36;
	v56 =	vmul.f32 v47, v37  }
0x438: {  	[tilespmem:s21+$0x30] =	vst v10;
	v0 =	vsub.f32 v54, v53;
	v57 =	vmul.f32 v43, v37;
	v58 =	vmul.f32 v47, v36  }
0x439: {  	[tilespmem:s21+$0xFFFFFF30] =	vst v49;
	v59 =	vmul.f32 v5, v4;
	v60 =	vadd.f32 v56, v55  }
0x43a: {  	[tilespmem:s21+$0xFFFFFF70] =	vst v50;
	v0 =	vmul.f32 v0, v4;
	v61 =	vsub.f32 v58, v57  }
0x43b: {  	[tilespmem:s21+$0xFFFFFFB0] =	vst v59;
	v62 =	vmul.f32 v60, v3  }
0x43c: {  	[tilespmem:s21+$0xFFFFFFF0] =	vst v0;
	v63 =	vmul.f32 v61, v3  }
0x43d: {  	[tilespmem:s21+$0xB0] =	vst v62  }
0x43e: {  	s16 =	simm.s32 $0x13F80;
	p0 =	seq.s32 s20, $0x1E;
	[tilespmem:s21+$0xF0] =	vst v63  }
0x43f: {  	[spmem:s2] =	stream.indirect.scatter.add.f32 [tilespmem:s15], [sflag:$0x5], $0x80, s16, s30, $0xb8;
	[tilespmem:$0x1E100] =	vst v63  }
0x440: {  	s16 =	sshll.u32 @!p0 s20, $0x9  }
0x441: {  	s16 =	sadd.s32 @!p0 $0x280, s16  }
0x442: {  	s17 =	sand.u32 @!p0 $0x7C00, s16  }
0x443: {  	s16 =	sand.u32 @!p0 $0x280, s16;
	s17 =	sadd.s32 @!p0 s11, s17  }
0x444: {  	_ =	swait.ge [sflag:s4], $0x2800;
	s16 =	sor.u32 @!p0 s16, s17  }
0x445: {  	s18 =	simm.s32 @!p0 $0x0;
	[sflag:s4] =	ssyncset.done $0x0;
	s16 =	sshrl.u32 @!p0 s16, $0x3  }
0x446: {  	s19 =	simm.s32 @!p0 $0x13C80;
	[sflag:s4] =	ssyncadd.s32 $0xFFFFD800;
	s17 =	sadd.s32 @!p0 s6, s16  }
0x447: {  	[tilespmem:s19], [sflag:$0x2] =	stream.linear.gather @!p0 [hbm4b:s17+s18], $0x80, $0x38;
	[tilespmem:$0x1E100] =	vst v63  }
0x448: {  	s17 =	sadd.s32 @!p0 s8, s16;
	s19 =	simm.s32 @!p0 $0x13D80  }
0x449: {  	[tilespmem:s19], [sflag:$0x2] =	stream.linear.gather @!p0 [hbm4b:s17+s18], $0x80, $0x38;
	[tilespmem:$0x1E100] =	vst v63  }
.Ltmp11:
0x44a: {  	_ = 	snop;
	(pc) =	sbr.rel .LBB2_16-.Ltmp11, $4  }
0x44b: {  	s17 =	sadd.s32 @!p0 s7, s16;
	s19 =	simm.s32 @!p0 $0x13E80  }
0x44c: {  	[tilespmem:s19], [sflag:$0x2] =	stream.linear.gather @!p0 [hbm4b:s17+s18], $0x80, $0x38;
	[tilespmem:$0x1E100] =	vst v63  }
0x44d: {  	s16 =	sadd.s32 @!p0 s9, s16;
	s17 =	simm.s32 @!p0 $0x14080  }
0x44e: {  	[tilespmem:s17], [sflag:$0x2] =	stream.linear.gather @!p0 [hbm4b:s16+s18], $0x80, $0x38;
	[tilespmem:$0x1E100] =	vst v63  }
.LBB2_18:
0x44f: {  	_ =	sfence.sel $0x180000  }
0x450: {  	[bflag:$0x0] =	sbarrier.arrive $0xFFFF  }
0x451: {  	_ =	strace $0x90000047  }
0x452: {  	s0 =	stileid.u32;
	[bflag:$0x2] =	sbarrier.arrive $0xFFFF  }
0x453: {  	p0 =	sne.s32 s0, $0x0;
	s0 =	rddreg [dreg:$0x3]  }
0x454: {  	s0 =	sadd.s32 @!p0 $0x100000, s0  }
0x455: {  	[sflag:s0] =	ssyncadd.tile.s32 @!p0 $0x1;
	_ =	shalt  }
.Lfunc_end2:
_tile_overlayer_lowered:
.L_overlay_start_2:
0x456: {  	(tag) =	ssettag $0x2  }
0x457: {  	s0 =	rddreg [dreg:$0x0];
	s2 =	stileid.u32  }
0x458: {  	s1 =	rddreg [dreg:$0x1];
	p0 =	sne.s32 s2, $0x0  }
0x459: {  	s3 =	rddreg [dreg:$0x2];
	[bflag:$0x3] =	sbarrier.arrive $0xFFFF;
	s2 =	simm.s32 @!p0 $0x1C05  }
0x45a: {  	[timem:s3], [sflag:s2] =	dma.local @!p0 [hbm:s0], s1  }
0x45b: {  	s0 =	simm.s32 @!p0 $0x5  }
0x45c: {  	_ =	swait.ge @!p0 [sflag:s0], s1  }
0x45d: {  	s1 =	ssub.s32 @!p0 $0x0, s1;
	[sflag:s0] =	ssyncset.done @!p0 $0x0  }
0x45e: {  	[sflag:s0] =	ssyncadd.s32 @!p0 s1  }
0x45f: {  	[bflag:$0x3] =	sbarrier.arrive $0xFFFF  }
0x460: {  	_ =	shalt  }

</sc_bundles>
